<compile_context>
chip_gen: v7x
topology: tpu7x:2x2x1
jax: 0.10.2.dev20260603
libtpu: 0.0.44.dev20260713+nightly
codegen_flags: <defaults>
</compile_context>

<pallas_src>
import functools

import jax
import jax.numpy as jnp
from jax import lax
from jax.experimental import pallas as pl
from jax.experimental.pallas import tpu as pltpu
from jax.experimental.pallas import tpu_sc as plsc

K = 4


def kernel(x, grid_sizes):
    B, N, C = x.shape
    g = N // K
    R = K * B * g
    NC, NS = 2, 16
    NW = NC * NS
    rows_per_w = R // NW
    wpo = g // rows_per_w
    CH = 32
    n_ch = rows_per_w // CH

    xf = x.reshape(B * N, C)
    mesh = plsc.VectorSubcoreMesh(core_axis_name="c", subcore_axis_name="s")

    @functools.partial(
        pl.kernel,
        mesh=mesh,
        out_type=jax.ShapeDtypeStruct((R, C), x.dtype),
        scratch_types=[
            pltpu.VMEM((CH,), jnp.int32),
            pltpu.VMEM((CH,), jnp.int32),
            pltpu.VMEM((CH, C), jnp.float32),
            pltpu.VMEM((CH, C), jnp.float32),
            pltpu.SemaphoreType.DMA,
            pltpu.SemaphoreType.DMA,
        ],
    )
    def sc_copy(x_hbm, o_hbm, idx0, idx1, rows0, rows1, sem0, sem1):
        cid = lax.axis_index("c")
        sid = lax.axis_index("s")
        w = cid * NS + sid
        i = w // wpo
        q = w - i * wpo
        kk = i // B
        b = i - kk * B
        out0 = w * rows_per_w
        base = b * N + kk + K * (q * rows_per_w)

        idxs = (idx0, idx1)
        rows = (rows0, rows1)
        sems = (sem0, sem1)

        def start_gather(c):
            bi = c % 2
            j0 = c * CH
            for t in range(CH // 16):
                idxs[bi][pl.ds(t * 16, 16)] = (
                    base + K * (j0 + t * 16) + K * lax.iota(jnp.int32, 16)
                )
            return pltpu.async_copy(x_hbm.at[idxs[bi]], rows[bi], sems[bi])

        handles = {0: start_gather(0)}
        for c in range(n_ch):
            if c + 1 < n_ch:
                handles[c + 1] = start_gather(c + 1)
            handles.pop(c).wait()
            pltpu.sync_copy(rows[c % 2], o_hbm.at[pl.ds(out0 + c * CH, CH)])

    out = sc_copy(xf)
    return out.reshape(K * B, g, C)

# --- scband reference (transcript-rebuilt; emitter-appended) ---
"""Pipeline reference for scband-skiparse-rearrange-23880018166203 (READ-ONLY COPY).

The authoritative reference and input builder live on the scoring server;
editing this copy changes nothing except your own understanding.
"""

import jax, jax.numpy as jnp
import numpy as np

SPARSE_RATIO = 4
GRID = (16, 32, 32)


def setup_inputs(seed: int = 0) -> dict:
    key = jax.random.key(seed)
    B, C = 2, 1024
    N = GRID[0] * GRID[1] * GRID[2]
    x = jax.random.normal(key, (B, N, C), dtype=jnp.float32)
    grid_sizes = jnp.array(GRID, dtype=jnp.int32)
    return {"x": x, "grid_sizes": grid_sizes}


def reference(x, grid_sizes):
    # SkiparseRearrange.forward with rearrange_type='skiparse_1d_single'
    k = SPARSE_RATIO
    block = k * k
    T = GRID[0]; H = GRID[1]; W = GRID[2]
    B, N, C = x.shape
    hxw = H * W
    # get_num_padding_tokens: pad HxW (per frame) up to a multiple of sparse_ratio**2
    pad = (block - hxw % block) % block
    if pad > 0:
        x = x.reshape(B, T, hxw, C)
        x = jnp.pad(x, ((0, 0), (0, 0), (0, pad), (0, 0)), mode='constant', constant_values=0.0)
        x = x.reshape(B, -1, C)
    Bp, Np, Cp = x.shape
    # skiparse_1d_single: einops 'b (g k) d -> (k b) g d' with k = sparse_ratio
    g = Np // k
    x = x.reshape(Bp, g, k, Cp)
    x = jnp.transpose(x, (2, 0, 1, 3))  # (k, B, g, C)
    out = x.reshape(k * Bp, g, Cp)
    out = out + (0 * grid_sizes.sum()).astype(out.dtype)
    # _skiparse_cp_scatter is a no-op without context parallelism
    return out

if __name__ == "__main__":
    import jax
    _d = setup_inputs()
    print(jax.jit(kernel)(*tuple(_d.values())))

</pallas_src>

<mosaic_0001>
#map = affine_map<(d0, d1) -> (0, 0)>
module attributes {stable_mosaic.version = 14 : i64} {
  func.func @sc_copy(%arg0: i32, %arg1: i32, %arg2: memref<32768x1024xf32, #tpu.memory_space<hbm>>, %arg3: memref<32768x1024xf32, #tpu.memory_space<hbm>>, %arg4: memref<32xi32, #tpu.memory_space<vmem>>, %arg5: memref<32xi32, #tpu.memory_space<vmem>>, %arg6: memref<32x1024xf32, #tpu.memory_space<vmem>>, %arg7: memref<32x1024xf32, #tpu.memory_space<vmem>>, %arg8: memref<!tpu.dma_semaphore, #tpu.memory_space<semaphore_mem>>, %arg9: memref<!tpu.dma_semaphore, #tpu.memory_space<semaphore_mem>>) attributes {dimension_semantics = [#tpu.dimension_semantics<core_parallel>, #tpu.dimension_semantics<subcore_parallel>], iteration_bounds = array<i64: 2, 16>, scalar_prefetch = 0 : i64, scratch_operands = 6 : i64, tpu.core_type = #tpu.core_type<sc_vector_subcore>, window_params = [{transform_indices = #map}, {transform_indices = #map}]} {
    %mul3A = arith.constant 16 : i32
    %mul3A_0 = arith.muli %arg0, %mul3A : i32
    %add3A = arith.addi %mul3A_0, %arg1 : i32
    %jit3A = arith.constant 4 : i32
    %div3A = arith.divsi %add3A, %jit3A : i32
    %sign3A = arith.constant 0 : i32
    %sign3A_1 = arith.cmpi sgt, %add3A, %sign3A : i32
    %sign3A_2 = arith.extui %sign3A_1 : i1 to i32
    %sign3A_3 = arith.constant 0 : i32
    %sign3A_4 = arith.cmpi slt, %add3A, %sign3A_3 : i32
    %sign3A_5 = arith.extui %sign3A_4 : i1 to i32
    %sign3A_6 = arith.subi %sign3A_2, %sign3A_5 : i32
    %sign3A_7 = arith.constant 0 : i32
    %sign3A_8 = arith.cmpi sgt, %jit3A, %sign3A_7 : i32
    %sign3A_9 = arith.extui %sign3A_8 : i1 to i32
    %sign3A_10 = arith.constant 0 : i32
    %sign3A_11 = arith.cmpi slt, %jit3A, %sign3A_10 : i32
    %sign3A_12 = arith.extui %sign3A_11 : i1 to i32
    %sign3A_13 = arith.subi %sign3A_9, %sign3A_12 : i32
    %ne3A = arith.cmpi ne, %sign3A_6, %sign3A_13 : i32
    %rem3A = arith.remsi %add3A, %jit3A : i32
    %ne3A_14 = arith.constant 0 : i32
    %ne3A_15 = arith.cmpi ne, %rem3A, %ne3A_14 : i32
    %and3A = arith.andi %ne3A, %ne3A_15 : i1
    %sub3A = arith.constant 1 : i32
    %sub3A_16 = arith.subi %div3A, %sub3A : i32
    %select_n3A = arith.select %and3A, %sub3A_16, %div3A : i32
    %mul3A_17 = arith.constant 4 : i32
    %mul3A_18 = arith.muli %select_n3A, %mul3A_17 : i32
    %sub3A_19 = arith.subi %add3A, %mul3A_18 : i32
    %jit3A_20 = arith.constant 2 : i32
    %div3A_21 = arith.divsi %select_n3A, %jit3A_20 : i32
    %sign3A_22 = arith.constant 0 : i32
    %sign3A_23 = arith.cmpi sgt, %select_n3A, %sign3A_22 : i32
    %sign3A_24 = arith.extui %sign3A_23 : i1 to i32
    %sign3A_25 = arith.constant 0 : i32
    %sign3A_26 = arith.cmpi slt, %select_n3A, %sign3A_25 : i32
    %sign3A_27 = arith.extui %sign3A_26 : i1 to i32
    %sign3A_28 = arith.subi %sign3A_24, %sign3A_27 : i32
    %sign3A_29 = arith.constant 0 : i32
    %sign3A_30 = arith.cmpi sgt, %jit3A_20, %sign3A_29 : i32
    %sign3A_31 = arith.extui %sign3A_30 : i1 to i32
    %sign3A_32 = arith.constant 0 : i32
    %sign3A_33 = arith.cmpi slt, %jit3A_20, %sign3A_32 : i32
    %sign3A_34 = arith.extui %sign3A_33 : i1 to i32
    %sign3A_35 = arith.subi %sign3A_31, %sign3A_34 : i32
    %ne3A_36 = arith.cmpi ne, %sign3A_28, %sign3A_35 : i32
    %rem3A_37 = arith.remsi %select_n3A, %jit3A_20 : i32
    %ne3A_38 = arith.constant 0 : i32
    %ne3A_39 = arith.cmpi ne, %rem3A_37, %ne3A_38 : i32
    %and3A_40 = arith.andi %ne3A_36, %ne3A_39 : i1
    %sub3A_41 = arith.constant 1 : i32
    %sub3A_42 = arith.subi %div3A_21, %sub3A_41 : i32
    %select_n3A_43 = arith.select %and3A_40, %sub3A_42, %div3A_21 : i32
    %mul3A_44 = arith.constant 2 : i32
    %mul3A_45 = arith.muli %select_n3A_43, %mul3A_44 : i32
    %sub3A_46 = arith.subi %select_n3A, %mul3A_45 : i32
    %mul3A_47 = arith.constant 1024 : i32
    %mul3A_48 = arith.muli %add3A, %mul3A_47 : i32
    %mul3A_49 = arith.constant 16384 : i32
    %mul3A_50 = arith.muli %sub3A_46, %mul3A_49 : i32
    %add3A_51 = arith.addi %mul3A_50, %select_n3A_43 : i32
    %mul3A_52 = arith.constant 1024 : i32
    %mul3A_53 = arith.muli %sub3A_19, %mul3A_52 : i32
    %mul3A_54 = arith.constant 4 : i32
    %mul3A_55 = arith.muli %mul3A_54, %mul3A_53 : i32
    %add3A_56 = arith.addi %add3A_51, %mul3A_55 : i32
    %add3A_57 = arith.constant 0 : i32
    %add3A_58 = arith.addi %add3A_56, %add3A_57 : i32
    %iota3A = tpu.iota {dimensions = array<i32: 0>} : vector<16xi32>
    %mul3A_59 = arith.constant 4 : i32
    %mul3A_60 = vector.broadcast %mul3A_59 : i32 to vector<16xi32>
    %mul3A_61 = arith.muli %mul3A_60, %iota3A : vector<16xi32>
    %add3A_62 = vector.broadcast %add3A_58 : i32 to vector<16xi32>
    %add3A_63 = arith.addi %add3A_62, %mul3A_61 : vector<16xi32>
    %swap3A = arith.constant 0 : index
    %swap3A_64 = tpu.vector_load %arg4[%swap3A] {strides = array<i32>} : memref<32xi32, #tpu.memory_space<vmem>>, vector<16xi32>,
    %swap3A_65 = vector.shape_cast %swap3A_64 : vector<16xi32> to vector<16xi32>
    %swap3A_66 = vector.shape_cast %add3A_63 : vector<16xi32> to vector<16xi32>
    tpu.vector_store %arg4[%swap3A], %swap3A_66 {strides = array<i32>} : memref<32xi32, #tpu.memory_space<vmem>>, vector<16xi32>,
    %add3A_67 = arith.constant 64 : i32
    %add3A_68 = arith.addi %add3A_56, %add3A_67 : i32
    %iota3A_69 = tpu.iota {dimensions = array<i32: 0>} : vector<16xi32>
    %mul3A_70 = arith.constant 4 : i32
    %mul3A_71 = vector.broadcast %mul3A_70 : i32 to vector<16xi32>
    %mul3A_72 = arith.muli %mul3A_71, %iota3A_69 : vector<16xi32>
    %add3A_73 = vector.broadcast %add3A_68 : i32 to vector<16xi32>
    %add3A_74 = arith.addi %add3A_73, %mul3A_72 : vector<16xi32>
    %swap3A_75 = arith.constant 16 : index
    %swap3A_76 = tpu.vector_load %arg4[%swap3A_75] {strides = array<i32>} : memref<32xi32, #tpu.memory_space<vmem>>, vector<16xi32>,
    %swap3A_77 = vector.shape_cast %swap3A_76 : vector<16xi32> to vector<16xi32>
    %swap3A_78 = vector.shape_cast %add3A_74 : vector<16xi32> to vector<16xi32>
    tpu.vector_store %arg4[%swap3A_75], %swap3A_78 {strides = array<i32>} : memref<32xi32, #tpu.memory_space<vmem>>, vector<16xi32>,
    %dma_start3A = arith.constant 0 : i32
    %dma_start3A_79 = arith.constant 0 : i32
    %dma_start3A_80 = tpu.memref_slice %arg2[%dma_start3A, %dma_start3A_79] : memref<32768x1024xf32, #tpu.memory_space<hbm>> -> memref<32768x1024xf32, #tpu.memory_space<hbm>>
    tpu.enqueue_indirect_dma source(%dma_start3A_80 : memref<32768x1024xf32, #tpu.memory_space<hbm>>) target(%arg6 : memref<32x1024xf32, #tpu.memory_space<vmem>>) offsets(%arg4 : memref<32xi32, #tpu.memory_space<vmem>>) semaphore(%arg8 : memref<!tpu.dma_semaphore, #tpu.memory_space<semaphore_mem>>)
    %add3A_81 = arith.constant 128 : i32
    %add3A_82 = arith.addi %add3A_56, %add3A_81 : i32
    %iota3A_83 = tpu.iota {dimensions = array<i32: 0>} : vector<16xi32>
    %mul3A_84 = arith.constant 4 : i32
    %mul3A_85 = vector.broadcast %mul3A_84 : i32 to vector<16xi32>
    %mul3A_86 = arith.muli %mul3A_85, %iota3A_83 : vector<16xi32>
    %add3A_87 = vector.broadcast %add3A_82 : i32 to vector<16xi32>
    %add3A_88 = arith.addi %add3A_87, %mul3A_86 : vector<16xi32>
    %swap3A_89 = arith.constant 0 : index
    %swap3A_90 = tpu.vector_load %arg5[%swap3A_89] {strides = array<i32>} : memref<32xi32, #tpu.memory_space<vmem>>, vector<16xi32>,
    %swap3A_91 = vector.shape_cast %swap3A_90 : vector<16xi32> to vector<16xi32>
    %swap3A_92 = vector.shape_cast %add3A_88 : vector<16xi32> to vector<16xi32>
    tpu.vector_store %arg5[%swap3A_89], %swap3A_92 {strides = array<i32>} : memref<32xi32, #tpu.memory_space<vmem>>, vector<16xi32>,
    %add3A_93 = arith.constant 192 : i32
    %add3A_94 = arith.addi %add3A_56, %add3A_93 : i32
    %iota3A_95 = tpu.iota {dimensions = array<i32: 0>} : vector<16xi32>
    %mul3A_96 = arith.constant 4 : i32
    %mul3A_97 = vector.broadcast %mul3A_96 : i32 to vector<16xi32>
    %mul3A_98 = arith.muli %mul3A_97, %iota3A_95 : vector<16xi32>
    %add3A_99 = vector.broadcast %add3A_94 : i32 to vector<16xi32>
    %add3A_100 = arith.addi %add3A_99, %mul3A_98 : vector<16xi32>
    %swap3A_101 = arith.constant 16 : index
    %swap3A_102 = tpu.vector_load %arg5[%swap3A_101] {strides = array<i32>} : memref<32xi32, #tpu.memory_space<vmem>>, vector<16xi32>,
    %swap3A_103 = vector.shape_cast %swap3A_102 : vector<16xi32> to vector<16xi32>
    %swap3A_104 = vector.shape_cast %add3A_100 : vector<16xi32> to vector<16xi32>
    tpu.vector_store %arg5[%swap3A_101], %swap3A_104 {strides = array<i32>} : memref<32xi32, #tpu.memory_space<vmem>>, vector<16xi32>,
    %dma_start3A_105 = arith.constant 0 : i32
    %dma_start3A_106 = arith.constant 0 : i32
    %dma_start3A_107 = tpu.memref_slice %arg2[%dma_start3A_105, %dma_start3A_106] : memref<32768x1024xf32, #tpu.memory_space<hbm>> -> memref<32768x1024xf32, #tpu.memory_space<hbm>>
    tpu.enqueue_indirect_dma source(%dma_start3A_107 : memref<32768x1024xf32, #tpu.memory_space<hbm>>) target(%arg7 : memref<32x1024xf32, #tpu.memory_space<vmem>>) offsets(%arg5 : memref<32xi32, #tpu.memory_space<vmem>>) semaphore(%arg9 : memref<!tpu.dma_semaphore, #tpu.memory_space<semaphore_mem>>)
    %dma_wait3A = arith.constant 0 : i32
    %dma_wait3A_108 = arith.constant 0 : i32
    %dma_wait3A_109 = tpu.memref_slice %arg2[%dma_wait3A, %dma_wait3A_108] : memref<32768x1024xf32, #tpu.memory_space<hbm>> -> memref<32768x1024xf32, #tpu.memory_space<hbm>>
    tpu.wait_indirect_dma semaphore(%arg8 : memref<!tpu.dma_semaphore, #tpu.memory_space<semaphore_mem>>) src(%dma_wait3A_109 : memref<32768x1024xf32, #tpu.memory_space<hbm>>) dst(%arg6 : memref<32x1024xf32, #tpu.memory_space<vmem>>)
    %add3A_110 = arith.constant 0 : i32
    %add3A_111 = arith.addi %mul3A_48, %add3A_110 : i32
    "tpu.region"() ({
      %run_scoped3A = tpu.sem_alloc : memref<!tpu.dma_semaphore, #tpu.memory_space<semaphore_mem>>
      %dma_start3A_1077 = arith.constant 0 : i32
      %dma_start3A_1078 = tpu.memref_slice %arg3[%add3A_111, %dma_start3A_1077] : memref<32768x1024xf32, #tpu.memory_space<hbm>> -> memref<32x1024xf32, #tpu.memory_space<hbm>>
      %dma_start3A_1079 = arith.constant 0 : i32
      %dma_start3A_1080 = tpu.memref_slice %arg3[%add3A_111, %dma_start3A_1079] : memref<32768x1024xf32, #tpu.memory_space<hbm>> -> memref<32x1024xf32, #tpu.memory_space<hbm>>
      tpu.enqueue_dma source(%arg6 : memref<32x1024xf32, #tpu.memory_space<vmem>>) target(%dma_start3A_1080 : memref<32x1024xf32, #tpu.memory_space<hbm>>) target_semaphore(%run_scoped3A : memref<!tpu.dma_semaphore, #tpu.memory_space<semaphore_mem>>)
      %dma_wait3A_1081 = arith.constant 0 : i32
      %dma_wait3A_1082 = tpu.memref_slice %arg3[%add3A_111, %dma_wait3A_1081] : memref<32768x1024xf32, #tpu.memory_space<hbm>> -> memref<32x1024xf32, #tpu.memory_space<hbm>>
      %dma_wait3A_1083 = arith.constant 0 : i32
      %dma_wait3A_1084 = tpu.memref_slice %arg3[%add3A_111, %dma_wait3A_1083] : memref<32768x1024xf32, #tpu.memory_space<hbm>> -> memref<32x1024xf32, #tpu.memory_space<hbm>>
      tpu.wait_dma2 semaphore(%run_scoped3A : memref<!tpu.dma_semaphore, #tpu.memory_space<semaphore_mem>>) src(%arg6 : memref<32x1024xf32, #tpu.memory_space<vmem>>) dst(%dma_wait3A_1084 : memref<32x1024xf32, #tpu.memory_space<hbm>>)
      tpu.yield
    }) : () -> ()
    %add3A_112 = arith.constant 256 : i32
    %add3A_113 = arith.addi %add3A_56, %add3A_112 : i32
    %iota3A_114 = tpu.iota {dimensions = array<i32: 0>} : vector<16xi32>
    %mul3A_115 = arith.constant 4 : i32
    %mul3A_116 = vector.broadcast %mul3A_115 : i32 to vector<16xi32>
    %mul3A_117 = arith.muli %mul3A_116, %iota3A_114 : vector<16xi32>
    %add3A_118 = vector.broadcast %add3A_113 : i32 to vector<16xi32>
    %add3A_119 = arith.addi %add3A_118, %mul3A_117 : vector<16xi32>
    %swap3A_120 = arith.constant 0 : index
    %swap3A_121 = tpu.vector_load %arg4[%swap3A_120] {strides = array<i32>} : memref<32xi32, #tpu.memory_space<vmem>>, vector<16xi32>,
    %swap3A_122 = vector.shape_cast %swap3A_121 : vector<16xi32> to vector<16xi32>
    %swap3A_123 = vector.shape_cast %add3A_119 : vector<16xi32> to vector<16xi32>
    tpu.vector_store %arg4[%swap3A_120], %swap3A_123 {strides = array<i32>} : memref<32xi32, #tpu.memory_space<vmem>>, vector<16xi32>,
    %add3A_124 = arith.constant 320 : i32
    %add3A_125 = arith.addi %add3A_56, %add3A_124 : i32
    %iota3A_126 = tpu.iota {dimensions = array<i32: 0>} : vector<16xi32>
    %mul3A_127 = arith.constant 4 : i32
    %mul3A_128 = vector.broadcast %mul3A_127 : i32 to vector<16xi32>
    %mul3A_129 = arith.muli %mul3A_128, %iota3A_126 : vector<16xi32>
    %add3A_130 = vector.broadcast %add3A_125 : i32 to vector<16xi32>
    %add3A_131 = arith.addi %add3A_130, %mul3A_129 : vector<16xi32>
    %swap3A_132 = arith.constant 16 : index
    %swap3A_133 = tpu.vector_load %arg4[%swap3A_132] {strides = array<i32>} : memref<32xi32, #tpu.memory_space<vmem>>, vector<16xi32>,
    %swap3A_134 = vector.shape_cast %swap3A_133 : vector<16xi32> to vector<16xi32>
    %swap3A_135 = vector.shape_cast %add3A_131 : vector<16xi32> to vector<16xi32>
    tpu.vector_store %arg4[%swap3A_132], %swap3A_135 {strides = array<i32>} : memref<32xi32, #tpu.memory_space<vmem>>, vector<16xi32>,
    %dma_start3A_136 = arith.constant 0 : i32
    %dma_start3A_137 = arith.constant 0 : i32
    %dma_start3A_138 = tpu.memref_slice %arg2[%dma_start3A_136, %dma_start3A_137] : memref<32768x1024xf32, #tpu.memory_space<hbm>> -> memref<32768x1024xf32, #tpu.memory_space<hbm>>
    tpu.enqueue_indirect_dma source(%dma_start3A_138 : memref<32768x1024xf32, #tpu.memory_space<hbm>>) target(%arg6 : memref<32x1024xf32, #tpu.memory_space<vmem>>) offsets(%arg4 : memref<32xi32, #tpu.memory_space<vmem>>) semaphore(%arg8 : memref<!tpu.dma_semaphore, #tpu.memory_space<semaphore_mem>>)
    %dma_wait3A_139 = arith.constant 0 : i32
    %dma_wait3A_140 = arith.constant 0 : i32
    %dma_wait3A_141 = tpu.memref_slice %arg2[%dma_wait3A_139, %dma_wait3A_140] : memref<32768x1024xf32, #tpu.memory_space<hbm>> -> memref<32768x1024xf32, #tpu.memory_space<hbm>>
    tpu.wait_indirect_dma semaphore(%arg9 : memref<!tpu.dma_semaphore, #tpu.memory_space<semaphore_mem>>) src(%dma_wait3A_141 : memref<32768x1024xf32, #tpu.memory_space<hbm>>) dst(%arg7 : memref<32x1024xf32, #tpu.memory_space<vmem>>)
    %add3A_142 = arith.constant 32 : i32
    %add3A_143 = arith.addi %mul3A_48, %add3A_142 : i32
    "tpu.region"() ({
      %run_scoped3A = tpu.sem_alloc : memref<!tpu.dma_semaphore, #tpu.memory_space<semaphore_mem>>
      %dma_start3A_1077 = arith.constant 0 : i32
      %dma_start3A_1078 = tpu.memref_slice %arg3[%add3A_143, %dma_start3A_1077] : memref<32768x1024xf32, #tpu.memory_space<hbm>> -> memref<32x1024xf32, #tpu.memory_space<hbm>>
      %dma_start3A_1079 = arith.constant 0 : i32
      %dma_start3A_1080 = tpu.memref_slice %arg3[%add3A_143, %dma_start3A_1079] : memref<32768x1024xf32, #tpu.memory_space<hbm>> -> memref<32x1024xf32, #tpu.memory_space<hbm>>
      tpu.enqueue_dma source(%arg7 : memref<32x1024xf32, #tpu.memory_space<vmem>>) target(%dma_start3A_1080 : memref<32x1024xf32, #tpu.memory_space<hbm>>) target_semaphore(%run_scoped3A : memref<!tpu.dma_semaphore, #tpu.memory_space<semaphore_mem>>)
      %dma_wait3A_1081 = arith.constant 0 : i32
      %dma_wait3A_1082 = tpu.memref_slice %arg3[%add3A_143, %dma_wait3A_1081] : memref<32768x1024xf32, #tpu.memory_space<hbm>> -> memref<32x1024xf32, #tpu.memory_space<hbm>>
      %dma_wait3A_1083 = arith.constant 0 : i32
      %dma_wait3A_1084 = tpu.memref_slice %arg3[%add3A_143, %dma_wait3A_1083] : memref<32768x1024xf32, #tpu.memory_space<hbm>> -> memref<32x1024xf32, #tpu.memory_space<hbm>>
      tpu.wait_dma2 semaphore(%run_scoped3A : memref<!tpu.dma_semaphore, #tpu.memory_space<semaphore_mem>>) src(%arg7 : memref<32x1024xf32, #tpu.memory_space<vmem>>) dst(%dma_wait3A_1084 : memref<32x1024xf32, #tpu.memory_space<hbm>>)
      tpu.yield
    }) : () -> ()
    %add3A_144 = arith.constant 384 : i32
    %add3A_145 = arith.addi %add3A_56, %add3A_144 : i32
    %iota3A_146 = tpu.iota {dimensions = array<i32: 0>} : vector<16xi32>
    %mul3A_147 = arith.constant 4 : i32
    %mul3A_148 = vector.broadcast %mul3A_147 : i32 to vector<16xi32>
    %mul3A_149 = arith.muli %mul3A_148, %iota3A_146 : vector<16xi32>
    %add3A_150 = vector.broadcast %add3A_145 : i32 to vector<16xi32>
    %add3A_151 = arith.addi %add3A_150, %mul3A_149 : vector<16xi32>
    %swap3A_152 = arith.constant 0 : index
    %swap3A_153 = tpu.vector_load %arg5[%swap3A_152] {strides = array<i32>} : memref<32xi32, #tpu.memory_space<vmem>>, vector<16xi32>,
    %swap3A_154 = vector.shape_cast %swap3A_153 : vector<16xi32> to vector<16xi32>
    %swap3A_155 = vector.shape_cast %add3A_151 : vector<16xi32> to vector<16xi32>
    tpu.vector_store %arg5[%swap3A_152], %swap3A_155 {strides = array<i32>} : memref<32xi32, #tpu.memory_space<vmem>>, vector<16xi32>,
    %add3A_156 = arith.constant 448 : i32
    %add3A_157 = arith.addi %add3A_56, %add3A_156 : i32
    %iota3A_158 = tpu.iota {dimensions = array<i32: 0>} : vector<16xi32>
    %mul3A_159 = arith.constant 4 : i32
    %mul3A_160 = vector.broadcast %mul3A_159 : i32 to vector<16xi32>
    %mul3A_161 = arith.muli %mul3A_160, %iota3A_158 : vector<16xi32>
    %add3A_162 = vector.broadcast %add3A_157 : i32 to vector<16xi32>
    %add3A_163 = arith.addi %add3A_162, %mul3A_161 : vector<16xi32>
    %swap3A_164 = arith.constant 16 : index
    %swap3A_165 = tpu.vector_load %arg5[%swap3A_164] {strides = array<i32>} : memref<32xi32, #tpu.memory_space<vmem>>, vector<16xi32>,
    %swap3A_166 = vector.shape_cast %swap3A_165 : vector<16xi32> to vector<16xi32>
    %swap3A_167 = vector.shape_cast %add3A_163 : vector<16xi32> to vector<16xi32>
    tpu.vector_store %arg5[%swap3A_164], %swap3A_167 {strides = array<i32>} : memref<32xi32, #tpu.memory_space<vmem>>, vector<16xi32>,
    %dma_start3A_168 = arith.constant 0 : i32
    %dma_start3A_169 = arith.constant 0 : i32
    %dma_start3A_170 = tpu.memref_slice %arg2[%dma_start3A_168, %dma_start3A_169] : memref<32768x1024xf32, #tpu.memory_space<hbm>> -> memref<32768x1024xf32, #tpu.memory_space<hbm>>
    tpu.enqueue_indirect_dma source(%dma_start3A_170 : memref<32768x1024xf32, #tpu.memory_space<hbm>>) target(%arg7 : memref<32x1024xf32, #tpu.memory_space<vmem>>) offsets(%arg5 : memref<32xi32, #tpu.memory_space<vmem>>) semaphore(%arg9 : memref<!tpu.dma_semaphore, #tpu.memory_space<semaphore_mem>>)
    %dma_wait3A_171 = arith.constant 0 : i32
    %dma_wait3A_172 = arith.constant 0 : i32
    %dma_wait3A_173 = tpu.memref_slice %arg2[%dma_wait3A_171, %dma_wait3A_172] : memref<32768x1024xf32, #tpu.memory_space<hbm>> -> memref<32768x1024xf32, #tpu.memory_space<hbm>>
    tpu.wait_indirect_dma semaphore(%arg8 : memref<!tpu.dma_semaphore, #tpu.memory_space<semaphore_mem>>) src(%dma_wait3A_173 : memref<32768x1024xf32, #tpu.memory_space<hbm>>) dst(%arg6 : memref<32x1024xf32, #tpu.memory_space<vmem>>)
    %add3A_174 = arith.constant 64 : i32
    %add3A_175 = arith.addi %mul3A_48, %add3A_174 : i32
    "tpu.region"() ({
      %run_scoped3A = tpu.sem_alloc : memref<!tpu.dma_semaphore, #tpu.memory_space<semaphore_mem>>
      %dma_start3A_1077 = arith.constant 0 : i32
      %dma_start3A_1078 = tpu.memref_slice %arg3[%add3A_175, %dma_start3A_1077] : memref<32768x1024xf32, #tpu.memory_space<hbm>> -> memref<32x1024xf32, #tpu.memory_space<hbm>>
      %dma_start3A_1079 = arith.constant 0 : i32
      %dma_start3A_1080 = tpu.memref_slice %arg3[%add3A_175, %dma_start3A_1079] : memref<32768x1024xf32, #tpu.memory_space<hbm>> -> memref<32x1024xf32, #tpu.memory_space<hbm>>
      tpu.enqueue_dma source(%arg6 : memref<32x1024xf32, #tpu.memory_space<vmem>>) target(%dma_start3A_1080 : memref<32x1024xf32, #tpu.memory_space<hbm>>) target_semaphore(%run_scoped3A : memref<!tpu.dma_semaphore, #tpu.memory_space<semaphore_mem>>)
      %dma_wait3A_1081 = arith.constant 0 : i32
      %dma_wait3A_1082 = tpu.memref_slice %arg3[%add3A_175, %dma_wait3A_1081] : memref<32768x1024xf32, #tpu.memory_space<hbm>> -> memref<32x1024xf32, #tpu.memory_space<hbm>>
      %dma_wait3A_1083 = arith.constant 0 : i32
      %dma_wait3A_1084 = tpu.memref_slice %arg3[%add3A_175, %dma_wait3A_1083] : memref<32768x1024xf32, #tpu.memory_space<hbm>> -> memref<32x1024xf32, #tpu.memory_space<hbm>>
      tpu.wait_dma2 semaphore(%run_scoped3A : memref<!tpu.dma_semaphore, #tpu.memory_space<semaphore_mem>>) src(%arg6 : memref<32x1024xf32, #tpu.memory_space<vmem>>) dst(%dma_wait3A_1084 : memref<32x1024xf32, #tpu.memory_space<hbm>>)
      tpu.yield
    }) : () -> ()
    %add3A_176 = arith.constant 512 : i32
    %add3A_177 = arith.addi %add3A_56, %add3A_176 : i32
    %iota3A_178 = tpu.iota {dimensions = array<i32: 0>} : vector<16xi32>
    %mul3A_179 = arith.constant 4 : i32
    %mul3A_180 = vector.broadcast %mul3A_179 : i32 to vector<16xi32>
    %mul3A_181 = arith.muli %mul3A_180, %iota3A_178 : vector<16xi32>
    %add3A_182 = vector.broadcast %add3A_177 : i32 to vector<16xi32>
    %add3A_183 = arith.addi %add3A_182, %mul3A_181 : vector<16xi32>
    %swap3A_184 = arith.constant 0 : index
    %swap3A_185 = tpu.vector_load %arg4[%swap3A_184] {strides = array<i32>} : memref<32xi32, #tpu.memory_space<vmem>>, vector<16xi32>,
    %swap3A_186 = vector.shape_cast %swap3A_185 : vector<16xi32> to vector<16xi32>
    %swap3A_187 = vector.shape_cast %add3A_183 : vector<16xi32> to vector<16xi32>
    tpu.vector_store %arg4[%swap3A_184], %swap3A_187 {strides = array<i32>} : memref<32xi32, #tpu.memory_space<vmem>>, vector<16xi32>,
    %add3A_188 = arith.constant 576 : i32
    %add3A_189 = arith.addi %add3A_56, %add3A_188 : i32
    %iota3A_190 = tpu.iota {dimensions = array<i32: 0>} : vector<16xi32>
    %mul3A_191 = arith.constant 4 : i32
    %mul3A_192 = vector.broadcast %mul3A_191 : i32 to vector<16xi32>
    %mul3A_193 = arith.muli %mul3A_192, %iota3A_190 : vector<16xi32>
    %add3A_194 = vector.broadcast %add3A_189 : i32 to vector<16xi32>
    %add3A_195 = arith.addi %add3A_194, %mul3A_193 : vector<16xi32>
    %swap3A_196 = arith.constant 16 : index
    %swap3A_197 = tpu.vector_load %arg4[%swap3A_196] {strides = array<i32>} : memref<32xi32, #tpu.memory_space<vmem>>, vector<16xi32>,
    %swap3A_198 = vector.shape_cast %swap3A_197 : vector<16xi32> to vector<16xi32>
    %swap3A_199 = vector.shape_cast %add3A_195 : vector<16xi32> to vector<16xi32>
    tpu.vector_store %arg4[%swap3A_196], %swap3A_199 {strides = array<i32>} : memref<32xi32, #tpu.memory_space<vmem>>, vector<16xi32>,
    %dma_start3A_200 = arith.constant 0 : i32
    %dma_start3A_201 = arith.constant 0 : i32
    %dma_start3A_202 = tpu.memref_slice %arg2[%dma_start3A_200, %dma_start3A_201] : memref<32768x1024xf32, #tpu.memory_space<hbm>> -> memref<32768x1024xf32, #tpu.memory_space<hbm>>
    tpu.enqueue_indirect_dma source(%dma_start3A_202 : memref<32768x1024xf32, #tpu.memory_space<hbm>>) target(%arg6 : memref<32x1024xf32, #tpu.memory_space<vmem>>) offsets(%arg4 : memref<32xi32, #tpu.memory_space<vmem>>) semaphore(%arg8 : memref<!tpu.dma_semaphore, #tpu.memory_space<semaphore_mem>>)
    %dma_wait3A_203 = arith.constant 0 : i32
    %dma_wait3A_204 = arith.constant 0 : i32
    %dma_wait3A_205 = tpu.memref_slice %arg2[%dma_wait3A_203, %dma_wait3A_204] : memref<32768x1024xf32, #tpu.memory_space<hbm>> -> memref<32768x1024xf32, #tpu.memory_space<hbm>>
    tpu.wait_indirect_dma semaphore(%arg9 : memref<!tpu.dma_semaphore, #tpu.memory_space<semaphore_mem>>) src(%dma_wait3A_205 : memref<32768x1024xf32, #tpu.memory_space<hbm>>) dst(%arg7 : memref<32x1024xf32, #tpu.memory_space<vmem>>)
    %add3A_206 = arith.constant 96 : i32
    %add3A_207 = arith.addi %mul3A_48, %add3A_206 : i32
    "tpu.region"() ({
      %run_scoped3A = tpu.sem_alloc : memref<!tpu.dma_semaphore, #tpu.memory_space<semaphore_mem>>
      %dma_start3A_1077 = arith.constant 0 : i32
      %dma_start3A_1078 = tpu.memref_slice %arg3[%add3A_207, %dma_start3A_1077] : memref<32768x1024xf32, #tpu.memory_space<hbm>> -> memref<32x1024xf32, #tpu.memory_space<hbm>>
      %dma_start3A_1079 = arith.constant 0 : i32
      %dma_start3A_1080 = tpu.memref_slice %arg3[%add3A_207, %dma_start3A_1079] : memref<32768x1024xf32, #tpu.memory_space<hbm>> -> memref<32x1024xf32, #tpu.memory_space<hbm>>
      tpu.enqueue_dma source(%arg7 : memref<32x1024xf32, #tpu.memory_space<vmem>>) target(%dma_start3A_1080 : memref<32x1024xf32, #tpu.memory_space<hbm>>) target_semaphore(%run_scoped3A : memref<!tpu.dma_semaphore, #tpu.memory_space<semaphore_mem>>)
      %dma_wait3A_1081 = arith.constant 0 : i32
      %dma_wait3A_1082 = tpu.memref_slice %arg3[%add3A_207, %dma_wait3A_1081] : memref<32768x1024xf32, #tpu.memory_space<hbm>> -> memref<32x1024xf32, #tpu.memory_space<hbm>>
      %dma_wait3A_1083 = arith.constant 0 : i32
      %dma_wait3A_1084 = tpu.memref_slice %arg3[%add3A_207, %dma_wait3A_1083] : memref<32768x1024xf32, #tpu.memory_space<hbm>> -> memref<32x1024xf32, #tpu.memory_space<hbm>>
      tpu.wait_dma2 semaphore(%run_scoped3A : memref<!tpu.dma_semaphore, #tpu.memory_space<semaphore_mem>>) src(%arg7 : memref<32x1024xf32, #tpu.memory_space<vmem>>) dst(%dma_wait3A_1084 : memref<32x1024xf32, #tpu.memory_space<hbm>>)
      tpu.yield
    }) : () -> ()
    %add3A_208 = arith.constant 640 : i32
    %add3A_209 = arith.addi %add3A_56, %add3A_208 : i32
    %iota3A_210 = tpu.iota {dimensions = array<i32: 0>} : vector<16xi32>
    %mul3A_211 = arith.constant 4 : i32
    %mul3A_212 = vector.broadcast %mul3A_211 : i32 to vector<16xi32>
    %mul3A_213 = arith.muli %mul3A_212, %iota3A_210 : vector<16xi32>
    %add3A_214 = vector.broadcast %add3A_209 : i32 to vector<16xi32>
    %add3A_215 = arith.addi %add3A_214, %mul3A_213 : vector<16xi32>
    %swap3A_216 = arith.constant 0 : index
    %swap3A_217 = tpu.vector_load %arg5[%swap3A_216] {strides = array<i32>} : memref<32xi32, #tpu.memory_space<vmem>>, vector<16xi32>,
    %swap3A_218 = vector.shape_cast %swap3A_217 : vector<16xi32> to vector<16xi32>
    %swap3A_219 = vector.shape_cast %add3A_215 : vector<16xi32> to vector<16xi32>
    tpu.vector_store %arg5[%swap3A_216], %swap3A_219 {strides = array<i32>} : memref<32xi32, #tpu.memory_space<vmem>>, vector<16xi32>,
    %add3A_220 = arith.constant 704 : i32
    %add3A_221 = arith.addi %add3A_56, %add3A_220 : i32
    %iota3A_222 = tpu.iota {dimensions = array<i32: 0>} : vector<16xi32>
    %mul3A_223 = arith.constant 4 : i32
    %mul3A_224 = vector.broadcast %mul3A_223 : i32 to vector<16xi32>
    %mul3A_225 = arith.muli %mul3A_224, %iota3A_222 : vector<16xi32>
    %add3A_226 = vector.broadcast %add3A_221 : i32 to vector<16xi32>
    %add3A_227 = arith.addi %add3A_226, %mul3A_225 : vector<16xi32>
    %swap3A_228 = arith.constant 16 : index
    %swap3A_229 = tpu.vector_load %arg5[%swap3A_228] {strides = array<i32>} : memref<32xi32, #tpu.memory_space<vmem>>, vector<16xi32>,
    %swap3A_230 = vector.shape_cast %swap3A_229 : vector<16xi32> to vector<16xi32>
    %swap3A_231 = vector.shape_cast %add3A_227 : vector<16xi32> to vector<16xi32>
    tpu.vector_store %arg5[%swap3A_228], %swap3A_231 {strides = array<i32>} : memref<32xi32, #tpu.memory_space<vmem>>, vector<16xi32>,
    %dma_start3A_232 = arith.constant 0 : i32
    %dma_start3A_233 = arith.constant 0 : i32
    %dma_start3A_234 = tpu.memref_slice %arg2[%dma_start3A_232, %dma_start3A_233] : memref<32768x1024xf32, #tpu.memory_space<hbm>> -> memref<32768x1024xf32, #tpu.memory_space<hbm>>
    tpu.enqueue_indirect_dma source(%dma_start3A_234 : memref<32768x1024xf32, #tpu.memory_space<hbm>>) target(%arg7 : memref<32x1024xf32, #tpu.memory_space<vmem>>) offsets(%arg5 : memref<32xi32, #tpu.memory_space<vmem>>) semaphore(%arg9 : memref<!tpu.dma_semaphore, #tpu.memory_space<semaphore_mem>>)
    %dma_wait3A_235 = arith.constant 0 : i32
    %dma_wait3A_236 = arith.constant 0 : i32
    %dma_wait3A_237 = tpu.memref_slice %arg2[%dma_wait3A_235, %dma_wait3A_236] : memref<32768x1024xf32, #tpu.memory_space<hbm>> -> memref<32768x1024xf32, #tpu.memory_space<hbm>>
    tpu.wait_indirect_dma semaphore(%arg8 : memref<!tpu.dma_semaphore, #tpu.memory_space<semaphore_mem>>) src(%dma_wait3A_237 : memref<32768x1024xf32, #tpu.memory_space<hbm>>) dst(%arg6 : memref<32x1024xf32, #tpu.memory_space<vmem>>)
    %add3A_238 = arith.constant 128 : i32
    %add3A_239 = arith.addi %mul3A_48, %add3A_238 : i32
    "tpu.region"() ({
      %run_scoped3A = tpu.sem_alloc : memref<!tpu.dma_semaphore, #tpu.memory_space<semaphore_mem>>
      %dma_start3A_1077 = arith.constant 0 : i32
      %dma_start3A_1078 = tpu.memref_slice %arg3[%add3A_239, %dma_start3A_1077] : memref<32768x1024xf32, #tpu.memory_space<hbm>> -> memref<32x1024xf32, #tpu.memory_space<hbm>>
      %dma_start3A_1079 = arith.constant 0 : i32
      %dma_start3A_1080 = tpu.memref_slice %arg3[%add3A_239, %dma_start3A_1079] : memref<32768x1024xf32, #tpu.memory_space<hbm>> -> memref<32x1024xf32, #tpu.memory_space<hbm>>
      tpu.enqueue_dma source(%arg6 : memref<32x1024xf32, #tpu.memory_space<vmem>>) target(%dma_start3A_1080 : memref<32x1024xf32, #tpu.memory_space<hbm>>) target_semaphore(%run_scoped3A : memref<!tpu.dma_semaphore, #tpu.memory_space<semaphore_mem>>)
      %dma_wait3A_1081 = arith.constant 0 : i32
      %dma_wait3A_1082 = tpu.memref_slice %arg3[%add3A_239, %dma_wait3A_1081] : memref<32768x1024xf32, #tpu.memory_space<hbm>> -> memref<32x1024xf32, #tpu.memory_space<hbm>>
      %dma_wait3A_1083 = arith.constant 0 : i32
      %dma_wait3A_1084 = tpu.memref_slice %arg3[%add3A_239, %dma_wait3A_1083] : memref<32768x1024xf32, #tpu.memory_space<hbm>> -> memref<32x1024xf32, #tpu.memory_space<hbm>>
      tpu.wait_dma2 semaphore(%run_scoped3A : memref<!tpu.dma_semaphore, #tpu.memory_space<semaphore_mem>>) src(%arg6 : memref<32x1024xf32, #tpu.memory_space<vmem>>) dst(%dma_wait3A_1084 : memref<32x1024xf32, #tpu.memory_space<hbm>>)
      tpu.yield
    }) : () -> ()
    %add3A_240 = arith.constant 768 : i32
    %add3A_241 = arith.addi %add3A_56, %add3A_240 : i32
    %iota3A_242 = tpu.iota {dimensions = array<i32: 0>} : vector<16xi32>
    %mul3A_243 = arith.constant 4 : i32
    %mul3A_244 = vector.broadcast %mul3A_243 : i32 to vector<16xi32>
    %mul3A_245 = arith.muli %mul3A_244, %iota3A_242 : vector<16xi32>
    %add3A_246 = vector.broadcast %add3A_241 : i32 to vector<16xi32>
    %add3A_247 = arith.addi %add3A_246, %mul3A_245 : vector<16xi32>
    %swap3A_248 = arith.constant 0 : index
    %swap3A_249 = tpu.vector_load %arg4[%swap3A_248] {strides = array<i32>} : memref<32xi32, #tpu.memory_space<vmem>>, vector<16xi32>,
    %swap3A_250 = vector.shape_cast %swap3A_249 : vector<16xi32> to vector<16xi32>
    %swap3A_251 = vector.shape_cast %add3A_247 : vector<16xi32> to vector<16xi32>
    tpu.vector_store %arg4[%swap3A_248], %swap3A_251 {strides = array<i32>} : memref<32xi32, #tpu.memory_space<vmem>>, vector<16xi32>,
    %add3A_252 = arith.constant 832 : i32
    %add3A_253 = arith.addi %add3A_56, %add3A_252 : i32
    %iota3A_254 = tpu.iota {dimensions = array<i32: 0>} : vector<16xi32>
    %mul3A_255 = arith.constant 4 : i32
    %mul3A_256 = vector.broadcast %mul3A_255 : i32 to vector<16xi32>
    %mul3A_257 = arith.muli %mul3A_256, %iota3A_254 : vector<16xi32>
    %add3A_258 = vector.broadcast %add3A_253 : i32 to vector<16xi32>
    %add3A_259 = arith.addi %add3A_258, %mul3A_257 : vector<16xi32>
    %swap3A_260 = arith.constant 16 : index
    %swap3A_261 = tpu.vector_load %arg4[%swap3A_260] {strides = array<i32>} : memref<32xi32, #tpu.memory_space<vmem>>, vector<16xi32>,
    %swap3A_262 = vector.shape_cast %swap3A_261 : vector<16xi32> to vector<16xi32>
    %swap3A_263 = vector.shape_cast %add3A_259 : vector<16xi32> to vector<16xi32>
    tpu.vector_store %arg4[%swap3A_260], %swap3A_263 {strides = array<i32>} : memref<32xi32, #tpu.memory_space<vmem>>, vector<16xi32>,
    %dma_start3A_264 = arith.constant 0 : i32
    %dma_start3A_265 = arith.constant 0 : i32
    %dma_start3A_266 = tpu.memref_slice %arg2[%dma_start3A_264, %dma_start3A_265] : memref<32768x1024xf32, #tpu.memory_space<hbm>> -> memref<32768x1024xf32, #tpu.memory_space<hbm>>
    tpu.enqueue_indirect_dma source(%dma_start3A_266 : memref<32768x1024xf32, #tpu.memory_space<hbm>>) target(%arg6 : memref<32x1024xf32, #tpu.memory_space<vmem>>) offsets(%arg4 : memref<32xi32, #tpu.memory_space<vmem>>) semaphore(%arg8 : memref<!tpu.dma_semaphore, #tpu.memory_space<semaphore_mem>>)
    %dma_wait3A_267 = arith.constant 0 : i32
    %dma_wait3A_268 = arith.constant 0 : i32
    %dma_wait3A_269 = tpu.memref_slice %arg2[%dma_wait3A_267, %dma_wait3A_268] : memref<32768x1024xf32, #tpu.memory_space<hbm>> -> memref<32768x1024xf32, #tpu.memory_space<hbm>>
    tpu.wait_indirect_dma semaphore(%arg9 : memref<!tpu.dma_semaphore, #tpu.memory_space<semaphore_mem>>) src(%dma_wait3A_269 : memref<32768x1024xf32, #tpu.memory_space<hbm>>) dst(%arg7 : memref<32x1024xf32, #tpu.memory_space<vmem>>)
    %add3A_270 = arith.constant 160 : i32
    %add3A_271 = arith.addi %mul3A_48, %add3A_270 : i32
    "tpu.region"() ({
      %run_scoped3A = tpu.sem_alloc : memref<!tpu.dma_semaphore, #tpu.memory_space<semaphore_mem>>
      %dma_start3A_1077 = arith.constant 0 : i32
      %dma_start3A_1078 = tpu.memref_slice %arg3[%add3A_271, %dma_start3A_1077] : memref<32768x1024xf32, #tpu.memory_space<hbm>> -> memref<32x1024xf32, #tpu.memory_space<hbm>>
      %dma_start3A_1079 = arith.constant 0 : i32
      %dma_start3A_1080 = tpu.memref_slice %arg3[%add3A_271, %dma_start3A_1079] : memref<32768x1024xf32, #tpu.memory_space<hbm>> -> memref<32x1024xf32, #tpu.memory_space<hbm>>
      tpu.enqueue_dma source(%arg7 : memref<32x1024xf32, #tpu.memory_space<vmem>>) target(%dma_start3A_1080 : memref<32x1024xf32, #tpu.memory_space<hbm>>) target_semaphore(%run_scoped3A : memref<!tpu.dma_semaphore, #tpu.memory_space<semaphore_mem>>)
      %dma_wait3A_1081 = arith.constant 0 : i32
      %dma_wait3A_1082 = tpu.memref_slice %arg3[%add3A_271, %dma_wait3A_1081] : memref<32768x1024xf32, #tpu.memory_space<hbm>> -> memref<32x1024xf32, #tpu.memory_space<hbm>>
      %dma_wait3A_1083 = arith.constant 0 : i32
      %dma_wait3A_1084 = tpu.memref_slice %arg3[%add3A_271, %dma_wait3A_1083] : memref<32768x1024xf32, #tpu.memory_space<hbm>> -> memref<32x1024xf32, #tpu.memory_space<hbm>>
      tpu.wait_dma2 semaphore(%run_scoped3A : memref<!tpu.dma_semaphore, #tpu.memory_space<semaphore_mem>>) src(%arg7 : memref<32x1024xf32, #tpu.memory_space<vmem>>) dst(%dma_wait3A_1084 : memref<32x1024xf32, #tpu.memory_space<hbm>>)
      tpu.yield
    }) : () -> ()
    %add3A_272 = arith.constant 896 : i32
    %add3A_273 = arith.addi %add3A_56, %add3A_272 : i32
    %iota3A_274 = tpu.iota {dimensions = array<i32: 0>} : vector<16xi32>
    %mul3A_275 = arith.constant 4 : i32
    %mul3A_276 = vector.broadcast %mul3A_275 : i32 to vector<16xi32>
    %mul3A_277 = arith.muli %mul3A_276, %iota3A_274 : vector<16xi32>
    %add3A_278 = vector.broadcast %add3A_273 : i32 to vector<16xi32>
    %add3A_279 = arith.addi %add3A_278, %mul3A_277 : vector<16xi32>
    %swap3A_280 = arith.constant 0 : index
    %swap3A_281 = tpu.vector_load %arg5[%swap3A_280] {strides = array<i32>} : memref<32xi32, #tpu.memory_space<vmem>>, vector<16xi32>,
    %swap3A_282 = vector.shape_cast %swap3A_281 : vector<16xi32> to vector<16xi32>
    %swap3A_283 = vector.shape_cast %add3A_279 : vector<16xi32> to vector<16xi32>
    tpu.vector_store %arg5[%swap3A_280], %swap3A_283 {strides = array<i32>} : memref<32xi32, #tpu.memory_space<vmem>>, vector<16xi32>,
    %add3A_284 = arith.constant 960 : i32
    %add3A_285 = arith.addi %add3A_56, %add3A_284 : i32
    %iota3A_286 = tpu.iota {dimensions = array<i32: 0>} : vector<16xi32>
    %mul3A_287 = arith.constant 4 : i32
    %mul3A_288 = vector.broadcast %mul3A_287 : i32 to vector<16xi32>
    %mul3A_289 = arith.muli %mul3A_288, %iota3A_286 : vector<16xi32>
    %add3A_290 = vector.broadcast %add3A_285 : i32 to vector<16xi32>
    %add3A_291 = arith.addi %add3A_290, %mul3A_289 : vector<16xi32>
    %swap3A_292 = arith.constant 16 : index
    %swap3A_293 = tpu.vector_load %arg5[%swap3A_292] {strides = array<i32>} : memref<32xi32, #tpu.memory_space<vmem>>, vector<16xi32>,
    %swap3A_294 = vector.shape_cast %swap3A_293 : vector<16xi32> to vector<16xi32>
    %swap3A_295 = vector.shape_cast %add3A_291 : vector<16xi32> to vector<16xi32>
    tpu.vector_store %arg5[%swap3A_292], %swap3A_295 {strides = array<i32>} : memref<32xi32, #tpu.memory_space<vmem>>, vector<16xi32>,
    %dma_start3A_296 = arith.constant 0 : i32
    %dma_start3A_297 = arith.constant 0 : i32
    %dma_start3A_298 = tpu.memref_slice %arg2[%dma_start3A_296, %dma_start3A_297] : memref<32768x1024xf32, #tpu.memory_space<hbm>> -> memref<32768x1024xf32, #tpu.memory_space<hbm>>
    tpu.enqueue_indirect_dma source(%dma_start3A_298 : memref<32768x1024xf32, #tpu.memory_space<hbm>>) target(%arg7 : memref<32x1024xf32, #tpu.memory_space<vmem>>) offsets(%arg5 : memref<32xi32, #tpu.memory_space<vmem>>) semaphore(%arg9 : memref<!tpu.dma_semaphore, #tpu.memory_space<semaphore_mem>>)
    %dma_wait3A_299 = arith.constant 0 : i32
    %dma_wait3A_300 = arith.constant 0 : i32
    %dma_wait3A_301 = tpu.memref_slice %arg2[%dma_wait3A_299, %dma_wait3A_300] : memref<32768x1024xf32, #tpu.memory_space<hbm>> -> memref<32768x1024xf32, #tpu.memory_space<hbm>>
    tpu.wait_indirect_dma semaphore(%arg8 : memref<!tpu.dma_semaphore, #tpu.memory_space<semaphore_mem>>) src(%dma_wait3A_301 : memref<32768x1024xf32, #tpu.memory_space<hbm>>) dst(%arg6 : memref<32x1024xf32, #tpu.memory_space<vmem>>)
    %add3A_302 = arith.constant 192 : i32
    %add3A_303 = arith.addi %mul3A_48, %add3A_302 : i32
    "tpu.region"() ({
      %run_scoped3A = tpu.sem_alloc : memref<!tpu.dma_semaphore, #tpu.memory_space<semaphore_mem>>
      %dma_start3A_1077 = arith.constant 0 : i32
      %dma_start3A_1078 = tpu.memref_slice %arg3[%add3A_303, %dma_start3A_1077] : memref<32768x1024xf32, #tpu.memory_space<hbm>> -> memref<32x1024xf32, #tpu.memory_space<hbm>>
      %dma_start3A_1079 = arith.constant 0 : i32
      %dma_start3A_1080 = tpu.memref_slice %arg3[%add3A_303, %dma_start3A_1079] : memref<32768x1024xf32, #tpu.memory_space<hbm>> -> memref<32x1024xf32, #tpu.memory_space<hbm>>
      tpu.enqueue_dma source(%arg6 : memref<32x1024xf32, #tpu.memory_space<vmem>>) target(%dma_start3A_1080 : memref<32x1024xf32, #tpu.memory_space<hbm>>) target_semaphore(%run_scoped3A : memref<!tpu.dma_semaphore, #tpu.memory_space<semaphore_mem>>)
      %dma_wait3A_1081 = arith.constant 0 : i32
      %dma_wait3A_1082 = tpu.memref_slice %arg3[%add3A_303, %dma_wait3A_1081] : memref<32768x1024xf32, #tpu.memory_space<hbm>> -> memref<32x1024xf32, #tpu.memory_space<hbm>>
      %dma_wait3A_1083 = arith.constant 0 : i32
      %dma_wait3A_1084 = tpu.memref_slice %arg3[%add3A_303, %dma_wait3A_1083] : memref<32768x1024xf32, #tpu.memory_space<hbm>> -> memref<32x1024xf32, #tpu.memory_space<hbm>>
      tpu.wait_dma2 semaphore(%run_scoped3A : memref<!tpu.dma_semaphore, #tpu.memory_space<semaphore_mem>>) src(%arg6 : memref<32x1024xf32, #tpu.memory_space<vmem>>) dst(%dma_wait3A_1084 : memref<32x1024xf32, #tpu.memory_space<hbm>>)
      tpu.yield
    }) : () -> ()
    %add3A_304 = arith.constant 1024 : i32
    %add3A_305 = arith.addi %add3A_56, %add3A_304 : i32
    %iota3A_306 = tpu.iota {dimensions = array<i32: 0>} : vector<16xi32>
    %mul3A_307 = arith.constant 4 : i32
    %mul3A_308 = vector.broadcast %mul3A_307 : i32 to vector<16xi32>
    %mul3A_309 = arith.muli %mul3A_308, %iota3A_306 : vector<16xi32>
    %add3A_310 = vector.broadcast %add3A_305 : i32 to vector<16xi32>
    %add3A_311 = arith.addi %add3A_310, %mul3A_309 : vector<16xi32>
    %swap3A_312 = arith.constant 0 : index
    %swap3A_313 = tpu.vector_load %arg4[%swap3A_312] {strides = array<i32>} : memref<32xi32, #tpu.memory_space<vmem>>, vector<16xi32>,
    %swap3A_314 = vector.shape_cast %swap3A_313 : vector<16xi32> to vector<16xi32>
    %swap3A_315 = vector.shape_cast %add3A_311 : vector<16xi32> to vector<16xi32>
    tpu.vector_store %arg4[%swap3A_312], %swap3A_315 {strides = array<i32>} : memref<32xi32, #tpu.memory_space<vmem>>, vector<16xi32>,
    %add3A_316 = arith.constant 1088 : i32
    %add3A_317 = arith.addi %add3A_56, %add3A_316 : i32
    %iota3A_318 = tpu.iota {dimensions = array<i32: 0>} : vector<16xi32>
    %mul3A_319 = arith.constant 4 : i32
    %mul3A_320 = vector.broadcast %mul3A_319 : i32 to vector<16xi32>
    %mul3A_321 = arith.muli %mul3A_320, %iota3A_318 : vector<16xi32>
    %add3A_322 = vector.broadcast %add3A_317 : i32 to vector<16xi32>
    %add3A_323 = arith.addi %add3A_322, %mul3A_321 : vector<16xi32>
    %swap3A_324 = arith.constant 16 : index
    %swap3A_325 = tpu.vector_load %arg4[%swap3A_324] {strides = array<i32>} : memref<32xi32, #tpu.memory_space<vmem>>, vector<16xi32>,
    %swap3A_326 = vector.shape_cast %swap3A_325 : vector<16xi32> to vector<16xi32>
    %swap3A_327 = vector.shape_cast %add3A_323 : vector<16xi32> to vector<16xi32>
    tpu.vector_store %arg4[%swap3A_324], %swap3A_327 {strides = array<i32>} : memref<32xi32, #tpu.memory_space<vmem>>, vector<16xi32>,
    %dma_start3A_328 = arith.constant 0 : i32
    %dma_start3A_329 = arith.constant 0 : i32
    %dma_start3A_330 = tpu.memref_slice %arg2[%dma_start3A_328, %dma_start3A_329] : memref<32768x1024xf32, #tpu.memory_space<hbm>> -> memref<32768x1024xf32, #tpu.memory_space<hbm>>
    tpu.enqueue_indirect_dma source(%dma_start3A_330 : memref<32768x1024xf32, #tpu.memory_space<hbm>>) target(%arg6 : memref<32x1024xf32, #tpu.memory_space<vmem>>) offsets(%arg4 : memref<32xi32, #tpu.memory_space<vmem>>) semaphore(%arg8 : memref<!tpu.dma_semaphore, #tpu.memory_space<semaphore_mem>>)
    %dma_wait3A_331 = arith.constant 0 : i32
    %dma_wait3A_332 = arith.constant 0 : i32
    %dma_wait3A_333 = tpu.memref_slice %arg2[%dma_wait3A_331, %dma_wait3A_332] : memref<32768x1024xf32, #tpu.memory_space<hbm>> -> memref<32768x1024xf32, #tpu.memory_space<hbm>>
    tpu.wait_indirect_dma semaphore(%arg9 : memref<!tpu.dma_semaphore, #tpu.memory_space<semaphore_mem>>) src(%dma_wait3A_333 : memref<32768x1024xf32, #tpu.memory_space<hbm>>) dst(%arg7 : memref<32x1024xf32, #tpu.memory_space<vmem>>)
    %add3A_334 = arith.constant 224 : i32
    %add3A_335 = arith.addi %mul3A_48, %add3A_334 : i32
    "tpu.region"() ({
      %run_scoped3A = tpu.sem_alloc : memref<!tpu.dma_semaphore, #tpu.memory_space<semaphore_mem>>
      %dma_start3A_1077 = arith.constant 0 : i32
      %dma_start3A_1078 = tpu.memref_slice %arg3[%add3A_335, %dma_start3A_1077] : memref<32768x1024xf32, #tpu.memory_space<hbm>> -> memref<32x1024xf32, #tpu.memory_space<hbm>>
      %dma_start3A_1079 = arith.constant 0 : i32
      %dma_start3A_1080 = tpu.memref_slice %arg3[%add3A_335, %dma_start3A_1079] : memref<32768x1024xf32, #tpu.memory_space<hbm>> -> memref<32x1024xf32, #tpu.memory_space<hbm>>
      tpu.enqueue_dma source(%arg7 : memref<32x1024xf32, #tpu.memory_space<vmem>>) target(%dma_start3A_1080 : memref<32x1024xf32, #tpu.memory_space<hbm>>) target_semaphore(%run_scoped3A : memref<!tpu.dma_semaphore, #tpu.memory_space<semaphore_mem>>)
      %dma_wait3A_1081 = arith.constant 0 : i32
      %dma_wait3A_1082 = tpu.memref_slice %arg3[%add3A_335, %dma_wait3A_1081] : memref<32768x1024xf32, #tpu.memory_space<hbm>> -> memref<32x1024xf32, #tpu.memory_space<hbm>>
      %dma_wait3A_1083 = arith.constant 0 : i32
      %dma_wait3A_1084 = tpu.memref_slice %arg3[%add3A_335, %dma_wait3A_1083] : memref<32768x1024xf32, #tpu.memory_space<hbm>> -> memref<32x1024xf32, #tpu.memory_space<hbm>>
      tpu.wait_dma2 semaphore(%run_scoped3A : memref<!tpu.dma_semaphore, #tpu.memory_space<semaphore_mem>>) src(%arg7 : memref<32x1024xf32, #tpu.memory_space<vmem>>) dst(%dma_wait3A_1084 : memref<32x1024xf32, #tpu.memory_space<hbm>>)
      tpu.yield
    }) : () -> ()
    %add3A_336 = arith.constant 1152 : i32
    %add3A_337 = arith.addi %add3A_56, %add3A_336 : i32
    %iota3A_338 = tpu.iota {dimensions = array<i32: 0>} : vector<16xi32>
    %mul3A_339 = arith.constant 4 : i32
    %mul3A_340 = vector.broadcast %mul3A_339 : i32 to vector<16xi32>
    %mul3A_341 = arith.muli %mul3A_340, %iota3A_338 : vector<16xi32>
    %add3A_342 = vector.broadcast %add3A_337 : i32 to vector<16xi32>
    %add3A_343 = arith.addi %add3A_342, %mul3A_341 : vector<16xi32>
    %swap3A_344 = arith.constant 0 : index
    %swap3A_345 = tpu.vector_load %arg5[%swap3A_344] {strides = array<i32>} : memref<32xi32, #tpu.memory_space<vmem>>, vector<16xi32>,
    %swap3A_346 = vector.shape_cast %swap3A_345 : vector<16xi32> to vector<16xi32>
    %swap3A_347 = vector.shape_cast %add3A_343 : vector<16xi32> to vector<16xi32>
    tpu.vector_store %arg5[%swap3A_344], %swap3A_347 {strides = array<i32>} : memref<32xi32, #tpu.memory_space<vmem>>, vector<16xi32>,
    %add3A_348 = arith.constant 1216 : i32
    %add3A_349 = arith.addi %add3A_56, %add3A_348 : i32
    %iota3A_350 = tpu.iota {dimensions = array<i32: 0>} : vector<16xi32>
    %mul3A_351 = arith.constant 4 : i32
    %mul3A_352 = vector.broadcast %mul3A_351 : i32 to vector<16xi32>
    %mul3A_353 = arith.muli %mul3A_352, %iota3A_350 : vector<16xi32>
    %add3A_354 = vector.broadcast %add3A_349 : i32 to vector<16xi32>
    %add3A_355 = arith.addi %add3A_354, %mul3A_353 : vector<16xi32>
    %swap3A_356 = arith.constant 16 : index
    %swap3A_357 = tpu.vector_load %arg5[%swap3A_356] {strides = array<i32>} : memref<32xi32, #tpu.memory_space<vmem>>, vector<16xi32>,
    %swap3A_358 = vector.shape_cast %swap3A_357 : vector<16xi32> to vector<16xi32>
    %swap3A_359 = vector.shape_cast %add3A_355 : vector<16xi32> to vector<16xi32>
    tpu.vector_store %arg5[%swap3A_356], %swap3A_359 {strides = array<i32>} : memref<32xi32, #tpu.memory_space<vmem>>, vector<16xi32>,
    %dma_start3A_360 = arith.constant 0 : i32
    %dma_start3A_361 = arith.constant 0 : i32
    %dma_start3A_362 = tpu.memref_slice %arg2[%dma_start3A_360, %dma_start3A_361] : memref<32768x1024xf32, #tpu.memory_space<hbm>> -> memref<32768x1024xf32, #tpu.memory_space<hbm>>
    tpu.enqueue_indirect_dma source(%dma_start3A_362 : memref<32768x1024xf32, #tpu.memory_space<hbm>>) target(%arg7 : memref<32x1024xf32, #tpu.memory_space<vmem>>) offsets(%arg5 : memref<32xi32, #tpu.memory_space<vmem>>) semaphore(%arg9 : memref<!tpu.dma_semaphore, #tpu.memory_space<semaphore_mem>>)
    %dma_wait3A_363 = arith.constant 0 : i32
    %dma_wait3A_364 = arith.constant 0 : i32
    %dma_wait3A_365 = tpu.memref_slice %arg2[%dma_wait3A_363, %dma_wait3A_364] : memref<32768x1024xf32, #tpu.memory_space<hbm>> -> memref<32768x1024xf32, #tpu.memory_space<hbm>>
    tpu.wait_indirect_dma semaphore(%arg8 : memref<!tpu.dma_semaphore, #tpu.memory_space<semaphore_mem>>) src(%dma_wait3A_365 : memref<32768x1024xf32, #tpu.memory_space<hbm>>) dst(%arg6 : memref<32x1024xf32, #tpu.memory_space<vmem>>)
    %add3A_366 = arith.constant 256 : i32
    %add3A_367 = arith.addi %mul3A_48, %add3A_366 : i32
    "tpu.region"() ({
      %run_scoped3A = tpu.sem_alloc : memref<!tpu.dma_semaphore, #tpu.memory_space<semaphore_mem>>
      %dma_start3A_1077 = arith.constant 0 : i32
      %dma_start3A_1078 = tpu.memref_slice %arg3[%add3A_367, %dma_start3A_1077] : memref<32768x1024xf32, #tpu.memory_space<hbm>> -> memref<32x1024xf32, #tpu.memory_space<hbm>>
      %dma_start3A_1079 = arith.constant 0 : i32
      %dma_start3A_1080 = tpu.memref_slice %arg3[%add3A_367, %dma_start3A_1079] : memref<32768x1024xf32, #tpu.memory_space<hbm>> -> memref<32x1024xf32, #tpu.memory_space<hbm>>
      tpu.enqueue_dma source(%arg6 : memref<32x1024xf32, #tpu.memory_space<vmem>>) target(%dma_start3A_1080 : memref<32x1024xf32, #tpu.memory_space<hbm>>) target_semaphore(%run_scoped3A : memref<!tpu.dma_semaphore, #tpu.memory_space<semaphore_mem>>)
      %dma_wait3A_1081 = arith.constant 0 : i32
      %dma_wait3A_1082 = tpu.memref_slice %arg3[%add3A_367, %dma_wait3A_1081] : memref<32768x1024xf32, #tpu.memory_space<hbm>> -> memref<32x1024xf32, #tpu.memory_space<hbm>>
      %dma_wait3A_1083 = arith.constant 0 : i32
      %dma_wait3A_1084 = tpu.memref_slice %arg3[%add3A_367, %dma_wait3A_1083] : memref<32768x1024xf32, #tpu.memory_space<hbm>> -> memref<32x1024xf32, #tpu.memory_space<hbm>>
      tpu.wait_dma2 semaphore(%run_scoped3A : memref<!tpu.dma_semaphore, #tpu.memory_space<semaphore_mem>>) src(%arg6 : memref<32x1024xf32, #tpu.memory_space<vmem>>) dst(%dma_wait3A_1084 : memref<32x1024xf32, #tpu.memory_space<hbm>>)
      tpu.yield
    }) : () -> ()
    %add3A_368 = arith.constant 1280 : i32
    %add3A_369 = arith.addi %add3A_56, %add3A_368 : i32
    %iota3A_370 = tpu.iota {dimensions = array<i32: 0>} : vector<16xi32>
    %mul3A_371 = arith.constant 4 : i32
    %mul3A_372 = vector.broadcast %mul3A_371 : i32 to vector<16xi32>
    %mul3A_373 = arith.muli %mul3A_372, %iota3A_370 : vector<16xi32>
    %add3A_374 = vector.broadcast %add3A_369 : i32 to vector<16xi32>
    %add3A_375 = arith.addi %add3A_374, %mul3A_373 : vector<16xi32>
    %swap3A_376 = arith.constant 0 : index
    %swap3A_377 = tpu.vector_load %arg4[%swap3A_376] {strides = array<i32>} : memref<32xi32, #tpu.memory_space<vmem>>, vector<16xi32>,
    %swap3A_378 = vector.shape_cast %swap3A_377 : vector<16xi32> to vector<16xi32>
    %swap3A_379 = vector.shape_cast %add3A_375 : vector<16xi32> to vector<16xi32>
    tpu.vector_store %arg4[%swap3A_376], %swap3A_379 {strides = array<i32>} : memref<32xi32, #tpu.memory_space<vmem>>, vector<16xi32>,
    %add3A_380 = arith.constant 1344 : i32
    %add3A_381 = arith.addi %add3A_56, %add3A_380 : i32
    %iota3A_382 = tpu.iota {dimensions = array<i32: 0>} : vector<16xi32>
    %mul3A_383 = arith.constant 4 : i32
    %mul3A_384 = vector.broadcast %mul3A_383 : i32 to vector<16xi32>
    %mul3A_385 = arith.muli %mul3A_384, %iota3A_382 : vector<16xi32>
    %add3A_386 = vector.broadcast %add3A_381 : i32 to vector<16xi32>
    %add3A_387 = arith.addi %add3A_386, %mul3A_385 : vector<16xi32>
    %swap3A_388 = arith.constant 16 : index
    %swap3A_389 = tpu.vector_load %arg4[%swap3A_388] {strides = array<i32>} : memref<32xi32, #tpu.memory_space<vmem>>, vector<16xi32>,
    %swap3A_390 = vector.shape_cast %swap3A_389 : vector<16xi32> to vector<16xi32>
    %swap3A_391 = vector.shape_cast %add3A_387 : vector<16xi32> to vector<16xi32>
    tpu.vector_store %arg4[%swap3A_388], %swap3A_391 {strides = array<i32>} : memref<32xi32, #tpu.memory_space<vmem>>, vector<16xi32>,
    %dma_start3A_392 = arith.constant 0 : i32
    %dma_start3A_393 = arith.constant 0 : i32
    %dma_start3A_394 = tpu.memref_slice %arg2[%dma_start3A_392, %dma_start3A_393] : memref<32768x1024xf32, #tpu.memory_space<hbm>> -> memref<32768x1024xf32, #tpu.memory_space<hbm>>
    tpu.enqueue_indirect_dma source(%dma_start3A_394 : memref<32768x1024xf32, #tpu.memory_space<hbm>>) target(%arg6 : memref<32x1024xf32, #tpu.memory_space<vmem>>) offsets(%arg4 : memref<32xi32, #tpu.memory_space<vmem>>) semaphore(%arg8 : memref<!tpu.dma_semaphore, #tpu.memory_space<semaphore_mem>>)
    %dma_wait3A_395 = arith.constant 0 : i32
    %dma_wait3A_396 = arith.constant 0 : i32
    %dma_wait3A_397 = tpu.memref_slice %arg2[%dma_wait3A_395, %dma_wait3A_396] : memref<32768x1024xf32, #tpu.memory_space<hbm>> -> memref<32768x1024xf32, #tpu.memory_space<hbm>>
    tpu.wait_indirect_dma semaphore(%arg9 : memref<!tpu.dma_semaphore, #tpu.memory_space<semaphore_mem>>) src(%dma_wait3A_397 : memref<32768x1024xf32, #tpu.memory_space<hbm>>) dst(%arg7 : memref<32x1024xf32, #tpu.memory_space<vmem>>)
    %add3A_398 = arith.constant 288 : i32
    %add3A_399 = arith.addi %mul3A_48, %add3A_398 : i32
    "tpu.region"() ({
      %run_scoped3A = tpu.sem_alloc : memref<!tpu.dma_semaphore, #tpu.memory_space<semaphore_mem>>
      %dma_start3A_1077 = arith.constant 0 : i32
      %dma_start3A_1078 = tpu.memref_slice %arg3[%add3A_399, %dma_start3A_1077] : memref<32768x1024xf32, #tpu.memory_space<hbm>> -> memref<32x1024xf32, #tpu.memory_space<hbm>>
      %dma_start3A_1079 = arith.constant 0 : i32
      %dma_start3A_1080 = tpu.memref_slice %arg3[%add3A_399, %dma_start3A_1079] : memref<32768x1024xf32, #tpu.memory_space<hbm>> -> memref<32x1024xf32, #tpu.memory_space<hbm>>
      tpu.enqueue_dma source(%arg7 : memref<32x1024xf32, #tpu.memory_space<vmem>>) target(%dma_start3A_1080 : memref<32x1024xf32, #tpu.memory_space<hbm>>) target_semaphore(%run_scoped3A : memref<!tpu.dma_semaphore, #tpu.memory_space<semaphore_mem>>)
      %dma_wait3A_1081 = arith.constant 0 : i32
      %dma_wait3A_1082 = tpu.memref_slice %arg3[%add3A_399, %dma_wait3A_1081] : memref<32768x1024xf32, #tpu.memory_space<hbm>> -> memref<32x1024xf32, #tpu.memory_space<hbm>>
      %dma_wait3A_1083 = arith.constant 0 : i32
      %dma_wait3A_1084 = tpu.memref_slice %arg3[%add3A_399, %dma_wait3A_1083] : memref<32768x1024xf32, #tpu.memory_space<hbm>> -> memref<32x1024xf32, #tpu.memory_space<hbm>>
      tpu.wait_dma2 semaphore(%run_scoped3A : memref<!tpu.dma_semaphore, #tpu.memory_space<semaphore_mem>>) src(%arg7 : memref<32x1024xf32, #tpu.memory_space<vmem>>) dst(%dma_wait3A_1084 : memref<32x1024xf32, #tpu.memory_space<hbm>>)
      tpu.yield
    }) : () -> ()
    %add3A_400 = arith.constant 1408 : i32
    %add3A_401 = arith.addi %add3A_56, %add3A_400 : i32
    %iota3A_402 = tpu.iota {dimensions = array<i32: 0>} : vector<16xi32>
    %mul3A_403 = arith.constant 4 : i32
    %mul3A_404 = vector.broadcast %mul3A_403 : i32 to vector<16xi32>
    %mul3A_405 = arith.muli %mul3A_404, %iota3A_402 : vector<16xi32>
    %add3A_406 = vector.broadcast %add3A_401 : i32 to vector<16xi32>
    %add3A_407 = arith.addi %add3A_406, %mul3A_405 : vector<16xi32>
    %swap3A_408 = arith.constant 0 : index
    %swap3A_409 = tpu.vector_load %arg5[%swap3A_408] {strides = array<i32>} : memref<32xi32, #tpu.memory_space<vmem>>, vector<16xi32>,
    %swap3A_410 = vector.shape_cast %swap3A_409 : vector<16xi32> to vector<16xi32>
    %swap3A_411 = vector.shape_cast %add3A_407 : vector<16xi32> to vector<16xi32>
    tpu.vector_store %arg5[%swap3A_408], %swap3A_411 {strides = array<i32>} : memref<32xi32, #tpu.memory_space<vmem>>, vector<16xi32>,
    %add3A_412 = arith.constant 1472 : i32
    %add3A_413 = arith.addi %add3A_56, %add3A_412 : i32
    %iota3A_414 = tpu.iota {dimensions = array<i32: 0>} : vector<16xi32>
    %mul3A_415 = arith.constant 4 : i32
    %mul3A_416 = vector.broadcast %mul3A_415 : i32 to vector<16xi32>
    %mul3A_417 = arith.muli %mul3A_416, %iota3A_414 : vector<16xi32>
    %add3A_418 = vector.broadcast %add3A_413 : i32 to vector<16xi32>
    %add3A_419 = arith.addi %add3A_418, %mul3A_417 : vector<16xi32>
    %swap3A_420 = arith.constant 16 : index
    %swap3A_421 = tpu.vector_load %arg5[%swap3A_420] {strides = array<i32>} : memref<32xi32, #tpu.memory_space<vmem>>, vector<16xi32>,
    %swap3A_422 = vector.shape_cast %swap3A_421 : vector<16xi32> to vector<16xi32>
    %swap3A_423 = vector.shape_cast %add3A_419 : vector<16xi32> to vector<16xi32>
    tpu.vector_store %arg5[%swap3A_420], %swap3A_423 {strides = array<i32>} : memref<32xi32, #tpu.memory_space<vmem>>, vector<16xi32>,
    %dma_start3A_424 = arith.constant 0 : i32
    %dma_start3A_425 = arith.constant 0 : i32
    %dma_start3A_426 = tpu.memref_slice %arg2[%dma_start3A_424, %dma_start3A_425] : memref<32768x1024xf32, #tpu.memory_space<hbm>> -> memref<32768x1024xf32, #tpu.memory_space<hbm>>
    tpu.enqueue_indirect_dma source(%dma_start3A_426 : memref<32768x1024xf32, #tpu.memory_space<hbm>>) target(%arg7 : memref<32x1024xf32, #tpu.memory_space<vmem>>) offsets(%arg5 : memref<32xi32, #tpu.memory_space<vmem>>) semaphore(%arg9 : memref<!tpu.dma_semaphore, #tpu.memory_space<semaphore_mem>>)
    %dma_wait3A_427 = arith.constant 0 : i32
    %dma_wait3A_428 = arith.constant 0 : i32
    %dma_wait3A_429 = tpu.memref_slice %arg2[%dma_wait3A_427, %dma_wait3A_428] : memref<32768x1024xf32, #tpu.memory_space<hbm>> -> memref<32768x1024xf32, #tpu.memory_space<hbm>>
    tpu.wait_indirect_dma semaphore(%arg8 : memref<!tpu.dma_semaphore, #tpu.memory_space<semaphore_mem>>) src(%dma_wait3A_429 : memref<32768x1024xf32, #tpu.memory_space<hbm>>) dst(%arg6 : memref<32x1024xf32, #tpu.memory_space<vmem>>)
    %add3A_430 = arith.constant 320 : i32
    %add3A_431 = arith.addi %mul3A_48, %add3A_430 : i32
    "tpu.region"() ({
      %run_scoped3A = tpu.sem_alloc : memref<!tpu.dma_semaphore, #tpu.memory_space<semaphore_mem>>
      %dma_start3A_1077 = arith.constant 0 : i32
      %dma_start3A_1078 = tpu.memref_slice %arg3[%add3A_431, %dma_start3A_1077] : memref<32768x1024xf32, #tpu.memory_space<hbm>> -> memref<32x1024xf32, #tpu.memory_space<hbm>>
      %dma_start3A_1079 = arith.constant 0 : i32
      %dma_start3A_1080 = tpu.memref_slice %arg3[%add3A_431, %dma_start3A_1079] : memref<32768x1024xf32, #tpu.memory_space<hbm>> -> memref<32x1024xf32, #tpu.memory_space<hbm>>
      tpu.enqueue_dma source(%arg6 : memref<32x1024xf32, #tpu.memory_space<vmem>>) target(%dma_start3A_1080 : memref<32x1024xf32, #tpu.memory_space<hbm>>) target_semaphore(%run_scoped3A : memref<!tpu.dma_semaphore, #tpu.memory_space<semaphore_mem>>)
      %dma_wait3A_1081 = arith.constant 0 : i32
      %dma_wait3A_1082 = tpu.memref_slice %arg3[%add3A_431, %dma_wait3A_1081] : memref<32768x1024xf32, #tpu.memory_space<hbm>> -> memref<32x1024xf32, #tpu.memory_space<hbm>>
      %dma_wait3A_1083 = arith.constant 0 : i32
      %dma_wait3A_1084 = tpu.memref_slice %arg3[%add3A_431, %dma_wait3A_1083] : memref<32768x1024xf32, #tpu.memory_space<hbm>> -> memref<32x1024xf32, #tpu.memory_space<hbm>>
      tpu.wait_dma2 semaphore(%run_scoped3A : memref<!tpu.dma_semaphore, #tpu.memory_space<semaphore_mem>>) src(%arg6 : memref<32x1024xf32, #tpu.memory_space<vmem>>) dst(%dma_wait3A_1084 : memref<32x1024xf32, #tpu.memory_space<hbm>>)
      tpu.yield
    }) : () -> ()
    %add3A_432 = arith.constant 1536 : i32
    %add3A_433 = arith.addi %add3A_56, %add3A_432 : i32
    %iota3A_434 = tpu.iota {dimensions = array<i32: 0>} : vector<16xi32>
    %mul3A_435 = arith.constant 4 : i32
    %mul3A_436 = vector.broadcast %mul3A_435 : i32 to vector<16xi32>
    %mul3A_437 = arith.muli %mul3A_436, %iota3A_434 : vector<16xi32>
    %add3A_438 = vector.broadcast %add3A_433 : i32 to vector<16xi32>
    %add3A_439 = arith.addi %add3A_438, %mul3A_437 : vector<16xi32>
    %swap3A_440 = arith.constant 0 : index
    %swap3A_441 = tpu.vector_load %arg4[%swap3A_440] {strides = array<i32>} : memref<32xi32, #tpu.memory_space<vmem>>, vector<16xi32>,
    %swap3A_442 = vector.shape_cast %swap3A_441 : vector<16xi32> to vector<16xi32>
    %swap3A_443 = vector.shape_cast %add3A_439 : vector<16xi32> to vector<16xi32>
    tpu.vector_store %arg4[%swap3A_440], %swap3A_443 {strides = array<i32>} : memref<32xi32, #tpu.memory_space<vmem>>, vector<16xi32>,
    %add3A_444 = arith.constant 1600 : i32
    %add3A_445 = arith.addi %add3A_56, %add3A_444 : i32
    %iota3A_446 = tpu.iota {dimensions = array<i32: 0>} : vector<16xi32>
    %mul3A_447 = arith.constant 4 : i32
    %mul3A_448 = vector.broadcast %mul3A_447 : i32 to vector<16xi32>
    %mul3A_449 = arith.muli %mul3A_448, %iota3A_446 : vector<16xi32>
    %add3A_450 = vector.broadcast %add3A_445 : i32 to vector<16xi32>
    %add3A_451 = arith.addi %add3A_450, %mul3A_449 : vector<16xi32>
    %swap3A_452 = arith.constant 16 : index
    %swap3A_453 = tpu.vector_load %arg4[%swap3A_452] {strides = array<i32>} : memref<32xi32, #tpu.memory_space<vmem>>, vector<16xi32>,
    %swap3A_454 = vector.shape_cast %swap3A_453 : vector<16xi32> to vector<16xi32>
    %swap3A_455 = vector.shape_cast %add3A_451 : vector<16xi32> to vector<16xi32>
    tpu.vector_store %arg4[%swap3A_452], %swap3A_455 {strides = array<i32>} : memref<32xi32, #tpu.memory_space<vmem>>, vector<16xi32>,
    %dma_start3A_456 = arith.constant 0 : i32
    %dma_start3A_457 = arith.constant 0 : i32
    %dma_start3A_458 = tpu.memref_slice %arg2[%dma_start3A_456, %dma_start3A_457] : memref<32768x1024xf32, #tpu.memory_space<hbm>> -> memref<32768x1024xf32, #tpu.memory_space<hbm>>
    tpu.enqueue_indirect_dma source(%dma_start3A_458 : memref<32768x1024xf32, #tpu.memory_space<hbm>>) target(%arg6 : memref<32x1024xf32, #tpu.memory_space<vmem>>) offsets(%arg4 : memref<32xi32, #tpu.memory_space<vmem>>) semaphore(%arg8 : memref<!tpu.dma_semaphore, #tpu.memory_space<semaphore_mem>>)
    %dma_wait3A_459 = arith.constant 0 : i32
    %dma_wait3A_460 = arith.constant 0 : i32
    %dma_wait3A_461 = tpu.memref_slice %arg2[%dma_wait3A_459, %dma_wait3A_460] : memref<32768x1024xf32, #tpu.memory_space<hbm>> -> memref<32768x1024xf32, #tpu.memory_space<hbm>>
    tpu.wait_indirect_dma semaphore(%arg9 : memref<!tpu.dma_semaphore, #tpu.memory_space<semaphore_mem>>) src(%dma_wait3A_461 : memref<32768x1024xf32, #tpu.memory_space<hbm>>) dst(%arg7 : memref<32x1024xf32, #tpu.memory_space<vmem>>)
    %add3A_462 = arith.constant 352 : i32
    %add3A_463 = arith.addi %mul3A_48, %add3A_462 : i32
    "tpu.region"() ({
      %run_scoped3A = tpu.sem_alloc : memref<!tpu.dma_semaphore, #tpu.memory_space<semaphore_mem>>
      %dma_start3A_1077 = arith.constant 0 : i32
      %dma_start3A_1078 = tpu.memref_slice %arg3[%add3A_463, %dma_start3A_1077] : memref<32768x1024xf32, #tpu.memory_space<hbm>> -> memref<32x1024xf32, #tpu.memory_space<hbm>>
      %dma_start3A_1079 = arith.constant 0 : i32
      %dma_start3A_1080 = tpu.memref_slice %arg3[%add3A_463, %dma_start3A_1079] : memref<32768x1024xf32, #tpu.memory_space<hbm>> -> memref<32x1024xf32, #tpu.memory_space<hbm>>
      tpu.enqueue_dma source(%arg7 : memref<32x1024xf32, #tpu.memory_space<vmem>>) target(%dma_start3A_1080 : memref<32x1024xf32, #tpu.memory_space<hbm>>) target_semaphore(%run_scoped3A : memref<!tpu.dma_semaphore, #tpu.memory_space<semaphore_mem>>)
      %dma_wait3A_1081 = arith.constant 0 : i32
      %dma_wait3A_1082 = tpu.memref_slice %arg3[%add3A_463, %dma_wait3A_1081] : memref<32768x1024xf32, #tpu.memory_space<hbm>> -> memref<32x1024xf32, #tpu.memory_space<hbm>>
      %dma_wait3A_1083 = arith.constant 0 : i32
      %dma_wait3A_1084 = tpu.memref_slice %arg3[%add3A_463, %dma_wait3A_1083] : memref<32768x1024xf32, #tpu.memory_space<hbm>> -> memref<32x1024xf32, #tpu.memory_space<hbm>>
      tpu.wait_dma2 semaphore(%run_scoped3A : memref<!tpu.dma_semaphore, #tpu.memory_space<semaphore_mem>>) src(%arg7 : memref<32x1024xf32, #tpu.memory_space<vmem>>) dst(%dma_wait3A_1084 : memref<32x1024xf32, #tpu.memory_space<hbm>>)
      tpu.yield
    }) : () -> ()
    %add3A_464 = arith.constant 1664 : i32
    %add3A_465 = arith.addi %add3A_56, %add3A_464 : i32
    %iota3A_466 = tpu.iota {dimensions = array<i32: 0>} : vector<16xi32>
    %mul3A_467 = arith.constant 4 : i32
    %mul3A_468 = vector.broadcast %mul3A_467 : i32 to vector<16xi32>
    %mul3A_469 = arith.muli %mul3A_468, %iota3A_466 : vector<16xi32>
    %add3A_470 = vector.broadcast %add3A_465 : i32 to vector<16xi32>
    %add3A_471 = arith.addi %add3A_470, %mul3A_469 : vector<16xi32>
    %swap3A_472 = arith.constant 0 : index
    %swap3A_473 = tpu.vector_load %arg5[%swap3A_472] {strides = array<i32>} : memref<32xi32, #tpu.memory_space<vmem>>, vector<16xi32>,
    %swap3A_474 = vector.shape_cast %swap3A_473 : vector<16xi32> to vector<16xi32>
    %swap3A_475 = vector.shape_cast %add3A_471 : vector<16xi32> to vector<16xi32>
    tpu.vector_store %arg5[%swap3A_472], %swap3A_475 {strides = array<i32>} : memref<32xi32, #tpu.memory_space<vmem>>, vector<16xi32>,
    %add3A_476 = arith.constant 1728 : i32
    %add3A_477 = arith.addi %add3A_56, %add3A_476 : i32
    %iota3A_478 = tpu.iota {dimensions = array<i32: 0>} : vector<16xi32>
    %mul3A_479 = arith.constant 4 : i32
    %mul3A_480 = vector.broadcast %mul3A_479 : i32 to vector<16xi32>
    %mul3A_481 = arith.muli %mul3A_480, %iota3A_478 : vector<16xi32>
    %add3A_482 = vector.broadcast %add3A_477 : i32 to vector<16xi32>
    %add3A_483 = arith.addi %add3A_482, %mul3A_481 : vector<16xi32>
    %swap3A_484 = arith.constant 16 : index
    %swap3A_485 = tpu.vector_load %arg5[%swap3A_484] {strides = array<i32>} : memref<32xi32, #tpu.memory_space<vmem>>, vector<16xi32>,
    %swap3A_486 = vector.shape_cast %swap3A_485 : vector<16xi32> to vector<16xi32>
    %swap3A_487 = vector.shape_cast %add3A_483 : vector<16xi32> to vector<16xi32>
    tpu.vector_store %arg5[%swap3A_484], %swap3A_487 {strides = array<i32>} : memref<32xi32, #tpu.memory_space<vmem>>, vector<16xi32>,
    %dma_start3A_488 = arith.constant 0 : i32
    %dma_start3A_489 = arith.constant 0 : i32
    %dma_start3A_490 = tpu.memref_slice %arg2[%dma_start3A_488, %dma_start3A_489] : memref<32768x1024xf32, #tpu.memory_space<hbm>> -> memref<32768x1024xf32, #tpu.memory_space<hbm>>
    tpu.enqueue_indirect_dma source(%dma_start3A_490 : memref<32768x1024xf32, #tpu.memory_space<hbm>>) target(%arg7 : memref<32x1024xf32, #tpu.memory_space<vmem>>) offsets(%arg5 : memref<32xi32, #tpu.memory_space<vmem>>) semaphore(%arg9 : memref<!tpu.dma_semaphore, #tpu.memory_space<semaphore_mem>>)
    %dma_wait3A_491 = arith.constant 0 : i32
    %dma_wait3A_492 = arith.constant 0 : i32
    %dma_wait3A_493 = tpu.memref_slice %arg2[%dma_wait3A_491, %dma_wait3A_492] : memref<32768x1024xf32, #tpu.memory_space<hbm>> -> memref<32768x1024xf32, #tpu.memory_space<hbm>>
    tpu.wait_indirect_dma semaphore(%arg8 : memref<!tpu.dma_semaphore, #tpu.memory_space<semaphore_mem>>) src(%dma_wait3A_493 : memref<32768x1024xf32, #tpu.memory_space<hbm>>) dst(%arg6 : memref<32x1024xf32, #tpu.memory_space<vmem>>)
    %add3A_494 = arith.constant 384 : i32
    %add3A_495 = arith.addi %mul3A_48, %add3A_494 : i32
    "tpu.region"() ({
      %run_scoped3A = tpu.sem_alloc : memref<!tpu.dma_semaphore, #tpu.memory_space<semaphore_mem>>
      %dma_start3A_1077 = arith.constant 0 : i32
      %dma_start3A_1078 = tpu.memref_slice %arg3[%add3A_495, %dma_start3A_1077] : memref<32768x1024xf32, #tpu.memory_space<hbm>> -> memref<32x1024xf32, #tpu.memory_space<hbm>>
      %dma_start3A_1079 = arith.constant 0 : i32
      %dma_start3A_1080 = tpu.memref_slice %arg3[%add3A_495, %dma_start3A_1079] : memref<32768x1024xf32, #tpu.memory_space<hbm>> -> memref<32x1024xf32, #tpu.memory_space<hbm>>
      tpu.enqueue_dma source(%arg6 : memref<32x1024xf32, #tpu.memory_space<vmem>>) target(%dma_start3A_1080 : memref<32x1024xf32, #tpu.memory_space<hbm>>) target_semaphore(%run_scoped3A : memref<!tpu.dma_semaphore, #tpu.memory_space<semaphore_mem>>)
      %dma_wait3A_1081 = arith.constant 0 : i32
      %dma_wait3A_1082 = tpu.memref_slice %arg3[%add3A_495, %dma_wait3A_1081] : memref<32768x1024xf32, #tpu.memory_space<hbm>> -> memref<32x1024xf32, #tpu.memory_space<hbm>>
      %dma_wait3A_1083 = arith.constant 0 : i32
      %dma_wait3A_1084 = tpu.memref_slice %arg3[%add3A_495, %dma_wait3A_1083] : memref<32768x1024xf32, #tpu.memory_space<hbm>> -> memref<32x1024xf32, #tpu.memory_space<hbm>>
      tpu.wait_dma2 semaphore(%run_scoped3A : memref<!tpu.dma_semaphore, #tpu.memory_space<semaphore_mem>>) src(%arg6 : memref<32x1024xf32, #tpu.memory_space<vmem>>) dst(%dma_wait3A_1084 : memref<32x1024xf32, #tpu.memory_space<hbm>>)
      tpu.yield
    }) : () -> ()
    %add3A_496 = arith.constant 1792 : i32
    %add3A_497 = arith.addi %add3A_56, %add3A_496 : i32
    %iota3A_498 = tpu.iota {dimensions = array<i32: 0>} : vector<16xi32>
    %mul3A_499 = arith.constant 4 : i32
    %mul3A_500 = vector.broadcast %mul3A_499 : i32 to vector<16xi32>
    %mul3A_501 = arith.muli %mul3A_500, %iota3A_498 : vector<16xi32>
    %add3A_502 = vector.broadcast %add3A_497 : i32 to vector<16xi32>
    %add3A_503 = arith.addi %add3A_502, %mul3A_501 : vector<16xi32>
    %swap3A_504 = arith.constant 0 : index
    %swap3A_505 = tpu.vector_load %arg4[%swap3A_504] {strides = array<i32>} : memref<32xi32, #tpu.memory_space<vmem>>, vector<16xi32>,
    %swap3A_506 = vector.shape_cast %swap3A_505 : vector<16xi32> to vector<16xi32>
    %swap3A_507 = vector.shape_cast %add3A_503 : vector<16xi32> to vector<16xi32>
    tpu.vector_store %arg4[%swap3A_504], %swap3A_507 {strides = array<i32>} : memref<32xi32, #tpu.memory_space<vmem>>, vector<16xi32>,
    %add3A_508 = arith.constant 1856 : i32
    %add3A_509 = arith.addi %add3A_56, %add3A_508 : i32
    %iota3A_510 = tpu.iota {dimensions = array<i32: 0>} : vector<16xi32>
    %mul3A_511 = arith.constant 4 : i32
    %mul3A_512 = vector.broadcast %mul3A_511 : i32 to vector<16xi32>
    %mul3A_513 = arith.muli %mul3A_512, %iota3A_510 : vector<16xi32>
    %add3A_514 = vector.broadcast %add3A_509 : i32 to vector<16xi32>
    %add3A_515 = arith.addi %add3A_514, %mul3A_513 : vector<16xi32>
    %swap3A_516 = arith.constant 16 : index
    %swap3A_517 = tpu.vector_load %arg4[%swap3A_516] {strides = array<i32>} : memref<32xi32, #tpu.memory_space<vmem>>, vector<16xi32>,
    %swap3A_518 = vector.shape_cast %swap3A_517 : vector<16xi32> to vector<16xi32>
    %swap3A_519 = vector.shape_cast %add3A_515 : vector<16xi32> to vector<16xi32>
    tpu.vector_store %arg4[%swap3A_516], %swap3A_519 {strides = array<i32>} : memref<32xi32, #tpu.memory_space<vmem>>, vector<16xi32>,
    %dma_start3A_520 = arith.constant 0 : i32
    %dma_start3A_521 = arith.constant 0 : i32
    %dma_start3A_522 = tpu.memref_slice %arg2[%dma_start3A_520, %dma_start3A_521] : memref<32768x1024xf32, #tpu.memory_space<hbm>> -> memref<32768x1024xf32, #tpu.memory_space<hbm>>
    tpu.enqueue_indirect_dma source(%dma_start3A_522 : memref<32768x1024xf32, #tpu.memory_space<hbm>>) target(%arg6 : memref<32x1024xf32, #tpu.memory_space<vmem>>) offsets(%arg4 : memref<32xi32, #tpu.memory_space<vmem>>) semaphore(%arg8 : memref<!tpu.dma_semaphore, #tpu.memory_space<semaphore_mem>>)
    %dma_wait3A_523 = arith.constant 0 : i32
    %dma_wait3A_524 = arith.constant 0 : i32
    %dma_wait3A_525 = tpu.memref_slice %arg2[%dma_wait3A_523, %dma_wait3A_524] : memref<32768x1024xf32, #tpu.memory_space<hbm>> -> memref<32768x1024xf32, #tpu.memory_space<hbm>>
    tpu.wait_indirect_dma semaphore(%arg9 : memref<!tpu.dma_semaphore, #tpu.memory_space<semaphore_mem>>) src(%dma_wait3A_525 : memref<32768x1024xf32, #tpu.memory_space<hbm>>) dst(%arg7 : memref<32x1024xf32, #tpu.memory_space<vmem>>)
    %add3A_526 = arith.constant 416 : i32
    %add3A_527 = arith.addi %mul3A_48, %add3A_526 : i32
    "tpu.region"() ({
      %run_scoped3A = tpu.sem_alloc : memref<!tpu.dma_semaphore, #tpu.memory_space<semaphore_mem>>
      %dma_start3A_1077 = arith.constant 0 : i32
      %dma_start3A_1078 = tpu.memref_slice %arg3[%add3A_527, %dma_start3A_1077] : memref<32768x1024xf32, #tpu.memory_space<hbm>> -> memref<32x1024xf32, #tpu.memory_space<hbm>>
      %dma_start3A_1079 = arith.constant 0 : i32
      %dma_start3A_1080 = tpu.memref_slice %arg3[%add3A_527, %dma_start3A_1079] : memref<32768x1024xf32, #tpu.memory_space<hbm>> -> memref<32x1024xf32, #tpu.memory_space<hbm>>
      tpu.enqueue_dma source(%arg7 : memref<32x1024xf32, #tpu.memory_space<vmem>>) target(%dma_start3A_1080 : memref<32x1024xf32, #tpu.memory_space<hbm>>) target_semaphore(%run_scoped3A : memref<!tpu.dma_semaphore, #tpu.memory_space<semaphore_mem>>)
      %dma_wait3A_1081 = arith.constant 0 : i32
      %dma_wait3A_1082 = tpu.memref_slice %arg3[%add3A_527, %dma_wait3A_1081] : memref<32768x1024xf32, #tpu.memory_space<hbm>> -> memref<32x1024xf32, #tpu.memory_space<hbm>>
      %dma_wait3A_1083 = arith.constant 0 : i32
      %dma_wait3A_1084 = tpu.memref_slice %arg3[%add3A_527, %dma_wait3A_1083] : memref<32768x1024xf32, #tpu.memory_space<hbm>> -> memref<32x1024xf32, #tpu.memory_space<hbm>>
      tpu.wait_dma2 semaphore(%run_scoped3A : memref<!tpu.dma_semaphore, #tpu.memory_space<semaphore_mem>>) src(%arg7 : memref<32x1024xf32, #tpu.memory_space<vmem>>) dst(%dma_wait3A_1084 : memref<32x1024xf32, #tpu.memory_space<hbm>>)
      tpu.yield
    }) : () -> ()
    %add3A_528 = arith.constant 1920 : i32
    %add3A_529 = arith.addi %add3A_56, %add3A_528 : i32
    %iota3A_530 = tpu.iota {dimensions = array<i32: 0>} : vector<16xi32>
    %mul3A_531 = arith.constant 4 : i32
    %mul3A_532 = vector.broadcast %mul3A_531 : i32 to vector<16xi32>
    %mul3A_533 = arith.muli %mul3A_532, %iota3A_530 : vector<16xi32>
    %add3A_534 = vector.broadcast %add3A_529 : i32 to vector<16xi32>
    %add3A_535 = arith.addi %add3A_534, %mul3A_533 : vector<16xi32>
    %swap3A_536 = arith.constant 0 : index
    %swap3A_537 = tpu.vector_load %arg5[%swap3A_536] {strides = array<i32>} : memref<32xi32, #tpu.memory_space<vmem>>, vector<16xi32>,
    %swap3A_538 = vector.shape_cast %swap3A_537 : vector<16xi32> to vector<16xi32>
    %swap3A_539 = vector.shape_cast %add3A_535 : vector<16xi32> to vector<16xi32>
    tpu.vector_store %arg5[%swap3A_536], %swap3A_539 {strides = array<i32>} : memref<32xi32, #tpu.memory_space<vmem>>, vector<16xi32>,
    %add3A_540 = arith.constant 1984 : i32
    %add3A_541 = arith.addi %add3A_56, %add3A_540 : i32
    %iota3A_542 = tpu.iota {dimensions = array<i32: 0>} : vector<16xi32>
    %mul3A_543 = arith.constant 4 : i32
    %mul3A_544 = vector.broadcast %mul3A_543 : i32 to vector<16xi32>
    %mul3A_545 = arith.muli %mul3A_544, %iota3A_542 : vector<16xi32>
    %add3A_546 = vector.broadcast %add3A_541 : i32 to vector<16xi32>
    %add3A_547 = arith.addi %add3A_546, %mul3A_545 : vector<16xi32>
    %swap3A_548 = arith.constant 16 : index
    %swap3A_549 = tpu.vector_load %arg5[%swap3A_548] {strides = array<i32>} : memref<32xi32, #tpu.memory_space<vmem>>, vector<16xi32>,
    %swap3A_550 = vector.shape_cast %swap3A_549 : vector<16xi32> to vector<16xi32>
    %swap3A_551 = vector.shape_cast %add3A_547 : vector<16xi32> to vector<16xi32>
    tpu.vector_store %arg5[%swap3A_548], %swap3A_551 {strides = array<i32>} : memref<32xi32, #tpu.memory_space<vmem>>, vector<16xi32>,
    %dma_start3A_552 = arith.constant 0 : i32
    %dma_start3A_553 = arith.constant 0 : i32
    %dma_start3A_554 = tpu.memref_slice %arg2[%dma_start3A_552, %dma_start3A_553] : memref<32768x1024xf32, #tpu.memory_space<hbm>> -> memref<32768x1024xf32, #tpu.memory_space<hbm>>
    tpu.enqueue_indirect_dma source(%dma_start3A_554 : memref<32768x1024xf32, #tpu.memory_space<hbm>>) target(%arg7 : memref<32x1024xf32, #tpu.memory_space<vmem>>) offsets(%arg5 : memref<32xi32, #tpu.memory_space<vmem>>) semaphore(%arg9 : memref<!tpu.dma_semaphore, #tpu.memory_space<semaphore_mem>>)
    %dma_wait3A_555 = arith.constant 0 : i32
    %dma_wait3A_556 = arith.constant 0 : i32
    %dma_wait3A_557 = tpu.memref_slice %arg2[%dma_wait3A_555, %dma_wait3A_556] : memref<32768x1024xf32, #tpu.memory_space<hbm>> -> memref<32768x1024xf32, #tpu.memory_space<hbm>>
    tpu.wait_indirect_dma semaphore(%arg8 : memref<!tpu.dma_semaphore, #tpu.memory_space<semaphore_mem>>) src(%dma_wait3A_557 : memref<32768x1024xf32, #tpu.memory_space<hbm>>) dst(%arg6 : memref<32x1024xf32, #tpu.memory_space<vmem>>)
    %add3A_558 = arith.constant 448 : i32
    %add3A_559 = arith.addi %mul3A_48, %add3A_558 : i32
    "tpu.region"() ({
      %run_scoped3A = tpu.sem_alloc : memref<!tpu.dma_semaphore, #tpu.memory_space<semaphore_mem>>
      %dma_start3A_1077 = arith.constant 0 : i32
      %dma_start3A_1078 = tpu.memref_slice %arg3[%add3A_559, %dma_start3A_1077] : memref<32768x1024xf32, #tpu.memory_space<hbm>> -> memref<32x1024xf32, #tpu.memory_space<hbm>>
      %dma_start3A_1079 = arith.constant 0 : i32
      %dma_start3A_1080 = tpu.memref_slice %arg3[%add3A_559, %dma_start3A_1079] : memref<32768x1024xf32, #tpu.memory_space<hbm>> -> memref<32x1024xf32, #tpu.memory_space<hbm>>
      tpu.enqueue_dma source(%arg6 : memref<32x1024xf32, #tpu.memory_space<vmem>>) target(%dma_start3A_1080 : memref<32x1024xf32, #tpu.memory_space<hbm>>) target_semaphore(%run_scoped3A : memref<!tpu.dma_semaphore, #tpu.memory_space<semaphore_mem>>)
      %dma_wait3A_1081 = arith.constant 0 : i32
      %dma_wait3A_1082 = tpu.memref_slice %arg3[%add3A_559, %dma_wait3A_1081] : memref<32768x1024xf32, #tpu.memory_space<hbm>> -> memref<32x1024xf32, #tpu.memory_space<hbm>>
      %dma_wait3A_1083 = arith.constant 0 : i32
      %dma_wait3A_1084 = tpu.memref_slice %arg3[%add3A_559, %dma_wait3A_1083] : memref<32768x1024xf32, #tpu.memory_space<hbm>> -> memref<32x1024xf32, #tpu.memory_space<hbm>>
      tpu.wait_dma2 semaphore(%run_scoped3A : memref<!tpu.dma_semaphore, #tpu.memory_space<semaphore_mem>>) src(%arg6 : memref<32x1024xf32, #tpu.memory_space<vmem>>) dst(%dma_wait3A_1084 : memref<32x1024xf32, #tpu.memory_space<hbm>>)
      tpu.yield
    }) : () -> ()
    %add3A_560 = arith.constant 2048 : i32
    %add3A_561 = arith.addi %add3A_56, %add3A_560 : i32
    %iota3A_562 = tpu.iota {dimensions = array<i32: 0>} : vector<16xi32>
    %mul3A_563 = arith.constant 4 : i32
    %mul3A_564 = vector.broadcast %mul3A_563 : i32 to vector<16xi32>
    %mul3A_565 = arith.muli %mul3A_564, %iota3A_562 : vector<16xi32>
    %add3A_566 = vector.broadcast %add3A_561 : i32 to vector<16xi32>
    %add3A_567 = arith.addi %add3A_566, %mul3A_565 : vector<16xi32>
    %swap3A_568 = arith.constant 0 : index
    %swap3A_569 = tpu.vector_load %arg4[%swap3A_568] {strides = array<i32>} : memref<32xi32, #tpu.memory_space<vmem>>, vector<16xi32>,
    %swap3A_570 = vector.shape_cast %swap3A_569 : vector<16xi32> to vector<16xi32>
    %swap3A_571 = vector.shape_cast %add3A_567 : vector<16xi32> to vector<16xi32>
    tpu.vector_store %arg4[%swap3A_568], %swap3A_571 {strides = array<i32>} : memref<32xi32, #tpu.memory_space<vmem>>, vector<16xi32>,
    %add3A_572 = arith.constant 2112 : i32
    %add3A_573 = arith.addi %add3A_56, %add3A_572 : i32
    %iota3A_574 = tpu.iota {dimensions = array<i32: 0>} : vector<16xi32>
    %mul3A_575 = arith.constant 4 : i32
    %mul3A_576 = vector.broadcast %mul3A_575 : i32 to vector<16xi32>
    %mul3A_577 = arith.muli %mul3A_576, %iota3A_574 : vector<16xi32>
    %add3A_578 = vector.broadcast %add3A_573 : i32 to vector<16xi32>
    %add3A_579 = arith.addi %add3A_578, %mul3A_577 : vector<16xi32>
    %swap3A_580 = arith.constant 16 : index
    %swap3A_581 = tpu.vector_load %arg4[%swap3A_580] {strides = array<i32>} : memref<32xi32, #tpu.memory_space<vmem>>, vector<16xi32>,
    %swap3A_582 = vector.shape_cast %swap3A_581 : vector<16xi32> to vector<16xi32>
    %swap3A_583 = vector.shape_cast %add3A_579 : vector<16xi32> to vector<16xi32>
    tpu.vector_store %arg4[%swap3A_580], %swap3A_583 {strides = array<i32>} : memref<32xi32, #tpu.memory_space<vmem>>, vector<16xi32>,
    %dma_start3A_584 = arith.constant 0 : i32
    %dma_start3A_585 = arith.constant 0 : i32
    %dma_start3A_586 = tpu.memref_slice %arg2[%dma_start3A_584, %dma_start3A_585] : memref<32768x1024xf32, #tpu.memory_space<hbm>> -> memref<32768x1024xf32, #tpu.memory_space<hbm>>
    tpu.enqueue_indirect_dma source(%dma_start3A_586 : memref<32768x1024xf32, #tpu.memory_space<hbm>>) target(%arg6 : memref<32x1024xf32, #tpu.memory_space<vmem>>) offsets(%arg4 : memref<32xi32, #tpu.memory_space<vmem>>) semaphore(%arg8 : memref<!tpu.dma_semaphore, #tpu.memory_space<semaphore_mem>>)
    %dma_wait3A_587 = arith.constant 0 : i32
    %dma_wait3A_588 = arith.constant 0 : i32
    %dma_wait3A_589 = tpu.memref_slice %arg2[%dma_wait3A_587, %dma_wait3A_588] : memref<32768x1024xf32, #tpu.memory_space<hbm>> -> memref<32768x1024xf32, #tpu.memory_space<hbm>>
    tpu.wait_indirect_dma semaphore(%arg9 : memref<!tpu.dma_semaphore, #tpu.memory_space<semaphore_mem>>) src(%dma_wait3A_589 : memref<32768x1024xf32, #tpu.memory_space<hbm>>) dst(%arg7 : memref<32x1024xf32, #tpu.memory_space<vmem>>)
    %add3A_590 = arith.constant 480 : i32
    %add3A_591 = arith.addi %mul3A_48, %add3A_590 : i32
    "tpu.region"() ({
      %run_scoped3A = tpu.sem_alloc : memref<!tpu.dma_semaphore, #tpu.memory_space<semaphore_mem>>
      %dma_start3A_1077 = arith.constant 0 : i32
      %dma_start3A_1078 = tpu.memref_slice %arg3[%add3A_591, %dma_start3A_1077] : memref<32768x1024xf32, #tpu.memory_space<hbm>> -> memref<32x1024xf32, #tpu.memory_space<hbm>>
      %dma_start3A_1079 = arith.constant 0 : i32
      %dma_start3A_1080 = tpu.memref_slice %arg3[%add3A_591, %dma_start3A_1079] : memref<32768x1024xf32, #tpu.memory_space<hbm>> -> memref<32x1024xf32, #tpu.memory_space<hbm>>
      tpu.enqueue_dma source(%arg7 : memref<32x1024xf32, #tpu.memory_space<vmem>>) target(%dma_start3A_1080 : memref<32x1024xf32, #tpu.memory_space<hbm>>) target_semaphore(%run_scoped3A : memref<!tpu.dma_semaphore, #tpu.memory_space<semaphore_mem>>)
      %dma_wait3A_1081 = arith.constant 0 : i32
      %dma_wait3A_1082 = tpu.memref_slice %arg3[%add3A_591, %dma_wait3A_1081] : memref<32768x1024xf32, #tpu.memory_space<hbm>> -> memref<32x1024xf32, #tpu.memory_space<hbm>>
      %dma_wait3A_1083 = arith.constant 0 : i32
      %dma_wait3A_1084 = tpu.memref_slice %arg3[%add3A_591, %dma_wait3A_1083] : memref<32768x1024xf32, #tpu.memory_space<hbm>> -> memref<32x1024xf32, #tpu.memory_space<hbm>>
      tpu.wait_dma2 semaphore(%run_scoped3A : memref<!tpu.dma_semaphore, #tpu.memory_space<semaphore_mem>>) src(%arg7 : memref<32x1024xf32, #tpu.memory_space<vmem>>) dst(%dma_wait3A_1084 : memref<32x1024xf32, #tpu.memory_space<hbm>>)
      tpu.yield
    }) : () -> ()
    %add3A_592 = arith.constant 2176 : i32
    %add3A_593 = arith.addi %add3A_56, %add3A_592 : i32
    %iota3A_594 = tpu.iota {dimensions = array<i32: 0>} : vector<16xi32>
    %mul3A_595 = arith.constant 4 : i32
    %mul3A_596 = vector.broadcast %mul3A_595 : i32 to vector<16xi32>
    %mul3A_597 = arith.muli %mul3A_596, %iota3A_594 : vector<16xi32>
    %add3A_598 = vector.broadcast %add3A_593 : i32 to vector<16xi32>
    %add3A_599 = arith.addi %add3A_598, %mul3A_597 : vector<16xi32>
    %swap3A_600 = arith.constant 0 : index
    %swap3A_601 = tpu.vector_load %arg5[%swap3A_600] {strides = array<i32>} : memref<32xi32, #tpu.memory_space<vmem>>, vector<16xi32>,
    %swap3A_602 = vector.shape_cast %swap3A_601 : vector<16xi32> to vector<16xi32>
    %swap3A_603 = vector.shape_cast %add3A_599 : vector<16xi32> to vector<16xi32>
    tpu.vector_store %arg5[%swap3A_600], %swap3A_603 {strides = array<i32>} : memref<32xi32, #tpu.memory_space<vmem>>, vector<16xi32>,
    %add3A_604 = arith.constant 2240 : i32
    %add3A_605 = arith.addi %add3A_56, %add3A_604 : i32
    %iota3A_606 = tpu.iota {dimensions = array<i32: 0>} : vector<16xi32>
    %mul3A_607 = arith.constant 4 : i32
    %mul3A_608 = vector.broadcast %mul3A_607 : i32 to vector<16xi32>
    %mul3A_609 = arith.muli %mul3A_608, %iota3A_606 : vector<16xi32>
    %add3A_610 = vector.broadcast %add3A_605 : i32 to vector<16xi32>
    %add3A_611 = arith.addi %add3A_610, %mul3A_609 : vector<16xi32>
    %swap3A_612 = arith.constant 16 : index
    %swap3A_613 = tpu.vector_load %arg5[%swap3A_612] {strides = array<i32>} : memref<32xi32, #tpu.memory_space<vmem>>, vector<16xi32>,
    %swap3A_614 = vector.shape_cast %swap3A_613 : vector<16xi32> to vector<16xi32>
    %swap3A_615 = vector.shape_cast %add3A_611 : vector<16xi32> to vector<16xi32>
    tpu.vector_store %arg5[%swap3A_612], %swap3A_615 {strides = array<i32>} : memref<32xi32, #tpu.memory_space<vmem>>, vector<16xi32>,
    %dma_start3A_616 = arith.constant 0 : i32
    %dma_start3A_617 = arith.constant 0 : i32
    %dma_start3A_618 = tpu.memref_slice %arg2[%dma_start3A_616, %dma_start3A_617] : memref<32768x1024xf32, #tpu.memory_space<hbm>> -> memref<32768x1024xf32, #tpu.memory_space<hbm>>
    tpu.enqueue_indirect_dma source(%dma_start3A_618 : memref<32768x1024xf32, #tpu.memory_space<hbm>>) target(%arg7 : memref<32x1024xf32, #tpu.memory_space<vmem>>) offsets(%arg5 : memref<32xi32, #tpu.memory_space<vmem>>) semaphore(%arg9 : memref<!tpu.dma_semaphore, #tpu.memory_space<semaphore_mem>>)
    %dma_wait3A_619 = arith.constant 0 : i32
    %dma_wait3A_620 = arith.constant 0 : i32
    %dma_wait3A_621 = tpu.memref_slice %arg2[%dma_wait3A_619, %dma_wait3A_620] : memref<32768x1024xf32, #tpu.memory_space<hbm>> -> memref<32768x1024xf32, #tpu.memory_space<hbm>>
    tpu.wait_indirect_dma semaphore(%arg8 : memref<!tpu.dma_semaphore, #tpu.memory_space<semaphore_mem>>) src(%dma_wait3A_621 : memref<32768x1024xf32, #tpu.memory_space<hbm>>) dst(%arg6 : memref<32x1024xf32, #tpu.memory_space<vmem>>)
    %add3A_622 = arith.constant 512 : i32
    %add3A_623 = arith.addi %mul3A_48, %add3A_622 : i32
    "tpu.region"() ({
      %run_scoped3A = tpu.sem_alloc : memref<!tpu.dma_semaphore, #tpu.memory_space<semaphore_mem>>
      %dma_start3A_1077 = arith.constant 0 : i32
      %dma_start3A_1078 = tpu.memref_slice %arg3[%add3A_623, %dma_start3A_1077] : memref<32768x1024xf32, #tpu.memory_space<hbm>> -> memref<32x1024xf32, #tpu.memory_space<hbm>>
      %dma_start3A_1079 = arith.constant 0 : i32
      %dma_start3A_1080 = tpu.memref_slice %arg3[%add3A_623, %dma_start3A_1079] : memref<32768x1024xf32, #tpu.memory_space<hbm>> -> memref<32x1024xf32, #tpu.memory_space<hbm>>
      tpu.enqueue_dma source(%arg6 : memref<32x1024xf32, #tpu.memory_space<vmem>>) target(%dma_start3A_1080 : memref<32x1024xf32, #tpu.memory_space<hbm>>) target_semaphore(%run_scoped3A : memref<!tpu.dma_semaphore, #tpu.memory_space<semaphore_mem>>)
      %dma_wait3A_1081 = arith.constant 0 : i32
      %dma_wait3A_1082 = tpu.memref_slice %arg3[%add3A_623, %dma_wait3A_1081] : memref<32768x1024xf32, #tpu.memory_space<hbm>> -> memref<32x1024xf32, #tpu.memory_space<hbm>>
      %dma_wait3A_1083 = arith.constant 0 : i32
      %dma_wait3A_1084 = tpu.memref_slice %arg3[%add3A_623, %dma_wait3A_1083] : memref<32768x1024xf32, #tpu.memory_space<hbm>> -> memref<32x1024xf32, #tpu.memory_space<hbm>>
      tpu.wait_dma2 semaphore(%run_scoped3A : memref<!tpu.dma_semaphore, #tpu.memory_space<semaphore_mem>>) src(%arg6 : memref<32x1024xf32, #tpu.memory_space<vmem>>) dst(%dma_wait3A_1084 : memref<32x1024xf32, #tpu.memory_space<hbm>>)
      tpu.yield
    }) : () -> ()
    %add3A_624 = arith.constant 2304 : i32
    %add3A_625 = arith.addi %add3A_56, %add3A_624 : i32
    %iota3A_626 = tpu.iota {dimensions = array<i32: 0>} : vector<16xi32>
    %mul3A_627 = arith.constant 4 : i32
    %mul3A_628 = vector.broadcast %mul3A_627 : i32 to vector<16xi32>
    %mul3A_629 = arith.muli %mul3A_628, %iota3A_626 : vector<16xi32>
    %add3A_630 = vector.broadcast %add3A_625 : i32 to vector<16xi32>
    %add3A_631 = arith.addi %add3A_630, %mul3A_629 : vector<16xi32>
    %swap3A_632 = arith.constant 0 : index
    %swap3A_633 = tpu.vector_load %arg4[%swap3A_632] {strides = array<i32>} : memref<32xi32, #tpu.memory_space<vmem>>, vector<16xi32>,
    %swap3A_634 = vector.shape_cast %swap3A_633 : vector<16xi32> to vector<16xi32>
    %swap3A_635 = vector.shape_cast %add3A_631 : vector<16xi32> to vector<16xi32>
    tpu.vector_store %arg4[%swap3A_632], %swap3A_635 {strides = array<i32>} : memref<32xi32, #tpu.memory_space<vmem>>, vector<16xi32>,
    %add3A_636 = arith.constant 2368 : i32
    %add3A_637 = arith.addi %add3A_56, %add3A_636 : i32
    %iota3A_638 = tpu.iota {dimensions = array<i32: 0>} : vector<16xi32>
    %mul3A_639 = arith.constant 4 : i32
    %mul3A_640 = vector.broadcast %mul3A_639 : i32 to vector<16xi32>
    %mul3A_641 = arith.muli %mul3A_640, %iota3A_638 : vector<16xi32>
    %add3A_642 = vector.broadcast %add3A_637 : i32 to vector<16xi32>
    %add3A_643 = arith.addi %add3A_642, %mul3A_641 : vector<16xi32>
    %swap3A_644 = arith.constant 16 : index
    %swap3A_645 = tpu.vector_load %arg4[%swap3A_644] {strides = array<i32>} : memref<32xi32, #tpu.memory_space<vmem>>, vector<16xi32>,
    %swap3A_646 = vector.shape_cast %swap3A_645 : vector<16xi32> to vector<16xi32>
    %swap3A_647 = vector.shape_cast %add3A_643 : vector<16xi32> to vector<16xi32>
    tpu.vector_store %arg4[%swap3A_644], %swap3A_647 {strides = array<i32>} : memref<32xi32, #tpu.memory_space<vmem>>, vector<16xi32>,
    %dma_start3A_648 = arith.constant 0 : i32
    %dma_start3A_649 = arith.constant 0 : i32
    %dma_start3A_650 = tpu.memref_slice %arg2[%dma_start3A_648, %dma_start3A_649] : memref<32768x1024xf32, #tpu.memory_space<hbm>> -> memref<32768x1024xf32, #tpu.memory_space<hbm>>
    tpu.enqueue_indirect_dma source(%dma_start3A_650 : memref<32768x1024xf32, #tpu.memory_space<hbm>>) target(%arg6 : memref<32x1024xf32, #tpu.memory_space<vmem>>) offsets(%arg4 : memref<32xi32, #tpu.memory_space<vmem>>) semaphore(%arg8 : memref<!tpu.dma_semaphore, #tpu.memory_space<semaphore_mem>>)
    %dma_wait3A_651 = arith.constant 0 : i32
    %dma_wait3A_652 = arith.constant 0 : i32
    %dma_wait3A_653 = tpu.memref_slice %arg2[%dma_wait3A_651, %dma_wait3A_652] : memref<32768x1024xf32, #tpu.memory_space<hbm>> -> memref<32768x1024xf32, #tpu.memory_space<hbm>>
    tpu.wait_indirect_dma semaphore(%arg9 : memref<!tpu.dma_semaphore, #tpu.memory_space<semaphore_mem>>) src(%dma_wait3A_653 : memref<32768x1024xf32, #tpu.memory_space<hbm>>) dst(%arg7 : memref<32x1024xf32, #tpu.memory_space<vmem>>)
    %add3A_654 = arith.constant 544 : i32
    %add3A_655 = arith.addi %mul3A_48, %add3A_654 : i32
    "tpu.region"() ({
      %run_scoped3A = tpu.sem_alloc : memref<!tpu.dma_semaphore, #tpu.memory_space<semaphore_mem>>
      %dma_start3A_1077 = arith.constant 0 : i32
      %dma_start3A_1078 = tpu.memref_slice %arg3[%add3A_655, %dma_start3A_1077] : memref<32768x1024xf32, #tpu.memory_space<hbm>> -> memref<32x1024xf32, #tpu.memory_space<hbm>>
      %dma_start3A_1079 = arith.constant 0 : i32
      %dma_start3A_1080 = tpu.memref_slice %arg3[%add3A_655, %dma_start3A_1079] : memref<32768x1024xf32, #tpu.memory_space<hbm>> -> memref<32x1024xf32, #tpu.memory_space<hbm>>
      tpu.enqueue_dma source(%arg7 : memref<32x1024xf32, #tpu.memory_space<vmem>>) target(%dma_start3A_1080 : memref<32x1024xf32, #tpu.memory_space<hbm>>) target_semaphore(%run_scoped3A : memref<!tpu.dma_semaphore, #tpu.memory_space<semaphore_mem>>)
      %dma_wait3A_1081 = arith.constant 0 : i32
      %dma_wait3A_1082 = tpu.memref_slice %arg3[%add3A_655, %dma_wait3A_1081] : memref<32768x1024xf32, #tpu.memory_space<hbm>> -> memref<32x1024xf32, #tpu.memory_space<hbm>>
      %dma_wait3A_1083 = arith.constant 0 : i32
      %dma_wait3A_1084 = tpu.memref_slice %arg3[%add3A_655, %dma_wait3A_1083] : memref<32768x1024xf32, #tpu.memory_space<hbm>> -> memref<32x1024xf32, #tpu.memory_space<hbm>>
      tpu.wait_dma2 semaphore(%run_scoped3A : memref<!tpu.dma_semaphore, #tpu.memory_space<semaphore_mem>>) src(%arg7 : memref<32x1024xf32, #tpu.memory_space<vmem>>) dst(%dma_wait3A_1084 : memref<32x1024xf32, #tpu.memory_space<hbm>>)
      tpu.yield
    }) : () -> ()
    %add3A_656 = arith.constant 2432 : i32
    %add3A_657 = arith.addi %add3A_56, %add3A_656 : i32
    %iota3A_658 = tpu.iota {dimensions = array<i32: 0>} : vector<16xi32>
    %mul3A_659 = arith.constant 4 : i32
    %mul3A_660 = vector.broadcast %mul3A_659 : i32 to vector<16xi32>
    %mul3A_661 = arith.muli %mul3A_660, %iota3A_658 : vector<16xi32>
    %add3A_662 = vector.broadcast %add3A_657 : i32 to vector<16xi32>
    %add3A_663 = arith.addi %add3A_662, %mul3A_661 : vector<16xi32>
    %swap3A_664 = arith.constant 0 : index
    %swap3A_665 = tpu.vector_load %arg5[%swap3A_664] {strides = array<i32>} : memref<32xi32, #tpu.memory_space<vmem>>, vector<16xi32>,
    %swap3A_666 = vector.shape_cast %swap3A_665 : vector<16xi32> to vector<16xi32>
    %swap3A_667 = vector.shape_cast %add3A_663 : vector<16xi32> to vector<16xi32>
    tpu.vector_store %arg5[%swap3A_664], %swap3A_667 {strides = array<i32>} : memref<32xi32, #tpu.memory_space<vmem>>, vector<16xi32>,
    %add3A_668 = arith.constant 2496 : i32
    %add3A_669 = arith.addi %add3A_56, %add3A_668 : i32
    %iota3A_670 = tpu.iota {dimensions = array<i32: 0>} : vector<16xi32>
    %mul3A_671 = arith.constant 4 : i32
    %mul3A_672 = vector.broadcast %mul3A_671 : i32 to vector<16xi32>
    %mul3A_673 = arith.muli %mul3A_672, %iota3A_670 : vector<16xi32>
    %add3A_674 = vector.broadcast %add3A_669 : i32 to vector<16xi32>
    %add3A_675 = arith.addi %add3A_674, %mul3A_673 : vector<16xi32>
    %swap3A_676 = arith.constant 16 : index
    %swap3A_677 = tpu.vector_load %arg5[%swap3A_676] {strides = array<i32>} : memref<32xi32, #tpu.memory_space<vmem>>, vector<16xi32>,
    %swap3A_678 = vector.shape_cast %swap3A_677 : vector<16xi32> to vector<16xi32>
    %swap3A_679 = vector.shape_cast %add3A_675 : vector<16xi32> to vector<16xi32>
    tpu.vector_store %arg5[%swap3A_676], %swap3A_679 {strides = array<i32>} : memref<32xi32, #tpu.memory_space<vmem>>, vector<16xi32>,
    %dma_start3A_680 = arith.constant 0 : i32
    %dma_start3A_681 = arith.constant 0 : i32
    %dma_start3A_682 = tpu.memref_slice %arg2[%dma_start3A_680, %dma_start3A_681] : memref<32768x1024xf32, #tpu.memory_space<hbm>> -> memref<32768x1024xf32, #tpu.memory_space<hbm>>
    tpu.enqueue_indirect_dma source(%dma_start3A_682 : memref<32768x1024xf32, #tpu.memory_space<hbm>>) target(%arg7 : memref<32x1024xf32, #tpu.memory_space<vmem>>) offsets(%arg5 : memref<32xi32, #tpu.memory_space<vmem>>) semaphore(%arg9 : memref<!tpu.dma_semaphore, #tpu.memory_space<semaphore_mem>>)
    %dma_wait3A_683 = arith.constant 0 : i32
    %dma_wait3A_684 = arith.constant 0 : i32
    %dma_wait3A_685 = tpu.memref_slice %arg2[%dma_wait3A_683, %dma_wait3A_684] : memref<32768x1024xf32, #tpu.memory_space<hbm>> -> memref<32768x1024xf32, #tpu.memory_space<hbm>>
    tpu.wait_indirect_dma semaphore(%arg8 : memref<!tpu.dma_semaphore, #tpu.memory_space<semaphore_mem>>) src(%dma_wait3A_685 : memref<32768x1024xf32, #tpu.memory_space<hbm>>) dst(%arg6 : memref<32x1024xf32, #tpu.memory_space<vmem>>)
    %add3A_686 = arith.constant 576 : i32
    %add3A_687 = arith.addi %mul3A_48, %add3A_686 : i32
    "tpu.region"() ({
      %run_scoped3A = tpu.sem_alloc : memref<!tpu.dma_semaphore, #tpu.memory_space<semaphore_mem>>
      %dma_start3A_1077 = arith.constant 0 : i32
      %dma_start3A_1078 = tpu.memref_slice %arg3[%add3A_687, %dma_start3A_1077] : memref<32768x1024xf32, #tpu.memory_space<hbm>> -> memref<32x1024xf32, #tpu.memory_space<hbm>>
      %dma_start3A_1079 = arith.constant 0 : i32
      %dma_start3A_1080 = tpu.memref_slice %arg3[%add3A_687, %dma_start3A_1079] : memref<32768x1024xf32, #tpu.memory_space<hbm>> -> memref<32x1024xf32, #tpu.memory_space<hbm>>
      tpu.enqueue_dma source(%arg6 : memref<32x1024xf32, #tpu.memory_space<vmem>>) target(%dma_start3A_1080 : memref<32x1024xf32, #tpu.memory_space<hbm>>) target_semaphore(%run_scoped3A : memref<!tpu.dma_semaphore, #tpu.memory_space<semaphore_mem>>)
      %dma_wait3A_1081 = arith.constant 0 : i32
      %dma_wait3A_1082 = tpu.memref_slice %arg3[%add3A_687, %dma_wait3A_1081] : memref<32768x1024xf32, #tpu.memory_space<hbm>> -> memref<32x1024xf32, #tpu.memory_space<hbm>>
      %dma_wait3A_1083 = arith.constant 0 : i32
      %dma_wait3A_1084 = tpu.memref_slice %arg3[%add3A_687, %dma_wait3A_1083] : memref<32768x1024xf32, #tpu.memory_space<hbm>> -> memref<32x1024xf32, #tpu.memory_space<hbm>>
      tpu.wait_dma2 semaphore(%run_scoped3A : memref<!tpu.dma_semaphore, #tpu.memory_space<semaphore_mem>>) src(%arg6 : memref<32x1024xf32, #tpu.memory_space<vmem>>) dst(%dma_wait3A_1084 : memref<32x1024xf32, #tpu.memory_space<hbm>>)
      tpu.yield
    }) : () -> ()
    %add3A_688 = arith.constant 2560 : i32
    %add3A_689 = arith.addi %add3A_56, %add3A_688 : i32
    %iota3A_690 = tpu.iota {dimensions = array<i32: 0>} : vector<16xi32>
    %mul3A_691 = arith.constant 4 : i32
    %mul3A_692 = vector.broadcast %mul3A_691 : i32 to vector<16xi32>
    %mul3A_693 = arith.muli %mul3A_692, %iota3A_690 : vector<16xi32>
    %add3A_694 = vector.broadcast %add3A_689 : i32 to vector<16xi32>
    %add3A_695 = arith.addi %add3A_694, %mul3A_693 : vector<16xi32>
    %swap3A_696 = arith.constant 0 : index
    %swap3A_697 = tpu.vector_load %arg4[%swap3A_696] {strides = array<i32>} : memref<32xi32, #tpu.memory_space<vmem>>, vector<16xi32>,
    %swap3A_698 = vector.shape_cast %swap3A_697 : vector<16xi32> to vector<16xi32>
    %swap3A_699 = vector.shape_cast %add3A_695 : vector<16xi32> to vector<16xi32>
    tpu.vector_store %arg4[%swap3A_696], %swap3A_699 {strides = array<i32>} : memref<32xi32, #tpu.memory_space<vmem>>, vector<16xi32>,
    %add3A_700 = arith.constant 2624 : i32
    %add3A_701 = arith.addi %add3A_56, %add3A_700 : i32
    %iota3A_702 = tpu.iota {dimensions = array<i32: 0>} : vector<16xi32>
    %mul3A_703 = arith.constant 4 : i32
    %mul3A_704 = vector.broadcast %mul3A_703 : i32 to vector<16xi32>
    %mul3A_705 = arith.muli %mul3A_704, %iota3A_702 : vector<16xi32>
    %add3A_706 = vector.broadcast %add3A_701 : i32 to vector<16xi32>
    %add3A_707 = arith.addi %add3A_706, %mul3A_705 : vector<16xi32>
    %swap3A_708 = arith.constant 16 : index
    %swap3A_709 = tpu.vector_load %arg4[%swap3A_708] {strides = array<i32>} : memref<32xi32, #tpu.memory_space<vmem>>, vector<16xi32>,
    %swap3A_710 = vector.shape_cast %swap3A_709 : vector<16xi32> to vector<16xi32>
    %swap3A_711 = vector.shape_cast %add3A_707 : vector<16xi32> to vector<16xi32>
    tpu.vector_store %arg4[%swap3A_708], %swap3A_711 {strides = array<i32>} : memref<32xi32, #tpu.memory_space<vmem>>, vector<16xi32>,
    %dma_start3A_712 = arith.constant 0 : i32
    %dma_start3A_713 = arith.constant 0 : i32
    %dma_start3A_714 = tpu.memref_slice %arg2[%dma_start3A_712, %dma_start3A_713] : memref<32768x1024xf32, #tpu.memory_space<hbm>> -> memref<32768x1024xf32, #tpu.memory_space<hbm>>
    tpu.enqueue_indirect_dma source(%dma_start3A_714 : memref<32768x1024xf32, #tpu.memory_space<hbm>>) target(%arg6 : memref<32x1024xf32, #tpu.memory_space<vmem>>) offsets(%arg4 : memref<32xi32, #tpu.memory_space<vmem>>) semaphore(%arg8 : memref<!tpu.dma_semaphore, #tpu.memory_space<semaphore_mem>>)
    %dma_wait3A_715 = arith.constant 0 : i32
    %dma_wait3A_716 = arith.constant 0 : i32
    %dma_wait3A_717 = tpu.memref_slice %arg2[%dma_wait3A_715, %dma_wait3A_716] : memref<32768x1024xf32, #tpu.memory_space<hbm>> -> memref<32768x1024xf32, #tpu.memory_space<hbm>>
    tpu.wait_indirect_dma semaphore(%arg9 : memref<!tpu.dma_semaphore, #tpu.memory_space<semaphore_mem>>) src(%dma_wait3A_717 : memref<32768x1024xf32, #tpu.memory_space<hbm>>) dst(%arg7 : memref<32x1024xf32, #tpu.memory_space<vmem>>)
    %add3A_718 = arith.constant 608 : i32
    %add3A_719 = arith.addi %mul3A_48, %add3A_718 : i32
    "tpu.region"() ({
      %run_scoped3A = tpu.sem_alloc : memref<!tpu.dma_semaphore, #tpu.memory_space<semaphore_mem>>
      %dma_start3A_1077 = arith.constant 0 : i32
      %dma_start3A_1078 = tpu.memref_slice %arg3[%add3A_719, %dma_start3A_1077] : memref<32768x1024xf32, #tpu.memory_space<hbm>> -> memref<32x1024xf32, #tpu.memory_space<hbm>>
      %dma_start3A_1079 = arith.constant 0 : i32
      %dma_start3A_1080 = tpu.memref_slice %arg3[%add3A_719, %dma_start3A_1079] : memref<32768x1024xf32, #tpu.memory_space<hbm>> -> memref<32x1024xf32, #tpu.memory_space<hbm>>
      tpu.enqueue_dma source(%arg7 : memref<32x1024xf32, #tpu.memory_space<vmem>>) target(%dma_start3A_1080 : memref<32x1024xf32, #tpu.memory_space<hbm>>) target_semaphore(%run_scoped3A : memref<!tpu.dma_semaphore, #tpu.memory_space<semaphore_mem>>)
      %dma_wait3A_1081 = arith.constant 0 : i32
      %dma_wait3A_1082 = tpu.memref_slice %arg3[%add3A_719, %dma_wait3A_1081] : memref<32768x1024xf32, #tpu.memory_space<hbm>> -> memref<32x1024xf32, #tpu.memory_space<hbm>>
      %dma_wait3A_1083 = arith.constant 0 : i32
      %dma_wait3A_1084 = tpu.memref_slice %arg3[%add3A_719, %dma_wait3A_1083] : memref<32768x1024xf32, #tpu.memory_space<hbm>> -> memref<32x1024xf32, #tpu.memory_space<hbm>>
      tpu.wait_dma2 semaphore(%run_scoped3A : memref<!tpu.dma_semaphore, #tpu.memory_space<semaphore_mem>>) src(%arg7 : memref<32x1024xf32, #tpu.memory_space<vmem>>) dst(%dma_wait3A_1084 : memref<32x1024xf32, #tpu.memory_space<hbm>>)
      tpu.yield
    }) : () -> ()
    %add3A_720 = arith.constant 2688 : i32
    %add3A_721 = arith.addi %add3A_56, %add3A_720 : i32
    %iota3A_722 = tpu.iota {dimensions = array<i32: 0>} : vector<16xi32>
    %mul3A_723 = arith.constant 4 : i32
    %mul3A_724 = vector.broadcast %mul3A_723 : i32 to vector<16xi32>
    %mul3A_725 = arith.muli %mul3A_724, %iota3A_722 : vector<16xi32>
    %add3A_726 = vector.broadcast %add3A_721 : i32 to vector<16xi32>
    %add3A_727 = arith.addi %add3A_726, %mul3A_725 : vector<16xi32>
    %swap3A_728 = arith.constant 0 : index
    %swap3A_729 = tpu.vector_load %arg5[%swap3A_728] {strides = array<i32>} : memref<32xi32, #tpu.memory_space<vmem>>, vector<16xi32>,
    %swap3A_730 = vector.shape_cast %swap3A_729 : vector<16xi32> to vector<16xi32>
    %swap3A_731 = vector.shape_cast %add3A_727 : vector<16xi32> to vector<16xi32>
    tpu.vector_store %arg5[%swap3A_728], %swap3A_731 {strides = array<i32>} : memref<32xi32, #tpu.memory_space<vmem>>, vector<16xi32>,
    %add3A_732 = arith.constant 2752 : i32
    %add3A_733 = arith.addi %add3A_56, %add3A_732 : i32
    %iota3A_734 = tpu.iota {dimensions = array<i32: 0>} : vector<16xi32>
    %mul3A_735 = arith.constant 4 : i32
    %mul3A_736 = vector.broadcast %mul3A_735 : i32 to vector<16xi32>
    %mul3A_737 = arith.muli %mul3A_736, %iota3A_734 : vector<16xi32>
    %add3A_738 = vector.broadcast %add3A_733 : i32 to vector<16xi32>
    %add3A_739 = arith.addi %add3A_738, %mul3A_737 : vector<16xi32>
    %swap3A_740 = arith.constant 16 : index
    %swap3A_741 = tpu.vector_load %arg5[%swap3A_740] {strides = array<i32>} : memref<32xi32, #tpu.memory_space<vmem>>, vector<16xi32>,
    %swap3A_742 = vector.shape_cast %swap3A_741 : vector<16xi32> to vector<16xi32>
    %swap3A_743 = vector.shape_cast %add3A_739 : vector<16xi32> to vector<16xi32>
    tpu.vector_store %arg5[%swap3A_740], %swap3A_743 {strides = array<i32>} : memref<32xi32, #tpu.memory_space<vmem>>, vector<16xi32>,
    %dma_start3A_744 = arith.constant 0 : i32
    %dma_start3A_745 = arith.constant 0 : i32
    %dma_start3A_746 = tpu.memref_slice %arg2[%dma_start3A_744, %dma_start3A_745] : memref<32768x1024xf32, #tpu.memory_space<hbm>> -> memref<32768x1024xf32, #tpu.memory_space<hbm>>
    tpu.enqueue_indirect_dma source(%dma_start3A_746 : memref<32768x1024xf32, #tpu.memory_space<hbm>>) target(%arg7 : memref<32x1024xf32, #tpu.memory_space<vmem>>) offsets(%arg5 : memref<32xi32, #tpu.memory_space<vmem>>) semaphore(%arg9 : memref<!tpu.dma_semaphore, #tpu.memory_space<semaphore_mem>>)
    %dma_wait3A_747 = arith.constant 0 : i32
    %dma_wait3A_748 = arith.constant 0 : i32
    %dma_wait3A_749 = tpu.memref_slice %arg2[%dma_wait3A_747, %dma_wait3A_748] : memref<32768x1024xf32, #tpu.memory_space<hbm>> -> memref<32768x1024xf32, #tpu.memory_space<hbm>>
    tpu.wait_indirect_dma semaphore(%arg8 : memref<!tpu.dma_semaphore, #tpu.memory_space<semaphore_mem>>) src(%dma_wait3A_749 : memref<32768x1024xf32, #tpu.memory_space<hbm>>) dst(%arg6 : memref<32x1024xf32, #tpu.memory_space<vmem>>)
    %add3A_750 = arith.constant 640 : i32
    %add3A_751 = arith.addi %mul3A_48, %add3A_750 : i32
    "tpu.region"() ({
      %run_scoped3A = tpu.sem_alloc : memref<!tpu.dma_semaphore, #tpu.memory_space<semaphore_mem>>
      %dma_start3A_1077 = arith.constant 0 : i32
      %dma_start3A_1078 = tpu.memref_slice %arg3[%add3A_751, %dma_start3A_1077] : memref<32768x1024xf32, #tpu.memory_space<hbm>> -> memref<32x1024xf32, #tpu.memory_space<hbm>>
      %dma_start3A_1079 = arith.constant 0 : i32
      %dma_start3A_1080 = tpu.memref_slice %arg3[%add3A_751, %dma_start3A_1079] : memref<32768x1024xf32, #tpu.memory_space<hbm>> -> memref<32x1024xf32, #tpu.memory_space<hbm>>
      tpu.enqueue_dma source(%arg6 : memref<32x1024xf32, #tpu.memory_space<vmem>>) target(%dma_start3A_1080 : memref<32x1024xf32, #tpu.memory_space<hbm>>) target_semaphore(%run_scoped3A : memref<!tpu.dma_semaphore, #tpu.memory_space<semaphore_mem>>)
      %dma_wait3A_1081 = arith.constant 0 : i32
      %dma_wait3A_1082 = tpu.memref_slice %arg3[%add3A_751, %dma_wait3A_1081] : memref<32768x1024xf32, #tpu.memory_space<hbm>> -> memref<32x1024xf32, #tpu.memory_space<hbm>>
      %dma_wait3A_1083 = arith.constant 0 : i32
      %dma_wait3A_1084 = tpu.memref_slice %arg3[%add3A_751, %dma_wait3A_1083] : memref<32768x1024xf32, #tpu.memory_space<hbm>> -> memref<32x1024xf32, #tpu.memory_space<hbm>>
      tpu.wait_dma2 semaphore(%run_scoped3A : memref<!tpu.dma_semaphore, #tpu.memory_space<semaphore_mem>>) src(%arg6 : memref<32x1024xf32, #tpu.memory_space<vmem>>) dst(%dma_wait3A_1084 : memref<32x1024xf32, #tpu.memory_space<hbm>>)
      tpu.yield
    }) : () -> ()
    %add3A_752 = arith.constant 2816 : i32
    %add3A_753 = arith.addi %add3A_56, %add3A_752 : i32
    %iota3A_754 = tpu.iota {dimensions = array<i32: 0>} : vector<16xi32>
    %mul3A_755 = arith.constant 4 : i32
    %mul3A_756 = vector.broadcast %mul3A_755 : i32 to vector<16xi32>
    %mul3A_757 = arith.muli %mul3A_756, %iota3A_754 : vector<16xi32>
    %add3A_758 = vector.broadcast %add3A_753 : i32 to vector<16xi32>
    %add3A_759 = arith.addi %add3A_758, %mul3A_757 : vector<16xi32>
    %swap3A_760 = arith.constant 0 : index
    %swap3A_761 = tpu.vector_load %arg4[%swap3A_760] {strides = array<i32>} : memref<32xi32, #tpu.memory_space<vmem>>, vector<16xi32>,
    %swap3A_762 = vector.shape_cast %swap3A_761 : vector<16xi32> to vector<16xi32>
    %swap3A_763 = vector.shape_cast %add3A_759 : vector<16xi32> to vector<16xi32>
    tpu.vector_store %arg4[%swap3A_760], %swap3A_763 {strides = array<i32>} : memref<32xi32, #tpu.memory_space<vmem>>, vector<16xi32>,
    %add3A_764 = arith.constant 2880 : i32
    %add3A_765 = arith.addi %add3A_56, %add3A_764 : i32
    %iota3A_766 = tpu.iota {dimensions = array<i32: 0>} : vector<16xi32>
    %mul3A_767 = arith.constant 4 : i32
    %mul3A_768 = vector.broadcast %mul3A_767 : i32 to vector<16xi32>
    %mul3A_769 = arith.muli %mul3A_768, %iota3A_766 : vector<16xi32>
    %add3A_770 = vector.broadcast %add3A_765 : i32 to vector<16xi32>
    %add3A_771 = arith.addi %add3A_770, %mul3A_769 : vector<16xi32>
    %swap3A_772 = arith.constant 16 : index
    %swap3A_773 = tpu.vector_load %arg4[%swap3A_772] {strides = array<i32>} : memref<32xi32, #tpu.memory_space<vmem>>, vector<16xi32>,
    %swap3A_774 = vector.shape_cast %swap3A_773 : vector<16xi32> to vector<16xi32>
    %swap3A_775 = vector.shape_cast %add3A_771 : vector<16xi32> to vector<16xi32>
    tpu.vector_store %arg4[%swap3A_772], %swap3A_775 {strides = array<i32>} : memref<32xi32, #tpu.memory_space<vmem>>, vector<16xi32>,
    %dma_start3A_776 = arith.constant 0 : i32
    %dma_start3A_777 = arith.constant 0 : i32
    %dma_start3A_778 = tpu.memref_slice %arg2[%dma_start3A_776, %dma_start3A_777] : memref<32768x1024xf32, #tpu.memory_space<hbm>> -> memref<32768x1024xf32, #tpu.memory_space<hbm>>
    tpu.enqueue_indirect_dma source(%dma_start3A_778 : memref<32768x1024xf32, #tpu.memory_space<hbm>>) target(%arg6 : memref<32x1024xf32, #tpu.memory_space<vmem>>) offsets(%arg4 : memref<32xi32, #tpu.memory_space<vmem>>) semaphore(%arg8 : memref<!tpu.dma_semaphore, #tpu.memory_space<semaphore_mem>>)
    %dma_wait3A_779 = arith.constant 0 : i32
    %dma_wait3A_780 = arith.constant 0 : i32
    %dma_wait3A_781 = tpu.memref_slice %arg2[%dma_wait3A_779, %dma_wait3A_780] : memref<32768x1024xf32, #tpu.memory_space<hbm>> -> memref<32768x1024xf32, #tpu.memory_space<hbm>>
    tpu.wait_indirect_dma semaphore(%arg9 : memref<!tpu.dma_semaphore, #tpu.memory_space<semaphore_mem>>) src(%dma_wait3A_781 : memref<32768x1024xf32, #tpu.memory_space<hbm>>) dst(%arg7 : memref<32x1024xf32, #tpu.memory_space<vmem>>)
    %add3A_782 = arith.constant 672 : i32
    %add3A_783 = arith.addi %mul3A_48, %add3A_782 : i32
    "tpu.region"() ({
      %run_scoped3A = tpu.sem_alloc : memref<!tpu.dma_semaphore, #tpu.memory_space<semaphore_mem>>
      %dma_start3A_1077 = arith.constant 0 : i32
      %dma_start3A_1078 = tpu.memref_slice %arg3[%add3A_783, %dma_start3A_1077] : memref<32768x1024xf32, #tpu.memory_space<hbm>> -> memref<32x1024xf32, #tpu.memory_space<hbm>>
      %dma_start3A_1079 = arith.constant 0 : i32
      %dma_start3A_1080 = tpu.memref_slice %arg3[%add3A_783, %dma_start3A_1079] : memref<32768x1024xf32, #tpu.memory_space<hbm>> -> memref<32x1024xf32, #tpu.memory_space<hbm>>
      tpu.enqueue_dma source(%arg7 : memref<32x1024xf32, #tpu.memory_space<vmem>>) target(%dma_start3A_1080 : memref<32x1024xf32, #tpu.memory_space<hbm>>) target_semaphore(%run_scoped3A : memref<!tpu.dma_semaphore, #tpu.memory_space<semaphore_mem>>)
      %dma_wait3A_1081 = arith.constant 0 : i32
      %dma_wait3A_1082 = tpu.memref_slice %arg3[%add3A_783, %dma_wait3A_1081] : memref<32768x1024xf32, #tpu.memory_space<hbm>> -> memref<32x1024xf32, #tpu.memory_space<hbm>>
      %dma_wait3A_1083 = arith.constant 0 : i32
      %dma_wait3A_1084 = tpu.memref_slice %arg3[%add3A_783, %dma_wait3A_1083] : memref<32768x1024xf32, #tpu.memory_space<hbm>> -> memref<32x1024xf32, #tpu.memory_space<hbm>>
      tpu.wait_dma2 semaphore(%run_scoped3A : memref<!tpu.dma_semaphore, #tpu.memory_space<semaphore_mem>>) src(%arg7 : memref<32x1024xf32, #tpu.memory_space<vmem>>) dst(%dma_wait3A_1084 : memref<32x1024xf32, #tpu.memory_space<hbm>>)
      tpu.yield
    }) : () -> ()
    %add3A_784 = arith.constant 2944 : i32
    %add3A_785 = arith.addi %add3A_56, %add3A_784 : i32
    %iota3A_786 = tpu.iota {dimensions = array<i32: 0>} : vector<16xi32>
    %mul3A_787 = arith.constant 4 : i32
    %mul3A_788 = vector.broadcast %mul3A_787 : i32 to vector<16xi32>
    %mul3A_789 = arith.muli %mul3A_788, %iota3A_786 : vector<16xi32>
    %add3A_790 = vector.broadcast %add3A_785 : i32 to vector<16xi32>
    %add3A_791 = arith.addi %add3A_790, %mul3A_789 : vector<16xi32>
    %swap3A_792 = arith.constant 0 : index
    %swap3A_793 = tpu.vector_load %arg5[%swap3A_792] {strides = array<i32>} : memref<32xi32, #tpu.memory_space<vmem>>, vector<16xi32>,
    %swap3A_794 = vector.shape_cast %swap3A_793 : vector<16xi32> to vector<16xi32>
    %swap3A_795 = vector.shape_cast %add3A_791 : vector<16xi32> to vector<16xi32>
    tpu.vector_store %arg5[%swap3A_792], %swap3A_795 {strides = array<i32>} : memref<32xi32, #tpu.memory_space<vmem>>, vector<16xi32>,
    %add3A_796 = arith.constant 3008 : i32
    %add3A_797 = arith.addi %add3A_56, %add3A_796 : i32
    %iota3A_798 = tpu.iota {dimensions = array<i32: 0>} : vector<16xi32>
    %mul3A_799 = arith.constant 4 : i32
    %mul3A_800 = vector.broadcast %mul3A_799 : i32 to vector<16xi32>
    %mul3A_801 = arith.muli %mul3A_800, %iota3A_798 : vector<16xi32>
    %add3A_802 = vector.broadcast %add3A_797 : i32 to vector<16xi32>
    %add3A_803 = arith.addi %add3A_802, %mul3A_801 : vector<16xi32>
    %swap3A_804 = arith.constant 16 : index
    %swap3A_805 = tpu.vector_load %arg5[%swap3A_804] {strides = array<i32>} : memref<32xi32, #tpu.memory_space<vmem>>, vector<16xi32>,
    %swap3A_806 = vector.shape_cast %swap3A_805 : vector<16xi32> to vector<16xi32>
    %swap3A_807 = vector.shape_cast %add3A_803 : vector<16xi32> to vector<16xi32>
    tpu.vector_store %arg5[%swap3A_804], %swap3A_807 {strides = array<i32>} : memref<32xi32, #tpu.memory_space<vmem>>, vector<16xi32>,
    %dma_start3A_808 = arith.constant 0 : i32
    %dma_start3A_809 = arith.constant 0 : i32
    %dma_start3A_810 = tpu.memref_slice %arg2[%dma_start3A_808, %dma_start3A_809] : memref<32768x1024xf32, #tpu.memory_space<hbm>> -> memref<32768x1024xf32, #tpu.memory_space<hbm>>
    tpu.enqueue_indirect_dma source(%dma_start3A_810 : memref<32768x1024xf32, #tpu.memory_space<hbm>>) target(%arg7 : memref<32x1024xf32, #tpu.memory_space<vmem>>) offsets(%arg5 : memref<32xi32, #tpu.memory_space<vmem>>) semaphore(%arg9 : memref<!tpu.dma_semaphore, #tpu.memory_space<semaphore_mem>>)
    %dma_wait3A_811 = arith.constant 0 : i32
    %dma_wait3A_812 = arith.constant 0 : i32
    %dma_wait3A_813 = tpu.memref_slice %arg2[%dma_wait3A_811, %dma_wait3A_812] : memref<32768x1024xf32, #tpu.memory_space<hbm>> -> memref<32768x1024xf32, #tpu.memory_space<hbm>>
    tpu.wait_indirect_dma semaphore(%arg8 : memref<!tpu.dma_semaphore, #tpu.memory_space<semaphore_mem>>) src(%dma_wait3A_813 : memref<32768x1024xf32, #tpu.memory_space<hbm>>) dst(%arg6 : memref<32x1024xf32, #tpu.memory_space<vmem>>)
    %add3A_814 = arith.constant 704 : i32
    %add3A_815 = arith.addi %mul3A_48, %add3A_814 : i32
    "tpu.region"() ({
      %run_scoped3A = tpu.sem_alloc : memref<!tpu.dma_semaphore, #tpu.memory_space<semaphore_mem>>
      %dma_start3A_1077 = arith.constant 0 : i32
      %dma_start3A_1078 = tpu.memref_slice %arg3[%add3A_815, %dma_start3A_1077] : memref<32768x1024xf32, #tpu.memory_space<hbm>> -> memref<32x1024xf32, #tpu.memory_space<hbm>>
      %dma_start3A_1079 = arith.constant 0 : i32
      %dma_start3A_1080 = tpu.memref_slice %arg3[%add3A_815, %dma_start3A_1079] : memref<32768x1024xf32, #tpu.memory_space<hbm>> -> memref<32x1024xf32, #tpu.memory_space<hbm>>
      tpu.enqueue_dma source(%arg6 : memref<32x1024xf32, #tpu.memory_space<vmem>>) target(%dma_start3A_1080 : memref<32x1024xf32, #tpu.memory_space<hbm>>) target_semaphore(%run_scoped3A : memref<!tpu.dma_semaphore, #tpu.memory_space<semaphore_mem>>)
      %dma_wait3A_1081 = arith.constant 0 : i32
      %dma_wait3A_1082 = tpu.memref_slice %arg3[%add3A_815, %dma_wait3A_1081] : memref<32768x1024xf32, #tpu.memory_space<hbm>> -> memref<32x1024xf32, #tpu.memory_space<hbm>>
      %dma_wait3A_1083 = arith.constant 0 : i32
      %dma_wait3A_1084 = tpu.memref_slice %arg3[%add3A_815, %dma_wait3A_1083] : memref<32768x1024xf32, #tpu.memory_space<hbm>> -> memref<32x1024xf32, #tpu.memory_space<hbm>>
      tpu.wait_dma2 semaphore(%run_scoped3A : memref<!tpu.dma_semaphore, #tpu.memory_space<semaphore_mem>>) src(%arg6 : memref<32x1024xf32, #tpu.memory_space<vmem>>) dst(%dma_wait3A_1084 : memref<32x1024xf32, #tpu.memory_space<hbm>>)
      tpu.yield
    }) : () -> ()
    %add3A_816 = arith.constant 3072 : i32
    %add3A_817 = arith.addi %add3A_56, %add3A_816 : i32
    %iota3A_818 = tpu.iota {dimensions = array<i32: 0>} : vector<16xi32>
    %mul3A_819 = arith.constant 4 : i32
    %mul3A_820 = vector.broadcast %mul3A_819 : i32 to vector<16xi32>
    %mul3A_821 = arith.muli %mul3A_820, %iota3A_818 : vector<16xi32>
    %add3A_822 = vector.broadcast %add3A_817 : i32 to vector<16xi32>
    %add3A_823 = arith.addi %add3A_822, %mul3A_821 : vector<16xi32>
    %swap3A_824 = arith.constant 0 : index
    %swap3A_825 = tpu.vector_load %arg4[%swap3A_824] {strides = array<i32>} : memref<32xi32, #tpu.memory_space<vmem>>, vector<16xi32>,
    %swap3A_826 = vector.shape_cast %swap3A_825 : vector<16xi32> to vector<16xi32>
    %swap3A_827 = vector.shape_cast %add3A_823 : vector<16xi32> to vector<16xi32>
    tpu.vector_store %arg4[%swap3A_824], %swap3A_827 {strides = array<i32>} : memref<32xi32, #tpu.memory_space<vmem>>, vector<16xi32>,
    %add3A_828 = arith.constant 3136 : i32
    %add3A_829 = arith.addi %add3A_56, %add3A_828 : i32
    %iota3A_830 = tpu.iota {dimensions = array<i32: 0>} : vector<16xi32>
    %mul3A_831 = arith.constant 4 : i32
    %mul3A_832 = vector.broadcast %mul3A_831 : i32 to vector<16xi32>
    %mul3A_833 = arith.muli %mul3A_832, %iota3A_830 : vector<16xi32>
    %add3A_834 = vector.broadcast %add3A_829 : i32 to vector<16xi32>
    %add3A_835 = arith.addi %add3A_834, %mul3A_833 : vector<16xi32>
    %swap3A_836 = arith.constant 16 : index
    %swap3A_837 = tpu.vector_load %arg4[%swap3A_836] {strides = array<i32>} : memref<32xi32, #tpu.memory_space<vmem>>, vector<16xi32>,
    %swap3A_838 = vector.shape_cast %swap3A_837 : vector<16xi32> to vector<16xi32>
    %swap3A_839 = vector.shape_cast %add3A_835 : vector<16xi32> to vector<16xi32>
    tpu.vector_store %arg4[%swap3A_836], %swap3A_839 {strides = array<i32>} : memref<32xi32, #tpu.memory_space<vmem>>, vector<16xi32>,
    %dma_start3A_840 = arith.constant 0 : i32
    %dma_start3A_841 = arith.constant 0 : i32
    %dma_start3A_842 = tpu.memref_slice %arg2[%dma_start3A_840, %dma_start3A_841] : memref<32768x1024xf32, #tpu.memory_space<hbm>> -> memref<32768x1024xf32, #tpu.memory_space<hbm>>
    tpu.enqueue_indirect_dma source(%dma_start3A_842 : memref<32768x1024xf32, #tpu.memory_space<hbm>>) target(%arg6 : memref<32x1024xf32, #tpu.memory_space<vmem>>) offsets(%arg4 : memref<32xi32, #tpu.memory_space<vmem>>) semaphore(%arg8 : memref<!tpu.dma_semaphore, #tpu.memory_space<semaphore_mem>>)
    %dma_wait3A_843 = arith.constant 0 : i32
    %dma_wait3A_844 = arith.constant 0 : i32
    %dma_wait3A_845 = tpu.memref_slice %arg2[%dma_wait3A_843, %dma_wait3A_844] : memref<32768x1024xf32, #tpu.memory_space<hbm>> -> memref<32768x1024xf32, #tpu.memory_space<hbm>>
    tpu.wait_indirect_dma semaphore(%arg9 : memref<!tpu.dma_semaphore, #tpu.memory_space<semaphore_mem>>) src(%dma_wait3A_845 : memref<32768x1024xf32, #tpu.memory_space<hbm>>) dst(%arg7 : memref<32x1024xf32, #tpu.memory_space<vmem>>)
    %add3A_846 = arith.constant 736 : i32
    %add3A_847 = arith.addi %mul3A_48, %add3A_846 : i32
    "tpu.region"() ({
      %run_scoped3A = tpu.sem_alloc : memref<!tpu.dma_semaphore, #tpu.memory_space<semaphore_mem>>
      %dma_start3A_1077 = arith.constant 0 : i32
      %dma_start3A_1078 = tpu.memref_slice %arg3[%add3A_847, %dma_start3A_1077] : memref<32768x1024xf32, #tpu.memory_space<hbm>> -> memref<32x1024xf32, #tpu.memory_space<hbm>>
      %dma_start3A_1079 = arith.constant 0 : i32
      %dma_start3A_1080 = tpu.memref_slice %arg3[%add3A_847, %dma_start3A_1079] : memref<32768x1024xf32, #tpu.memory_space<hbm>> -> memref<32x1024xf32, #tpu.memory_space<hbm>>
      tpu.enqueue_dma source(%arg7 : memref<32x1024xf32, #tpu.memory_space<vmem>>) target(%dma_start3A_1080 : memref<32x1024xf32, #tpu.memory_space<hbm>>) target_semaphore(%run_scoped3A : memref<!tpu.dma_semaphore, #tpu.memory_space<semaphore_mem>>)
      %dma_wait3A_1081 = arith.constant 0 : i32
      %dma_wait3A_1082 = tpu.memref_slice %arg3[%add3A_847, %dma_wait3A_1081] : memref<32768x1024xf32, #tpu.memory_space<hbm>> -> memref<32x1024xf32, #tpu.memory_space<hbm>>
      %dma_wait3A_1083 = arith.constant 0 : i32
      %dma_wait3A_1084 = tpu.memref_slice %arg3[%add3A_847, %dma_wait3A_1083] : memref<32768x1024xf32, #tpu.memory_space<hbm>> -> memref<32x1024xf32, #tpu.memory_space<hbm>>
      tpu.wait_dma2 semaphore(%run_scoped3A : memref<!tpu.dma_semaphore, #tpu.memory_space<semaphore_mem>>) src(%arg7 : memref<32x1024xf32, #tpu.memory_space<vmem>>) dst(%dma_wait3A_1084 : memref<32x1024xf32, #tpu.memory_space<hbm>>)
      tpu.yield
    }) : () -> ()
    %add3A_848 = arith.constant 3200 : i32
    %add3A_849 = arith.addi %add3A_56, %add3A_848 : i32
    %iota3A_850 = tpu.iota {dimensions = array<i32: 0>} : vector<16xi32>
    %mul3A_851 = arith.constant 4 : i32
    %mul3A_852 = vector.broadcast %mul3A_851 : i32 to vector<16xi32>
    %mul3A_853 = arith.muli %mul3A_852, %iota3A_850 : vector<16xi32>
    %add3A_854 = vector.broadcast %add3A_849 : i32 to vector<16xi32>
    %add3A_855 = arith.addi %add3A_854, %mul3A_853 : vector<16xi32>
    %swap3A_856 = arith.constant 0 : index
    %swap3A_857 = tpu.vector_load %arg5[%swap3A_856] {strides = array<i32>} : memref<32xi32, #tpu.memory_space<vmem>>, vector<16xi32>,
    %swap3A_858 = vector.shape_cast %swap3A_857 : vector<16xi32> to vector<16xi32>
    %swap3A_859 = vector.shape_cast %add3A_855 : vector<16xi32> to vector<16xi32>
    tpu.vector_store %arg5[%swap3A_856], %swap3A_859 {strides = array<i32>} : memref<32xi32, #tpu.memory_space<vmem>>, vector<16xi32>,
    %add3A_860 = arith.constant 3264 : i32
    %add3A_861 = arith.addi %add3A_56, %add3A_860 : i32
    %iota3A_862 = tpu.iota {dimensions = array<i32: 0>} : vector<16xi32>
    %mul3A_863 = arith.constant 4 : i32
    %mul3A_864 = vector.broadcast %mul3A_863 : i32 to vector<16xi32>
    %mul3A_865 = arith.muli %mul3A_864, %iota3A_862 : vector<16xi32>
    %add3A_866 = vector.broadcast %add3A_861 : i32 to vector<16xi32>
    %add3A_867 = arith.addi %add3A_866, %mul3A_865 : vector<16xi32>
    %swap3A_868 = arith.constant 16 : index
    %swap3A_869 = tpu.vector_load %arg5[%swap3A_868] {strides = array<i32>} : memref<32xi32, #tpu.memory_space<vmem>>, vector<16xi32>,
    %swap3A_870 = vector.shape_cast %swap3A_869 : vector<16xi32> to vector<16xi32>
    %swap3A_871 = vector.shape_cast %add3A_867 : vector<16xi32> to vector<16xi32>
    tpu.vector_store %arg5[%swap3A_868], %swap3A_871 {strides = array<i32>} : memref<32xi32, #tpu.memory_space<vmem>>, vector<16xi32>,
    %dma_start3A_872 = arith.constant 0 : i32
    %dma_start3A_873 = arith.constant 0 : i32
    %dma_start3A_874 = tpu.memref_slice %arg2[%dma_start3A_872, %dma_start3A_873] : memref<32768x1024xf32, #tpu.memory_space<hbm>> -> memref<32768x1024xf32, #tpu.memory_space<hbm>>
    tpu.enqueue_indirect_dma source(%dma_start3A_874 : memref<32768x1024xf32, #tpu.memory_space<hbm>>) target(%arg7 : memref<32x1024xf32, #tpu.memory_space<vmem>>) offsets(%arg5 : memref<32xi32, #tpu.memory_space<vmem>>) semaphore(%arg9 : memref<!tpu.dma_semaphore, #tpu.memory_space<semaphore_mem>>)
    %dma_wait3A_875 = arith.constant 0 : i32
    %dma_wait3A_876 = arith.constant 0 : i32
    %dma_wait3A_877 = tpu.memref_slice %arg2[%dma_wait3A_875, %dma_wait3A_876] : memref<32768x1024xf32, #tpu.memory_space<hbm>> -> memref<32768x1024xf32, #tpu.memory_space<hbm>>
    tpu.wait_indirect_dma semaphore(%arg8 : memref<!tpu.dma_semaphore, #tpu.memory_space<semaphore_mem>>) src(%dma_wait3A_877 : memref<32768x1024xf32, #tpu.memory_space<hbm>>) dst(%arg6 : memref<32x1024xf32, #tpu.memory_space<vmem>>)
    %add3A_878 = arith.constant 768 : i32
    %add3A_879 = arith.addi %mul3A_48, %add3A_878 : i32
    "tpu.region"() ({
      %run_scoped3A = tpu.sem_alloc : memref<!tpu.dma_semaphore, #tpu.memory_space<semaphore_mem>>
      %dma_start3A_1077 = arith.constant 0 : i32
      %dma_start3A_1078 = tpu.memref_slice %arg3[%add3A_879, %dma_start3A_1077] : memref<32768x1024xf32, #tpu.memory_space<hbm>> -> memref<32x1024xf32, #tpu.memory_space<hbm>>
      %dma_start3A_1079 = arith.constant 0 : i32
      %dma_start3A_1080 = tpu.memref_slice %arg3[%add3A_879, %dma_start3A_1079] : memref<32768x1024xf32, #tpu.memory_space<hbm>> -> memref<32x1024xf32, #tpu.memory_space<hbm>>
      tpu.enqueue_dma source(%arg6 : memref<32x1024xf32, #tpu.memory_space<vmem>>) target(%dma_start3A_1080 : memref<32x1024xf32, #tpu.memory_space<hbm>>) target_semaphore(%run_scoped3A : memref<!tpu.dma_semaphore, #tpu.memory_space<semaphore_mem>>)
      %dma_wait3A_1081 = arith.constant 0 : i32
      %dma_wait3A_1082 = tpu.memref_slice %arg3[%add3A_879, %dma_wait3A_1081] : memref<32768x1024xf32, #tpu.memory_space<hbm>> -> memref<32x1024xf32, #tpu.memory_space<hbm>>
      %dma_wait3A_1083 = arith.constant 0 : i32
      %dma_wait3A_1084 = tpu.memref_slice %arg3[%add3A_879, %dma_wait3A_1083] : memref<32768x1024xf32, #tpu.memory_space<hbm>> -> memref<32x1024xf32, #tpu.memory_space<hbm>>
      tpu.wait_dma2 semaphore(%run_scoped3A : memref<!tpu.dma_semaphore, #tpu.memory_space<semaphore_mem>>) src(%arg6 : memref<32x1024xf32, #tpu.memory_space<vmem>>) dst(%dma_wait3A_1084 : memref<32x1024xf32, #tpu.memory_space<hbm>>)
      tpu.yield
    }) : () -> ()
    %add3A_880 = arith.constant 3328 : i32
    %add3A_881 = arith.addi %add3A_56, %add3A_880 : i32
    %iota3A_882 = tpu.iota {dimensions = array<i32: 0>} : vector<16xi32>
    %mul3A_883 = arith.constant 4 : i32
    %mul3A_884 = vector.broadcast %mul3A_883 : i32 to vector<16xi32>
    %mul3A_885 = arith.muli %mul3A_884, %iota3A_882 : vector<16xi32>
    %add3A_886 = vector.broadcast %add3A_881 : i32 to vector<16xi32>
    %add3A_887 = arith.addi %add3A_886, %mul3A_885 : vector<16xi32>
    %swap3A_888 = arith.constant 0 : index
    %swap3A_889 = tpu.vector_load %arg4[%swap3A_888] {strides = array<i32>} : memref<32xi32, #tpu.memory_space<vmem>>, vector<16xi32>,
    %swap3A_890 = vector.shape_cast %swap3A_889 : vector<16xi32> to vector<16xi32>
    %swap3A_891 = vector.shape_cast %add3A_887 : vector<16xi32> to vector<16xi32>
    tpu.vector_store %arg4[%swap3A_888], %swap3A_891 {strides = array<i32>} : memref<32xi32, #tpu.memory_space<vmem>>, vector<16xi32>,
    %add3A_892 = arith.constant 3392 : i32
    %add3A_893 = arith.addi %add3A_56, %add3A_892 : i32
    %iota3A_894 = tpu.iota {dimensions = array<i32: 0>} : vector<16xi32>
    %mul3A_895 = arith.constant 4 : i32
    %mul3A_896 = vector.broadcast %mul3A_895 : i32 to vector<16xi32>
    %mul3A_897 = arith.muli %mul3A_896, %iota3A_894 : vector<16xi32>
    %add3A_898 = vector.broadcast %add3A_893 : i32 to vector<16xi32>
    %add3A_899 = arith.addi %add3A_898, %mul3A_897 : vector<16xi32>
    %swap3A_900 = arith.constant 16 : index
    %swap3A_901 = tpu.vector_load %arg4[%swap3A_900] {strides = array<i32>} : memref<32xi32, #tpu.memory_space<vmem>>, vector<16xi32>,
    %swap3A_902 = vector.shape_cast %swap3A_901 : vector<16xi32> to vector<16xi32>
    %swap3A_903 = vector.shape_cast %add3A_899 : vector<16xi32> to vector<16xi32>
    tpu.vector_store %arg4[%swap3A_900], %swap3A_903 {strides = array<i32>} : memref<32xi32, #tpu.memory_space<vmem>>, vector<16xi32>,
    %dma_start3A_904 = arith.constant 0 : i32
    %dma_start3A_905 = arith.constant 0 : i32
    %dma_start3A_906 = tpu.memref_slice %arg2[%dma_start3A_904, %dma_start3A_905] : memref<32768x1024xf32, #tpu.memory_space<hbm>> -> memref<32768x1024xf32, #tpu.memory_space<hbm>>
    tpu.enqueue_indirect_dma source(%dma_start3A_906 : memref<32768x1024xf32, #tpu.memory_space<hbm>>) target(%arg6 : memref<32x1024xf32, #tpu.memory_space<vmem>>) offsets(%arg4 : memref<32xi32, #tpu.memory_space<vmem>>) semaphore(%arg8 : memref<!tpu.dma_semaphore, #tpu.memory_space<semaphore_mem>>)
    %dma_wait3A_907 = arith.constant 0 : i32
    %dma_wait3A_908 = arith.constant 0 : i32
    %dma_wait3A_909 = tpu.memref_slice %arg2[%dma_wait3A_907, %dma_wait3A_908] : memref<32768x1024xf32, #tpu.memory_space<hbm>> -> memref<32768x1024xf32, #tpu.memory_space<hbm>>
    tpu.wait_indirect_dma semaphore(%arg9 : memref<!tpu.dma_semaphore, #tpu.memory_space<semaphore_mem>>) src(%dma_wait3A_909 : memref<32768x1024xf32, #tpu.memory_space<hbm>>) dst(%arg7 : memref<32x1024xf32, #tpu.memory_space<vmem>>)
    %add3A_910 = arith.constant 800 : i32
    %add3A_911 = arith.addi %mul3A_48, %add3A_910 : i32
    "tpu.region"() ({
      %run_scoped3A = tpu.sem_alloc : memref<!tpu.dma_semaphore, #tpu.memory_space<semaphore_mem>>
      %dma_start3A_1077 = arith.constant 0 : i32
      %dma_start3A_1078 = tpu.memref_slice %arg3[%add3A_911, %dma_start3A_1077] : memref<32768x1024xf32, #tpu.memory_space<hbm>> -> memref<32x1024xf32, #tpu.memory_space<hbm>>
      %dma_start3A_1079 = arith.constant 0 : i32
      %dma_start3A_1080 = tpu.memref_slice %arg3[%add3A_911, %dma_start3A_1079] : memref<32768x1024xf32, #tpu.memory_space<hbm>> -> memref<32x1024xf32, #tpu.memory_space<hbm>>
      tpu.enqueue_dma source(%arg7 : memref<32x1024xf32, #tpu.memory_space<vmem>>) target(%dma_start3A_1080 : memref<32x1024xf32, #tpu.memory_space<hbm>>) target_semaphore(%run_scoped3A : memref<!tpu.dma_semaphore, #tpu.memory_space<semaphore_mem>>)
      %dma_wait3A_1081 = arith.constant 0 : i32
      %dma_wait3A_1082 = tpu.memref_slice %arg3[%add3A_911, %dma_wait3A_1081] : memref<32768x1024xf32, #tpu.memory_space<hbm>> -> memref<32x1024xf32, #tpu.memory_space<hbm>>
      %dma_wait3A_1083 = arith.constant 0 : i32
      %dma_wait3A_1084 = tpu.memref_slice %arg3[%add3A_911, %dma_wait3A_1083] : memref<32768x1024xf32, #tpu.memory_space<hbm>> -> memref<32x1024xf32, #tpu.memory_space<hbm>>
      tpu.wait_dma2 semaphore(%run_scoped3A : memref<!tpu.dma_semaphore, #tpu.memory_space<semaphore_mem>>) src(%arg7 : memref<32x1024xf32, #tpu.memory_space<vmem>>) dst(%dma_wait3A_1084 : memref<32x1024xf32, #tpu.memory_space<hbm>>)
      tpu.yield
    }) : () -> ()
    %add3A_912 = arith.constant 3456 : i32
    %add3A_913 = arith.addi %add3A_56, %add3A_912 : i32
    %iota3A_914 = tpu.iota {dimensions = array<i32: 0>} : vector<16xi32>
    %mul3A_915 = arith.constant 4 : i32
    %mul3A_916 = vector.broadcast %mul3A_915 : i32 to vector<16xi32>
    %mul3A_917 = arith.muli %mul3A_916, %iota3A_914 : vector<16xi32>
    %add3A_918 = vector.broadcast %add3A_913 : i32 to vector<16xi32>
    %add3A_919 = arith.addi %add3A_918, %mul3A_917 : vector<16xi32>
    %swap3A_920 = arith.constant 0 : index
    %swap3A_921 = tpu.vector_load %arg5[%swap3A_920] {strides = array<i32>} : memref<32xi32, #tpu.memory_space<vmem>>, vector<16xi32>,
    %swap3A_922 = vector.shape_cast %swap3A_921 : vector<16xi32> to vector<16xi32>
    %swap3A_923 = vector.shape_cast %add3A_919 : vector<16xi32> to vector<16xi32>
    tpu.vector_store %arg5[%swap3A_920], %swap3A_923 {strides = array<i32>} : memref<32xi32, #tpu.memory_space<vmem>>, vector<16xi32>,
    %add3A_924 = arith.constant 3520 : i32
    %add3A_925 = arith.addi %add3A_56, %add3A_924 : i32
    %iota3A_926 = tpu.iota {dimensions = array<i32: 0>} : vector<16xi32>
    %mul3A_927 = arith.constant 4 : i32
    %mul3A_928 = vector.broadcast %mul3A_927 : i32 to vector<16xi32>
    %mul3A_929 = arith.muli %mul3A_928, %iota3A_926 : vector<16xi32>
    %add3A_930 = vector.broadcast %add3A_925 : i32 to vector<16xi32>
    %add3A_931 = arith.addi %add3A_930, %mul3A_929 : vector<16xi32>
    %swap3A_932 = arith.constant 16 : index
    %swap3A_933 = tpu.vector_load %arg5[%swap3A_932] {strides = array<i32>} : memref<32xi32, #tpu.memory_space<vmem>>, vector<16xi32>,
    %swap3A_934 = vector.shape_cast %swap3A_933 : vector<16xi32> to vector<16xi32>
    %swap3A_935 = vector.shape_cast %add3A_931 : vector<16xi32> to vector<16xi32>
    tpu.vector_store %arg5[%swap3A_932], %swap3A_935 {strides = array<i32>} : memref<32xi32, #tpu.memory_space<vmem>>, vector<16xi32>,
    %dma_start3A_936 = arith.constant 0 : i32
    %dma_start3A_937 = arith.constant 0 : i32
    %dma_start3A_938 = tpu.memref_slice %arg2[%dma_start3A_936, %dma_start3A_937] : memref<32768x1024xf32, #tpu.memory_space<hbm>> -> memref<32768x1024xf32, #tpu.memory_space<hbm>>
    tpu.enqueue_indirect_dma source(%dma_start3A_938 : memref<32768x1024xf32, #tpu.memory_space<hbm>>) target(%arg7 : memref<32x1024xf32, #tpu.memory_space<vmem>>) offsets(%arg5 : memref<32xi32, #tpu.memory_space<vmem>>) semaphore(%arg9 : memref<!tpu.dma_semaphore, #tpu.memory_space<semaphore_mem>>)
    %dma_wait3A_939 = arith.constant 0 : i32
    %dma_wait3A_940 = arith.constant 0 : i32
    %dma_wait3A_941 = tpu.memref_slice %arg2[%dma_wait3A_939, %dma_wait3A_940] : memref<32768x1024xf32, #tpu.memory_space<hbm>> -> memref<32768x1024xf32, #tpu.memory_space<hbm>>
    tpu.wait_indirect_dma semaphore(%arg8 : memref<!tpu.dma_semaphore, #tpu.memory_space<semaphore_mem>>) src(%dma_wait3A_941 : memref<32768x1024xf32, #tpu.memory_space<hbm>>) dst(%arg6 : memref<32x1024xf32, #tpu.memory_space<vmem>>)
    %add3A_942 = arith.constant 832 : i32
    %add3A_943 = arith.addi %mul3A_48, %add3A_942 : i32
    "tpu.region"() ({
      %run_scoped3A = tpu.sem_alloc : memref<!tpu.dma_semaphore, #tpu.memory_space<semaphore_mem>>
      %dma_start3A_1077 = arith.constant 0 : i32
      %dma_start3A_1078 = tpu.memref_slice %arg3[%add3A_943, %dma_start3A_1077] : memref<32768x1024xf32, #tpu.memory_space<hbm>> -> memref<32x1024xf32, #tpu.memory_space<hbm>>
      %dma_start3A_1079 = arith.constant 0 : i32
      %dma_start3A_1080 = tpu.memref_slice %arg3[%add3A_943, %dma_start3A_1079] : memref<32768x1024xf32, #tpu.memory_space<hbm>> -> memref<32x1024xf32, #tpu.memory_space<hbm>>
      tpu.enqueue_dma source(%arg6 : memref<32x1024xf32, #tpu.memory_space<vmem>>) target(%dma_start3A_1080 : memref<32x1024xf32, #tpu.memory_space<hbm>>) target_semaphore(%run_scoped3A : memref<!tpu.dma_semaphore, #tpu.memory_space<semaphore_mem>>)
      %dma_wait3A_1081 = arith.constant 0 : i32
      %dma_wait3A_1082 = tpu.memref_slice %arg3[%add3A_943, %dma_wait3A_1081] : memref<32768x1024xf32, #tpu.memory_space<hbm>> -> memref<32x1024xf32, #tpu.memory_space<hbm>>
      %dma_wait3A_1083 = arith.constant 0 : i32
      %dma_wait3A_1084 = tpu.memref_slice %arg3[%add3A_943, %dma_wait3A_1083] : memref<32768x1024xf32, #tpu.memory_space<hbm>> -> memref<32x1024xf32, #tpu.memory_space<hbm>>
      tpu.wait_dma2 semaphore(%run_scoped3A : memref<!tpu.dma_semaphore, #tpu.memory_space<semaphore_mem>>) src(%arg6 : memref<32x1024xf32, #tpu.memory_space<vmem>>) dst(%dma_wait3A_1084 : memref<32x1024xf32, #tpu.memory_space<hbm>>)
      tpu.yield
    }) : () -> ()
    %add3A_944 = arith.constant 3584 : i32
    %add3A_945 = arith.addi %add3A_56, %add3A_944 : i32
    %iota3A_946 = tpu.iota {dimensions = array<i32: 0>} : vector<16xi32>
    %mul3A_947 = arith.constant 4 : i32
    %mul3A_948 = vector.broadcast %mul3A_947 : i32 to vector<16xi32>
    %mul3A_949 = arith.muli %mul3A_948, %iota3A_946 : vector<16xi32>
    %add3A_950 = vector.broadcast %add3A_945 : i32 to vector<16xi32>
    %add3A_951 = arith.addi %add3A_950, %mul3A_949 : vector<16xi32>
    %swap3A_952 = arith.constant 0 : index
    %swap3A_953 = tpu.vector_load %arg4[%swap3A_952] {strides = array<i32>} : memref<32xi32, #tpu.memory_space<vmem>>, vector<16xi32>,
    %swap3A_954 = vector.shape_cast %swap3A_953 : vector<16xi32> to vector<16xi32>
    %swap3A_955 = vector.shape_cast %add3A_951 : vector<16xi32> to vector<16xi32>
    tpu.vector_store %arg4[%swap3A_952], %swap3A_955 {strides = array<i32>} : memref<32xi32, #tpu.memory_space<vmem>>, vector<16xi32>,
    %add3A_956 = arith.constant 3648 : i32
    %add3A_957 = arith.addi %add3A_56, %add3A_956 : i32
    %iota3A_958 = tpu.iota {dimensions = array<i32: 0>} : vector<16xi32>
    %mul3A_959 = arith.constant 4 : i32
    %mul3A_960 = vector.broadcast %mul3A_959 : i32 to vector<16xi32>
    %mul3A_961 = arith.muli %mul3A_960, %iota3A_958 : vector<16xi32>
    %add3A_962 = vector.broadcast %add3A_957 : i32 to vector<16xi32>
    %add3A_963 = arith.addi %add3A_962, %mul3A_961 : vector<16xi32>
    %swap3A_964 = arith.constant 16 : index
    %swap3A_965 = tpu.vector_load %arg4[%swap3A_964] {strides = array<i32>} : memref<32xi32, #tpu.memory_space<vmem>>, vector<16xi32>,
    %swap3A_966 = vector.shape_cast %swap3A_965 : vector<16xi32> to vector<16xi32>
    %swap3A_967 = vector.shape_cast %add3A_963 : vector<16xi32> to vector<16xi32>
    tpu.vector_store %arg4[%swap3A_964], %swap3A_967 {strides = array<i32>} : memref<32xi32, #tpu.memory_space<vmem>>, vector<16xi32>,
    %dma_start3A_968 = arith.constant 0 : i32
    %dma_start3A_969 = arith.constant 0 : i32
    %dma_start3A_970 = tpu.memref_slice %arg2[%dma_start3A_968, %dma_start3A_969] : memref<32768x1024xf32, #tpu.memory_space<hbm>> -> memref<32768x1024xf32, #tpu.memory_space<hbm>>
    tpu.enqueue_indirect_dma source(%dma_start3A_970 : memref<32768x1024xf32, #tpu.memory_space<hbm>>) target(%arg6 : memref<32x1024xf32, #tpu.memory_space<vmem>>) offsets(%arg4 : memref<32xi32, #tpu.memory_space<vmem>>) semaphore(%arg8 : memref<!tpu.dma_semaphore, #tpu.memory_space<semaphore_mem>>)
    %dma_wait3A_971 = arith.constant 0 : i32
    %dma_wait3A_972 = arith.constant 0 : i32
    %dma_wait3A_973 = tpu.memref_slice %arg2[%dma_wait3A_971, %dma_wait3A_972] : memref<32768x1024xf32, #tpu.memory_space<hbm>> -> memref<32768x1024xf32, #tpu.memory_space<hbm>>
    tpu.wait_indirect_dma semaphore(%arg9 : memref<!tpu.dma_semaphore, #tpu.memory_space<semaphore_mem>>) src(%dma_wait3A_973 : memref<32768x1024xf32, #tpu.memory_space<hbm>>) dst(%arg7 : memref<32x1024xf32, #tpu.memory_space<vmem>>)
    %add3A_974 = arith.constant 864 : i32
    %add3A_975 = arith.addi %mul3A_48, %add3A_974 : i32
    "tpu.region"() ({
      %run_scoped3A = tpu.sem_alloc : memref<!tpu.dma_semaphore, #tpu.memory_space<semaphore_mem>>
      %dma_start3A_1077 = arith.constant 0 : i32
      %dma_start3A_1078 = tpu.memref_slice %arg3[%add3A_975, %dma_start3A_1077] : memref<32768x1024xf32, #tpu.memory_space<hbm>> -> memref<32x1024xf32, #tpu.memory_space<hbm>>
      %dma_start3A_1079 = arith.constant 0 : i32
      %dma_start3A_1080 = tpu.memref_slice %arg3[%add3A_975, %dma_start3A_1079] : memref<32768x1024xf32, #tpu.memory_space<hbm>> -> memref<32x1024xf32, #tpu.memory_space<hbm>>
      tpu.enqueue_dma source(%arg7 : memref<32x1024xf32, #tpu.memory_space<vmem>>) target(%dma_start3A_1080 : memref<32x1024xf32, #tpu.memory_space<hbm>>) target_semaphore(%run_scoped3A : memref<!tpu.dma_semaphore, #tpu.memory_space<semaphore_mem>>)
      %dma_wait3A_1081 = arith.constant 0 : i32
      %dma_wait3A_1082 = tpu.memref_slice %arg3[%add3A_975, %dma_wait3A_1081] : memref<32768x1024xf32, #tpu.memory_space<hbm>> -> memref<32x1024xf32, #tpu.memory_space<hbm>>
      %dma_wait3A_1083 = arith.constant 0 : i32
      %dma_wait3A_1084 = tpu.memref_slice %arg3[%add3A_975, %dma_wait3A_1083] : memref<32768x1024xf32, #tpu.memory_space<hbm>> -> memref<32x1024xf32, #tpu.memory_space<hbm>>
      tpu.wait_dma2 semaphore(%run_scoped3A : memref<!tpu.dma_semaphore, #tpu.memory_space<semaphore_mem>>) src(%arg7 : memref<32x1024xf32, #tpu.memory_space<vmem>>) dst(%dma_wait3A_1084 : memref<32x1024xf32, #tpu.memory_space<hbm>>)
      tpu.yield
    }) : () -> ()
    %add3A_976 = arith.constant 3712 : i32
    %add3A_977 = arith.addi %add3A_56, %add3A_976 : i32
    %iota3A_978 = tpu.iota {dimensions = array<i32: 0>} : vector<16xi32>
    %mul3A_979 = arith.constant 4 : i32
    %mul3A_980 = vector.broadcast %mul3A_979 : i32 to vector<16xi32>
    %mul3A_981 = arith.muli %mul3A_980, %iota3A_978 : vector<16xi32>
    %add3A_982 = vector.broadcast %add3A_977 : i32 to vector<16xi32>
    %add3A_983 = arith.addi %add3A_982, %mul3A_981 : vector<16xi32>
    %swap3A_984 = arith.constant 0 : index
    %swap3A_985 = tpu.vector_load %arg5[%swap3A_984] {strides = array<i32>} : memref<32xi32, #tpu.memory_space<vmem>>, vector<16xi32>,
    %swap3A_986 = vector.shape_cast %swap3A_985 : vector<16xi32> to vector<16xi32>
    %swap3A_987 = vector.shape_cast %add3A_983 : vector<16xi32> to vector<16xi32>
    tpu.vector_store %arg5[%swap3A_984], %swap3A_987 {strides = array<i32>} : memref<32xi32, #tpu.memory_space<vmem>>, vector<16xi32>,
    %add3A_988 = arith.constant 3776 : i32
    %add3A_989 = arith.addi %add3A_56, %add3A_988 : i32
    %iota3A_990 = tpu.iota {dimensions = array<i32: 0>} : vector<16xi32>
    %mul3A_991 = arith.constant 4 : i32
    %mul3A_992 = vector.broadcast %mul3A_991 : i32 to vector<16xi32>
    %mul3A_993 = arith.muli %mul3A_992, %iota3A_990 : vector<16xi32>
    %add3A_994 = vector.broadcast %add3A_989 : i32 to vector<16xi32>
    %add3A_995 = arith.addi %add3A_994, %mul3A_993 : vector<16xi32>
    %swap3A_996 = arith.constant 16 : index
    %swap3A_997 = tpu.vector_load %arg5[%swap3A_996] {strides = array<i32>} : memref<32xi32, #tpu.memory_space<vmem>>, vector<16xi32>,
    %swap3A_998 = vector.shape_cast %swap3A_997 : vector<16xi32> to vector<16xi32>
    %swap3A_999 = vector.shape_cast %add3A_995 : vector<16xi32> to vector<16xi32>
    tpu.vector_store %arg5[%swap3A_996], %swap3A_999 {strides = array<i32>} : memref<32xi32, #tpu.memory_space<vmem>>, vector<16xi32>,
    %dma_start3A_1000 = arith.constant 0 : i32
    %dma_start3A_1001 = arith.constant 0 : i32
    %dma_start3A_1002 = tpu.memref_slice %arg2[%dma_start3A_1000, %dma_start3A_1001] : memref<32768x1024xf32, #tpu.memory_space<hbm>> -> memref<32768x1024xf32, #tpu.memory_space<hbm>>
    tpu.enqueue_indirect_dma source(%dma_start3A_1002 : memref<32768x1024xf32, #tpu.memory_space<hbm>>) target(%arg7 : memref<32x1024xf32, #tpu.memory_space<vmem>>) offsets(%arg5 : memref<32xi32, #tpu.memory_space<vmem>>) semaphore(%arg9 : memref<!tpu.dma_semaphore, #tpu.memory_space<semaphore_mem>>)
    %dma_wait3A_1003 = arith.constant 0 : i32
    %dma_wait3A_1004 = arith.constant 0 : i32
    %dma_wait3A_1005 = tpu.memref_slice %arg2[%dma_wait3A_1003, %dma_wait3A_1004] : memref<32768x1024xf32, #tpu.memory_space<hbm>> -> memref<32768x1024xf32, #tpu.memory_space<hbm>>
    tpu.wait_indirect_dma semaphore(%arg8 : memref<!tpu.dma_semaphore, #tpu.memory_space<semaphore_mem>>) src(%dma_wait3A_1005 : memref<32768x1024xf32, #tpu.memory_space<hbm>>) dst(%arg6 : memref<32x1024xf32, #tpu.memory_space<vmem>>)
    %add3A_1006 = arith.constant 896 : i32
    %add3A_1007 = arith.addi %mul3A_48, %add3A_1006 : i32
    "tpu.region"() ({
      %run_scoped3A = tpu.sem_alloc : memref<!tpu.dma_semaphore, #tpu.memory_space<semaphore_mem>>
      %dma_start3A_1077 = arith.constant 0 : i32
      %dma_start3A_1078 = tpu.memref_slice %arg3[%add3A_1007, %dma_start3A_1077] : memref<32768x1024xf32, #tpu.memory_space<hbm>> -> memref<32x1024xf32, #tpu.memory_space<hbm>>
      %dma_start3A_1079 = arith.constant 0 : i32
      %dma_start3A_1080 = tpu.memref_slice %arg3[%add3A_1007, %dma_start3A_1079] : memref<32768x1024xf32, #tpu.memory_space<hbm>> -> memref<32x1024xf32, #tpu.memory_space<hbm>>
      tpu.enqueue_dma source(%arg6 : memref<32x1024xf32, #tpu.memory_space<vmem>>) target(%dma_start3A_1080 : memref<32x1024xf32, #tpu.memory_space<hbm>>) target_semaphore(%run_scoped3A : memref<!tpu.dma_semaphore, #tpu.memory_space<semaphore_mem>>)
      %dma_wait3A_1081 = arith.constant 0 : i32
      %dma_wait3A_1082 = tpu.memref_slice %arg3[%add3A_1007, %dma_wait3A_1081] : memref<32768x1024xf32, #tpu.memory_space<hbm>> -> memref<32x1024xf32, #tpu.memory_space<hbm>>
      %dma_wait3A_1083 = arith.constant 0 : i32
      %dma_wait3A_1084 = tpu.memref_slice %arg3[%add3A_1007, %dma_wait3A_1083] : memref<32768x1024xf32, #tpu.memory_space<hbm>> -> memref<32x1024xf32, #tpu.memory_space<hbm>>
      tpu.wait_dma2 semaphore(%run_scoped3A : memref<!tpu.dma_semaphore, #tpu.memory_space<semaphore_mem>>) src(%arg6 : memref<32x1024xf32, #tpu.memory_space<vmem>>) dst(%dma_wait3A_1084 : memref<32x1024xf32, #tpu.memory_space<hbm>>)
      tpu.yield
    }) : () -> ()
    %add3A_1008 = arith.constant 3840 : i32
    %add3A_1009 = arith.addi %add3A_56, %add3A_1008 : i32
    %iota3A_1010 = tpu.iota {dimensions = array<i32: 0>} : vector<16xi32>
    %mul3A_1011 = arith.constant 4 : i32
    %mul3A_1012 = vector.broadcast %mul3A_1011 : i32 to vector<16xi32>
    %mul3A_1013 = arith.muli %mul3A_1012, %iota3A_1010 : vector<16xi32>
    %add3A_1014 = vector.broadcast %add3A_1009 : i32 to vector<16xi32>
    %add3A_1015 = arith.addi %add3A_1014, %mul3A_1013 : vector<16xi32>
    %swap3A_1016 = arith.constant 0 : index
    %swap3A_1017 = tpu.vector_load %arg4[%swap3A_1016] {strides = array<i32>} : memref<32xi32, #tpu.memory_space<vmem>>, vector<16xi32>,
    %swap3A_1018 = vector.shape_cast %swap3A_1017 : vector<16xi32> to vector<16xi32>
    %swap3A_1019 = vector.shape_cast %add3A_1015 : vector<16xi32> to vector<16xi32>
    tpu.vector_store %arg4[%swap3A_1016], %swap3A_1019 {strides = array<i32>} : memref<32xi32, #tpu.memory_space<vmem>>, vector<16xi32>,
    %add3A_1020 = arith.constant 3904 : i32
    %add3A_1021 = arith.addi %add3A_56, %add3A_1020 : i32
    %iota3A_1022 = tpu.iota {dimensions = array<i32: 0>} : vector<16xi32>
    %mul3A_1023 = arith.constant 4 : i32
    %mul3A_1024 = vector.broadcast %mul3A_1023 : i32 to vector<16xi32>
    %mul3A_1025 = arith.muli %mul3A_1024, %iota3A_1022 : vector<16xi32>
    %add3A_1026 = vector.broadcast %add3A_1021 : i32 to vector<16xi32>
    %add3A_1027 = arith.addi %add3A_1026, %mul3A_1025 : vector<16xi32>
    %swap3A_1028 = arith.constant 16 : index
    %swap3A_1029 = tpu.vector_load %arg4[%swap3A_1028] {strides = array<i32>} : memref<32xi32, #tpu.memory_space<vmem>>, vector<16xi32>,
    %swap3A_1030 = vector.shape_cast %swap3A_1029 : vector<16xi32> to vector<16xi32>
    %swap3A_1031 = vector.shape_cast %add3A_1027 : vector<16xi32> to vector<16xi32>
    tpu.vector_store %arg4[%swap3A_1028], %swap3A_1031 {strides = array<i32>} : memref<32xi32, #tpu.memory_space<vmem>>, vector<16xi32>,
    %dma_start3A_1032 = arith.constant 0 : i32
    %dma_start3A_1033 = arith.constant 0 : i32
    %dma_start3A_1034 = tpu.memref_slice %arg2[%dma_start3A_1032, %dma_start3A_1033] : memref<32768x1024xf32, #tpu.memory_space<hbm>> -> memref<32768x1024xf32, #tpu.memory_space<hbm>>
    tpu.enqueue_indirect_dma source(%dma_start3A_1034 : memref<32768x1024xf32, #tpu.memory_space<hbm>>) target(%arg6 : memref<32x1024xf32, #tpu.memory_space<vmem>>) offsets(%arg4 : memref<32xi32, #tpu.memory_space<vmem>>) semaphore(%arg8 : memref<!tpu.dma_semaphore, #tpu.memory_space<semaphore_mem>>)
    %dma_wait3A_1035 = arith.constant 0 : i32
    %dma_wait3A_1036 = arith.constant 0 : i32
    %dma_wait3A_1037 = tpu.memref_slice %arg2[%dma_wait3A_1035, %dma_wait3A_1036] : memref<32768x1024xf32, #tpu.memory_space<hbm>> -> memref<32768x1024xf32, #tpu.memory_space<hbm>>
    tpu.wait_indirect_dma semaphore(%arg9 : memref<!tpu.dma_semaphore, #tpu.memory_space<semaphore_mem>>) src(%dma_wait3A_1037 : memref<32768x1024xf32, #tpu.memory_space<hbm>>) dst(%arg7 : memref<32x1024xf32, #tpu.memory_space<vmem>>)
    %add3A_1038 = arith.constant 928 : i32
    %add3A_1039 = arith.addi %mul3A_48, %add3A_1038 : i32
    "tpu.region"() ({
      %run_scoped3A = tpu.sem_alloc : memref<!tpu.dma_semaphore, #tpu.memory_space<semaphore_mem>>
      %dma_start3A_1077 = arith.constant 0 : i32
      %dma_start3A_1078 = tpu.memref_slice %arg3[%add3A_1039, %dma_start3A_1077] : memref<32768x1024xf32, #tpu.memory_space<hbm>> -> memref<32x1024xf32, #tpu.memory_space<hbm>>
      %dma_start3A_1079 = arith.constant 0 : i32
      %dma_start3A_1080 = tpu.memref_slice %arg3[%add3A_1039, %dma_start3A_1079] : memref<32768x1024xf32, #tpu.memory_space<hbm>> -> memref<32x1024xf32, #tpu.memory_space<hbm>>
      tpu.enqueue_dma source(%arg7 : memref<32x1024xf32, #tpu.memory_space<vmem>>) target(%dma_start3A_1080 : memref<32x1024xf32, #tpu.memory_space<hbm>>) target_semaphore(%run_scoped3A : memref<!tpu.dma_semaphore, #tpu.memory_space<semaphore_mem>>)
      %dma_wait3A_1081 = arith.constant 0 : i32
      %dma_wait3A_1082 = tpu.memref_slice %arg3[%add3A_1039, %dma_wait3A_1081] : memref<32768x1024xf32, #tpu.memory_space<hbm>> -> memref<32x1024xf32, #tpu.memory_space<hbm>>
      %dma_wait3A_1083 = arith.constant 0 : i32
      %dma_wait3A_1084 = tpu.memref_slice %arg3[%add3A_1039, %dma_wait3A_1083] : memref<32768x1024xf32, #tpu.memory_space<hbm>> -> memref<32x1024xf32, #tpu.memory_space<hbm>>
      tpu.wait_dma2 semaphore(%run_scoped3A : memref<!tpu.dma_semaphore, #tpu.memory_space<semaphore_mem>>) src(%arg7 : memref<32x1024xf32, #tpu.memory_space<vmem>>) dst(%dma_wait3A_1084 : memref<32x1024xf32, #tpu.memory_space<hbm>>)
      tpu.yield
    }) : () -> ()
    %add3A_1040 = arith.constant 3968 : i32
    %add3A_1041 = arith.addi %add3A_56, %add3A_1040 : i32
    %iota3A_1042 = tpu.iota {dimensions = array<i32: 0>} : vector<16xi32>
    %mul3A_1043 = arith.constant 4 : i32
    %mul3A_1044 = vector.broadcast %mul3A_1043 : i32 to vector<16xi32>
    %mul3A_1045 = arith.muli %mul3A_1044, %iota3A_1042 : vector<16xi32>
    %add3A_1046 = vector.broadcast %add3A_1041 : i32 to vector<16xi32>
    %add3A_1047 = arith.addi %add3A_1046, %mul3A_1045 : vector<16xi32>
    %swap3A_1048 = arith.constant 0 : index
    %swap3A_1049 = tpu.vector_load %arg5[%swap3A_1048] {strides = array<i32>} : memref<32xi32, #tpu.memory_space<vmem>>, vector<16xi32>,
    %swap3A_1050 = vector.shape_cast %swap3A_1049 : vector<16xi32> to vector<16xi32>
    %swap3A_1051 = vector.shape_cast %add3A_1047 : vector<16xi32> to vector<16xi32>
    tpu.vector_store %arg5[%swap3A_1048], %swap3A_1051 {strides = array<i32>} : memref<32xi32, #tpu.memory_space<vmem>>, vector<16xi32>,
    %add3A_1052 = arith.constant 4032 : i32
    %add3A_1053 = arith.addi %add3A_56, %add3A_1052 : i32
    %iota3A_1054 = tpu.iota {dimensions = array<i32: 0>} : vector<16xi32>
    %mul3A_1055 = arith.constant 4 : i32
    %mul3A_1056 = vector.broadcast %mul3A_1055 : i32 to vector<16xi32>
    %mul3A_1057 = arith.muli %mul3A_1056, %iota3A_1054 : vector<16xi32>
    %add3A_1058 = vector.broadcast %add3A_1053 : i32 to vector<16xi32>
    %add3A_1059 = arith.addi %add3A_1058, %mul3A_1057 : vector<16xi32>
    %swap3A_1060 = arith.constant 16 : index
    %swap3A_1061 = tpu.vector_load %arg5[%swap3A_1060] {strides = array<i32>} : memref<32xi32, #tpu.memory_space<vmem>>, vector<16xi32>,
    %swap3A_1062 = vector.shape_cast %swap3A_1061 : vector<16xi32> to vector<16xi32>
    %swap3A_1063 = vector.shape_cast %add3A_1059 : vector<16xi32> to vector<16xi32>
    tpu.vector_store %arg5[%swap3A_1060], %swap3A_1063 {strides = array<i32>} : memref<32xi32, #tpu.memory_space<vmem>>, vector<16xi32>,
    %dma_start3A_1064 = arith.constant 0 : i32
    %dma_start3A_1065 = arith.constant 0 : i32
    %dma_start3A_1066 = tpu.memref_slice %arg2[%dma_start3A_1064, %dma_start3A_1065] : memref<32768x1024xf32, #tpu.memory_space<hbm>> -> memref<32768x1024xf32, #tpu.memory_space<hbm>>
    tpu.enqueue_indirect_dma source(%dma_start3A_1066 : memref<32768x1024xf32, #tpu.memory_space<hbm>>) target(%arg7 : memref<32x1024xf32, #tpu.memory_space<vmem>>) offsets(%arg5 : memref<32xi32, #tpu.memory_space<vmem>>) semaphore(%arg9 : memref<!tpu.dma_semaphore, #tpu.memory_space<semaphore_mem>>)
    %dma_wait3A_1067 = arith.constant 0 : i32
    %dma_wait3A_1068 = arith.constant 0 : i32
    %dma_wait3A_1069 = tpu.memref_slice %arg2[%dma_wait3A_1067, %dma_wait3A_1068] : memref<32768x1024xf32, #tpu.memory_space<hbm>> -> memref<32768x1024xf32, #tpu.memory_space<hbm>>
    tpu.wait_indirect_dma semaphore(%arg8 : memref<!tpu.dma_semaphore, #tpu.memory_space<semaphore_mem>>) src(%dma_wait3A_1069 : memref<32768x1024xf32, #tpu.memory_space<hbm>>) dst(%arg6 : memref<32x1024xf32, #tpu.memory_space<vmem>>)
    %add3A_1070 = arith.constant 960 : i32
    %add3A_1071 = arith.addi %mul3A_48, %add3A_1070 : i32
    "tpu.region"() ({
      %run_scoped3A = tpu.sem_alloc : memref<!tpu.dma_semaphore, #tpu.memory_space<semaphore_mem>>
      %dma_start3A_1077 = arith.constant 0 : i32
      %dma_start3A_1078 = tpu.memref_slice %arg3[%add3A_1071, %dma_start3A_1077] : memref<32768x1024xf32, #tpu.memory_space<hbm>> -> memref<32x1024xf32, #tpu.memory_space<hbm>>
      %dma_start3A_1079 = arith.constant 0 : i32
      %dma_start3A_1080 = tpu.memref_slice %arg3[%add3A_1071, %dma_start3A_1079] : memref<32768x1024xf32, #tpu.memory_space<hbm>> -> memref<32x1024xf32, #tpu.memory_space<hbm>>
      tpu.enqueue_dma source(%arg6 : memref<32x1024xf32, #tpu.memory_space<vmem>>) target(%dma_start3A_1080 : memref<32x1024xf32, #tpu.memory_space<hbm>>) target_semaphore(%run_scoped3A : memref<!tpu.dma_semaphore, #tpu.memory_space<semaphore_mem>>)
      %dma_wait3A_1081 = arith.constant 0 : i32
      %dma_wait3A_1082 = tpu.memref_slice %arg3[%add3A_1071, %dma_wait3A_1081] : memref<32768x1024xf32, #tpu.memory_space<hbm>> -> memref<32x1024xf32, #tpu.memory_space<hbm>>
      %dma_wait3A_1083 = arith.constant 0 : i32
      %dma_wait3A_1084 = tpu.memref_slice %arg3[%add3A_1071, %dma_wait3A_1083] : memref<32768x1024xf32, #tpu.memory_space<hbm>> -> memref<32x1024xf32, #tpu.memory_space<hbm>>
      tpu.wait_dma2 semaphore(%run_scoped3A : memref<!tpu.dma_semaphore, #tpu.memory_space<semaphore_mem>>) src(%arg6 : memref<32x1024xf32, #tpu.memory_space<vmem>>) dst(%dma_wait3A_1084 : memref<32x1024xf32, #tpu.memory_space<hbm>>)
      tpu.yield
    }) : () -> ()
    %dma_wait3A_1072 = arith.constant 0 : i32
    %dma_wait3A_1073 = arith.constant 0 : i32
    %dma_wait3A_1074 = tpu.memref_slice %arg2[%dma_wait3A_1072, %dma_wait3A_1073] : memref<32768x1024xf32, #tpu.memory_space<hbm>> -> memref<32768x1024xf32, #tpu.memory_space<hbm>>
    tpu.wait_indirect_dma semaphore(%arg9 : memref<!tpu.dma_semaphore, #tpu.memory_space<semaphore_mem>>) src(%dma_wait3A_1074 : memref<32768x1024xf32, #tpu.memory_space<hbm>>) dst(%arg7 : memref<32x1024xf32, #tpu.memory_space<vmem>>)
    %add3A_1075 = arith.constant 992 : i32
    %add3A_1076 = arith.addi %mul3A_48, %add3A_1075 : i32
    "tpu.region"() ({
      %run_scoped3A = tpu.sem_alloc : memref<!tpu.dma_semaphore, #tpu.memory_space<semaphore_mem>>
      %dma_start3A_1077 = arith.constant 0 : i32
      %dma_start3A_1078 = tpu.memref_slice %arg3[%add3A_1076, %dma_start3A_1077] : memref<32768x1024xf32, #tpu.memory_space<hbm>> -> memref<32x1024xf32, #tpu.memory_space<hbm>>
      %dma_start3A_1079 = arith.constant 0 : i32
      %dma_start3A_1080 = tpu.memref_slice %arg3[%add3A_1076, %dma_start3A_1079] : memref<32768x1024xf32, #tpu.memory_space<hbm>> -> memref<32x1024xf32, #tpu.memory_space<hbm>>
      tpu.enqueue_dma source(%arg7 : memref<32x1024xf32, #tpu.memory_space<vmem>>) target(%dma_start3A_1080 : memref<32x1024xf32, #tpu.memory_space<hbm>>) target_semaphore(%run_scoped3A : memref<!tpu.dma_semaphore, #tpu.memory_space<semaphore_mem>>)
      %dma_wait3A_1081 = arith.constant 0 : i32
      %dma_wait3A_1082 = tpu.memref_slice %arg3[%add3A_1076, %dma_wait3A_1081] : memref<32768x1024xf32, #tpu.memory_space<hbm>> -> memref<32x1024xf32, #tpu.memory_space<hbm>>
      %dma_wait3A_1083 = arith.constant 0 : i32
      %dma_wait3A_1084 = tpu.memref_slice %arg3[%add3A_1076, %dma_wait3A_1083] : memref<32768x1024xf32, #tpu.memory_space<hbm>> -> memref<32x1024xf32, #tpu.memory_space<hbm>>
      tpu.wait_dma2 semaphore(%run_scoped3A : memref<!tpu.dma_semaphore, #tpu.memory_space<semaphore_mem>>) src(%arg7 : memref<32x1024xf32, #tpu.memory_space<vmem>>) dst(%dma_wait3A_1084 : memref<32x1024xf32, #tpu.memory_space<hbm>>)
      tpu.yield
    }) : () -> ()
    return
  }
}

</mosaic_0001>

<sc_bundles>
// kernel: kernel.3.cloned.1.call-start
scs
__scs_entry_jumppad:
0x0: {  	(pc) =	sbr.rel $0x88, $3  }
0x1: {  	(tag) =	ssettag $0x0;
	lr =	simm.s32 $0x1  }
0x2: {  	[smem:$0x3FA0] =	sst lr;
	_ =	strace $0xD0000000  }
0x3: {  	_ = 	snop  }
0x4: {  	_ = 	snop  }
0x5: {  	_ = 	snop  }
0x6: {  	_ = 	snop  }
0x7: {  	_ = 	snop  }
__scs_overlays_trampoline_lowered:
0x8: {  	[smem:$0x3FAF] =	sst s0  }
0x9: {  	[smem:$0x3FB0] =	sst s1  }
0xa: {  	[smem:$0x3FB1] =	sst s2  }
0xb: {  	[smem:$0x3FB2] =	sst s3  }
0xc: {  	[smem:$0x3FB3] =	sst s4  }
0xd: {  	[smem:$0x3FB4] =	sst s5  }
0xe: {  	[smem:$0x3FB5] =	sst s6  }
0xf: {  	[smem:$0x3FB6] =	sst s7  }
0x10: {  	[smem:$0x3FB7] =	sst s8  }
0x11: {  	[smem:$0x3FB8] =	sst s9;
	s0 =	simm.s32 @!p0 $0x0  }
0x12: {  	s1 =	sld [smem:$0x3F9E];
	s0 =	simm.s32 @p0 $0x1  }
0x13: {  	[smem:$0x3FB9] =	sst s0;
	s0 =	simm.s32 @!p1 $0x0  }
0x14: {  	s2 =	sld [smem:$0x3F9D];
	s0 =	simm.s32 @p1 $0x1  }
0x15: {  	[smem:$0x3FBA] =	sst s0;
	s0 =	simm.s32 @!p2 $0x0  }
0x16: {  	s3 =	sld [smem:$0x3FDB];
	s0 =	simm.s32 @p2 $0x1  }
0x17: {  	s4 =	simm.s32 $0x1BF5;
	[smem:$0x3FBC] =	sst s0  }
0x18: {  	s0 =	sld [smem:$0x3F9F];
	_ =	swait.ge [sflag:s4], $0x0  }
0x19: {  	s7 =	sld [smem:$0x3FA0]  }
0x1a: {  	s8 =	sadd.s32 $0xFFFFE003, lr  }
0x1b: {  	s9 =	sadd.s32 $0xFFFFFEF7, lr;
	s5 =	simm.s32 $0xFFFFFFFF;
	p2 =	slt.u32 s8, $0xFFFFF086  }
0x1c: {  	p1 =	slt.u32 s9, $0xF7A;
	s5 =	simm.s32 @!p2 $0x0  }
0x1d: {  	s5 =	simm.s32 @p1 $0x1;
	p0 =	seq.s32 s7, s2  }
0x1e: {  	s7 =	smul.u32 @!p0 $0xF7A, s2;
	p2 =	seq.s32 @!p0 s5, $0x0  }
0x1f: {  	s9 =	smul.u32 $0xF7A, s1;
	s8 =	simm.s32 @!p0 $0x1BF5;
	p2 =	por !p2, p0  }
0x20: {  	[sflag:s8] =	ssyncset.s32 @!p0 $0xFFFFF086;
	s6 =	sadd.s32 @!p0 s3, s7;
	s7 =	simm.s32 @!p0 $0x108  }
0x21: {  	s3 =	sadd.s32 s3, s9;
	s6 =	sadd.s32 @!p0 $0x88, s6;
	s7 =	simm.s32 @p2 $0x1082  }
0x22: {  	[simem:s7], [sflag:s8] =	dma.local @!p0 [hbm:s6], $0xF7A  }
0x23: {  	s9 =	sor.u32 $0xD0000000, s2;
	s6 =	simm.s32 $0x108;
	_ =	swait.ge @!p0 [sflag:s8], $0x0  }
0x24: {  	s3 =	sadd.s32 $0x88, s3;
	s6 =	simm.s32 @!p1 $0x1082;
	[sflag:s4] =	ssyncset.s32 $0xFFFFF086  }
0x25: {  	[simem:s6], [sflag:s4] =	dma.local [hbm:s3], $0xF7A  }
0x26: {  	[smem:$0x3FA0] =	sst s1;
	(tag) =	ssettag s2;
	_ =	strace s9  }
0x27: {  	s1 =	sld [smem:$0x3FB0]  }
0x28: {  	s2 =	sld [smem:$0x3FB1]  }
0x29: {  	s4 =	sld [smem:$0x3FB3]  }
0x2a: {  	p0 =	seq.s32 s5, $0x0;
	s5 =	sld [smem:$0x3FB4]  }
0x2b: {  	s6 =	sld [smem:$0x3FB5]  }
0x2c: {  	s7 =	sld [smem:$0x3FB6]  }
0x2d: {  	s3 =	simm.s32 $0x108;
	s8 =	sld [smem:$0x3FB7]  }
0x2e: {  	s3 =	simm.s32 @!p0 $0x1082;
	s9 =	sld [smem:$0x3FB8]  }
0x2f: {  	lr =	sadd.s32 s0, s3;
	s0 =	sld [smem:$0x3FAF]  }
0x30: {  	s3 =	sld [smem:$0x3FB2]  }
0x31: {  	[smem:$0x3FBB] =	sst s10  }
0x32: {  	s10 =	sld [smem:$0x3FB9];
	_ =	sdelay $0x3  }
0x33: {  	p0 =	seq.s32 s10, $0x1;
	s10 =	sld [smem:$0x3FBB];
	_ =	sdelay $0x3  }
0x34: {  	[smem:$0x3FBB] =	sst s10  }
0x35: {  	s10 =	sld [smem:$0x3FBA];
	_ =	sdelay $0x3  }
0x36: {  	p1 =	seq.s32 s10, $0x1;
	s10 =	sld [smem:$0x3FBB];
	_ =	sdelay $0x3  }
0x37: {  	[smem:$0x3FBB] =	sst s10  }
0x38: {  	s10 =	sld [smem:$0x3FBC]  }
0x39: {  	_ = 	snop;
	(pc) =	sbr.ind lr, $3  }
0x3a: {  	_ = 	snop  }
0x3b: {  	_ = 	snop  }
0x3c: {  	p2 =	seq.s32 s10, $0x1;
	s10 =	sld [smem:$0x3FBB]  }
0x3d: {  	_ =	shalt  }
0x3e: {  	_ =	shalt  }
0x3f: {  	_ =	shalt  }
0x40: {  	_ =	shalt  }
0x41: {  	_ =	shalt  }
0x42: {  	_ =	shalt  }
0x43: {  	_ =	shalt  }
0x44: {  	_ =	shalt  }
0x45: {  	_ =	shalt  }
0x46: {  	_ =	shalt  }
0x47: {  	_ =	shalt  }
0x48: {  	_ =	shalt  }
0x49: {  	_ =	shalt  }
0x4a: {  	_ =	shalt  }
0x4b: {  	_ =	shalt  }
0x4c: {  	_ =	shalt  }
0x4d: {  	_ =	shalt  }
0x4e: {  	_ =	shalt  }
0x4f: {  	_ =	shalt  }
0x50: {  	_ =	shalt  }
0x51: {  	_ =	shalt  }
0x52: {  	_ =	shalt  }
0x53: {  	_ =	shalt  }
0x54: {  	_ =	shalt  }
0x55: {  	_ =	shalt  }
0x56: {  	_ =	shalt  }
0x57: {  	_ =	shalt  }
0x58: {  	_ =	shalt  }
0x59: {  	_ =	shalt  }
0x5a: {  	_ =	shalt  }
0x5b: {  	_ =	shalt  }
0x5c: {  	_ =	shalt  }
0x5d: {  	_ =	shalt  }
0x5e: {  	_ =	shalt  }
0x5f: {  	_ =	shalt  }
0x60: {  	_ =	shalt  }
0x61: {  	_ =	shalt  }
0x62: {  	_ =	shalt  }
0x63: {  	_ =	shalt  }
0x64: {  	_ =	shalt  }
0x65: {  	_ =	shalt  }
0x66: {  	_ =	shalt  }
0x67: {  	_ =	shalt  }
0x68: {  	_ =	shalt  }
0x69: {  	_ =	shalt  }
0x6a: {  	_ =	shalt  }
0x6b: {  	_ =	shalt  }
0x6c: {  	_ =	shalt  }
0x6d: {  	_ =	shalt  }
0x6e: {  	_ =	shalt  }
0x6f: {  	_ =	shalt  }
0x70: {  	_ =	shalt  }
0x71: {  	_ =	shalt  }
0x72: {  	_ =	shalt  }
0x73: {  	_ =	shalt  }
0x74: {  	_ =	shalt  }
0x75: {  	_ =	shalt  }
0x76: {  	_ =	shalt  }
0x77: {  	_ =	shalt  }
0x78: {  	_ =	shalt  }
0x79: {  	_ =	shalt  }
0x7a: {  	_ =	shalt  }
0x7b: {  	_ =	shalt  }
0x7c: {  	_ =	shalt  }
0x7d: {  	_ =	shalt  }
0x7e: {  	_ =	shalt  }
0x7f: {  	_ =	shalt  }
0x80: {  	_ =	shalt  }
0x81: {  	_ =	shalt  }
0x82: {  	_ =	shalt  }
0x83: {  	_ =	shalt  }
0x84: {  	_ =	shalt  }
0x85: {  	_ =	shalt  }
0x86: {  	_ =	shalt  }
0x87: {  	_ =	shalt  }
.Lfunc_end0:
.L_simem_size_0:
called_computation_lowered:
.L_overlay_start_0:
0x88: {  	s2 =	sld [smem:$0x3FD9]  }
0x89: {  	s3 =	sld [smem:$0x3FFE];
	_ =	sdelay $0x1  }
0x8a: {  	s1 =	srdreg.scid  }
0x8b: {  	s0 =	sand.u32 $0x1, s1  }
0x8c: {  	s18 =	sshll.u32 s0, $0xA;
	s2 =	sadd.s32 s3, s2  }
0x8d: {  	s2 =	sadd.s32 s2, s18  }
0x8e: {  	[smem:$0x3FC7] =	sst s2  }
0x8f: {  	_ = 	snop  }
0x90: {  	s2 =	sld [smem:$0x3FC9]  }
0x91: {  	s19 =	sld [smem:$0x3FD0];
	(tm) =	ssettm $0x1  }
0x92: {  	s4 =	sld [smem:$0x3FFB];
	_ =	sdelay $0x3  }
0x93: {  	_ =	strace s4  }
0x94: {  	s4 =	sld [smem:$0x3FFC];
	_ =	sdelay $0x3  }
0x95: {  	_ =	strace s4  }
0x96: {  	s4 =	sld [smem:$0x3FFD];
	_ =	sdelay $0x3  }
0x97: {  	_ =	strace s4  }
0x98: {  	_ =	strace $0x8FFFFFFF  }
0x99: {  	s20 =	sld [smem:$0x3FDB];
	_ =	sdelay $0x1  }
0x9a: {  	s5 =	simm.s32 $_scs_section_size  }
0x9b: {  	s6 =	simm.s32 $_size__tile_overlayer_lowered;
	s7 =	simm.s32 $_tile_overlayer_lowered  }
0x9c: {  	s23 =	simm.s32 $0x1BFF;
	s22 =	sshll.u32 s7, $0x1;
	s4 =	sadd.s32 s5, s20  }
0x9d: {  	s8 =	simm.s32 $0x0;
	s21 =	sshll.u32 s6, $0x1;
	s6 =	sadd.s32 s22, s4  }
0x9e: {  	[timem:s8], [sflag:s23] =	dma.local [hbm:s6], s21  }
0x9f: {  	_ =	swait.ge [sflag:s23], s21  }
0xa0: {  	s5 =	ssub.s32 $0x0, s21;
	[sflag:s23] =	ssyncset.done $0x0  }
0xa1: {  	[sflag:s23] =	ssyncadd.s32 s5;
	_ =	sdelay $0x1  }
0xa2: {  	s24 =	simm.s32 $0x1B8B  }
0xa3: {  	_ =	swait.ge [sflag:s24], $0x1  }
0xa4: {  	[sflag:s24] =	ssyncset.done $0x0  }
0xa5: {  	s25 =	simm.s32 $0x1B8E;
	[sflag:s24] =	ssyncadd.s32 $0xFFFFFFFF  }
0xa6: {  	s26 =	simm.s32 $execute0_lowered;
	[smem:$0x3FD2] =	sst s25  }
0xa7: {  	s5 =	sshll.u32 s26, $0x1;
	_ =	strace $0x80000046;
	[dreg:$0x1] =	wrdreg $0xFFFFFFFF  }
0xa8: {  	s28 =	simm.s32 $_size_execute0_lowered;
	s4 =	sadd.s32 s4, s5;
	[dreg:$0x0] =	wrdreg $0x0  }
0xa9: {  	s5 =	sshll.u32 s28, $0x1;
	[dreg:$0x2] =	wrdreg s4  }
0xaa: {  	[dreg:$0x3] =	wrdreg s5  }
0xab: {  	[dreg:$0x4] =	wrdreg $0xC0  }
0xac: {  	_ =	task [dreg:s8], $0x5FFFF  }
0xad: {  	[dreg:$0x1] =	wrdreg $0xFFFFFFFF  }
0xae: {  	[dreg:$0x0] =	wrdreg $0x60  }
0xaf: {  	[dreg:$0x2] =	wrdreg s2  }
0xb0: {  	[dreg:$0x3] =	wrdreg s19  }
0xb1: {  	[dreg:$0x4] =	wrdreg $0x9  }
0xb2: {  	_ =	task.clear_ibuf [dreg:s8], $0x5FFFF;
	_ =	strace $0x90000046  }
0xb3: {  	s29 =	simm.s32 $0x9;
	_ =	strace $0x80000048  }
0xb4: {  	_ =	swait.ge [sflag:s29], $0x1  }
0xb5: {  	[sflag:s29] =	ssyncadd.s32 $0xFFFFFFFF  }
0xb6: {  	_ =	strace $0x90000048  }
0xb7: {  	_ =	sfence  }
0xb8: {  	s30 =	sld [smem:$0x0];
	_ =	sdelay $0x2  }
0xb9: {  	s31 =	sshll.u32 s1, $0xD;
	s1 =	sshrl.u32 s1, $0x2  }
0xba: {  	s3 =	sand.u32 $0x4000, s31;
	s1 =	sadd.s32 s1, s30  }
0xbb: {  	s0 =	sor.u32 s3, s0;
	s1 =	sshll.u32 s1, $0x11  }
0xbc: {  	s0 =	sor.u32 s1, s0  }
0xbd: {  	s0 =	sadd.s32 $0x8F2B, s0  }
0xbe: {  	[sflag:s0] =	ssyncadd.remote.s32 $0x1  }
0xbf: {  	_ =	sfence.sel $0xFFFF  }
0xc0: {  	[dreg:$0x0] =	wrdreg $0xFFFFFFFF;
	(pc) =	sbr.abs _section_cstart, $3  }
0xc1: {  	[dreg:$0x1] =	wrdreg $0xFFFFFFFF  }
0xc2: {  	_ =	task.clear_ibuf [dreg:s8], $0x2FFFF;
	_ =	strace $0x9FFFFFFF  }
0xc3: {  	(tm) =	ssettm $0x7FFFFFFF  }
tec
execute0_lowered:
.L_overlay_start_1:
0x0: {  	(tag) =	ssettag $0x1  }
0x1: {  	s0 =	srdreg.scid  }
0x2: {  	s2 =	sand.u32 $0x1, s0  }
0x3: {  	s1 =	stileid.u32;
	s0 =	sshll.u32 s2, $0x4  }
0x4: {  	s24 =	sand.u32 $0x3, s1;
	s4 =	sor.u32 s1, s0  }
0x5: {  	p1 =	sne.s32 s24, $0x0;
	p0 =	seq.s32 s4, $0x0  }
0x6: {  	p0 =	por !p1, !p0  }
0x7: {  	s0 =	simm.s32 $0x1;
	p0 =	por !p0, !p0  }
0x8: {  	s25 =	sshrl.u32 s4, $0x2;
	s0 =	simm.s32 @!p0 $0x0  }
0x9: {  	s0 =	ssub.s32 s25, s0  }
0xa: {  	s1 =	sand.u32 $0x1, s0  }
0xb: {  	s3 =	sand.u32 $0x80, s0;
	p5 =	slt.s32 s0, $0x1;
	p6 =	seq.s32 s1, $0x1  }
0xc: {  	s26 =	sshrl.u32 s3, $0x7;
	p0 =	por !p5, !p6  }
0xd: {  	s1 =	simm.s32 $0x1;
	s0 =	sadd.s32 s26, s0;
	p0 =	por !p0, !p0  }
0xe: {  	s0 =	sshra.s32 s0, $0x1;
	s1 =	simm.s32 @!p0 $0x0  }
0xf: {  	v4 =	vlaneseq.u32;
	s28 =	sshll.u32 s4, $0xC;
	s0 =	ssub.s32 s0, s1  }
0x10: {  	v2 =	vmul.u32 $0x4, v4;
	s1 =	sadd.s32 s0, s28;
	s0 =	sshll.u32 s0, $0xF  }
0x11: {  	s0 =	ssub.s32 s1, s0  }
0x12: {  	v1 =	vadd.s32 s0, v2;
	s29 =	sadd.s32 $0x40, s0  }
0x13: {  	s1 =	sadd.s32 $0x80, s0;
	s6 =	sadd.s32 $0x140, s0;
	v0 =	vshll.u32 v1, $0x3;
	[tilespmem:$0x1FDA0] =	vst v1;
	v1 =	vand.u32 $0x7, v1;
	v5 =	vadd.s32 s29, v2  }
0x14: {  	s31 =	sadd.s32 $0xC0, s0;
	v3 =	vadd.s32 s1, v2;
	v6 =	vadd.s32 s6, v2;
	v0 =	vand.u32 $0xFFFFFFC0, v0;
	[tilespmem:$0x1FDB0] =	vst v5  }
0x15: {  	s30 =	sadd.s32 $0x100, s0;
	[tilespmem:$0x1FDC0] =	vst v3;
	v5 =	vadd.s32 s31, v2;
	v7 =	vor.u32 v1, v0;
	v0 =	vshll.u32 v3, $0x3  }
0x16: {  	s8 =	sadd.s32 $0x1C0, s0;
	[tilespmem:$0x1FDF0] =	vst v6;
	v1 =	vand.u32 $0x7, v3;
	v3 =	vadd.s32 s30, v2;
	v0 =	vand.u32 $0xFFFFFFC0, v0  }
0x17: {  	s5 =	sadd.s32 $0x180, s0;
	v6 =	vadd.s32 s8, v2;
	[tilespmem:$0x1FDD0] =	vst v5;
	v5 =	vor.u32 v1, v0;
	v0 =	vshll.u32 v3, $0x3  }
0x18: {  	s10 =	sadd.s32 $0x240, s0;
	[tilespmem:$0x1FDE0] =	vst v3;
	v1 =	vand.u32 $0x7, v3;
	v3 =	vadd.s32 s5, v2;
	v0 =	vand.u32 $0xFFFFFFC0, v0  }
0x19: {  	s7 =	sadd.s32 $0x200, s0;
	[tilespmem:$0x1FE10] =	vst v6;
	v6 =	vadd.s32 s10, v2;
	v8 =	vor.u32 v1, v0;
	v0 =	vshll.u32 v3, $0x3  }
0x1a: {  	s12 =	sadd.s32 $0x380, s0;
	[tilespmem:$0x1FE00] =	vst v3;
	v1 =	vand.u32 $0x7, v3;
	v3 =	vadd.s32 s7, v2;
	v0 =	vand.u32 $0xFFFFFFC0, v0  }
0x1b: {  	s9 =	sadd.s32 $0x280, s0;
	[tilespmem:$0x1FE30] =	vst v6;
	v6 =	vadd.s32 s12, v2;
	v11 =	vor.u32 v1, v0;
	v0 =	vshll.u32 v3, $0x3  }
0x1c: {  	s3 =	simm.s32 $0x0;
	[tilespmem:$0x1FE20] =	vst v3;
	v1 =	vand.u32 $0x7, v3;
	v3 =	vadd.s32 s9, v2;
	v0 =	vand.u32 $0xFFFFFFC0, v0  }
0x1d: {  	s11 =	sadd.s32 $0x300, s0;
	s6 =	rddreg [dreg:$0x1];
	s8 =	sshll.u32 s4, $0x11;
	[tilespmem:$0x1FE60] =	vst v6;
	v14 =	vor.u32 v1, v0;
	v0 =	vshll.u32 v3, $0x3  }
0x1e: {  	[smem:$0x7FF] =	sst s3;
	s24 =	sadd.s32 s6, s8;
	s5 =	sadd.s32 $0x400, s0;
	[tilespmem:$0x1FE40] =	vst v3;
	v1 =	vand.u32 $0x7, v3;
	v3 =	vadd.s32 s11, v2;
	v0 =	vand.u32 $0xFFFFFFC0, v0  }
0x1f: {  	vm0 =	vmmov $0xffff;
	s14 =	sadd.s32 $0x500, s0;
	s1 =	rddreg [dreg:$0x0];
	s19 =	sadd.s32 $0x5000, s24;
	v9 =	vadd.s32 s5, v2;
	[tilespmem:$0x1FE50] =	vst v3;
	v16 =	vor.u32 v1, v0  }
0x20: {  	s31 =	sadd.s32 $0xF000, s24;
	v0 =	vshll.u32 v3, $0x3;
	v1 =	vand.u32 $0x7, v3;
	v3 =	vshll.u32 v6, $0x3;
	_ =	strace $0x80000047;
	[dreg:$0x7] =	wrdreg s19  }
0x21: {  	s25 =	sadd.s32 $0xB000, s24;
	v6 =	vand.u32 $0x7, v6;
	[dreg:$0x11] =	wrdreg s31;
	s31 =	sadd.s32 $0xD00, s0;
	v0 =	vand.u32 $0xFFFFFFC0, v0;
	v3 =	vand.u32 $0xFFFFFFC0, v3  }
0x22: {  	s7 =	sadd.s32 $0x480, s0;
	[dreg:$0xd] =	wrdreg s25;
	s19 =	sadd.s32 $0x11000, s24;
	v56 =	vadd.s32 s31, v2;
	v19 =	vor.u32 v1, v0;
	v20 =	vor.u32 v6, v3  }
0x23: {  	s9 =	sadd.s32 $0x580, s0;
	s25 =	sadd.s32 $0x15000, s24;
	[dreg:$0x13] =	wrdreg s19;
	v0 =	vshll.u32 v9, $0x3;
	v1 =	vand.u32 $0x7, v9;
	v3 =	vadd.s32 s7, v2  }
0x24: {  	[tilespmem:$0x1FE70] =	vst v9;
	s19 =	sadd.s32 $0xB80, s0;
	[dreg:$0x17] =	wrdreg s25;
	s25 =	sadd.s32 $0xD80, s0;
	v6 =	vadd.s32 s14, v2;
	v9 =	vadd.s32 s9, v2;
	v0 =	vand.u32 $0xFFFFFFC0, v0  }
0x25: {  	s30 =	sadd.s32 $0xE000, s24;
	v48 =	vadd.s32 s19, v2;
	v57 =	vadd.s32 s25, v2;
	v22 =	vor.u32 v1, v0  }
0x26: {  	[dreg:$0x10] =	wrdreg s30;
	s30 =	sadd.s32 $0x18000, s24;
	[tilespmem:$0x1FE80] =	vst v3;
	v0 =	vshll.u32 v3, $0x3;
	v1 =	vand.u32 $0x7, v3;
	v3 =	vshll.u32 v6, $0x3  }
0x27: {  	[dreg:$0x1a] =	wrdreg s30;
	s30 =	sadd.s32 $0xE00, s0;
	[tilespmem:$0x1FE90] =	vst v6;
	v6 =	vand.u32 $0x7, v6;
	v0 =	vand.u32 $0xFFFFFFC0, v0;
	v3 =	vand.u32 $0xFFFFFFC0, v3  }
0x28: {  	s17 =	sadd.s32 $0x600, s0;
	v13 =	vadd.s32 s30, v2;
	v25 =	vor.u32 v1, v0;
	v26 =	vor.u32 v6, v3  }
0x29: {  	s18 =	sadd.s32 $0x680, s0;
	s12 =	sadd.s32 $0x700, s0;
	v0 =	vshll.u32 v9, $0x3;
	v1 =	vand.u32 $0x7, v9;
	v3 =	vadd.s32 s17, v2  }
0x2a: {  	[tilespmem:$0x1FEA0] =	vst v9;
	v6 =	vadd.s32 s18, v2;
	v9 =	vadd.s32 s12, v2;
	v0 =	vand.u32 $0xFFFFFFC0, v0  }
0x2b: {  	[tilespmem:$0x1FEB0] =	vst v3;
	v28 =	vor.u32 v1, v0;
	v0 =	vshll.u32 v3, $0x3;
	v1 =	vand.u32 $0x7, v3  }
0x2c: {  	s2 =	ssub.s32 $0x2, s2;
	[tilespmem:$0x1FEC0] =	vst v6;
	v3 =	vshll.u32 v6, $0x3;
	v6 =	vand.u32 $0x7, v6;
	v0 =	vand.u32 $0xFFFFFFC0, v0  }
0x2d: {  	s13 =	sshrl.u32 s2, $0x1;
	v3 =	vand.u32 $0xFFFFFFC0, v3;
	v31 =	vor.u32 v1, v0;
	v0 =	vshll.u32 v9, $0x3  }
0x2e: {  	s2 =	ssub.s32 s2, s13;
	s13 =	sadd.s32 $0x780, s0;
	s21 =	sadd.s32 $0x800, s0;
	v32 =	vor.u32 v6, v3;
	v1 =	vand.u32 $0x7, v9;
	v0 =	vand.u32 $0xFFFFFFC0, v0  }
0x2f: {  	v3 =	vadd.s32 s13, v2;
	v6 =	vadd.s32 s21, v2;
	v34 =	vor.u32 v1, v0  }
0x30: {  	s15 =	sadd.s32 $0x2000, s24;
	[tilespmem:$0x1FEE0] =	vst v3;
	v0 =	vshll.u32 v3, $0x3;
	v1 =	vand.u32 $0x7, v3;
	v3 =	vshll.u32 v6, $0x3  }
0x31: {  	[dreg:$0x4] =	wrdreg s15;
	s15 =	sadd.s32 $0x880, s0;
	[tilespmem:$0x1FEF0] =	vst v6;
	v6 =	vand.u32 $0x7, v6;
	v0 =	vand.u32 $0xFFFFFFC0, v0;
	v3 =	vand.u32 $0xFFFFFFC0, v3  }
0x32: {  	s28 =	sadd.s32 $0x900, s0;
	[tilespmem:$0x1FED0] =	vst v9;
	v9 =	vadd.s32 s15, v2;
	v37 =	vor.u32 v1, v0;
	v38 =	vor.u32 v6, v3  }
0x33: {  	s29 =	sadd.s32 $0x980, s0;
	s17 =	sadd.s32 $0xA00, s0;
	v0 =	vshll.u32 v9, $0x3;
	v1 =	vand.u32 $0x7, v9;
	v3 =	vadd.s32 s28, v2  }
0x34: {  	s6 =	sadd.s32 $0x1000, s24;
	[tilespmem:$0x1FF00] =	vst v9;
	v6 =	vadd.s32 s29, v2;
	v9 =	vadd.s32 s17, v2;
	s28 =	sadd.s32 $0xC00, s0;
	v0 =	vand.u32 $0xFFFFFFC0, v0  }
0x35: {  	s16 =	sadd.s32 $0x3000, s24;
	[dreg:$0x3] =	wrdreg s6;
	v51 =	vadd.s32 s28, v2;
	v40 =	vor.u32 v1, v0;
	v0 =	vshll.u32 v3, $0x3  }
0x36: {  	s10 =	sadd.s32 $0x4000, s24;
	[dreg:$0x5] =	wrdreg s16;
	[tilespmem:$0x1FF10] =	vst v3;
	v1 =	vand.u32 $0x7, v3;
	v3 =	vshll.u32 v6, $0x3;
	v0 =	vand.u32 $0xFFFFFFC0, v0  }
0x37: {  	s20 =	sadd.s32 $0x7000, s24;
	s11 =	sadd.s32 $0x6000, s24;
	[dreg:$0x6] =	wrdreg s10;
	[tilespmem:$0x1FF20] =	vst v6;
	v6 =	vand.u32 $0x7, v6;
	v3 =	vand.u32 $0xFFFFFFC0, v3;
	v43 =	vor.u32 v1, v0  }
0x38: {  	[dreg:$0x9] =	wrdreg s20;
	s20 =	sadd.s32 $0xA80, s0;
	s21 =	sadd.s32 $0xB00, s0;
	v44 =	vor.u32 v6, v3;
	v0 =	vshll.u32 v9, $0x3;
	v1 =	vand.u32 $0x7, v9  }
0x39: {  	s22 =	sadd.s32 $0x9000, s24;
	[dreg:$0x8] =	wrdreg s11;
	v3 =	vadd.s32 s20, v2;
	v6 =	vadd.s32 s21, v2;
	s20 =	sadd.s32 $0xC80, s0;
	v0 =	vand.u32 $0xFFFFFFC0, v0  }
0x3a: {  	s26 =	sadd.s32 $0xC000, s24;
	[dreg:$0xb] =	wrdreg s22;
	v53 =	vadd.s32 s20, v2;
	v46 =	vor.u32 v1, v0;
	v0 =	vshll.u32 v3, $0x3  }
0x3b: {  	[dreg:$0xe] =	wrdreg s26;
	s16 =	sadd.s32 $0xD000, s24;
	[tilespmem:$0x1FF40] =	vst v3;
	v1 =	vand.u32 $0x7, v3;
	v3 =	vshll.u32 v6, $0x3;
	v0 =	vand.u32 $0xFFFFFFC0, v0  }
0x3c: {  	s22 =	sadd.s32 $0x13000, s24;
	[dreg:$0xf] =	wrdreg s16;
	[tilespmem:$0x1FF50] =	vst v6;
	v6 =	vand.u32 $0x7, v6;
	v49 =	vor.u32 v1, v0;
	v0 =	vshll.u32 v48, $0x3  }
0x3d: {  	s6 =	sadd.s32 $0x2C0, s0;
	s26 =	sadd.s32 $0x16000, s24;
	[dreg:$0x15] =	wrdreg s22;
	v3 =	vand.u32 $0xFFFFFFC0, v3;
	v1 =	vand.u32 $0x7, v48;
	v0 =	vand.u32 $0xFFFFFFC0, v0  }
0x3e: {  	s10 =	sadd.s32 $0x340, s0;
	[dreg:$0x18] =	wrdreg s26;
	s26 =	sadd.s32 $0x1B000, s24;
	v50 =	vor.u32 v6, v3;
	v52 =	vor.u32 v1, v0;
	v0 =	vshll.u32 v51, $0x3  }
0x3f: {  	s11 =	sadd.s32 $0x440, s0;
	s16 =	sadd.s32 $0x6C0, s0;
	[dreg:$0x1d] =	wrdreg s26;
	v3 =	vshll.u32 v53, $0x3;
	v1 =	vand.u32 $0x7, v51;
	v0 =	vand.u32 $0xFFFFFFC0, v0  }
0x40: {  	s19 =	sadd.s32 $0xA40, s0;
	s26 =	sadd.s32 $0xAC0, s0;
	s25 =	sadd.s32 $0x1F000, s24;
	v54 =	vor.u32 v1, v0;
	v0 =	vand.u32 $0x7, v53;
	v1 =	vand.u32 $0xFFFFFFC0, v3  }
0x41: {  	s30 =	sadd.s32 $0xF00, s0;
	[smem:$0x7FD] =	sst s25;
	v18 =	vadd.s32 s19, v2;
	s29 =	sadd.s32 $0x17000, s24;
	v55 =	vor.u32 v0, v1;
	v1 =	vshll.u32 v56, $0x3  }
0x42: {  	s25 =	sadd.s32 $0xF80, s0;
	v21 =	vadd.s32 s26, v2;
	[dreg:$0x19] =	wrdreg s29;
	s28 =	sadd.s32 $0x1C000, s24;
	v0 =	vand.u32 $0x7, v56;
	v1 =	vand.u32 $0xFFFFFFC0, v1  }
0x43: {  	v39 =	vadd.s32 s30, v2;
	[tilespmem:$0x1FF30] =	vst v9;
	s29 =	sadd.s32 $0x1D000, s24;
	[dreg:$0x1e] =	wrdreg s28;
	s28 =	sadd.s32 $0xE40, s0;
	v58 =	vor.u32 v0, v1;
	v0 =	vadd.s32 s6, v2  }
0x44: {  	s22 =	sadd.s32 $0x840, s0;
	v60 =	vadd.s32 s25, v2;
	[dreg:$0x1f] =	wrdreg s29;
	s29 =	sadd.s32 $0xEC0, s0;
	v35 =	vadd.s32 s28, v2;
	v1 =	vadd.s32 s16, v2;
	[tilespmem:$0x1FF60] =	vst v0  }
0x45: {  	s9 =	sadd.s32 $0x3C0, s0;
	s14 =	sadd.s32 $0x8000, s24;
	v36 =	vadd.s32 s29, v2;
	v9 =	vadd.s32 s22, v2;
	s20 =	sadd.s32 $0x8C0, s0;
	v0 =	vadd.s32 s10, v2;
	[tilespmem:$0x1FFE0] =	vst v1  }
0x46: {  	s31 =	sadd.s32 $0xE80, s0;
	[dreg:$0xa] =	wrdreg s14;
	s14 =	sadd.s32 $0x5C0, s0;
	v12 =	vadd.s32 s20, v2;
	v3 =	vshll.u32 v57, $0x3;
	[tilespmem:$0x1FF70] =	vst v0;
	v0 =	vadd.s32 s9, v2  }
0x47: {  	s12 =	sadd.s32 $0x4C0, s0;
	s18 =	sadd.s32 $0x10000, s24;
	s21 =	sadd.s32 $0x1A000, s24;
	v6 =	vand.u32 $0x7, v57;
	v3 =	vand.u32 $0xFFFFFFC0, v3;
	[tilespmem:$0x1FF80] =	vst v0;
	v0 =	vadd.s32 s11, v2  }
0x48: {  	s13 =	sadd.s32 $0x540, s0;
	[dreg:$0x1c] =	wrdreg s21;
	s21 =	sadd.s32 $0x940, s0;
	v59 =	vor.u32 v6, v3;
	v3 =	vshll.u32 v13, $0x3;
	[tilespmem:$0x1FF90] =	vst v0;
	v0 =	vadd.s32 s12, v2  }
0x49: {  	[dreg:$0x12] =	wrdreg s18;
	s17 =	sadd.s32 $0x740, s0;
	v15 =	vadd.s32 s21, v2;
	s6 =	sadd.s32 $0x9C0, s0;
	v10 =	vand.u32 $0xFFFFFFC0, v3;
	[tilespmem:$0x1FFA0] =	vst v0;
	v0 =	vadd.s32 s13, v2  }
0x4a: {  	s15 =	sadd.s32 $0x640, s0;
	v1 =	vadd.s32 s17, v2;
	v17 =	vadd.s32 s6, v2;
	s9 =	sadd.s32 $0xB40, s0;
	s11 =	sadd.s32 $0xBC0, s0;
	[tilespmem:$0x1FFB0] =	vst v0;
	v0 =	vadd.s32 s14, v2  }
0x4b: {  	s18 =	sadd.s32 $0x12000, s24;
	v23 =	vadd.s32 s9, v2;
	s12 =	sadd.s32 $0xC40, s0;
	v24 =	vadd.s32 s11, v2;
	s13 =	sadd.s32 $0xDC0, s0;
	[tilespmem:$0x1FFC0] =	vst v0;
	v0 =	vadd.s32 s15, v2  }
0x4c: {  	[dreg:$0x14] =	wrdreg s18;
	v27 =	vadd.s32 s12, v2;
	s14 =	sadd.s32 $0xCC0, s0;
	v33 =	vadd.s32 s13, v2;
	s15 =	sadd.s32 $0xD40, s0;
	[tilespmem:$0x1FFD0] =	vst v0;
	v0 =	vadd.s32 s31, v2  }
0x4d: {  	s18 =	sadd.s32 $0x7C0, s0;
	v29 =	vadd.s32 s14, v2;
	s31 =	sadd.s32 $0xF40, s0;
	s0 =	sadd.s32 $0xFC0, s0;
	v30 =	vadd.s32 s15, v2;
	v6 =	vshll.u32 v0, $0x3  }
0x4e: {  	v41 =	vadd.s32 s31, v2;
	v42 =	vadd.s32 s0, v2;
	v47 =	vand.u32 $0x7, v0  }
0x4f: {  	s23 =	sadd.s32 $0xA000, s24;
	v45 =	vand.u32 $0xFFFFFFC0, v6;
	v6 =	vadd.s32 s18, v2;
	v2 =	vand.u32 $0x7, v13  }
0x50: {  	s4 =	simm.s32 $0x1;
	[dreg:$0xc] =	wrdreg s23;
	v61 =	vor.u32 v2, v10;
	v62 =	vor.u32 v47, v45;
	v2 =	vshrl.u32 v4, $0x3  }
0x51: {  	s8 =	sadd.s32 $0x300, s1;
	s23 =	sadd.s32 $0x14000, s24;
	[smem:$0x7FC] =	sst s24;
	v63 =	vmul.u32 $0x8, v2;
	v2 =	vand.u32 $0x7, v4;
	v4 =	vor.u32 $0x8, v4  }
0x52: {  	s5 =	sadd.s32 $0x100, s1;
	[dreg:$0x16] =	wrdreg s23;
	s23 =	sadd.s32 $0x19000, s24;
	v10 =	vperm.xlane v7, v2;
	v47 =	vperm.xlane v7, v4;
	v7 =	vshll.u32 v39, $0x3  }
0x53: {  	s7 =	sadd.s32 $0x200, s1;
	[dreg:$0x1b] =	wrdreg s23;
	s23 =	sadd.s32 $0x1E000, s24;
	[tilespmem:$0x1FFF0] =	vst v1;
	v1 =	vshll.u32 v60, $0x3;
	v45 =	vand.u32 $0x7, v39;
	v7 =	vand.u32 $0xFFFFFFC0, v7  }
0x54: {  	[smem:$0x7FB] =	sst s23;
	s23 =	simm.s32 $0x100;
	s26 =	simm.s32 $0x8100;
	v1 =	vand.u32 $0xFFFFFFC0, v1;
	v45 =	vor.u32 v45, v7;
	v7 =	vand.u32 $0x7, v60  }
0x55: {  	s19 =	simm.s32 $0x2;
	s20 =	smax.u32 s2, $0x1;
	s18 =	simm.s32 $0x3;
	v10 =	vadd.s32 v63, v10;
	v47 =	vadd.s32 v63, v47;
	v7 =	vor.u32 v7, v1  }
.LBB2_1:
0x56: {  	v1 =	vld [tilespmem:$0x1FDA0];
	_ =	sdelay $0x4  }
0x57: {  	[tilespmem:$0x0] =	vst v1;
	v1 =	vld [tilespmem:$0x1FDB0];
	_ =	sdelay $0x4  }
0x58: {  	[tilespmem:$0x10] =	vst v1  }
0x59: {  	[tilespmem:s23], [sflag:$0x1] =	stream.indirect_vreg.gather [hbm4b:s1+s3], $0x80, v10, vm0, $0xb8;
	[tilespmem:$0x10100] =	vst v63  }
0x5a: {  	s0 =	simm.s32 $0x900  }
0x5b: {  	[tilespmem:s0], [sflag:$0x1] =	stream.indirect_vreg.gather [hbm4b:s5+s3], $0x80, v10, vm0, $0xb8;
	[tilespmem:$0x10100] =	vst v63  }
0x5c: {  	s6 =	simm.s32 $0x1100  }
0x5d: {  	[tilespmem:s6], [sflag:$0x1] =	stream.indirect_vreg.gather [hbm4b:s7+s3], $0x80, v10, vm0, $0xb8;
	[tilespmem:$0x10100] =	vst v63  }
0x5e: {  	s9 =	simm.s32 $0x1900  }
0x5f: {  	[tilespmem:s9], [sflag:$0x1] =	stream.indirect_vreg.gather [hbm4b:s8+s3], $0x80, v10, vm0, $0xb8;
	[tilespmem:$0x10100] =	vst v63  }
0x60: {  	s11 =	simm.s32 $0x2100  }
0x61: {  	[tilespmem:s11], [sflag:$0x1] =	stream.indirect_vreg.gather [hbm4b:s1+s3], $0x80, v47, vm0, $0xb8;
	[tilespmem:$0x10100] =	vst v63  }
0x62: {  	s12 =	simm.s32 $0x2900  }
0x63: {  	[tilespmem:s12], [sflag:$0x1] =	stream.indirect_vreg.gather [hbm4b:s5+s3], $0x80, v47, vm0, $0xb8;
	[tilespmem:$0x10100] =	vst v63  }
0x64: {  	s13 =	simm.s32 $0x3100  }
0x65: {  	[tilespmem:s13], [sflag:$0x1] =	stream.indirect_vreg.gather [hbm4b:s7+s3], $0x80, v47, vm0, $0xb8;
	[tilespmem:$0x10100] =	vst v63  }
0x66: {  	s14 =	simm.s32 $0x3900  }
0x67: {  	[tilespmem:s14], [sflag:$0x1] =	stream.indirect_vreg.gather [hbm4b:s8+s3], $0x80, v47, vm0, $0xb8;
	[tilespmem:$0x10100] =	vst v63  }
0x68: {  	v1 =	vld [tilespmem:$0x10];
	_ =	sdelay $0x4  }
0x69: {  	v3 =	vshll.u32 v1, $0x3  }
0x6a: {  	v1 =	vand.u32 $0x7, v1;
	v3 =	vand.u32 $0xFFFFFFC0, v3  }
0x6b: {  	v1 =	vor.u32 v1, v3  }
0x6c: {  	v3 =	vperm.xlane v1, v2;
	_ =	sdelay $0x1  }
0x6d: {  	v3 =	vadd.s32 v63, v3;
	_ =	sdelay $0x3  }
0x6e: {  	s15 =	simm.s32 $0x4100  }
0x6f: {  	[tilespmem:s15], [sflag:$0x1] =	stream.indirect_vreg.gather [hbm4b:s1+s3], $0x80, v3, vm0, $0xb8;
	[tilespmem:$0x10100] =	vst v63  }
0x70: {  	s16 =	simm.s32 $0x4900;
	v1 =	vperm.xlane v1, v4  }
0x71: {  	[tilespmem:s16], [sflag:$0x1] =	stream.indirect_vreg.gather [hbm4b:s5+s3], $0x80, v3, vm0, $0xb8;
	[tilespmem:$0x10100] =	vst v63  }
0x72: {  	s17 =	simm.s32 $0x5100;
	v1 =	vadd.s32 v63, v1  }
0x73: {  	[tilespmem:s17], [sflag:$0x1] =	stream.indirect_vreg.gather [hbm4b:s7+s3], $0x80, v3, vm0, $0xb8;
	[tilespmem:$0x10100] =	vst v63  }
0x74: {  	[smem:$0x7FA] =	sst s20;
	s20 =	simm.s32 $0x5900  }
0x75: {  	[tilespmem:s20], [sflag:$0x1] =	stream.indirect_vreg.gather [hbm4b:s8+s3], $0x80, v3, vm0, $0xb8;
	[tilespmem:$0x10100] =	vst v63  }
0x76: {  	s21 =	simm.s32 $0x6100  }
0x77: {  	[tilespmem:s21], [sflag:$0x1] =	stream.indirect_vreg.gather [hbm4b:s1+s3], $0x80, v1, vm0, $0xb8;
	[tilespmem:$0x10100] =	vst v63  }
0x78: {  	s22 =	simm.s32 $0x6900  }
0x79: {  	[tilespmem:s22], [sflag:$0x1] =	stream.indirect_vreg.gather [hbm4b:s5+s3], $0x80, v1, vm0, $0xb8;
	[tilespmem:$0x10100] =	vst v63  }
0x7a: {  	s24 =	simm.s32 $0x7100  }
0x7b: {  	[tilespmem:s24], [sflag:$0x1] =	stream.indirect_vreg.gather [hbm4b:s7+s3], $0x80, v1, vm0, $0xb8;
	[tilespmem:$0x10100] =	vst v63  }
0x7c: {  	s25 =	simm.s32 $0x7900  }
0x7d: {  	[tilespmem:s25], [sflag:$0x1] =	stream.indirect_vreg.gather [hbm4b:s8+s3], $0x80, v1, vm0, $0xb8;
	v1 =	vld [tilespmem:$0x1FDC0]  }
0x7e: {  	_ =	sdelay $0x2  }
0x7f: {  	v3 =	vperm.xlane v5, v2  }
0x80: {  	[tilespmem:$0x80] =	vst v1;
	v1 =	vld [tilespmem:$0x1FDD0]  }
0x81: {  	v3 =	vadd.s32 v63, v3;
	_ =	sdelay $0x3  }
0x82: {  	[tilespmem:$0x90] =	vst v1  }
0x83: {  	[tilespmem:s26], [sflag:$0x2] =	stream.indirect_vreg.gather [hbm4b:s1+s3], $0x80, v3, vm0, $0xb8;
	[tilespmem:$0x10100] =	vst v63  }
0x84: {  	s28 =	simm.s32 $0x8900;
	v1 =	vperm.xlane v5, v4  }
0x85: {  	[tilespmem:s28], [sflag:$0x2] =	stream.indirect_vreg.gather [hbm4b:s5+s3], $0x80, v3, vm0, $0xb8;
	[tilespmem:$0x10100] =	vst v63  }
0x86: {  	s29 =	simm.s32 $0x9100;
	v1 =	vadd.s32 v63, v1  }
0x87: {  	[tilespmem:s29], [sflag:$0x2] =	stream.indirect_vreg.gather [hbm4b:s7+s3], $0x80, v3, vm0, $0xb8;
	[tilespmem:$0x10100] =	vst v63  }
0x88: {  	s30 =	simm.s32 $0x9900  }
0x89: {  	[tilespmem:s30], [sflag:$0x2] =	stream.indirect_vreg.gather [hbm4b:s8+s3], $0x80, v3, vm0, $0xb8;
	[tilespmem:$0x10100] =	vst v63  }
0x8a: {  	s31 =	simm.s32 $0xA100  }
0x8b: {  	[tilespmem:s31], [sflag:$0x2] =	stream.indirect_vreg.gather [hbm4b:s1+s3], $0x80, v1, vm0, $0xb8;
	[tilespmem:$0x10100] =	vst v63  }
0x8c: {  	s13 =	simm.s32 $0xA900  }
0x8d: {  	[tilespmem:s13], [sflag:$0x2] =	stream.indirect_vreg.gather [hbm4b:s5+s3], $0x80, v1, vm0, $0xb8;
	[tilespmem:$0x10100] =	vst v63  }
0x8e: {  	s16 =	simm.s32 $0xB100  }
0x8f: {  	[tilespmem:s16], [sflag:$0x2] =	stream.indirect_vreg.gather [hbm4b:s7+s3], $0x80, v1, vm0, $0xb8;
	[tilespmem:$0x10100] =	vst v63  }
0x90: {  	s17 =	simm.s32 $0xB900  }
0x91: {  	[tilespmem:s17], [sflag:$0x2] =	stream.indirect_vreg.gather [hbm4b:s8+s3], $0x80, v1, vm0, $0xb8;
	[tilespmem:$0x10100] =	vst v63  }
0x92: {  	v1 =	vld [tilespmem:$0x90];
	_ =	sdelay $0x4  }
0x93: {  	v3 =	vshll.u32 v1, $0x3  }
0x94: {  	v1 =	vand.u32 $0x7, v1;
	v3 =	vand.u32 $0xFFFFFFC0, v3  }
0x95: {  	v1 =	vor.u32 v1, v3  }
0x96: {  	v3 =	vperm.xlane v1, v2;
	_ =	sdelay $0x1  }
0x97: {  	v3 =	vadd.s32 v63, v3;
	_ =	sdelay $0x3  }
0x98: {  	s21 =	simm.s32 $0xC100  }
0x99: {  	[tilespmem:s21], [sflag:$0x2] =	stream.indirect_vreg.gather [hbm4b:s1+s3], $0x80, v3, vm0, $0xb8;
	[tilespmem:$0x10100] =	vst v63  }
0x9a: {  	s25 =	simm.s32 $0xC900;
	v1 =	vperm.xlane v1, v4  }
0x9b: {  	[tilespmem:s25], [sflag:$0x2] =	stream.indirect_vreg.gather [hbm4b:s5+s3], $0x80, v3, vm0, $0xb8;
	[tilespmem:$0x10100] =	vst v63  }
0x9c: {  	s29 =	simm.s32 $0xD100;
	v1 =	vadd.s32 v63, v1  }
0x9d: {  	[tilespmem:s29], [sflag:$0x2] =	stream.indirect_vreg.gather [hbm4b:s7+s3], $0x80, v3, vm0, $0xb8;
	[tilespmem:$0x10100] =	vst v63  }
0x9e: {  	s30 =	simm.s32 $0xD900  }
0x9f: {  	[tilespmem:s30], [sflag:$0x2] =	stream.indirect_vreg.gather [hbm4b:s8+s3], $0x80, v3, vm0, $0xb8;
	[tilespmem:$0x10100] =	vst v63  }
0xa0: {  	s31 =	simm.s32 $0xE100  }
0xa1: {  	[tilespmem:s31], [sflag:$0x2] =	stream.indirect_vreg.gather [hbm4b:s1+s3], $0x80, v1, vm0, $0xb8;
	[tilespmem:$0x10100] =	vst v63  }
0xa2: {  	s0 =	simm.s32 $0xE900  }
0xa3: {  	[tilespmem:s0], [sflag:$0x2] =	stream.indirect_vreg.gather [hbm4b:s5+s3], $0x80, v1, vm0, $0xb8;
	[tilespmem:$0x10100] =	vst v63  }
0xa4: {  	s13 =	simm.s32 $0xF100  }
0xa5: {  	[tilespmem:s13], [sflag:$0x2] =	stream.indirect_vreg.gather [hbm4b:s7+s3], $0x80, v1, vm0, $0xb8;
	[tilespmem:$0x10100] =	vst v63  }
0xa6: {  	s21 =	simm.s32 $0xF900  }
0xa7: {  	[tilespmem:s21], [sflag:$0x2] =	stream.indirect_vreg.gather [hbm4b:s8+s3], $0x80, v1, vm0, $0xb8;
	[tilespmem:$0x10100] =	vst v63  }
0xa8: {  	_ =	swait.ge [sflag:s4], $0x8000  }
0xa9: {  	s0 =	sld [smem:$0x7FC]  }
0xaa: {  	[sflag:s4] =	ssyncset.done $0x0  }
0xab: {  	[sflag:s4] =	ssyncadd.s32 $0xFFFF8000  }
0xac: {  	[hbm4b:s0+s3] =	stream.linear.scatter [tilespmem:s23], [sflag:$0x3], $0x8000, $0x38;
	[tilespmem:$0x10100] =	vst v63  }
0xad: {  	_ =	swait.ge [sflag:s18], $0x8000  }
0xae: {  	v3 =	vld [tilespmem:$0x1FDE0];
	_ =	sdelay $0x2  }
0xaf: {  	[sflag:s18] =	ssyncset.done $0x0  }
0xb0: {  	v1 =	vperm.xlane v8, v2;
	[sflag:s18] =	ssyncadd.s32 $0xFFFF8000  }
0xb1: {  	[tilespmem:$0x0] =	vst v3;
	v3 =	vld [tilespmem:$0x1FDF0]  }
0xb2: {  	v1 =	vadd.s32 v63, v1;
	_ =	sdelay $0x3  }
0xb3: {  	[tilespmem:$0x10] =	vst v3  }
0xb4: {  	[tilespmem:s23], [sflag:$0x1] =	stream.indirect_vreg.gather [hbm4b:s1+s3], $0x80, v1, vm0, $0xb8;
	[tilespmem:$0x10100] =	vst v63  }
0xb5: {  	s10 =	simm.s32 $0x900;
	v3 =	vperm.xlane v8, v4  }
0xb6: {  	[tilespmem:s10], [sflag:$0x1] =	stream.indirect_vreg.gather [hbm4b:s5+s3], $0x80, v1, vm0, $0xb8;
	[tilespmem:$0x10100] =	vst v63  }
0xb7: {  	s6 =	simm.s32 $0x1100;
	v3 =	vadd.s32 v63, v3  }
0xb8: {  	[tilespmem:s6], [sflag:$0x1] =	stream.indirect_vreg.gather [hbm4b:s7+s3], $0x80, v1, vm0, $0xb8;
	[tilespmem:$0x10100] =	vst v63  }
0xb9: {  	s2 =	simm.s32 $0x1900  }
0xba: {  	[tilespmem:s2], [sflag:$0x1] =	stream.indirect_vreg.gather [hbm4b:s8+s3], $0x80, v1, vm0, $0xb8;
	[tilespmem:$0x10100] =	vst v63  }
0xbb: {  	s9 =	simm.s32 $0x2100  }
0xbc: {  	[tilespmem:s9], [sflag:$0x1] =	stream.indirect_vreg.gather [hbm4b:s1+s3], $0x80, v3, vm0, $0xb8;
	[tilespmem:$0x10100] =	vst v63  }
0xbd: {  	s11 =	simm.s32 $0x2900  }
0xbe: {  	[tilespmem:s11], [sflag:$0x1] =	stream.indirect_vreg.gather [hbm4b:s5+s3], $0x80, v3, vm0, $0xb8;
	[tilespmem:$0x10100] =	vst v63  }
0xbf: {  	s12 =	simm.s32 $0x3100  }
0xc0: {  	[tilespmem:s12], [sflag:$0x1] =	stream.indirect_vreg.gather [hbm4b:s7+s3], $0x80, v3, vm0, $0xb8;
	[tilespmem:$0x10100] =	vst v63  }
0xc1: {  	s11 =	simm.s32 $0x3900  }
0xc2: {  	[tilespmem:s11], [sflag:$0x1] =	stream.indirect_vreg.gather [hbm4b:s8+s3], $0x80, v3, vm0, $0xb8;
	[tilespmem:$0x10100] =	vst v63  }
0xc3: {  	v1 =	vld [tilespmem:$0x10];
	_ =	sdelay $0x4  }
0xc4: {  	v3 =	vshll.u32 v1, $0x3  }
0xc5: {  	v1 =	vand.u32 $0x7, v1;
	v3 =	vand.u32 $0xFFFFFFC0, v3  }
0xc6: {  	v1 =	vor.u32 v1, v3  }
0xc7: {  	v3 =	vperm.xlane v1, v2;
	_ =	sdelay $0x1  }
0xc8: {  	v3 =	vadd.s32 v63, v3;
	_ =	sdelay $0x3  }
0xc9: {  	s10 =	simm.s32 $0x4100  }
0xca: {  	[tilespmem:s10], [sflag:$0x1] =	stream.indirect_vreg.gather [hbm4b:s1+s3], $0x80, v3, vm0, $0xb8;
	[tilespmem:$0x10100] =	vst v63  }
0xcb: {  	s13 =	simm.s32 $0x4900;
	v1 =	vperm.xlane v1, v4  }
0xcc: {  	[tilespmem:s13], [sflag:$0x1] =	stream.indirect_vreg.gather [hbm4b:s5+s3], $0x80, v3, vm0, $0xb8;
	[tilespmem:$0x10100] =	vst v63  }
0xcd: {  	s15 =	simm.s32 $0x5100;
	v1 =	vadd.s32 v63, v1  }
0xce: {  	[tilespmem:s15], [sflag:$0x1] =	stream.indirect_vreg.gather [hbm4b:s7+s3], $0x80, v3, vm0, $0xb8;
	[tilespmem:$0x10100] =	vst v63  }
0xcf: {  	s14 =	simm.s32 $0x5900  }
0xd0: {  	[tilespmem:s14], [sflag:$0x1] =	stream.indirect_vreg.gather [hbm4b:s8+s3], $0x80, v3, vm0, $0xb8;
	[tilespmem:$0x10100] =	vst v63  }
0xd1: {  	s12 =	simm.s32 $0x6100  }
0xd2: {  	[tilespmem:s12], [sflag:$0x1] =	stream.indirect_vreg.gather [hbm4b:s1+s3], $0x80, v1, vm0, $0xb8;
	[tilespmem:$0x10100] =	vst v63  }
0xd3: {  	s9 =	simm.s32 $0x6900  }
0xd4: {  	[tilespmem:s9], [sflag:$0x1] =	stream.indirect_vreg.gather [hbm4b:s5+s3], $0x80, v1, vm0, $0xb8;
	[tilespmem:$0x10100] =	vst v63  }
0xd5: {  	s14 =	simm.s32 $0x7100  }
0xd6: {  	[tilespmem:s14], [sflag:$0x1] =	stream.indirect_vreg.gather [hbm4b:s7+s3], $0x80, v1, vm0, $0xb8;
	[tilespmem:$0x10100] =	vst v63  }
0xd7: {  	s15 =	simm.s32 $0x7900  }
0xd8: {  	[tilespmem:s15], [sflag:$0x1] =	stream.indirect_vreg.gather [hbm4b:s8+s3], $0x80, v1, vm0, $0xb8;
	[tilespmem:$0x10100] =	vst v63  }
0xd9: {  	_ =	swait.ge [sflag:s19], $0x8000  }
0xda: {  	[sflag:s19] =	ssyncset.done $0x0  }
0xdb: {  	s6 =	rddreg [dreg:$0x3];
	[sflag:s19] =	ssyncadd.s32 $0xFFFF8000  }
0xdc: {  	[hbm4b:s6+s3] =	stream.linear.scatter [tilespmem:s26], [sflag:$0x3], $0x8000, $0x38;
	[tilespmem:$0x10100] =	vst v63  }
0xdd: {  	_ =	swait.ge [sflag:s18], $0x8000  }
0xde: {  	v3 =	vld [tilespmem:$0x1FE00];
	_ =	sdelay $0x2  }
0xdf: {  	[sflag:s18] =	ssyncset.done $0x0  }
0xe0: {  	v1 =	vperm.xlane v11, v2;
	[sflag:s18] =	ssyncadd.s32 $0xFFFF8000  }
0xe1: {  	[tilespmem:$0x80] =	vst v3;
	v3 =	vld [tilespmem:$0x1FE10]  }
0xe2: {  	v1 =	vadd.s32 v63, v1;
	_ =	sdelay $0x3  }
0xe3: {  	[tilespmem:$0x90] =	vst v3  }
0xe4: {  	[tilespmem:s26], [sflag:$0x2] =	stream.indirect_vreg.gather [hbm4b:s1+s3], $0x80, v1, vm0, $0xb8;
	[tilespmem:$0x10100] =	vst v63  }
0xe5: {  	s22 =	simm.s32 $0x8900;
	v3 =	vperm.xlane v11, v4  }
0xe6: {  	[tilespmem:s22], [sflag:$0x2] =	stream.indirect_vreg.gather [hbm4b:s5+s3], $0x80, v1, vm0, $0xb8;
	[tilespmem:$0x10100] =	vst v63  }
0xe7: {  	s0 =	simm.s32 $0x9100;
	v3 =	vadd.s32 v63, v3  }
0xe8: {  	[tilespmem:s0], [sflag:$0x2] =	stream.indirect_vreg.gather [hbm4b:s7+s3], $0x80, v1, vm0, $0xb8;
	[tilespmem:$0x10100] =	vst v63  }
0xe9: {  	s2 =	simm.s32 $0x9900  }
0xea: {  	[tilespmem:s2], [sflag:$0x2] =	stream.indirect_vreg.gather [hbm4b:s8+s3], $0x80, v1, vm0, $0xb8;
	[tilespmem:$0x10100] =	vst v63  }
0xeb: {  	s6 =	simm.s32 $0xA100  }
0xec: {  	[tilespmem:s6], [sflag:$0x2] =	stream.indirect_vreg.gather [hbm4b:s1+s3], $0x80, v3, vm0, $0xb8;
	[tilespmem:$0x10100] =	vst v63  }
0xed: {  	s28 =	simm.s32 $0xA900  }
0xee: {  	[tilespmem:s28], [sflag:$0x2] =	stream.indirect_vreg.gather [hbm4b:s5+s3], $0x80, v3, vm0, $0xb8;
	[tilespmem:$0x10100] =	vst v63  }
0xef: {  	s22 =	simm.s32 $0xB100  }
0xf0: {  	[tilespmem:s22], [sflag:$0x2] =	stream.indirect_vreg.gather [hbm4b:s7+s3], $0x80, v3, vm0, $0xb8;
	[tilespmem:$0x10100] =	vst v63  }
0xf1: {  	s24 =	simm.s32 $0xB900  }
0xf2: {  	[tilespmem:s24], [sflag:$0x2] =	stream.indirect_vreg.gather [hbm4b:s8+s3], $0x80, v3, vm0, $0xb8;
	[tilespmem:$0x10100] =	vst v63  }
0xf3: {  	v1 =	vld [tilespmem:$0x90];
	_ =	sdelay $0x4  }
0xf4: {  	v3 =	vshll.u32 v1, $0x3  }
0xf5: {  	v1 =	vand.u32 $0x7, v1;
	v3 =	vand.u32 $0xFFFFFFC0, v3  }
0xf6: {  	v1 =	vor.u32 v1, v3  }
0xf7: {  	v3 =	vperm.xlane v1, v2;
	_ =	sdelay $0x1  }
0xf8: {  	v3 =	vadd.s32 v63, v3;
	_ =	sdelay $0x3  }
0xf9: {  	s16 =	simm.s32 $0xC100  }
0xfa: {  	[tilespmem:s16], [sflag:$0x2] =	stream.indirect_vreg.gather [hbm4b:s1+s3], $0x80, v3, vm0, $0xb8;
	[tilespmem:$0x10100] =	vst v63  }
0xfb: {  	s17 =	simm.s32 $0xC900;
	v1 =	vperm.xlane v1, v4  }
0xfc: {  	[tilespmem:s17], [sflag:$0x2] =	stream.indirect_vreg.gather [hbm4b:s5+s3], $0x80, v3, vm0, $0xb8;
	[tilespmem:$0x10100] =	vst v63  }
0xfd: {  	s24 =	simm.s32 $0xD100;
	v1 =	vadd.s32 v63, v1  }
0xfe: {  	[tilespmem:s24], [sflag:$0x2] =	stream.indirect_vreg.gather [hbm4b:s7+s3], $0x80, v3, vm0, $0xb8;
	[tilespmem:$0x10100] =	vst v63  }
0xff: {  	s25 =	simm.s32 $0xD900  }
0x100: {  	[tilespmem:s25], [sflag:$0x2] =	stream.indirect_vreg.gather [hbm4b:s8+s3], $0x80, v3, vm0, $0xb8;
	[tilespmem:$0x10100] =	vst v63  }
0x101: {  	s29 =	simm.s32 $0xE100  }
0x102: {  	[tilespmem:s29], [sflag:$0x2] =	stream.indirect_vreg.gather [hbm4b:s1+s3], $0x80, v1, vm0, $0xb8;
	[tilespmem:$0x10100] =	vst v63  }
0x103: {  	s30 =	simm.s32 $0xE900  }
0x104: {  	[tilespmem:s30], [sflag:$0x2] =	stream.indirect_vreg.gather [hbm4b:s5+s3], $0x80, v1, vm0, $0xb8;
	[tilespmem:$0x10100] =	vst v63  }
0x105: {  	s31 =	simm.s32 $0xF100  }
0x106: {  	[tilespmem:s31], [sflag:$0x2] =	stream.indirect_vreg.gather [hbm4b:s7+s3], $0x80, v1, vm0, $0xb8;
	[tilespmem:$0x10100] =	vst v63  }
0x107: {  	s21 =	simm.s32 $0xF900  }
0x108: {  	[tilespmem:s21], [sflag:$0x2] =	stream.indirect_vreg.gather [hbm4b:s8+s3], $0x80, v1, vm0, $0xb8;
	[tilespmem:$0x10100] =	vst v63  }
0x109: {  	_ =	swait.ge [sflag:s4], $0x8000  }
0x10a: {  	[sflag:s4] =	ssyncset.done $0x0  }
0x10b: {  	s31 =	rddreg [dreg:$0x4];
	[sflag:s4] =	ssyncadd.s32 $0xFFFF8000  }
0x10c: {  	[hbm4b:s31+s3] =	stream.linear.scatter [tilespmem:s23], [sflag:$0x3], $0x8000, $0x38;
	[tilespmem:$0x10100] =	vst v63  }
0x10d: {  	_ =	swait.ge [sflag:s18], $0x8000  }
0x10e: {  	v3 =	vld [tilespmem:$0x1FE20];
	_ =	sdelay $0x2  }
0x10f: {  	[sflag:s18] =	ssyncset.done $0x0  }
0x110: {  	v1 =	vperm.xlane v14, v2;
	[sflag:s18] =	ssyncadd.s32 $0xFFFF8000  }
0x111: {  	[tilespmem:$0x0] =	vst v3;
	v3 =	vld [tilespmem:$0x1FE30]  }
0x112: {  	v1 =	vadd.s32 v63, v1;
	_ =	sdelay $0x3  }
0x113: {  	[tilespmem:$0x10] =	vst v3  }
0x114: {  	[tilespmem:s23], [sflag:$0x1] =	stream.indirect_vreg.gather [hbm4b:s1+s3], $0x80, v1, vm0, $0xb8;
	[tilespmem:$0x10100] =	vst v63  }
0x115: {  	s30 =	simm.s32 $0x900;
	v3 =	vperm.xlane v14, v4  }
0x116: {  	[tilespmem:s30], [sflag:$0x1] =	stream.indirect_vreg.gather [hbm4b:s5+s3], $0x80, v1, vm0, $0xb8;
	[tilespmem:$0x10100] =	vst v63  }
0x117: {  	s31 =	simm.s32 $0x1100;
	v3 =	vadd.s32 v63, v3  }
0x118: {  	[tilespmem:s31], [sflag:$0x1] =	stream.indirect_vreg.gather [hbm4b:s7+s3], $0x80, v1, vm0, $0xb8;
	[tilespmem:$0x10100] =	vst v63  }
0x119: {  	s30 =	simm.s32 $0x1900  }
0x11a: {  	[tilespmem:s30], [sflag:$0x1] =	stream.indirect_vreg.gather [hbm4b:s8+s3], $0x80, v1, vm0, $0xb8;
	[tilespmem:$0x10100] =	vst v63  }
0x11b: {  	s31 =	simm.s32 $0x2100  }
0x11c: {  	[tilespmem:s31], [sflag:$0x1] =	stream.indirect_vreg.gather [hbm4b:s1+s3], $0x80, v3, vm0, $0xb8;
	[tilespmem:$0x10100] =	vst v63  }
0x11d: {  	s30 =	simm.s32 $0x2900  }
0x11e: {  	[tilespmem:s30], [sflag:$0x1] =	stream.indirect_vreg.gather [hbm4b:s5+s3], $0x80, v3, vm0, $0xb8;
	[tilespmem:$0x10100] =	vst v63  }
0x11f: {  	s31 =	simm.s32 $0x3100  }
0x120: {  	[tilespmem:s31], [sflag:$0x1] =	stream.indirect_vreg.gather [hbm4b:s7+s3], $0x80, v3, vm0, $0xb8;
	[tilespmem:$0x10100] =	vst v63  }
0x121: {  	_ = 	snop  }
0x122: {  	[tilespmem:s11], [sflag:$0x1] =	stream.indirect_vreg.gather [hbm4b:s8+s3], $0x80, v3, vm0, $0xb8;
	[tilespmem:$0x10100] =	vst v63  }
0x123: {  	v1 =	vld [tilespmem:$0x10];
	_ =	sdelay $0x4  }
0x124: {  	v3 =	vshll.u32 v1, $0x3  }
0x125: {  	v1 =	vand.u32 $0x7, v1;
	v3 =	vand.u32 $0xFFFFFFC0, v3  }
0x126: {  	v1 =	vor.u32 v1, v3  }
0x127: {  	v3 =	vperm.xlane v1, v2;
	_ =	sdelay $0x1  }
0x128: {  	v3 =	vadd.s32 v63, v3;
	_ =	sdelay $0x4  }
0x129: {  	[tilespmem:s10], [sflag:$0x1] =	stream.indirect_vreg.gather [hbm4b:s1+s3], $0x80, v3, vm0, $0xb8;
	[tilespmem:$0x10100] =	vst v63  }
0x12a: {  	v1 =	vperm.xlane v1, v4  }
0x12b: {  	[tilespmem:s13], [sflag:$0x1] =	stream.indirect_vreg.gather [hbm4b:s5+s3], $0x80, v3, vm0, $0xb8;
	[tilespmem:$0x10100] =	vst v63  }
0x12c: {  	s30 =	simm.s32 $0x5100;
	v1 =	vadd.s32 v63, v1  }
0x12d: {  	[tilespmem:s30], [sflag:$0x1] =	stream.indirect_vreg.gather [hbm4b:s7+s3], $0x80, v3, vm0, $0xb8;
	[tilespmem:$0x10100] =	vst v63  }
0x12e: {  	s31 =	simm.s32 $0x5900  }
0x12f: {  	[tilespmem:s31], [sflag:$0x1] =	stream.indirect_vreg.gather [hbm4b:s8+s3], $0x80, v3, vm0, $0xb8;
	[tilespmem:$0x10100] =	vst v63  }
0x130: {  	_ = 	snop  }
0x131: {  	[tilespmem:s12], [sflag:$0x1] =	stream.indirect_vreg.gather [hbm4b:s1+s3], $0x80, v1, vm0, $0xb8;
	[tilespmem:$0x10100] =	vst v63  }
0x132: {  	_ = 	snop  }
0x133: {  	[tilespmem:s9], [sflag:$0x1] =	stream.indirect_vreg.gather [hbm4b:s5+s3], $0x80, v1, vm0, $0xb8;
	[tilespmem:$0x10100] =	vst v63  }
0x134: {  	_ = 	snop  }
0x135: {  	[tilespmem:s14], [sflag:$0x1] =	stream.indirect_vreg.gather [hbm4b:s7+s3], $0x80, v1, vm0, $0xb8;
	[tilespmem:$0x10100] =	vst v63  }
0x136: {  	_ = 	snop  }
0x137: {  	[tilespmem:s15], [sflag:$0x1] =	stream.indirect_vreg.gather [hbm4b:s8+s3], $0x80, v1, vm0, $0xb8;
	[tilespmem:$0x10100] =	vst v63  }
0x138: {  	_ =	swait.ge [sflag:s19], $0x8000  }
0x139: {  	[sflag:s19] =	ssyncset.done $0x0  }
0x13a: {  	s15 =	rddreg [dreg:$0x5];
	[sflag:s19] =	ssyncadd.s32 $0xFFFF8000  }
0x13b: {  	[hbm4b:s15+s3] =	stream.linear.scatter [tilespmem:s26], [sflag:$0x3], $0x8000, $0x38;
	[tilespmem:$0x10100] =	vst v63  }
0x13c: {  	_ =	swait.ge [sflag:s18], $0x8000  }
0x13d: {  	v3 =	vld [tilespmem:$0x1FE40];
	_ =	sdelay $0x2  }
0x13e: {  	[sflag:s18] =	ssyncset.done $0x0  }
0x13f: {  	v1 =	vperm.xlane v16, v2;
	[sflag:s18] =	ssyncadd.s32 $0xFFFF8000  }
0x140: {  	[tilespmem:$0x80] =	vst v3;
	v3 =	vld [tilespmem:$0x1FF60]  }
0x141: {  	v1 =	vadd.s32 v63, v1;
	_ =	sdelay $0x3  }
0x142: {  	[tilespmem:$0x90] =	vst v3  }
0x143: {  	[tilespmem:s26], [sflag:$0x2] =	stream.indirect_vreg.gather [hbm4b:s1+s3], $0x80, v1, vm0, $0xb8;
	[tilespmem:$0x10100] =	vst v63  }
0x144: {  	s20 =	simm.s32 $0x8900;
	v3 =	vperm.xlane v16, v4  }
0x145: {  	[tilespmem:s20], [sflag:$0x2] =	stream.indirect_vreg.gather [hbm4b:s5+s3], $0x80, v1, vm0, $0xb8;
	[tilespmem:$0x10100] =	vst v63  }
0x146: {  	v3 =	vadd.s32 v63, v3  }
0x147: {  	[tilespmem:s0], [sflag:$0x2] =	stream.indirect_vreg.gather [hbm4b:s7+s3], $0x80, v1, vm0, $0xb8;
	[tilespmem:$0x10100] =	vst v63  }
0x148: {  	_ = 	snop  }
0x149: {  	[tilespmem:s2], [sflag:$0x2] =	stream.indirect_vreg.gather [hbm4b:s8+s3], $0x80, v1, vm0, $0xb8;
	[tilespmem:$0x10100] =	vst v63  }
0x14a: {  	_ = 	snop  }
0x14b: {  	[tilespmem:s6], [sflag:$0x2] =	stream.indirect_vreg.gather [hbm4b:s1+s3], $0x80, v3, vm0, $0xb8;
	[tilespmem:$0x10100] =	vst v63  }
0x14c: {  	s28 =	simm.s32 $0xA900  }
0x14d: {  	[tilespmem:s28], [sflag:$0x2] =	stream.indirect_vreg.gather [hbm4b:s5+s3], $0x80, v3, vm0, $0xb8;
	[tilespmem:$0x10100] =	vst v63  }
0x14e: {  	s22 =	simm.s32 $0xB100  }
0x14f: {  	[tilespmem:s22], [sflag:$0x2] =	stream.indirect_vreg.gather [hbm4b:s7+s3], $0x80, v3, vm0, $0xb8;
	[tilespmem:$0x10100] =	vst v63  }
0x150: {  	s28 =	simm.s32 $0xB900  }
0x151: {  	[tilespmem:s28], [sflag:$0x2] =	stream.indirect_vreg.gather [hbm4b:s8+s3], $0x80, v3, vm0, $0xb8;
	[tilespmem:$0x10100] =	vst v63  }
0x152: {  	v1 =	vld [tilespmem:$0x90];
	_ =	sdelay $0x4  }
0x153: {  	v3 =	vshll.u32 v1, $0x3  }
0x154: {  	v1 =	vand.u32 $0x7, v1;
	v3 =	vand.u32 $0xFFFFFFC0, v3  }
0x155: {  	v1 =	vor.u32 v1, v3  }
0x156: {  	v3 =	vperm.xlane v1, v2;
	_ =	sdelay $0x1  }
0x157: {  	v3 =	vadd.s32 v63, v3;
	_ =	sdelay $0x3  }
0x158: {  	s20 =	simm.s32 $0xC100  }
0x159: {  	[tilespmem:s20], [sflag:$0x2] =	stream.indirect_vreg.gather [hbm4b:s1+s3], $0x80, v3, vm0, $0xb8;
	[tilespmem:$0x10100] =	vst v63  }
0x15a: {  	s22 =	simm.s32 $0xC900;
	v1 =	vperm.xlane v1, v4  }
0x15b: {  	[tilespmem:s22], [sflag:$0x2] =	stream.indirect_vreg.gather [hbm4b:s5+s3], $0x80, v3, vm0, $0xb8;
	[tilespmem:$0x10100] =	vst v63  }
0x15c: {  	s24 =	simm.s32 $0xD100;
	v1 =	vadd.s32 v63, v1  }
0x15d: {  	[tilespmem:s24], [sflag:$0x2] =	stream.indirect_vreg.gather [hbm4b:s7+s3], $0x80, v3, vm0, $0xb8;
	[tilespmem:$0x10100] =	vst v63  }
0x15e: {  	s16 =	simm.s32 $0xD900  }
0x15f: {  	[tilespmem:s16], [sflag:$0x2] =	stream.indirect_vreg.gather [hbm4b:s8+s3], $0x80, v3, vm0, $0xb8;
	[tilespmem:$0x10100] =	vst v63  }
0x160: {  	s17 =	simm.s32 $0xE100  }
0x161: {  	[tilespmem:s17], [sflag:$0x2] =	stream.indirect_vreg.gather [hbm4b:s1+s3], $0x80, v1, vm0, $0xb8;
	[tilespmem:$0x10100] =	vst v63  }
0x162: {  	s25 =	simm.s32 $0xE900  }
0x163: {  	[tilespmem:s25], [sflag:$0x2] =	stream.indirect_vreg.gather [hbm4b:s5+s3], $0x80, v1, vm0, $0xb8;
	[tilespmem:$0x10100] =	vst v63  }
0x164: {  	s29 =	simm.s32 $0xF100  }
0x165: {  	[tilespmem:s29], [sflag:$0x2] =	stream.indirect_vreg.gather [hbm4b:s7+s3], $0x80, v1, vm0, $0xb8;
	[tilespmem:$0x10100] =	vst v63  }
0x166: {  	s21 =	simm.s32 $0xF900  }
0x167: {  	[tilespmem:s21], [sflag:$0x2] =	stream.indirect_vreg.gather [hbm4b:s8+s3], $0x80, v1, vm0, $0xb8;
	[tilespmem:$0x10100] =	vst v63  }
0x168: {  	_ =	swait.ge [sflag:s4], $0x8000  }
0x169: {  	[sflag:s4] =	ssyncset.done $0x0  }
0x16a: {  	s25 =	rddreg [dreg:$0x6];
	[sflag:s4] =	ssyncadd.s32 $0xFFFF8000  }
0x16b: {  	[hbm4b:s25+s3] =	stream.linear.scatter [tilespmem:s23], [sflag:$0x3], $0x8000, $0x38;
	[tilespmem:$0x10100] =	vst v63  }
0x16c: {  	_ =	swait.ge [sflag:s18], $0x8000  }
0x16d: {  	v3 =	vld [tilespmem:$0x1FE50];
	_ =	sdelay $0x2  }
0x16e: {  	[sflag:s18] =	ssyncset.done $0x0  }
0x16f: {  	v1 =	vperm.xlane v19, v2;
	[sflag:s18] =	ssyncadd.s32 $0xFFFF8000  }
0x170: {  	[tilespmem:$0x0] =	vst v3;
	v3 =	vld [tilespmem:$0x1FF70]  }
0x171: {  	v1 =	vadd.s32 v63, v1;
	_ =	sdelay $0x3  }
0x172: {  	[tilespmem:$0x10] =	vst v3  }
0x173: {  	[tilespmem:s23], [sflag:$0x1] =	stream.indirect_vreg.gather [hbm4b:s1+s3], $0x80, v1, vm0, $0xb8;
	[tilespmem:$0x10100] =	vst v63  }
0x174: {  	s29 =	simm.s32 $0x900;
	v3 =	vperm.xlane v19, v4  }
0x175: {  	[tilespmem:s29], [sflag:$0x1] =	stream.indirect_vreg.gather [hbm4b:s5+s3], $0x80, v1, vm0, $0xb8;
	[tilespmem:$0x10100] =	vst v63  }
0x176: {  	s25 =	simm.s32 $0x1100;
	v3 =	vadd.s32 v63, v3  }
0x177: {  	[tilespmem:s25], [sflag:$0x1] =	stream.indirect_vreg.gather [hbm4b:s7+s3], $0x80, v1, vm0, $0xb8;
	[tilespmem:$0x10100] =	vst v63  }
0x178: {  	s29 =	simm.s32 $0x1900  }
0x179: {  	[tilespmem:s29], [sflag:$0x1] =	stream.indirect_vreg.gather [hbm4b:s8+s3], $0x80, v1, vm0, $0xb8;
	[tilespmem:$0x10100] =	vst v63  }
0x17a: {  	s25 =	simm.s32 $0x2100  }
0x17b: {  	[tilespmem:s25], [sflag:$0x1] =	stream.indirect_vreg.gather [hbm4b:s1+s3], $0x80, v3, vm0, $0xb8;
	[tilespmem:$0x10100] =	vst v63  }
0x17c: {  	s29 =	simm.s32 $0x2900  }
0x17d: {  	[tilespmem:s29], [sflag:$0x1] =	stream.indirect_vreg.gather [hbm4b:s5+s3], $0x80, v3, vm0, $0xb8;
	[tilespmem:$0x10100] =	vst v63  }
0x17e: {  	s25 =	simm.s32 $0x3100  }
0x17f: {  	[tilespmem:s25], [sflag:$0x1] =	stream.indirect_vreg.gather [hbm4b:s7+s3], $0x80, v3, vm0, $0xb8;
	[tilespmem:$0x10100] =	vst v63  }
0x180: {  	s11 =	simm.s32 $0x3900  }
0x181: {  	[tilespmem:s11], [sflag:$0x1] =	stream.indirect_vreg.gather [hbm4b:s8+s3], $0x80, v3, vm0, $0xb8;
	[tilespmem:$0x10100] =	vst v63  }
0x182: {  	v1 =	vld [tilespmem:$0x10];
	_ =	sdelay $0x4  }
0x183: {  	v3 =	vshll.u32 v1, $0x3  }
0x184: {  	v1 =	vand.u32 $0x7, v1;
	v3 =	vand.u32 $0xFFFFFFC0, v3  }
0x185: {  	v1 =	vor.u32 v1, v3  }
0x186: {  	v3 =	vperm.xlane v1, v2;
	_ =	sdelay $0x1  }
0x187: {  	v3 =	vadd.s32 v63, v3;
	_ =	sdelay $0x3  }
0x188: {  	s10 =	simm.s32 $0x4100  }
0x189: {  	[tilespmem:s10], [sflag:$0x1] =	stream.indirect_vreg.gather [hbm4b:s1+s3], $0x80, v3, vm0, $0xb8;
	[tilespmem:$0x10100] =	vst v63  }
0x18a: {  	s13 =	simm.s32 $0x4900;
	v1 =	vperm.xlane v1, v4  }
0x18b: {  	[tilespmem:s13], [sflag:$0x1] =	stream.indirect_vreg.gather [hbm4b:s5+s3], $0x80, v3, vm0, $0xb8;
	[tilespmem:$0x10100] =	vst v63  }
0x18c: {  	s29 =	simm.s32 $0x5100;
	v1 =	vadd.s32 v63, v1  }
0x18d: {  	[tilespmem:s29], [sflag:$0x1] =	stream.indirect_vreg.gather [hbm4b:s7+s3], $0x80, v3, vm0, $0xb8;
	[tilespmem:$0x10100] =	vst v63  }
0x18e: {  	s25 =	simm.s32 $0x5900  }
0x18f: {  	[tilespmem:s25], [sflag:$0x1] =	stream.indirect_vreg.gather [hbm4b:s8+s3], $0x80, v3, vm0, $0xb8;
	[tilespmem:$0x10100] =	vst v63  }
0x190: {  	s29 =	simm.s32 $0x6100  }
0x191: {  	[tilespmem:s29], [sflag:$0x1] =	stream.indirect_vreg.gather [hbm4b:s1+s3], $0x80, v1, vm0, $0xb8;
	[tilespmem:$0x10100] =	vst v63  }
0x192: {  	s31 =	simm.s32 $0x6900  }
0x193: {  	[tilespmem:s31], [sflag:$0x1] =	stream.indirect_vreg.gather [hbm4b:s5+s3], $0x80, v1, vm0, $0xb8;
	[tilespmem:$0x10100] =	vst v63  }
0x194: {  	s12 =	simm.s32 $0x7100  }
0x195: {  	[tilespmem:s12], [sflag:$0x1] =	stream.indirect_vreg.gather [hbm4b:s7+s3], $0x80, v1, vm0, $0xb8;
	[tilespmem:$0x10100] =	vst v63  }
0x196: {  	s9 =	simm.s32 $0x7900  }
0x197: {  	[tilespmem:s9], [sflag:$0x1] =	stream.indirect_vreg.gather [hbm4b:s8+s3], $0x80, v1, vm0, $0xb8;
	[tilespmem:$0x10100] =	vst v63  }
0x198: {  	_ =	swait.ge [sflag:s19], $0x8000  }
0x199: {  	[sflag:s19] =	ssyncset.done $0x0  }
0x19a: {  	s12 =	rddreg [dreg:$0x7];
	[sflag:s19] =	ssyncadd.s32 $0xFFFF8000  }
0x19b: {  	[hbm4b:s12+s3] =	stream.linear.scatter [tilespmem:s26], [sflag:$0x3], $0x8000, $0x38;
	[tilespmem:$0x10100] =	vst v63  }
0x19c: {  	_ =	swait.ge [sflag:s18], $0x8000  }
0x19d: {  	v3 =	vld [tilespmem:$0x1FE60];
	_ =	sdelay $0x2  }
0x19e: {  	[sflag:s18] =	ssyncset.done $0x0  }
0x19f: {  	v1 =	vperm.xlane v20, v2;
	[sflag:s18] =	ssyncadd.s32 $0xFFFF8000  }
0x1a0: {  	[tilespmem:$0x80] =	vst v3;
	v3 =	vld [tilespmem:$0x1FF80]  }
0x1a1: {  	v1 =	vadd.s32 v63, v1;
	_ =	sdelay $0x3  }
0x1a2: {  	[tilespmem:$0x90] =	vst v3  }
0x1a3: {  	[tilespmem:s26], [sflag:$0x2] =	stream.indirect_vreg.gather [hbm4b:s1+s3], $0x80, v1, vm0, $0xb8;
	[tilespmem:$0x10100] =	vst v63  }
0x1a4: {  	s20 =	simm.s32 $0x8900;
	v3 =	vperm.xlane v20, v4  }
0x1a5: {  	[tilespmem:s20], [sflag:$0x2] =	stream.indirect_vreg.gather [hbm4b:s5+s3], $0x80, v1, vm0, $0xb8;
	[tilespmem:$0x10100] =	vst v63  }
0x1a6: {  	s0 =	simm.s32 $0x9100;
	v3 =	vadd.s32 v63, v3  }
0x1a7: {  	[tilespmem:s0], [sflag:$0x2] =	stream.indirect_vreg.gather [hbm4b:s7+s3], $0x80, v1, vm0, $0xb8;
	[tilespmem:$0x10100] =	vst v63  }
0x1a8: {  	s2 =	simm.s32 $0x9900  }
0x1a9: {  	[tilespmem:s2], [sflag:$0x2] =	stream.indirect_vreg.gather [hbm4b:s8+s3], $0x80, v1, vm0, $0xb8;
	[tilespmem:$0x10100] =	vst v63  }
0x1aa: {  	s6 =	simm.s32 $0xA100  }
0x1ab: {  	[tilespmem:s6], [sflag:$0x2] =	stream.indirect_vreg.gather [hbm4b:s1+s3], $0x80, v3, vm0, $0xb8;
	[tilespmem:$0x10100] =	vst v63  }
0x1ac: {  	s30 =	simm.s32 $0xA900  }
0x1ad: {  	[tilespmem:s30], [sflag:$0x2] =	stream.indirect_vreg.gather [hbm4b:s5+s3], $0x80, v3, vm0, $0xb8;
	[tilespmem:$0x10100] =	vst v63  }
0x1ae: {  	s14 =	simm.s32 $0xB100  }
0x1af: {  	[tilespmem:s14], [sflag:$0x2] =	stream.indirect_vreg.gather [hbm4b:s7+s3], $0x80, v3, vm0, $0xb8;
	[tilespmem:$0x10100] =	vst v63  }
0x1b0: {  	s28 =	simm.s32 $0xB900  }
0x1b1: {  	[tilespmem:s28], [sflag:$0x2] =	stream.indirect_vreg.gather [hbm4b:s8+s3], $0x80, v3, vm0, $0xb8;
	[tilespmem:$0x10100] =	vst v63  }
0x1b2: {  	v1 =	vld [tilespmem:$0x90];
	_ =	sdelay $0x4  }
0x1b3: {  	v3 =	vshll.u32 v1, $0x3  }
0x1b4: {  	v1 =	vand.u32 $0x7, v1;
	v3 =	vand.u32 $0xFFFFFFC0, v3  }
0x1b5: {  	v1 =	vor.u32 v1, v3  }
0x1b6: {  	v3 =	vperm.xlane v1, v2;
	_ =	sdelay $0x1  }
0x1b7: {  	v3 =	vadd.s32 v63, v3;
	_ =	sdelay $0x3  }
0x1b8: {  	s28 =	simm.s32 $0xC100  }
0x1b9: {  	[tilespmem:s28], [sflag:$0x2] =	stream.indirect_vreg.gather [hbm4b:s1+s3], $0x80, v3, vm0, $0xb8;
	[tilespmem:$0x10100] =	vst v63  }
0x1ba: {  	s20 =	simm.s32 $0xC900;
	v1 =	vperm.xlane v1, v4  }
0x1bb: {  	[tilespmem:s20], [sflag:$0x2] =	stream.indirect_vreg.gather [hbm4b:s5+s3], $0x80, v3, vm0, $0xb8;
	[tilespmem:$0x10100] =	vst v63  }
0x1bc: {  	s15 =	simm.s32 $0xD100;
	v1 =	vadd.s32 v63, v1  }
0x1bd: {  	[tilespmem:s15], [sflag:$0x2] =	stream.indirect_vreg.gather [hbm4b:s7+s3], $0x80, v3, vm0, $0xb8;
	[tilespmem:$0x10100] =	vst v63  }
0x1be: {  	s16 =	simm.s32 $0xD900  }
0x1bf: {  	[tilespmem:s16], [sflag:$0x2] =	stream.indirect_vreg.gather [hbm4b:s8+s3], $0x80, v3, vm0, $0xb8;
	[tilespmem:$0x10100] =	vst v63  }
0x1c0: {  	s17 =	simm.s32 $0xE100  }
0x1c1: {  	[tilespmem:s17], [sflag:$0x2] =	stream.indirect_vreg.gather [hbm4b:s1+s3], $0x80, v1, vm0, $0xb8;
	[tilespmem:$0x10100] =	vst v63  }
0x1c2: {  	s22 =	simm.s32 $0xE900  }
0x1c3: {  	[tilespmem:s22], [sflag:$0x2] =	stream.indirect_vreg.gather [hbm4b:s5+s3], $0x80, v1, vm0, $0xb8;
	[tilespmem:$0x10100] =	vst v63  }
0x1c4: {  	s24 =	simm.s32 $0xF100  }
0x1c5: {  	[tilespmem:s24], [sflag:$0x2] =	stream.indirect_vreg.gather [hbm4b:s7+s3], $0x80, v1, vm0, $0xb8;
	[tilespmem:$0x10100] =	vst v63  }
0x1c6: {  	s21 =	simm.s32 $0xF900  }
0x1c7: {  	[tilespmem:s21], [sflag:$0x2] =	stream.indirect_vreg.gather [hbm4b:s8+s3], $0x80, v1, vm0, $0xb8;
	[tilespmem:$0x10100] =	vst v63  }
0x1c8: {  	_ =	swait.ge [sflag:s4], $0x8000  }
0x1c9: {  	[sflag:s4] =	ssyncset.done $0x0  }
0x1ca: {  	s24 =	rddreg [dreg:$0x8];
	[sflag:s4] =	ssyncadd.s32 $0xFFFF8000  }
0x1cb: {  	[hbm4b:s24+s3] =	stream.linear.scatter [tilespmem:s23], [sflag:$0x3], $0x8000, $0x38;
	[tilespmem:$0x10100] =	vst v63  }
0x1cc: {  	_ =	swait.ge [sflag:s18], $0x8000  }
0x1cd: {  	v3 =	vld [tilespmem:$0x1FE70];
	_ =	sdelay $0x2  }
0x1ce: {  	[sflag:s18] =	ssyncset.done $0x0  }
0x1cf: {  	v1 =	vperm.xlane v22, v2;
	[sflag:s18] =	ssyncadd.s32 $0xFFFF8000  }
0x1d0: {  	[tilespmem:$0x0] =	vst v3;
	v3 =	vld [tilespmem:$0x1FF90]  }
0x1d1: {  	v1 =	vadd.s32 v63, v1;
	_ =	sdelay $0x3  }
0x1d2: {  	[tilespmem:$0x10] =	vst v3  }
0x1d3: {  	[tilespmem:s23], [sflag:$0x1] =	stream.indirect_vreg.gather [hbm4b:s1+s3], $0x80, v1, vm0, $0xb8;
	[tilespmem:$0x10100] =	vst v63  }
0x1d4: {  	s24 =	simm.s32 $0x900;
	v3 =	vperm.xlane v22, v4  }
0x1d5: {  	[tilespmem:s24], [sflag:$0x1] =	stream.indirect_vreg.gather [hbm4b:s5+s3], $0x80, v1, vm0, $0xb8;
	[tilespmem:$0x10100] =	vst v63  }
0x1d6: {  	v3 =	vadd.s32 v63, v3;
	s24 =	simm.s32 $0x1100  }
0x1d7: {  	[tilespmem:s24], [sflag:$0x1] =	stream.indirect_vreg.gather [hbm4b:s7+s3], $0x80, v1, vm0, $0xb8;
	[tilespmem:$0x10100] =	vst v63  }
0x1d8: {  	s24 =	simm.s32 $0x1900  }
0x1d9: {  	[tilespmem:s24], [sflag:$0x1] =	stream.indirect_vreg.gather [hbm4b:s8+s3], $0x80, v1, vm0, $0xb8;
	[tilespmem:$0x10100] =	vst v63  }
0x1da: {  	s24 =	simm.s32 $0x2100  }
0x1db: {  	[tilespmem:s24], [sflag:$0x1] =	stream.indirect_vreg.gather [hbm4b:s1+s3], $0x80, v3, vm0, $0xb8;
	[tilespmem:$0x10100] =	vst v63  }
0x1dc: {  	s24 =	simm.s32 $0x2900  }
0x1dd: {  	[tilespmem:s24], [sflag:$0x1] =	stream.indirect_vreg.gather [hbm4b:s5+s3], $0x80, v3, vm0, $0xb8;
	[tilespmem:$0x10100] =	vst v63  }
0x1de: {  	s24 =	simm.s32 $0x3100  }
0x1df: {  	[tilespmem:s24], [sflag:$0x1] =	stream.indirect_vreg.gather [hbm4b:s7+s3], $0x80, v3, vm0, $0xb8;
	[tilespmem:$0x10100] =	vst v63  }
0x1e0: {  	s11 =	simm.s32 $0x3900  }
0x1e1: {  	[tilespmem:s11], [sflag:$0x1] =	stream.indirect_vreg.gather [hbm4b:s8+s3], $0x80, v3, vm0, $0xb8;
	[tilespmem:$0x10100] =	vst v63  }
0x1e2: {  	v1 =	vld [tilespmem:$0x10];
	_ =	sdelay $0x4  }
0x1e3: {  	v3 =	vshll.u32 v1, $0x3  }
0x1e4: {  	v1 =	vand.u32 $0x7, v1;
	v3 =	vand.u32 $0xFFFFFFC0, v3  }
0x1e5: {  	v1 =	vor.u32 v1, v3  }
0x1e6: {  	v3 =	vperm.xlane v1, v2;
	_ =	sdelay $0x1  }
0x1e7: {  	v3 =	vadd.s32 v63, v3;
	_ =	sdelay $0x3  }
0x1e8: {  	s10 =	simm.s32 $0x4100  }
0x1e9: {  	[tilespmem:s10], [sflag:$0x1] =	stream.indirect_vreg.gather [hbm4b:s1+s3], $0x80, v3, vm0, $0xb8;
	[tilespmem:$0x10100] =	vst v63  }
0x1ea: {  	s13 =	simm.s32 $0x4900;
	v1 =	vperm.xlane v1, v4  }
0x1eb: {  	[tilespmem:s13], [sflag:$0x1] =	stream.indirect_vreg.gather [hbm4b:s5+s3], $0x80, v3, vm0, $0xb8;
	[tilespmem:$0x10100] =	vst v63  }
0x1ec: {  	s24 =	simm.s32 $0x5100;
	v1 =	vadd.s32 v63, v1  }
0x1ed: {  	[tilespmem:s24], [sflag:$0x1] =	stream.indirect_vreg.gather [hbm4b:s7+s3], $0x80, v3, vm0, $0xb8;
	[tilespmem:$0x10100] =	vst v63  }
0x1ee: {  	s24 =	simm.s32 $0x5900  }
0x1ef: {  	[tilespmem:s24], [sflag:$0x1] =	stream.indirect_vreg.gather [hbm4b:s8+s3], $0x80, v3, vm0, $0xb8;
	[tilespmem:$0x10100] =	vst v63  }
0x1f0: {  	s25 =	simm.s32 $0x6100  }
0x1f1: {  	[tilespmem:s25], [sflag:$0x1] =	stream.indirect_vreg.gather [hbm4b:s1+s3], $0x80, v1, vm0, $0xb8;
	[tilespmem:$0x10100] =	vst v63  }
0x1f2: {  	s25 =	simm.s32 $0x6900  }
0x1f3: {  	[tilespmem:s25], [sflag:$0x1] =	stream.indirect_vreg.gather [hbm4b:s5+s3], $0x80, v1, vm0, $0xb8;
	[tilespmem:$0x10100] =	vst v63  }
0x1f4: {  	s29 =	simm.s32 $0x7100  }
0x1f5: {  	[tilespmem:s29], [sflag:$0x1] =	stream.indirect_vreg.gather [hbm4b:s7+s3], $0x80, v1, vm0, $0xb8;
	[tilespmem:$0x10100] =	vst v63  }
0x1f6: {  	s9 =	simm.s32 $0x7900  }
0x1f7: {  	[tilespmem:s9], [sflag:$0x1] =	stream.indirect_vreg.gather [hbm4b:s8+s3], $0x80, v1, vm0, $0xb8;
	[tilespmem:$0x10100] =	vst v63  }
0x1f8: {  	_ =	swait.ge [sflag:s19], $0x8000  }
0x1f9: {  	[sflag:s19] =	ssyncset.done $0x0  }
0x1fa: {  	s25 =	rddreg [dreg:$0x9];
	[sflag:s19] =	ssyncadd.s32 $0xFFFF8000  }
0x1fb: {  	[hbm4b:s25+s3] =	stream.linear.scatter [tilespmem:s26], [sflag:$0x3], $0x8000, $0x38;
	[tilespmem:$0x10100] =	vst v63  }
0x1fc: {  	_ =	swait.ge [sflag:s18], $0x8000  }
0x1fd: {  	v3 =	vld [tilespmem:$0x1FE80];
	_ =	sdelay $0x2  }
0x1fe: {  	[sflag:s18] =	ssyncset.done $0x0  }
0x1ff: {  	v1 =	vperm.xlane v25, v2;
	[sflag:s18] =	ssyncadd.s32 $0xFFFF8000  }
0x200: {  	[tilespmem:$0x80] =	vst v3;
	v3 =	vld [tilespmem:$0x1FFA0]  }
0x201: {  	v1 =	vadd.s32 v63, v1;
	_ =	sdelay $0x3  }
0x202: {  	[tilespmem:$0x90] =	vst v3  }
0x203: {  	[tilespmem:s26], [sflag:$0x2] =	stream.indirect_vreg.gather [hbm4b:s1+s3], $0x80, v1, vm0, $0xb8;
	[tilespmem:$0x10100] =	vst v63  }
0x204: {  	s25 =	simm.s32 $0x8900;
	v3 =	vperm.xlane v25, v4  }
0x205: {  	[tilespmem:s25], [sflag:$0x2] =	stream.indirect_vreg.gather [hbm4b:s5+s3], $0x80, v1, vm0, $0xb8;
	[tilespmem:$0x10100] =	vst v63  }
0x206: {  	s0 =	simm.s32 $0x9100;
	v3 =	vadd.s32 v63, v3  }
0x207: {  	[tilespmem:s0], [sflag:$0x2] =	stream.indirect_vreg.gather [hbm4b:s7+s3], $0x80, v1, vm0, $0xb8;
	[tilespmem:$0x10100] =	vst v63  }
0x208: {  	s2 =	simm.s32 $0x9900  }
0x209: {  	[tilespmem:s2], [sflag:$0x2] =	stream.indirect_vreg.gather [hbm4b:s8+s3], $0x80, v1, vm0, $0xb8;
	[tilespmem:$0x10100] =	vst v63  }
0x20a: {  	s6 =	simm.s32 $0xA100  }
0x20b: {  	[tilespmem:s6], [sflag:$0x2] =	stream.indirect_vreg.gather [hbm4b:s1+s3], $0x80, v3, vm0, $0xb8;
	[tilespmem:$0x10100] =	vst v63  }
0x20c: {  	s30 =	simm.s32 $0xA900  }
0x20d: {  	[tilespmem:s30], [sflag:$0x2] =	stream.indirect_vreg.gather [hbm4b:s5+s3], $0x80, v3, vm0, $0xb8;
	[tilespmem:$0x10100] =	vst v63  }
0x20e: {  	s12 =	simm.s32 $0xB100  }
0x20f: {  	[tilespmem:s12], [sflag:$0x2] =	stream.indirect_vreg.gather [hbm4b:s7+s3], $0x80, v3, vm0, $0xb8;
	[tilespmem:$0x10100] =	vst v63  }
0x210: {  	s31 =	simm.s32 $0xB900  }
0x211: {  	[tilespmem:s31], [sflag:$0x2] =	stream.indirect_vreg.gather [hbm4b:s8+s3], $0x80, v3, vm0, $0xb8;
	[tilespmem:$0x10100] =	vst v63  }
0x212: {  	v1 =	vld [tilespmem:$0x90];
	_ =	sdelay $0x4  }
0x213: {  	v3 =	vshll.u32 v1, $0x3  }
0x214: {  	v1 =	vand.u32 $0x7, v1;
	v3 =	vand.u32 $0xFFFFFFC0, v3  }
0x215: {  	v1 =	vor.u32 v1, v3  }
0x216: {  	v3 =	vperm.xlane v1, v2;
	_ =	sdelay $0x1  }
0x217: {  	v3 =	vadd.s32 v63, v3;
	_ =	sdelay $0x3  }
0x218: {  	s28 =	simm.s32 $0xC100  }
0x219: {  	[tilespmem:s28], [sflag:$0x2] =	stream.indirect_vreg.gather [hbm4b:s1+s3], $0x80, v3, vm0, $0xb8;
	[tilespmem:$0x10100] =	vst v63  }
0x21a: {  	s31 =	simm.s32 $0xC900;
	v1 =	vperm.xlane v1, v4  }
0x21b: {  	[tilespmem:s31], [sflag:$0x2] =	stream.indirect_vreg.gather [hbm4b:s5+s3], $0x80, v3, vm0, $0xb8;
	[tilespmem:$0x10100] =	vst v63  }
0x21c: {  	s14 =	simm.s32 $0xD100;
	v1 =	vadd.s32 v63, v1  }
0x21d: {  	[tilespmem:s14], [sflag:$0x2] =	stream.indirect_vreg.gather [hbm4b:s7+s3], $0x80, v3, vm0, $0xb8;
	[tilespmem:$0x10100] =	vst v63  }
0x21e: {  	s15 =	simm.s32 $0xD900  }
0x21f: {  	[tilespmem:s15], [sflag:$0x2] =	stream.indirect_vreg.gather [hbm4b:s8+s3], $0x80, v3, vm0, $0xb8;
	[tilespmem:$0x10100] =	vst v63  }
0x220: {  	s16 =	simm.s32 $0xE100  }
0x221: {  	[tilespmem:s16], [sflag:$0x2] =	stream.indirect_vreg.gather [hbm4b:s1+s3], $0x80, v1, vm0, $0xb8;
	[tilespmem:$0x10100] =	vst v63  }
0x222: {  	s17 =	simm.s32 $0xE900  }
0x223: {  	[tilespmem:s17], [sflag:$0x2] =	stream.indirect_vreg.gather [hbm4b:s5+s3], $0x80, v1, vm0, $0xb8;
	[tilespmem:$0x10100] =	vst v63  }
0x224: {  	s22 =	simm.s32 $0xF100  }
0x225: {  	[tilespmem:s22], [sflag:$0x2] =	stream.indirect_vreg.gather [hbm4b:s7+s3], $0x80, v1, vm0, $0xb8;
	[tilespmem:$0x10100] =	vst v63  }
0x226: {  	s21 =	simm.s32 $0xF900  }
0x227: {  	[tilespmem:s21], [sflag:$0x2] =	stream.indirect_vreg.gather [hbm4b:s8+s3], $0x80, v1, vm0, $0xb8;
	[tilespmem:$0x10100] =	vst v63  }
0x228: {  	_ =	swait.ge [sflag:s4], $0x8000  }
0x229: {  	[sflag:s4] =	ssyncset.done $0x0  }
0x22a: {  	s22 =	rddreg [dreg:$0xa];
	[sflag:s4] =	ssyncadd.s32 $0xFFFF8000  }
0x22b: {  	[hbm4b:s22+s3] =	stream.linear.scatter [tilespmem:s23], [sflag:$0x3], $0x8000, $0x38;
	[tilespmem:$0x10100] =	vst v63  }
0x22c: {  	_ =	swait.ge [sflag:s18], $0x8000  }
0x22d: {  	v3 =	vld [tilespmem:$0x1FE90];
	_ =	sdelay $0x2  }
0x22e: {  	[sflag:s18] =	ssyncset.done $0x0  }
0x22f: {  	v1 =	vperm.xlane v26, v2;
	[sflag:s18] =	ssyncadd.s32 $0xFFFF8000  }
0x230: {  	[tilespmem:$0x0] =	vst v3;
	v3 =	vld [tilespmem:$0x1FFB0]  }
0x231: {  	v1 =	vadd.s32 v63, v1;
	_ =	sdelay $0x3  }
0x232: {  	[tilespmem:$0x10] =	vst v3  }
0x233: {  	[tilespmem:s23], [sflag:$0x1] =	stream.indirect_vreg.gather [hbm4b:s1+s3], $0x80, v1, vm0, $0xb8;
	[tilespmem:$0x10100] =	vst v63  }
0x234: {  	s22 =	simm.s32 $0x900;
	v3 =	vperm.xlane v26, v4  }
0x235: {  	[tilespmem:s22], [sflag:$0x1] =	stream.indirect_vreg.gather [hbm4b:s5+s3], $0x80, v1, vm0, $0xb8;
	[tilespmem:$0x10100] =	vst v63  }
0x236: {  	v3 =	vadd.s32 v63, v3;
	s22 =	simm.s32 $0x1100  }
0x237: {  	[tilespmem:s22], [sflag:$0x1] =	stream.indirect_vreg.gather [hbm4b:s7+s3], $0x80, v1, vm0, $0xb8;
	[tilespmem:$0x10100] =	vst v63  }
0x238: {  	s22 =	simm.s32 $0x1900  }
0x239: {  	[tilespmem:s22], [sflag:$0x1] =	stream.indirect_vreg.gather [hbm4b:s8+s3], $0x80, v1, vm0, $0xb8;
	[tilespmem:$0x10100] =	vst v63  }
0x23a: {  	s22 =	simm.s32 $0x2100  }
0x23b: {  	[tilespmem:s22], [sflag:$0x1] =	stream.indirect_vreg.gather [hbm4b:s1+s3], $0x80, v3, vm0, $0xb8;
	[tilespmem:$0x10100] =	vst v63  }
0x23c: {  	s22 =	simm.s32 $0x2900  }
0x23d: {  	[tilespmem:s22], [sflag:$0x1] =	stream.indirect_vreg.gather [hbm4b:s5+s3], $0x80, v3, vm0, $0xb8;
	[tilespmem:$0x10100] =	vst v63  }
0x23e: {  	s22 =	simm.s32 $0x3100  }
0x23f: {  	[tilespmem:s22], [sflag:$0x1] =	stream.indirect_vreg.gather [hbm4b:s7+s3], $0x80, v3, vm0, $0xb8;
	[tilespmem:$0x10100] =	vst v63  }
0x240: {  	s11 =	simm.s32 $0x3900  }
0x241: {  	[tilespmem:s11], [sflag:$0x1] =	stream.indirect_vreg.gather [hbm4b:s8+s3], $0x80, v3, vm0, $0xb8;
	[tilespmem:$0x10100] =	vst v63  }
0x242: {  	v1 =	vld [tilespmem:$0x10];
	_ =	sdelay $0x4  }
0x243: {  	v3 =	vshll.u32 v1, $0x3  }
0x244: {  	v1 =	vand.u32 $0x7, v1;
	v3 =	vand.u32 $0xFFFFFFC0, v3  }
0x245: {  	v1 =	vor.u32 v1, v3  }
0x246: {  	v3 =	vperm.xlane v1, v2;
	_ =	sdelay $0x1  }
0x247: {  	v3 =	vadd.s32 v63, v3;
	_ =	sdelay $0x3  }
0x248: {  	s10 =	simm.s32 $0x4100  }
0x249: {  	[tilespmem:s10], [sflag:$0x1] =	stream.indirect_vreg.gather [hbm4b:s1+s3], $0x80, v3, vm0, $0xb8;
	[tilespmem:$0x10100] =	vst v63  }
0x24a: {  	s13 =	simm.s32 $0x4900;
	v1 =	vperm.xlane v1, v4  }
0x24b: {  	[tilespmem:s13], [sflag:$0x1] =	stream.indirect_vreg.gather [hbm4b:s5+s3], $0x80, v3, vm0, $0xb8;
	[tilespmem:$0x10100] =	vst v63  }
0x24c: {  	s22 =	simm.s32 $0x5100;
	v1 =	vadd.s32 v63, v1  }
0x24d: {  	[tilespmem:s22], [sflag:$0x1] =	stream.indirect_vreg.gather [hbm4b:s7+s3], $0x80, v3, vm0, $0xb8;
	[tilespmem:$0x10100] =	vst v63  }
0x24e: {  	s22 =	simm.s32 $0x5900  }
0x24f: {  	[tilespmem:s22], [sflag:$0x1] =	stream.indirect_vreg.gather [hbm4b:s8+s3], $0x80, v3, vm0, $0xb8;
	[tilespmem:$0x10100] =	vst v63  }
0x250: {  	s24 =	simm.s32 $0x6100  }
0x251: {  	[tilespmem:s24], [sflag:$0x1] =	stream.indirect_vreg.gather [hbm4b:s1+s3], $0x80, v1, vm0, $0xb8;
	[tilespmem:$0x10100] =	vst v63  }
0x252: {  	s24 =	simm.s32 $0x6900  }
0x253: {  	[tilespmem:s24], [sflag:$0x1] =	stream.indirect_vreg.gather [hbm4b:s5+s3], $0x80, v1, vm0, $0xb8;
	[tilespmem:$0x10100] =	vst v63  }
0x254: {  	s29 =	simm.s32 $0x7100  }
0x255: {  	[tilespmem:s29], [sflag:$0x1] =	stream.indirect_vreg.gather [hbm4b:s7+s3], $0x80, v1, vm0, $0xb8;
	[tilespmem:$0x10100] =	vst v63  }
0x256: {  	s9 =	simm.s32 $0x7900  }
0x257: {  	[tilespmem:s9], [sflag:$0x1] =	stream.indirect_vreg.gather [hbm4b:s8+s3], $0x80, v1, vm0, $0xb8;
	[tilespmem:$0x10100] =	vst v63  }
0x258: {  	_ =	swait.ge [sflag:s19], $0x8000  }
0x259: {  	[sflag:s19] =	ssyncset.done $0x0  }
0x25a: {  	s22 =	rddreg [dreg:$0xb];
	[sflag:s19] =	ssyncadd.s32 $0xFFFF8000  }
0x25b: {  	[hbm4b:s22+s3] =	stream.linear.scatter [tilespmem:s26], [sflag:$0x3], $0x8000, $0x38;
	[tilespmem:$0x10100] =	vst v63  }
0x25c: {  	_ =	swait.ge [sflag:s18], $0x8000  }
0x25d: {  	v3 =	vld [tilespmem:$0x1FEA0];
	_ =	sdelay $0x2  }
0x25e: {  	[sflag:s18] =	ssyncset.done $0x0  }
0x25f: {  	v1 =	vperm.xlane v28, v2;
	[sflag:s18] =	ssyncadd.s32 $0xFFFF8000  }
0x260: {  	[tilespmem:$0x80] =	vst v3;
	v3 =	vld [tilespmem:$0x1FFC0]  }
0x261: {  	v1 =	vadd.s32 v63, v1;
	_ =	sdelay $0x3  }
0x262: {  	[tilespmem:$0x90] =	vst v3  }
0x263: {  	[tilespmem:s26], [sflag:$0x2] =	stream.indirect_vreg.gather [hbm4b:s1+s3], $0x80, v1, vm0, $0xb8;
	[tilespmem:$0x10100] =	vst v63  }
0x264: {  	s29 =	simm.s32 $0x8900;
	v3 =	vperm.xlane v28, v4  }
0x265: {  	[tilespmem:s29], [sflag:$0x2] =	stream.indirect_vreg.gather [hbm4b:s5+s3], $0x80, v1, vm0, $0xb8;
	[tilespmem:$0x10100] =	vst v63  }
0x266: {  	s0 =	simm.s32 $0x9100;
	v3 =	vadd.s32 v63, v3  }
0x267: {  	[tilespmem:s0], [sflag:$0x2] =	stream.indirect_vreg.gather [hbm4b:s7+s3], $0x80, v1, vm0, $0xb8;
	[tilespmem:$0x10100] =	vst v63  }
0x268: {  	s2 =	simm.s32 $0x9900  }
0x269: {  	[tilespmem:s2], [sflag:$0x2] =	stream.indirect_vreg.gather [hbm4b:s8+s3], $0x80, v1, vm0, $0xb8;
	[tilespmem:$0x10100] =	vst v63  }
0x26a: {  	s6 =	simm.s32 $0xA100  }
0x26b: {  	[tilespmem:s6], [sflag:$0x2] =	stream.indirect_vreg.gather [hbm4b:s1+s3], $0x80, v3, vm0, $0xb8;
	[tilespmem:$0x10100] =	vst v63  }
0x26c: {  	s30 =	simm.s32 $0xA900  }
0x26d: {  	[tilespmem:s30], [sflag:$0x2] =	stream.indirect_vreg.gather [hbm4b:s5+s3], $0x80, v3, vm0, $0xb8;
	[tilespmem:$0x10100] =	vst v63  }
0x26e: {  	s12 =	simm.s32 $0xB100  }
0x26f: {  	[tilespmem:s12], [sflag:$0x2] =	stream.indirect_vreg.gather [hbm4b:s7+s3], $0x80, v3, vm0, $0xb8;
	[tilespmem:$0x10100] =	vst v63  }
0x270: {  	s25 =	simm.s32 $0xB900  }
0x271: {  	[tilespmem:s25], [sflag:$0x2] =	stream.indirect_vreg.gather [hbm4b:s8+s3], $0x80, v3, vm0, $0xb8;
	[tilespmem:$0x10100] =	vst v63  }
0x272: {  	v1 =	vld [tilespmem:$0x90];
	_ =	sdelay $0x4  }
0x273: {  	v3 =	vshll.u32 v1, $0x3  }
0x274: {  	v1 =	vand.u32 $0x7, v1;
	v3 =	vand.u32 $0xFFFFFFC0, v3  }
0x275: {  	v1 =	vor.u32 v1, v3  }
0x276: {  	v3 =	vperm.xlane v1, v2;
	_ =	sdelay $0x1  }
0x277: {  	v3 =	vadd.s32 v63, v3;
	_ =	sdelay $0x3  }
0x278: {  	s28 =	simm.s32 $0xC100  }
0x279: {  	[tilespmem:s28], [sflag:$0x2] =	stream.indirect_vreg.gather [hbm4b:s1+s3], $0x80, v3, vm0, $0xb8;
	[tilespmem:$0x10100] =	vst v63  }
0x27a: {  	s30 =	simm.s32 $0xC900;
	v1 =	vperm.xlane v1, v4  }
0x27b: {  	[tilespmem:s30], [sflag:$0x2] =	stream.indirect_vreg.gather [hbm4b:s5+s3], $0x80, v3, vm0, $0xb8;
	[tilespmem:$0x10100] =	vst v63  }
0x27c: {  	s31 =	simm.s32 $0xD100;
	v1 =	vadd.s32 v63, v1  }
0x27d: {  	[tilespmem:s31], [sflag:$0x2] =	stream.indirect_vreg.gather [hbm4b:s7+s3], $0x80, v3, vm0, $0xb8;
	[tilespmem:$0x10100] =	vst v63  }
0x27e: {  	s14 =	simm.s32 $0xD900  }
0x27f: {  	[tilespmem:s14], [sflag:$0x2] =	stream.indirect_vreg.gather [hbm4b:s8+s3], $0x80, v3, vm0, $0xb8;
	[tilespmem:$0x10100] =	vst v63  }
0x280: {  	s15 =	simm.s32 $0xE100  }
0x281: {  	[tilespmem:s15], [sflag:$0x2] =	stream.indirect_vreg.gather [hbm4b:s1+s3], $0x80, v1, vm0, $0xb8;
	[tilespmem:$0x10100] =	vst v63  }
0x282: {  	s16 =	simm.s32 $0xE900  }
0x283: {  	[tilespmem:s16], [sflag:$0x2] =	stream.indirect_vreg.gather [hbm4b:s5+s3], $0x80, v1, vm0, $0xb8;
	[tilespmem:$0x10100] =	vst v63  }
0x284: {  	s17 =	simm.s32 $0xF100  }
0x285: {  	[tilespmem:s17], [sflag:$0x2] =	stream.indirect_vreg.gather [hbm4b:s7+s3], $0x80, v1, vm0, $0xb8;
	[tilespmem:$0x10100] =	vst v63  }
0x286: {  	s21 =	simm.s32 $0xF900  }
0x287: {  	[tilespmem:s21], [sflag:$0x2] =	stream.indirect_vreg.gather [hbm4b:s8+s3], $0x80, v1, vm0, $0xb8;
	[tilespmem:$0x10100] =	vst v63  }
0x288: {  	_ =	swait.ge [sflag:s4], $0x8000  }
0x289: {  	[sflag:s4] =	ssyncset.done $0x0  }
0x28a: {  	s21 =	rddreg [dreg:$0xc];
	[sflag:s4] =	ssyncadd.s32 $0xFFFF8000  }
0x28b: {  	[hbm4b:s21+s3] =	stream.linear.scatter [tilespmem:s23], [sflag:$0x3], $0x8000, $0x38;
	[tilespmem:$0x10100] =	vst v63  }
0x28c: {  	_ =	swait.ge [sflag:s18], $0x8000  }
0x28d: {  	v3 =	vld [tilespmem:$0x1FEB0];
	_ =	sdelay $0x2  }
0x28e: {  	[sflag:s18] =	ssyncset.done $0x0  }
0x28f: {  	v1 =	vperm.xlane v31, v2;
	[sflag:s18] =	ssyncadd.s32 $0xFFFF8000  }
0x290: {  	[tilespmem:$0x0] =	vst v3;
	v3 =	vld [tilespmem:$0x1FFD0]  }
0x291: {  	v1 =	vadd.s32 v63, v1;
	_ =	sdelay $0x3  }
0x292: {  	[tilespmem:$0x10] =	vst v3  }
0x293: {  	[tilespmem:s23], [sflag:$0x1] =	stream.indirect_vreg.gather [hbm4b:s1+s3], $0x80, v1, vm0, $0xb8;
	[tilespmem:$0x10100] =	vst v63  }
0x294: {  	s21 =	simm.s32 $0x900;
	v3 =	vperm.xlane v31, v4  }
0x295: {  	[tilespmem:s21], [sflag:$0x1] =	stream.indirect_vreg.gather [hbm4b:s5+s3], $0x80, v1, vm0, $0xb8;
	[tilespmem:$0x10100] =	vst v63  }
0x296: {  	v3 =	vadd.s32 v63, v3;
	s21 =	simm.s32 $0x1100  }
0x297: {  	[tilespmem:s21], [sflag:$0x1] =	stream.indirect_vreg.gather [hbm4b:s7+s3], $0x80, v1, vm0, $0xb8;
	[tilespmem:$0x10100] =	vst v63  }
0x298: {  	s21 =	simm.s32 $0x1900  }
0x299: {  	[tilespmem:s21], [sflag:$0x1] =	stream.indirect_vreg.gather [hbm4b:s8+s3], $0x80, v1, vm0, $0xb8;
	[tilespmem:$0x10100] =	vst v63  }
0x29a: {  	s21 =	simm.s32 $0x2100  }
0x29b: {  	[tilespmem:s21], [sflag:$0x1] =	stream.indirect_vreg.gather [hbm4b:s1+s3], $0x80, v3, vm0, $0xb8;
	[tilespmem:$0x10100] =	vst v63  }
0x29c: {  	s21 =	simm.s32 $0x2900  }
0x29d: {  	[tilespmem:s21], [sflag:$0x1] =	stream.indirect_vreg.gather [hbm4b:s5+s3], $0x80, v3, vm0, $0xb8;
	[tilespmem:$0x10100] =	vst v63  }
0x29e: {  	s21 =	simm.s32 $0x3100  }
0x29f: {  	[tilespmem:s21], [sflag:$0x1] =	stream.indirect_vreg.gather [hbm4b:s7+s3], $0x80, v3, vm0, $0xb8;
	[tilespmem:$0x10100] =	vst v63  }
0x2a0: {  	s11 =	simm.s32 $0x3900  }
0x2a1: {  	[tilespmem:s11], [sflag:$0x1] =	stream.indirect_vreg.gather [hbm4b:s8+s3], $0x80, v3, vm0, $0xb8;
	[tilespmem:$0x10100] =	vst v63  }
0x2a2: {  	v1 =	vld [tilespmem:$0x10];
	_ =	sdelay $0x4  }
0x2a3: {  	v3 =	vshll.u32 v1, $0x3  }
0x2a4: {  	v1 =	vand.u32 $0x7, v1;
	v3 =	vand.u32 $0xFFFFFFC0, v3  }
0x2a5: {  	v1 =	vor.u32 v1, v3  }
0x2a6: {  	v3 =	vperm.xlane v1, v2;
	_ =	sdelay $0x1  }
0x2a7: {  	v3 =	vadd.s32 v63, v3;
	_ =	sdelay $0x3  }
0x2a8: {  	s10 =	simm.s32 $0x4100  }
0x2a9: {  	[tilespmem:s10], [sflag:$0x1] =	stream.indirect_vreg.gather [hbm4b:s1+s3], $0x80, v3, vm0, $0xb8;
	[tilespmem:$0x10100] =	vst v63  }
0x2aa: {  	s13 =	simm.s32 $0x4900;
	v1 =	vperm.xlane v1, v4  }
0x2ab: {  	[tilespmem:s13], [sflag:$0x1] =	stream.indirect_vreg.gather [hbm4b:s5+s3], $0x80, v3, vm0, $0xb8;
	[tilespmem:$0x10100] =	vst v63  }
0x2ac: {  	s20 =	simm.s32 $0x5100;
	v1 =	vadd.s32 v63, v1  }
0x2ad: {  	[tilespmem:s20], [sflag:$0x1] =	stream.indirect_vreg.gather [hbm4b:s7+s3], $0x80, v3, vm0, $0xb8;
	[tilespmem:$0x10100] =	vst v63  }
0x2ae: {  	s13 =	simm.s32 $0x5900  }
0x2af: {  	[tilespmem:s13], [sflag:$0x1] =	stream.indirect_vreg.gather [hbm4b:s8+s3], $0x80, v3, vm0, $0xb8;
	[tilespmem:$0x10100] =	vst v63  }
0x2b0: {  	s20 =	simm.s32 $0x6100  }
0x2b1: {  	[tilespmem:s20], [sflag:$0x1] =	stream.indirect_vreg.gather [hbm4b:s1+s3], $0x80, v1, vm0, $0xb8;
	[tilespmem:$0x10100] =	vst v63  }
0x2b2: {  	s24 =	simm.s32 $0x6900  }
0x2b3: {  	[tilespmem:s24], [sflag:$0x1] =	stream.indirect_vreg.gather [hbm4b:s5+s3], $0x80, v1, vm0, $0xb8;
	[tilespmem:$0x10100] =	vst v63  }
0x2b4: {  	s24 =	simm.s32 $0x7100  }
0x2b5: {  	[tilespmem:s24], [sflag:$0x1] =	stream.indirect_vreg.gather [hbm4b:s7+s3], $0x80, v1, vm0, $0xb8;
	[tilespmem:$0x10100] =	vst v63  }
0x2b6: {  	s9 =	simm.s32 $0x7900  }
0x2b7: {  	[tilespmem:s9], [sflag:$0x1] =	stream.indirect_vreg.gather [hbm4b:s8+s3], $0x80, v1, vm0, $0xb8;
	[tilespmem:$0x10100] =	vst v63  }
0x2b8: {  	_ =	swait.ge [sflag:s19], $0x8000  }
0x2b9: {  	s9 =	rddreg [dreg:$0xd];
	[sflag:s19] =	ssyncset.done $0x0  }
0x2ba: {  	[sflag:s19] =	ssyncadd.s32 $0xFFFF8000  }
0x2bb: {  	[hbm4b:s9+s3] =	stream.linear.scatter [tilespmem:s26], [sflag:$0x3], $0x8000, $0x38;
	[tilespmem:$0x10100] =	vst v63  }
0x2bc: {  	_ =	swait.ge [sflag:s18], $0x8000  }
0x2bd: {  	v3 =	vld [tilespmem:$0x1FEC0];
	_ =	sdelay $0x2  }
0x2be: {  	[sflag:s18] =	ssyncset.done $0x0  }
0x2bf: {  	v1 =	vperm.xlane v32, v2;
	[sflag:s18] =	ssyncadd.s32 $0xFFFF8000  }
0x2c0: {  	[tilespmem:$0x80] =	vst v3;
	v3 =	vld [tilespmem:$0x1FFE0]  }
0x2c1: {  	v1 =	vadd.s32 v63, v1;
	_ =	sdelay $0x3  }
0x2c2: {  	[tilespmem:$0x90] =	vst v3  }
0x2c3: {  	[tilespmem:s26], [sflag:$0x2] =	stream.indirect_vreg.gather [hbm4b:s1+s3], $0x80, v1, vm0, $0xb8;
	[tilespmem:$0x10100] =	vst v63  }
0x2c4: {  	s24 =	simm.s32 $0x8900;
	v3 =	vperm.xlane v32, v4  }
0x2c5: {  	[tilespmem:s24], [sflag:$0x2] =	stream.indirect_vreg.gather [hbm4b:s5+s3], $0x80, v1, vm0, $0xb8;
	[tilespmem:$0x10100] =	vst v63  }
0x2c6: {  	s0 =	simm.s32 $0x9100;
	v3 =	vadd.s32 v63, v3  }
0x2c7: {  	[tilespmem:s0], [sflag:$0x2] =	stream.indirect_vreg.gather [hbm4b:s7+s3], $0x80, v1, vm0, $0xb8;
	[tilespmem:$0x10100] =	vst v63  }
0x2c8: {  	s2 =	simm.s32 $0x9900  }
0x2c9: {  	[tilespmem:s2], [sflag:$0x2] =	stream.indirect_vreg.gather [hbm4b:s8+s3], $0x80, v1, vm0, $0xb8;
	[tilespmem:$0x10100] =	vst v63  }
0x2ca: {  	s6 =	simm.s32 $0xA100  }
0x2cb: {  	[tilespmem:s6], [sflag:$0x2] =	stream.indirect_vreg.gather [hbm4b:s1+s3], $0x80, v3, vm0, $0xb8;
	[tilespmem:$0x10100] =	vst v63  }
0x2cc: {  	s22 =	simm.s32 $0xA900  }
0x2cd: {  	[tilespmem:s22], [sflag:$0x2] =	stream.indirect_vreg.gather [hbm4b:s5+s3], $0x80, v3, vm0, $0xb8;
	[tilespmem:$0x10100] =	vst v63  }
0x2ce: {  	s12 =	simm.s32 $0xB100  }
0x2cf: {  	[tilespmem:s12], [sflag:$0x2] =	stream.indirect_vreg.gather [hbm4b:s7+s3], $0x80, v3, vm0, $0xb8;
	[tilespmem:$0x10100] =	vst v63  }
0x2d0: {  	s29 =	simm.s32 $0xB900  }
0x2d1: {  	[tilespmem:s29], [sflag:$0x2] =	stream.indirect_vreg.gather [hbm4b:s8+s3], $0x80, v3, vm0, $0xb8;
	[tilespmem:$0x10100] =	vst v63  }
0x2d2: {  	v1 =	vld [tilespmem:$0x90];
	_ =	sdelay $0x4  }
0x2d3: {  	v3 =	vshll.u32 v1, $0x3  }
0x2d4: {  	v1 =	vand.u32 $0x7, v1;
	v3 =	vand.u32 $0xFFFFFFC0, v3  }
0x2d5: {  	v1 =	vor.u32 v1, v3  }
0x2d6: {  	v3 =	vperm.xlane v1, v2;
	_ =	sdelay $0x1  }
0x2d7: {  	v3 =	vadd.s32 v63, v3;
	_ =	sdelay $0x3  }
0x2d8: {  	s28 =	simm.s32 $0xC100  }
0x2d9: {  	[tilespmem:s28], [sflag:$0x2] =	stream.indirect_vreg.gather [hbm4b:s1+s3], $0x80, v3, vm0, $0xb8;
	[tilespmem:$0x10100] =	vst v63  }
0x2da: {  	s25 =	simm.s32 $0xC900;
	v1 =	vperm.xlane v1, v4  }
0x2db: {  	[tilespmem:s25], [sflag:$0x2] =	stream.indirect_vreg.gather [hbm4b:s5+s3], $0x80, v3, vm0, $0xb8;
	[tilespmem:$0x10100] =	vst v63  }
0x2dc: {  	s31 =	simm.s32 $0xD100;
	v1 =	vadd.s32 v63, v1  }
0x2dd: {  	[tilespmem:s31], [sflag:$0x2] =	stream.indirect_vreg.gather [hbm4b:s7+s3], $0x80, v3, vm0, $0xb8;
	[tilespmem:$0x10100] =	vst v63  }
0x2de: {  	s30 =	simm.s32 $0xD900  }
0x2df: {  	[tilespmem:s30], [sflag:$0x2] =	stream.indirect_vreg.gather [hbm4b:s8+s3], $0x80, v3, vm0, $0xb8;
	[tilespmem:$0x10100] =	vst v63  }
0x2e0: {  	s14 =	simm.s32 $0xE100  }
0x2e1: {  	[tilespmem:s14], [sflag:$0x2] =	stream.indirect_vreg.gather [hbm4b:s1+s3], $0x80, v1, vm0, $0xb8;
	[tilespmem:$0x10100] =	vst v63  }
0x2e2: {  	s15 =	simm.s32 $0xE900  }
0x2e3: {  	[tilespmem:s15], [sflag:$0x2] =	stream.indirect_vreg.gather [hbm4b:s5+s3], $0x80, v1, vm0, $0xb8;
	[tilespmem:$0x10100] =	vst v63  }
0x2e4: {  	s16 =	simm.s32 $0xF100  }
0x2e5: {  	[tilespmem:s16], [sflag:$0x2] =	stream.indirect_vreg.gather [hbm4b:s7+s3], $0x80, v1, vm0, $0xb8;
	[tilespmem:$0x10100] =	vst v63  }
0x2e6: {  	s17 =	simm.s32 $0xF900  }
0x2e7: {  	[tilespmem:s17], [sflag:$0x2] =	stream.indirect_vreg.gather [hbm4b:s8+s3], $0x80, v1, vm0, $0xb8;
	[tilespmem:$0x10100] =	vst v63  }
0x2e8: {  	_ =	swait.ge [sflag:s4], $0x8000  }
0x2e9: {  	[sflag:s4] =	ssyncset.done $0x0  }
0x2ea: {  	s17 =	rddreg [dreg:$0xe];
	[sflag:s4] =	ssyncadd.s32 $0xFFFF8000  }
0x2eb: {  	[hbm4b:s17+s3] =	stream.linear.scatter [tilespmem:s23], [sflag:$0x3], $0x8000, $0x38;
	[tilespmem:$0x10100] =	vst v63  }
0x2ec: {  	_ =	swait.ge [sflag:s18], $0x8000  }
0x2ed: {  	v3 =	vld [tilespmem:$0x1FED0];
	_ =	sdelay $0x2  }
0x2ee: {  	[sflag:s18] =	ssyncset.done $0x0  }
0x2ef: {  	v1 =	vperm.xlane v34, v2;
	[sflag:s18] =	ssyncadd.s32 $0xFFFF8000  }
0x2f0: {  	[tilespmem:$0x0] =	vst v3;
	v3 =	vld [tilespmem:$0x1FFF0]  }
0x2f1: {  	v1 =	vadd.s32 v63, v1;
	_ =	sdelay $0x3  }
0x2f2: {  	[tilespmem:$0x10] =	vst v3  }
0x2f3: {  	[tilespmem:s23], [sflag:$0x1] =	stream.indirect_vreg.gather [hbm4b:s1+s3], $0x80, v1, vm0, $0xb8;
	[tilespmem:$0x10100] =	vst v63  }
0x2f4: {  	s20 =	simm.s32 $0x900;
	v3 =	vperm.xlane v34, v4  }
0x2f5: {  	[tilespmem:s20], [sflag:$0x1] =	stream.indirect_vreg.gather [hbm4b:s5+s3], $0x80, v1, vm0, $0xb8;
	[tilespmem:$0x10100] =	vst v63  }
0x2f6: {  	s30 =	simm.s32 $0x1100;
	v3 =	vadd.s32 v63, v3  }
0x2f7: {  	[tilespmem:s30], [sflag:$0x1] =	stream.indirect_vreg.gather [hbm4b:s7+s3], $0x80, v1, vm0, $0xb8;
	[tilespmem:$0x10100] =	vst v63  }
0x2f8: {  	s20 =	simm.s32 $0x1900  }
0x2f9: {  	[tilespmem:s20], [sflag:$0x1] =	stream.indirect_vreg.gather [hbm4b:s8+s3], $0x80, v1, vm0, $0xb8;
	[tilespmem:$0x10100] =	vst v63  }
0x2fa: {  	s30 =	simm.s32 $0x2100  }
0x2fb: {  	[tilespmem:s30], [sflag:$0x1] =	stream.indirect_vreg.gather [hbm4b:s1+s3], $0x80, v3, vm0, $0xb8;
	[tilespmem:$0x10100] =	vst v63  }
0x2fc: {  	s20 =	simm.s32 $0x2900  }
0x2fd: {  	[tilespmem:s20], [sflag:$0x1] =	stream.indirect_vreg.gather [hbm4b:s5+s3], $0x80, v3, vm0, $0xb8;
	[tilespmem:$0x10100] =	vst v63  }
0x2fe: {  	s30 =	simm.s32 $0x3100  }
0x2ff: {  	[tilespmem:s30], [sflag:$0x1] =	stream.indirect_vreg.gather [hbm4b:s7+s3], $0x80, v3, vm0, $0xb8;
	[tilespmem:$0x10100] =	vst v63  }
0x300: {  	s20 =	simm.s32 $0x3900  }
0x301: {  	[tilespmem:s20], [sflag:$0x1] =	stream.indirect_vreg.gather [hbm4b:s8+s3], $0x80, v3, vm0, $0xb8;
	[tilespmem:$0x10100] =	vst v63  }
0x302: {  	v1 =	vld [tilespmem:$0x10];
	_ =	sdelay $0x4  }
0x303: {  	v3 =	vshll.u32 v1, $0x3  }
0x304: {  	v1 =	vand.u32 $0x7, v1;
	v3 =	vand.u32 $0xFFFFFFC0, v3  }
0x305: {  	v1 =	vor.u32 v1, v3  }
0x306: {  	v3 =	vperm.xlane v1, v2;
	_ =	sdelay $0x1  }
0x307: {  	v3 =	vadd.s32 v63, v3;
	_ =	sdelay $0x3  }
0x308: {  	s21 =	simm.s32 $0x4100  }
0x309: {  	[tilespmem:s21], [sflag:$0x1] =	stream.indirect_vreg.gather [hbm4b:s1+s3], $0x80, v3, vm0, $0xb8;
	[tilespmem:$0x10100] =	vst v63  }
0x30a: {  	s11 =	simm.s32 $0x4900;
	v1 =	vperm.xlane v1, v4  }
0x30b: {  	[tilespmem:s11], [sflag:$0x1] =	stream.indirect_vreg.gather [hbm4b:s5+s3], $0x80, v3, vm0, $0xb8;
	[tilespmem:$0x10100] =	vst v63  }
0x30c: {  	v1 =	vadd.s32 v63, v1;
	s21 =	simm.s32 $0x5100  }
0x30d: {  	[tilespmem:s21], [sflag:$0x1] =	stream.indirect_vreg.gather [hbm4b:s7+s3], $0x80, v3, vm0, $0xb8;
	[tilespmem:$0x10100] =	vst v63  }
0x30e: {  	s21 =	simm.s32 $0x5900  }
0x30f: {  	[tilespmem:s21], [sflag:$0x1] =	stream.indirect_vreg.gather [hbm4b:s8+s3], $0x80, v3, vm0, $0xb8;
	[tilespmem:$0x10100] =	vst v63  }
0x310: {  	s10 =	simm.s32 $0x6100  }
0x311: {  	[tilespmem:s10], [sflag:$0x1] =	stream.indirect_vreg.gather [hbm4b:s1+s3], $0x80, v1, vm0, $0xb8;
	[tilespmem:$0x10100] =	vst v63  }
0x312: {  	s21 =	simm.s32 $0x6900  }
0x313: {  	[tilespmem:s21], [sflag:$0x1] =	stream.indirect_vreg.gather [hbm4b:s5+s3], $0x80, v1, vm0, $0xb8;
	[tilespmem:$0x10100] =	vst v63  }
0x314: {  	s21 =	simm.s32 $0x7100  }
0x315: {  	[tilespmem:s21], [sflag:$0x1] =	stream.indirect_vreg.gather [hbm4b:s7+s3], $0x80, v1, vm0, $0xb8;
	[tilespmem:$0x10100] =	vst v63  }
0x316: {  	s13 =	simm.s32 $0x7900  }
0x317: {  	[tilespmem:s13], [sflag:$0x1] =	stream.indirect_vreg.gather [hbm4b:s8+s3], $0x80, v1, vm0, $0xb8;
	[tilespmem:$0x10100] =	vst v63  }
0x318: {  	_ =	swait.ge [sflag:s19], $0x8000  }
0x319: {  	[sflag:s19] =	ssyncset.done $0x0  }
0x31a: {  	s13 =	rddreg [dreg:$0xf];
	[sflag:s19] =	ssyncadd.s32 $0xFFFF8000  }
0x31b: {  	[hbm4b:s13+s3] =	stream.linear.scatter [tilespmem:s26], [sflag:$0x3], $0x8000, $0x38;
	[tilespmem:$0x10100] =	vst v63  }
0x31c: {  	v1 =	vperm.xlane v37, v2;
	_ =	swait.ge [sflag:s18], $0x8000  }
0x31d: {  	v3 =	vld [tilespmem:$0x1FEE0]  }
0x31e: {  	v1 =	vadd.s32 v63, v1  }
0x31f: {  	[sflag:s18] =	ssyncset.done $0x0  }
0x320: {  	[sflag:s18] =	ssyncadd.s32 $0xFFFF8000  }
0x321: {  	[tilespmem:$0x90] =	vst v6  }
0x322: {  	[tilespmem:$0x80] =	vst v3  }
0x323: {  	[tilespmem:s26], [sflag:$0x2] =	stream.indirect_vreg.gather [hbm4b:s1+s3], $0x80, v1, vm0, $0xb8;
	[tilespmem:$0x10100] =	vst v63  }
0x324: {  	s21 =	simm.s32 $0x8900;
	v3 =	vperm.xlane v37, v4  }
0x325: {  	[tilespmem:s21], [sflag:$0x2] =	stream.indirect_vreg.gather [hbm4b:s5+s3], $0x80, v1, vm0, $0xb8;
	[tilespmem:$0x10100] =	vst v63  }
0x326: {  	s9 =	simm.s32 $0x9100;
	v3 =	vadd.s32 v63, v3  }
0x327: {  	[tilespmem:s9], [sflag:$0x2] =	stream.indirect_vreg.gather [hbm4b:s7+s3], $0x80, v1, vm0, $0xb8;
	[tilespmem:$0x10100] =	vst v63  }
0x328: {  	s0 =	simm.s32 $0x9900  }
0x329: {  	[tilespmem:s0], [sflag:$0x2] =	stream.indirect_vreg.gather [hbm4b:s8+s3], $0x80, v1, vm0, $0xb8;
	[tilespmem:$0x10100] =	vst v63  }
0x32a: {  	s2 =	simm.s32 $0xA100  }
0x32b: {  	[tilespmem:s2], [sflag:$0x2] =	stream.indirect_vreg.gather [hbm4b:s1+s3], $0x80, v3, vm0, $0xb8;
	[tilespmem:$0x10100] =	vst v63  }
0x32c: {  	s24 =	simm.s32 $0xA900  }
0x32d: {  	[tilespmem:s24], [sflag:$0x2] =	stream.indirect_vreg.gather [hbm4b:s5+s3], $0x80, v3, vm0, $0xb8;
	[tilespmem:$0x10100] =	vst v63  }
0x32e: {  	s6 =	simm.s32 $0xB100  }
0x32f: {  	[tilespmem:s6], [sflag:$0x2] =	stream.indirect_vreg.gather [hbm4b:s7+s3], $0x80, v3, vm0, $0xb8;
	[tilespmem:$0x10100] =	vst v63  }
0x330: {  	s22 =	simm.s32 $0xB900  }
0x331: {  	[tilespmem:s22], [sflag:$0x2] =	stream.indirect_vreg.gather [hbm4b:s8+s3], $0x80, v3, vm0, $0xb8;
	[tilespmem:$0x10100] =	vst v63  }
0x332: {  	v1 =	vld [tilespmem:$0x90];
	_ =	sdelay $0x4  }
0x333: {  	v3 =	vshll.u32 v1, $0x3  }
0x334: {  	v1 =	vand.u32 $0x7, v1;
	v3 =	vand.u32 $0xFFFFFFC0, v3  }
0x335: {  	v1 =	vor.u32 v1, v3  }
0x336: {  	v3 =	vperm.xlane v1, v2;
	_ =	sdelay $0x1  }
0x337: {  	v3 =	vadd.s32 v63, v3;
	_ =	sdelay $0x3  }
0x338: {  	s28 =	simm.s32 $0xC100  }
0x339: {  	[tilespmem:s28], [sflag:$0x2] =	stream.indirect_vreg.gather [hbm4b:s1+s3], $0x80, v3, vm0, $0xb8;
	[tilespmem:$0x10100] =	vst v63  }
0x33a: {  	s25 =	simm.s32 $0xC900;
	v1 =	vperm.xlane v1, v4  }
0x33b: {  	[tilespmem:s25], [sflag:$0x2] =	stream.indirect_vreg.gather [hbm4b:s5+s3], $0x80, v3, vm0, $0xb8;
	[tilespmem:$0x10100] =	vst v63  }
0x33c: {  	s31 =	simm.s32 $0xD100;
	v1 =	vadd.s32 v63, v1  }
0x33d: {  	[tilespmem:s31], [sflag:$0x2] =	stream.indirect_vreg.gather [hbm4b:s7+s3], $0x80, v3, vm0, $0xb8;
	[tilespmem:$0x10100] =	vst v63  }
0x33e: {  	s29 =	simm.s32 $0xD900  }
0x33f: {  	[tilespmem:s29], [sflag:$0x2] =	stream.indirect_vreg.gather [hbm4b:s8+s3], $0x80, v3, vm0, $0xb8;
	[tilespmem:$0x10100] =	vst v63  }
0x340: {  	s12 =	simm.s32 $0xE100  }
0x341: {  	[tilespmem:s12], [sflag:$0x2] =	stream.indirect_vreg.gather [hbm4b:s1+s3], $0x80, v1, vm0, $0xb8;
	[tilespmem:$0x10100] =	vst v63  }
0x342: {  	s14 =	simm.s32 $0xE900  }
0x343: {  	[tilespmem:s14], [sflag:$0x2] =	stream.indirect_vreg.gather [hbm4b:s5+s3], $0x80, v1, vm0, $0xb8;
	[tilespmem:$0x10100] =	vst v63  }
0x344: {  	s15 =	simm.s32 $0xF100  }
0x345: {  	[tilespmem:s15], [sflag:$0x2] =	stream.indirect_vreg.gather [hbm4b:s7+s3], $0x80, v1, vm0, $0xb8;
	[tilespmem:$0x10100] =	vst v63  }
0x346: {  	s16 =	simm.s32 $0xF900  }
0x347: {  	[tilespmem:s16], [sflag:$0x2] =	stream.indirect_vreg.gather [hbm4b:s8+s3], $0x80, v1, vm0, $0xb8;
	[tilespmem:$0x10100] =	vst v63  }
0x348: {  	_ =	swait.ge [sflag:s4], $0x8000  }
0x349: {  	[sflag:s4] =	ssyncset.done $0x0  }
0x34a: {  	s16 =	rddreg [dreg:$0x10];
	[sflag:s4] =	ssyncadd.s32 $0xFFFF8000  }
0x34b: {  	[hbm4b:s16+s3] =	stream.linear.scatter [tilespmem:s23], [sflag:$0x3], $0x8000, $0x38;
	[tilespmem:$0x10100] =	vst v63  }
0x34c: {  	v1 =	vperm.xlane v38, v2;
	_ =	swait.ge [sflag:s18], $0x8000  }
0x34d: {  	v3 =	vld [tilespmem:$0x1FEF0]  }
0x34e: {  	v1 =	vadd.s32 v63, v1  }
0x34f: {  	[sflag:s18] =	ssyncset.done $0x0  }
0x350: {  	[sflag:s18] =	ssyncadd.s32 $0xFFFF8000  }
0x351: {  	[tilespmem:$0x10] =	vst v9  }
0x352: {  	[tilespmem:$0x0] =	vst v3  }
0x353: {  	[tilespmem:s23], [sflag:$0x1] =	stream.indirect_vreg.gather [hbm4b:s1+s3], $0x80, v1, vm0, $0xb8;
	[tilespmem:$0x10100] =	vst v63  }
0x354: {  	s20 =	simm.s32 $0x900;
	v3 =	vperm.xlane v38, v4  }
0x355: {  	[tilespmem:s20], [sflag:$0x1] =	stream.indirect_vreg.gather [hbm4b:s5+s3], $0x80, v1, vm0, $0xb8;
	[tilespmem:$0x10100] =	vst v63  }
0x356: {  	s16 =	simm.s32 $0x1100;
	v3 =	vadd.s32 v63, v3  }
0x357: {  	[tilespmem:s16], [sflag:$0x1] =	stream.indirect_vreg.gather [hbm4b:s7+s3], $0x80, v1, vm0, $0xb8;
	[tilespmem:$0x10100] =	vst v63  }
0x358: {  	s20 =	simm.s32 $0x1900  }
0x359: {  	[tilespmem:s20], [sflag:$0x1] =	stream.indirect_vreg.gather [hbm4b:s8+s3], $0x80, v1, vm0, $0xb8;
	[tilespmem:$0x10100] =	vst v63  }
0x35a: {  	s16 =	simm.s32 $0x2100  }
0x35b: {  	[tilespmem:s16], [sflag:$0x1] =	stream.indirect_vreg.gather [hbm4b:s1+s3], $0x80, v3, vm0, $0xb8;
	[tilespmem:$0x10100] =	vst v63  }
0x35c: {  	s20 =	simm.s32 $0x2900  }
0x35d: {  	[tilespmem:s20], [sflag:$0x1] =	stream.indirect_vreg.gather [hbm4b:s5+s3], $0x80, v3, vm0, $0xb8;
	[tilespmem:$0x10100] =	vst v63  }
0x35e: {  	s16 =	simm.s32 $0x3100  }
0x35f: {  	[tilespmem:s16], [sflag:$0x1] =	stream.indirect_vreg.gather [hbm4b:s7+s3], $0x80, v3, vm0, $0xb8;
	[tilespmem:$0x10100] =	vst v63  }
0x360: {  	s30 =	simm.s32 $0x3900  }
0x361: {  	[tilespmem:s30], [sflag:$0x1] =	stream.indirect_vreg.gather [hbm4b:s8+s3], $0x80, v3, vm0, $0xb8;
	[tilespmem:$0x10100] =	vst v63  }
0x362: {  	v1 =	vld [tilespmem:$0x10];
	_ =	sdelay $0x4  }
0x363: {  	v3 =	vshll.u32 v1, $0x3  }
0x364: {  	v1 =	vand.u32 $0x7, v1;
	v3 =	vand.u32 $0xFFFFFFC0, v3  }
0x365: {  	v1 =	vor.u32 v1, v3  }
0x366: {  	v3 =	vperm.xlane v1, v2;
	_ =	sdelay $0x1  }
0x367: {  	v3 =	vadd.s32 v63, v3;
	_ =	sdelay $0x3  }
0x368: {  	s17 =	simm.s32 $0x4100  }
0x369: {  	[tilespmem:s17], [sflag:$0x1] =	stream.indirect_vreg.gather [hbm4b:s1+s3], $0x80, v3, vm0, $0xb8;
	[tilespmem:$0x10100] =	vst v63  }
0x36a: {  	s11 =	simm.s32 $0x4900;
	v1 =	vperm.xlane v1, v4  }
0x36b: {  	[tilespmem:s11], [sflag:$0x1] =	stream.indirect_vreg.gather [hbm4b:s5+s3], $0x80, v3, vm0, $0xb8;
	[tilespmem:$0x10100] =	vst v63  }
0x36c: {  	v1 =	vadd.s32 v63, v1;
	s17 =	simm.s32 $0x5100  }
0x36d: {  	[tilespmem:s17], [sflag:$0x1] =	stream.indirect_vreg.gather [hbm4b:s7+s3], $0x80, v3, vm0, $0xb8;
	[tilespmem:$0x10100] =	vst v63  }
0x36e: {  	s20 =	simm.s32 $0x5900  }
0x36f: {  	[tilespmem:s20], [sflag:$0x1] =	stream.indirect_vreg.gather [hbm4b:s8+s3], $0x80, v3, vm0, $0xb8;
	[tilespmem:$0x10100] =	vst v63  }
0x370: {  	s10 =	simm.s32 $0x6100  }
0x371: {  	[tilespmem:s10], [sflag:$0x1] =	stream.indirect_vreg.gather [hbm4b:s1+s3], $0x80, v1, vm0, $0xb8;
	[tilespmem:$0x10100] =	vst v63  }
0x372: {  	s17 =	simm.s32 $0x6900  }
0x373: {  	[tilespmem:s17], [sflag:$0x1] =	stream.indirect_vreg.gather [hbm4b:s5+s3], $0x80, v1, vm0, $0xb8;
	[tilespmem:$0x10100] =	vst v63  }
0x374: {  	s20 =	simm.s32 $0x7100  }
0x375: {  	[tilespmem:s20], [sflag:$0x1] =	stream.indirect_vreg.gather [hbm4b:s7+s3], $0x80, v1, vm0, $0xb8;
	[tilespmem:$0x10100] =	vst v63  }
0x376: {  	s20 =	simm.s32 $0x7900  }
0x377: {  	[tilespmem:s20], [sflag:$0x1] =	stream.indirect_vreg.gather [hbm4b:s8+s3], $0x80, v1, vm0, $0xb8;
	[tilespmem:$0x10100] =	vst v63  }
0x378: {  	_ =	swait.ge [sflag:s19], $0x8000  }
0x379: {  	[sflag:s19] =	ssyncset.done $0x0  }
0x37a: {  	s20 =	rddreg [dreg:$0x11];
	[sflag:s19] =	ssyncadd.s32 $0xFFFF8000  }
0x37b: {  	[hbm4b:s20+s3] =	stream.linear.scatter [tilespmem:s26], [sflag:$0x3], $0x8000, $0x38;
	[tilespmem:$0x10100] =	vst v63  }
0x37c: {  	v1 =	vperm.xlane v40, v2;
	_ =	swait.ge [sflag:s18], $0x8000  }
0x37d: {  	v3 =	vld [tilespmem:$0x1FF00]  }
0x37e: {  	v1 =	vadd.s32 v63, v1  }
0x37f: {  	[sflag:s18] =	ssyncset.done $0x0  }
0x380: {  	[sflag:s18] =	ssyncadd.s32 $0xFFFF8000  }
0x381: {  	[tilespmem:$0x90] =	vst v12  }
0x382: {  	[tilespmem:$0x80] =	vst v3  }
0x383: {  	[tilespmem:s26], [sflag:$0x2] =	stream.indirect_vreg.gather [hbm4b:s1+s3], $0x80, v1, vm0, $0xb8;
	[tilespmem:$0x10100] =	vst v63  }
0x384: {  	s20 =	simm.s32 $0x8900;
	v3 =	vperm.xlane v40, v4  }
0x385: {  	[tilespmem:s20], [sflag:$0x2] =	stream.indirect_vreg.gather [hbm4b:s5+s3], $0x80, v1, vm0, $0xb8;
	[tilespmem:$0x10100] =	vst v63  }
0x386: {  	s9 =	simm.s32 $0x9100;
	v3 =	vadd.s32 v63, v3  }
0x387: {  	[tilespmem:s9], [sflag:$0x2] =	stream.indirect_vreg.gather [hbm4b:s7+s3], $0x80, v1, vm0, $0xb8;
	[tilespmem:$0x10100] =	vst v63  }
0x388: {  	s0 =	simm.s32 $0x9900  }
0x389: {  	[tilespmem:s0], [sflag:$0x2] =	stream.indirect_vreg.gather [hbm4b:s8+s3], $0x80, v1, vm0, $0xb8;
	[tilespmem:$0x10100] =	vst v63  }
0x38a: {  	s2 =	simm.s32 $0xA100  }
0x38b: {  	[tilespmem:s2], [sflag:$0x2] =	stream.indirect_vreg.gather [hbm4b:s1+s3], $0x80, v3, vm0, $0xb8;
	[tilespmem:$0x10100] =	vst v63  }
0x38c: {  	s24 =	simm.s32 $0xA900  }
0x38d: {  	[tilespmem:s24], [sflag:$0x2] =	stream.indirect_vreg.gather [hbm4b:s5+s3], $0x80, v3, vm0, $0xb8;
	[tilespmem:$0x10100] =	vst v63  }
0x38e: {  	s6 =	simm.s32 $0xB100  }
0x38f: {  	[tilespmem:s6], [sflag:$0x2] =	stream.indirect_vreg.gather [hbm4b:s7+s3], $0x80, v3, vm0, $0xb8;
	[tilespmem:$0x10100] =	vst v63  }
0x390: {  	s21 =	simm.s32 $0xB900  }
0x391: {  	[tilespmem:s21], [sflag:$0x2] =	stream.indirect_vreg.gather [hbm4b:s8+s3], $0x80, v3, vm0, $0xb8;
	[tilespmem:$0x10100] =	vst v63  }
0x392: {  	v1 =	vld [tilespmem:$0x90];
	_ =	sdelay $0x4  }
0x393: {  	v3 =	vshll.u32 v1, $0x3  }
0x394: {  	v1 =	vand.u32 $0x7, v1;
	v3 =	vand.u32 $0xFFFFFFC0, v3  }
0x395: {  	v1 =	vor.u32 v1, v3  }
0x396: {  	v3 =	vperm.xlane v1, v2;
	_ =	sdelay $0x1  }
0x397: {  	v3 =	vadd.s32 v63, v3;
	_ =	sdelay $0x3  }
0x398: {  	s28 =	simm.s32 $0xC100  }
0x399: {  	[tilespmem:s28], [sflag:$0x2] =	stream.indirect_vreg.gather [hbm4b:s1+s3], $0x80, v3, vm0, $0xb8;
	[tilespmem:$0x10100] =	vst v63  }
0x39a: {  	s22 =	simm.s32 $0xC900;
	v1 =	vperm.xlane v1, v4  }
0x39b: {  	[tilespmem:s22], [sflag:$0x2] =	stream.indirect_vreg.gather [hbm4b:s5+s3], $0x80, v3, vm0, $0xb8;
	[tilespmem:$0x10100] =	vst v63  }
0x39c: {  	s31 =	simm.s32 $0xD100;
	v1 =	vadd.s32 v63, v1  }
0x39d: {  	[tilespmem:s31], [sflag:$0x2] =	stream.indirect_vreg.gather [hbm4b:s7+s3], $0x80, v3, vm0, $0xb8;
	[tilespmem:$0x10100] =	vst v63  }
0x39e: {  	s29 =	simm.s32 $0xD900  }
0x39f: {  	[tilespmem:s29], [sflag:$0x2] =	stream.indirect_vreg.gather [hbm4b:s8+s3], $0x80, v3, vm0, $0xb8;
	[tilespmem:$0x10100] =	vst v63  }
0x3a0: {  	s25 =	simm.s32 $0xE100  }
0x3a1: {  	[tilespmem:s25], [sflag:$0x2] =	stream.indirect_vreg.gather [hbm4b:s1+s3], $0x80, v1, vm0, $0xb8;
	[tilespmem:$0x10100] =	vst v63  }
0x3a2: {  	s12 =	simm.s32 $0xE900  }
0x3a3: {  	[tilespmem:s12], [sflag:$0x2] =	stream.indirect_vreg.gather [hbm4b:s5+s3], $0x80, v1, vm0, $0xb8;
	[tilespmem:$0x10100] =	vst v63  }
0x3a4: {  	s13 =	simm.s32 $0xF100  }
0x3a5: {  	[tilespmem:s13], [sflag:$0x2] =	stream.indirect_vreg.gather [hbm4b:s7+s3], $0x80, v1, vm0, $0xb8;
	[tilespmem:$0x10100] =	vst v63  }
0x3a6: {  	s14 =	simm.s32 $0xF900  }
0x3a7: {  	[tilespmem:s14], [sflag:$0x2] =	stream.indirect_vreg.gather [hbm4b:s8+s3], $0x80, v1, vm0, $0xb8;
	[tilespmem:$0x10100] =	vst v63  }
0x3a8: {  	_ =	swait.ge [sflag:s4], $0x8000  }
0x3a9: {  	[sflag:s4] =	ssyncset.done $0x0  }
0x3aa: {  	s25 =	rddreg [dreg:$0x12];
	[sflag:s4] =	ssyncadd.s32 $0xFFFF8000  }
0x3ab: {  	[hbm4b:s25+s3] =	stream.linear.scatter [tilespmem:s23], [sflag:$0x3], $0x8000, $0x38;
	[tilespmem:$0x10100] =	vst v63  }
0x3ac: {  	v1 =	vperm.xlane v43, v2;
	_ =	swait.ge [sflag:s18], $0x8000  }
0x3ad: {  	v3 =	vld [tilespmem:$0x1FF10]  }
0x3ae: {  	v1 =	vadd.s32 v63, v1  }
0x3af: {  	[sflag:s18] =	ssyncset.done $0x0  }
0x3b0: {  	[sflag:s18] =	ssyncadd.s32 $0xFFFF8000  }
0x3b1: {  	[tilespmem:$0x10] =	vst v15  }
0x3b2: {  	[tilespmem:$0x0] =	vst v3  }
0x3b3: {  	[tilespmem:s23], [sflag:$0x1] =	stream.indirect_vreg.gather [hbm4b:s1+s3], $0x80, v1, vm0, $0xb8;
	[tilespmem:$0x10100] =	vst v63  }
0x3b4: {  	s25 =	simm.s32 $0x900;
	v3 =	vperm.xlane v43, v4  }
0x3b5: {  	[tilespmem:s25], [sflag:$0x1] =	stream.indirect_vreg.gather [hbm4b:s5+s3], $0x80, v1, vm0, $0xb8;
	[tilespmem:$0x10100] =	vst v63  }
0x3b6: {  	v3 =	vadd.s32 v63, v3;
	s25 =	simm.s32 $0x1100  }
0x3b7: {  	[tilespmem:s25], [sflag:$0x1] =	stream.indirect_vreg.gather [hbm4b:s7+s3], $0x80, v1, vm0, $0xb8;
	[tilespmem:$0x10100] =	vst v63  }
0x3b8: {  	s25 =	simm.s32 $0x1900  }
0x3b9: {  	[tilespmem:s25], [sflag:$0x1] =	stream.indirect_vreg.gather [hbm4b:s8+s3], $0x80, v1, vm0, $0xb8;
	[tilespmem:$0x10100] =	vst v63  }
0x3ba: {  	s25 =	simm.s32 $0x2100  }
0x3bb: {  	[tilespmem:s25], [sflag:$0x1] =	stream.indirect_vreg.gather [hbm4b:s1+s3], $0x80, v3, vm0, $0xb8;
	[tilespmem:$0x10100] =	vst v63  }
0x3bc: {  	s25 =	simm.s32 $0x2900  }
0x3bd: {  	[tilespmem:s25], [sflag:$0x1] =	stream.indirect_vreg.gather [hbm4b:s5+s3], $0x80, v3, vm0, $0xb8;
	[tilespmem:$0x10100] =	vst v63  }
0x3be: {  	s25 =	simm.s32 $0x3100  }
0x3bf: {  	[tilespmem:s25], [sflag:$0x1] =	stream.indirect_vreg.gather [hbm4b:s7+s3], $0x80, v3, vm0, $0xb8;
	[tilespmem:$0x10100] =	vst v63  }
0x3c0: {  	s15 =	simm.s32 $0x3900  }
0x3c1: {  	[tilespmem:s15], [sflag:$0x1] =	stream.indirect_vreg.gather [hbm4b:s8+s3], $0x80, v3, vm0, $0xb8;
	[tilespmem:$0x10100] =	vst v63  }
0x3c2: {  	v1 =	vld [tilespmem:$0x10];
	_ =	sdelay $0x4  }
0x3c3: {  	v3 =	vshll.u32 v1, $0x3  }
0x3c4: {  	v1 =	vand.u32 $0x7, v1;
	v3 =	vand.u32 $0xFFFFFFC0, v3  }
0x3c5: {  	v1 =	vor.u32 v1, v3  }
0x3c6: {  	v3 =	vperm.xlane v1, v2;
	_ =	sdelay $0x1  }
0x3c7: {  	v3 =	vadd.s32 v63, v3;
	_ =	sdelay $0x3  }
0x3c8: {  	s16 =	simm.s32 $0x4100  }
0x3c9: {  	[tilespmem:s16], [sflag:$0x1] =	stream.indirect_vreg.gather [hbm4b:s1+s3], $0x80, v3, vm0, $0xb8;
	[tilespmem:$0x10100] =	vst v63  }
0x3ca: {  	s30 =	simm.s32 $0x4900;
	v1 =	vperm.xlane v1, v4  }
0x3cb: {  	[tilespmem:s30], [sflag:$0x1] =	stream.indirect_vreg.gather [hbm4b:s5+s3], $0x80, v3, vm0, $0xb8;
	[tilespmem:$0x10100] =	vst v63  }
0x3cc: {  	v1 =	vadd.s32 v63, v1;
	s30 =	simm.s32 $0x5100  }
0x3cd: {  	[tilespmem:s30], [sflag:$0x1] =	stream.indirect_vreg.gather [hbm4b:s7+s3], $0x80, v3, vm0, $0xb8;
	[tilespmem:$0x10100] =	vst v63  }
0x3ce: {  	s30 =	simm.s32 $0x5900  }
0x3cf: {  	[tilespmem:s30], [sflag:$0x1] =	stream.indirect_vreg.gather [hbm4b:s8+s3], $0x80, v3, vm0, $0xb8;
	[tilespmem:$0x10100] =	vst v63  }
0x3d0: {  	s10 =	simm.s32 $0x6100  }
0x3d1: {  	[tilespmem:s10], [sflag:$0x1] =	stream.indirect_vreg.gather [hbm4b:s1+s3], $0x80, v1, vm0, $0xb8;
	[tilespmem:$0x10100] =	vst v63  }
0x3d2: {  	s17 =	simm.s32 $0x6900  }
0x3d3: {  	[tilespmem:s17], [sflag:$0x1] =	stream.indirect_vreg.gather [hbm4b:s5+s3], $0x80, v1, vm0, $0xb8;
	[tilespmem:$0x10100] =	vst v63  }
0x3d4: {  	s30 =	simm.s32 $0x7100  }
0x3d5: {  	[tilespmem:s30], [sflag:$0x1] =	stream.indirect_vreg.gather [hbm4b:s7+s3], $0x80, v1, vm0, $0xb8;
	[tilespmem:$0x10100] =	vst v63  }
0x3d6: {  	s11 =	simm.s32 $0x7900  }
0x3d7: {  	[tilespmem:s11], [sflag:$0x1] =	stream.indirect_vreg.gather [hbm4b:s8+s3], $0x80, v1, vm0, $0xb8;
	[tilespmem:$0x10100] =	vst v63  }
0x3d8: {  	_ =	swait.ge [sflag:s19], $0x8000  }
0x3d9: {  	[sflag:s19] =	ssyncset.done $0x0  }
0x3da: {  	s20 =	rddreg [dreg:$0x13];
	[sflag:s19] =	ssyncadd.s32 $0xFFFF8000  }
0x3db: {  	[hbm4b:s20+s3] =	stream.linear.scatter [tilespmem:s26], [sflag:$0x3], $0x8000, $0x38;
	[tilespmem:$0x10100] =	vst v63  }
0x3dc: {  	v1 =	vperm.xlane v44, v2;
	_ =	swait.ge [sflag:s18], $0x8000  }
0x3dd: {  	v3 =	vld [tilespmem:$0x1FF20]  }
0x3de: {  	v1 =	vadd.s32 v63, v1  }
0x3df: {  	[sflag:s18] =	ssyncset.done $0x0  }
0x3e0: {  	[sflag:s18] =	ssyncadd.s32 $0xFFFF8000  }
0x3e1: {  	[tilespmem:$0x90] =	vst v17  }
0x3e2: {  	[tilespmem:$0x80] =	vst v3  }
0x3e3: {  	[tilespmem:s26], [sflag:$0x2] =	stream.indirect_vreg.gather [hbm4b:s1+s3], $0x80, v1, vm0, $0xb8;
	[tilespmem:$0x10100] =	vst v63  }
0x3e4: {  	s20 =	simm.s32 $0x8900;
	v3 =	vperm.xlane v44, v4  }
0x3e5: {  	[tilespmem:s20], [sflag:$0x2] =	stream.indirect_vreg.gather [hbm4b:s5+s3], $0x80, v1, vm0, $0xb8;
	[tilespmem:$0x10100] =	vst v63  }
0x3e6: {  	s9 =	simm.s32 $0x9100;
	v3 =	vadd.s32 v63, v3  }
0x3e7: {  	[tilespmem:s9], [sflag:$0x2] =	stream.indirect_vreg.gather [hbm4b:s7+s3], $0x80, v1, vm0, $0xb8;
	[tilespmem:$0x10100] =	vst v63  }
0x3e8: {  	s0 =	simm.s32 $0x9900  }
0x3e9: {  	[tilespmem:s0], [sflag:$0x2] =	stream.indirect_vreg.gather [hbm4b:s8+s3], $0x80, v1, vm0, $0xb8;
	[tilespmem:$0x10100] =	vst v63  }
0x3ea: {  	s2 =	simm.s32 $0xA100  }
0x3eb: {  	[tilespmem:s2], [sflag:$0x2] =	stream.indirect_vreg.gather [hbm4b:s1+s3], $0x80, v3, vm0, $0xb8;
	[tilespmem:$0x10100] =	vst v63  }
0x3ec: {  	s20 =	simm.s32 $0xA900  }
0x3ed: {  	[tilespmem:s20], [sflag:$0x2] =	stream.indirect_vreg.gather [hbm4b:s5+s3], $0x80, v3, vm0, $0xb8;
	[tilespmem:$0x10100] =	vst v63  }
0x3ee: {  	s6 =	simm.s32 $0xB100  }
0x3ef: {  	[tilespmem:s6], [sflag:$0x2] =	stream.indirect_vreg.gather [hbm4b:s7+s3], $0x80, v3, vm0, $0xb8;
	[tilespmem:$0x10100] =	vst v63  }
0x3f0: {  	s21 =	simm.s32 $0xB900  }
0x3f1: {  	[tilespmem:s21], [sflag:$0x2] =	stream.indirect_vreg.gather [hbm4b:s8+s3], $0x80, v3, vm0, $0xb8;
	[tilespmem:$0x10100] =	vst v63  }
0x3f2: {  	v1 =	vld [tilespmem:$0x90];
	_ =	sdelay $0x4  }
0x3f3: {  	v3 =	vshll.u32 v1, $0x3  }
0x3f4: {  	v1 =	vand.u32 $0x7, v1;
	v3 =	vand.u32 $0xFFFFFFC0, v3  }
0x3f5: {  	v1 =	vor.u32 v1, v3  }
0x3f6: {  	v3 =	vperm.xlane v1, v2;
	_ =	sdelay $0x1  }
0x3f7: {  	v3 =	vadd.s32 v63, v3;
	_ =	sdelay $0x3  }
0x3f8: {  	s28 =	simm.s32 $0xC100  }
0x3f9: {  	[tilespmem:s28], [sflag:$0x2] =	stream.indirect_vreg.gather [hbm4b:s1+s3], $0x80, v3, vm0, $0xb8;
	[tilespmem:$0x10100] =	vst v63  }
0x3fa: {  	s22 =	simm.s32 $0xC900;
	v1 =	vperm.xlane v1, v4  }
0x3fb: {  	[tilespmem:s22], [sflag:$0x2] =	stream.indirect_vreg.gather [hbm4b:s5+s3], $0x80, v3, vm0, $0xb8;
	[tilespmem:$0x10100] =	vst v63  }
0x3fc: {  	s31 =	simm.s32 $0xD100;
	v1 =	vadd.s32 v63, v1  }
0x3fd: {  	[tilespmem:s31], [sflag:$0x2] =	stream.indirect_vreg.gather [hbm4b:s7+s3], $0x80, v3, vm0, $0xb8;
	[tilespmem:$0x10100] =	vst v63  }
0x3fe: {  	s29 =	simm.s32 $0xD900  }
0x3ff: {  	[tilespmem:s29], [sflag:$0x2] =	stream.indirect_vreg.gather [hbm4b:s8+s3], $0x80, v3, vm0, $0xb8;
	[tilespmem:$0x10100] =	vst v63  }
0x400: {  	s24 =	simm.s32 $0xE100  }
0x401: {  	[tilespmem:s24], [sflag:$0x2] =	stream.indirect_vreg.gather [hbm4b:s1+s3], $0x80, v1, vm0, $0xb8;
	[tilespmem:$0x10100] =	vst v63  }
0x402: {  	s12 =	simm.s32 $0xE900  }
0x403: {  	[tilespmem:s12], [sflag:$0x2] =	stream.indirect_vreg.gather [hbm4b:s5+s3], $0x80, v1, vm0, $0xb8;
	[tilespmem:$0x10100] =	vst v63  }
0x404: {  	s13 =	simm.s32 $0xF100  }
0x405: {  	[tilespmem:s13], [sflag:$0x2] =	stream.indirect_vreg.gather [hbm4b:s7+s3], $0x80, v1, vm0, $0xb8;
	[tilespmem:$0x10100] =	vst v63  }
0x406: {  	s14 =	simm.s32 $0xF900  }
0x407: {  	[tilespmem:s14], [sflag:$0x2] =	stream.indirect_vreg.gather [hbm4b:s8+s3], $0x80, v1, vm0, $0xb8;
	[tilespmem:$0x10100] =	vst v63  }
0x408: {  	_ =	swait.ge [sflag:s4], $0x8000  }
0x409: {  	[sflag:s4] =	ssyncset.done $0x0  }
0x40a: {  	s20 =	rddreg [dreg:$0x14];
	[sflag:s4] =	ssyncadd.s32 $0xFFFF8000  }
0x40b: {  	[hbm4b:s20+s3] =	stream.linear.scatter [tilespmem:s23], [sflag:$0x3], $0x8000, $0x38;
	[tilespmem:$0x10100] =	vst v63  }
0x40c: {  	v1 =	vperm.xlane v46, v2;
	_ =	swait.ge [sflag:s18], $0x8000  }
0x40d: {  	v3 =	vld [tilespmem:$0x1FF30]  }
0x40e: {  	v1 =	vadd.s32 v63, v1  }
0x40f: {  	[sflag:s18] =	ssyncset.done $0x0  }
0x410: {  	[sflag:s18] =	ssyncadd.s32 $0xFFFF8000  }
0x411: {  	[tilespmem:$0x10] =	vst v18  }
0x412: {  	[tilespmem:$0x0] =	vst v3  }
0x413: {  	[tilespmem:s23], [sflag:$0x1] =	stream.indirect_vreg.gather [hbm4b:s1+s3], $0x80, v1, vm0, $0xb8;
	[tilespmem:$0x10100] =	vst v63  }
0x414: {  	s20 =	simm.s32 $0x900;
	v3 =	vperm.xlane v46, v4  }
0x415: {  	[tilespmem:s20], [sflag:$0x1] =	stream.indirect_vreg.gather [hbm4b:s5+s3], $0x80, v1, vm0, $0xb8;
	[tilespmem:$0x10100] =	vst v63  }
0x416: {  	v3 =	vadd.s32 v63, v3;
	s20 =	simm.s32 $0x1100  }
0x417: {  	[tilespmem:s20], [sflag:$0x1] =	stream.indirect_vreg.gather [hbm4b:s7+s3], $0x80, v1, vm0, $0xb8;
	[tilespmem:$0x10100] =	vst v63  }
0x418: {  	s20 =	simm.s32 $0x1900  }
0x419: {  	[tilespmem:s20], [sflag:$0x1] =	stream.indirect_vreg.gather [hbm4b:s8+s3], $0x80, v1, vm0, $0xb8;
	[tilespmem:$0x10100] =	vst v63  }
0x41a: {  	s20 =	simm.s32 $0x2100  }
0x41b: {  	[tilespmem:s20], [sflag:$0x1] =	stream.indirect_vreg.gather [hbm4b:s1+s3], $0x80, v3, vm0, $0xb8;
	[tilespmem:$0x10100] =	vst v63  }
0x41c: {  	s20 =	simm.s32 $0x2900  }
0x41d: {  	[tilespmem:s20], [sflag:$0x1] =	stream.indirect_vreg.gather [hbm4b:s5+s3], $0x80, v3, vm0, $0xb8;
	[tilespmem:$0x10100] =	vst v63  }
0x41e: {  	s20 =	simm.s32 $0x3100  }
0x41f: {  	[tilespmem:s20], [sflag:$0x1] =	stream.indirect_vreg.gather [hbm4b:s7+s3], $0x80, v3, vm0, $0xb8;
	[tilespmem:$0x10100] =	vst v63  }
0x420: {  	s15 =	simm.s32 $0x3900  }
0x421: {  	[tilespmem:s15], [sflag:$0x1] =	stream.indirect_vreg.gather [hbm4b:s8+s3], $0x80, v3, vm0, $0xb8;
	[tilespmem:$0x10100] =	vst v63  }
0x422: {  	v1 =	vld [tilespmem:$0x10];
	_ =	sdelay $0x4  }
0x423: {  	v3 =	vshll.u32 v1, $0x3  }
0x424: {  	v1 =	vand.u32 $0x7, v1;
	v3 =	vand.u32 $0xFFFFFFC0, v3  }
0x425: {  	v1 =	vor.u32 v1, v3  }
0x426: {  	v3 =	vperm.xlane v1, v2;
	_ =	sdelay $0x1  }
0x427: {  	v3 =	vadd.s32 v63, v3;
	_ =	sdelay $0x3  }
0x428: {  	s16 =	simm.s32 $0x4100  }
0x429: {  	[tilespmem:s16], [sflag:$0x1] =	stream.indirect_vreg.gather [hbm4b:s1+s3], $0x80, v3, vm0, $0xb8;
	[tilespmem:$0x10100] =	vst v63  }
0x42a: {  	s25 =	simm.s32 $0x4900;
	v1 =	vperm.xlane v1, v4  }
0x42b: {  	[tilespmem:s25], [sflag:$0x1] =	stream.indirect_vreg.gather [hbm4b:s5+s3], $0x80, v3, vm0, $0xb8;
	[tilespmem:$0x10100] =	vst v63  }
0x42c: {  	s20 =	simm.s32 $0x5100;
	v1 =	vadd.s32 v63, v1  }
0x42d: {  	[tilespmem:s20], [sflag:$0x1] =	stream.indirect_vreg.gather [hbm4b:s7+s3], $0x80, v3, vm0, $0xb8;
	[tilespmem:$0x10100] =	vst v63  }
0x42e: {  	s20 =	simm.s32 $0x5900  }
0x42f: {  	[tilespmem:s20], [sflag:$0x1] =	stream.indirect_vreg.gather [hbm4b:s8+s3], $0x80, v3, vm0, $0xb8;
	[tilespmem:$0x10100] =	vst v63  }
0x430: {  	s10 =	simm.s32 $0x6100  }
0x431: {  	[tilespmem:s10], [sflag:$0x1] =	stream.indirect_vreg.gather [hbm4b:s1+s3], $0x80, v1, vm0, $0xb8;
	[tilespmem:$0x10100] =	vst v63  }
0x432: {  	s17 =	simm.s32 $0x6900  }
0x433: {  	[tilespmem:s17], [sflag:$0x1] =	stream.indirect_vreg.gather [hbm4b:s5+s3], $0x80, v1, vm0, $0xb8;
	[tilespmem:$0x10100] =	vst v63  }
0x434: {  	s30 =	simm.s32 $0x7100  }
0x435: {  	[tilespmem:s30], [sflag:$0x1] =	stream.indirect_vreg.gather [hbm4b:s7+s3], $0x80, v1, vm0, $0xb8;
	[tilespmem:$0x10100] =	vst v63  }
0x436: {  	s11 =	simm.s32 $0x7900  }
0x437: {  	[tilespmem:s11], [sflag:$0x1] =	stream.indirect_vreg.gather [hbm4b:s8+s3], $0x80, v1, vm0, $0xb8;
	[tilespmem:$0x10100] =	vst v63  }
0x438: {  	_ =	swait.ge [sflag:s19], $0x8000  }
0x439: {  	[sflag:s19] =	ssyncset.done $0x0  }
0x43a: {  	s20 =	rddreg [dreg:$0x15];
	[sflag:s19] =	ssyncadd.s32 $0xFFFF8000  }
0x43b: {  	[hbm4b:s20+s3] =	stream.linear.scatter [tilespmem:s26], [sflag:$0x3], $0x8000, $0x38;
	[tilespmem:$0x10100] =	vst v63  }
0x43c: {  	v1 =	vperm.xlane v49, v2;
	_ =	swait.ge [sflag:s18], $0x8000  }
0x43d: {  	v3 =	vld [tilespmem:$0x1FF40]  }
0x43e: {  	v1 =	vadd.s32 v63, v1  }
0x43f: {  	[sflag:s18] =	ssyncset.done $0x0  }
0x440: {  	[sflag:s18] =	ssyncadd.s32 $0xFFFF8000  }
0x441: {  	[tilespmem:$0x90] =	vst v21  }
0x442: {  	[tilespmem:$0x80] =	vst v3  }
0x443: {  	[tilespmem:s26], [sflag:$0x2] =	stream.indirect_vreg.gather [hbm4b:s1+s3], $0x80, v1, vm0, $0xb8;
	[tilespmem:$0x10100] =	vst v63  }
0x444: {  	s20 =	simm.s32 $0x8900;
	v3 =	vperm.xlane v49, v4  }
0x445: {  	[tilespmem:s20], [sflag:$0x2] =	stream.indirect_vreg.gather [hbm4b:s5+s3], $0x80, v1, vm0, $0xb8;
	[tilespmem:$0x10100] =	vst v63  }
0x446: {  	s9 =	simm.s32 $0x9100;
	v3 =	vadd.s32 v63, v3  }
0x447: {  	[tilespmem:s9], [sflag:$0x2] =	stream.indirect_vreg.gather [hbm4b:s7+s3], $0x80, v1, vm0, $0xb8;
	[tilespmem:$0x10100] =	vst v63  }
0x448: {  	s0 =	simm.s32 $0x9900  }
0x449: {  	[tilespmem:s0], [sflag:$0x2] =	stream.indirect_vreg.gather [hbm4b:s8+s3], $0x80, v1, vm0, $0xb8;
	[tilespmem:$0x10100] =	vst v63  }
0x44a: {  	s2 =	simm.s32 $0xA100  }
0x44b: {  	[tilespmem:s2], [sflag:$0x2] =	stream.indirect_vreg.gather [hbm4b:s1+s3], $0x80, v3, vm0, $0xb8;
	[tilespmem:$0x10100] =	vst v63  }
0x44c: {  	s20 =	simm.s32 $0xA900  }
0x44d: {  	[tilespmem:s20], [sflag:$0x2] =	stream.indirect_vreg.gather [hbm4b:s5+s3], $0x80, v3, vm0, $0xb8;
	[tilespmem:$0x10100] =	vst v63  }
0x44e: {  	s6 =	simm.s32 $0xB100  }
0x44f: {  	[tilespmem:s6], [sflag:$0x2] =	stream.indirect_vreg.gather [hbm4b:s7+s3], $0x80, v3, vm0, $0xb8;
	[tilespmem:$0x10100] =	vst v63  }
0x450: {  	s21 =	simm.s32 $0xB900  }
0x451: {  	[tilespmem:s21], [sflag:$0x2] =	stream.indirect_vreg.gather [hbm4b:s8+s3], $0x80, v3, vm0, $0xb8;
	[tilespmem:$0x10100] =	vst v63  }
0x452: {  	v1 =	vld [tilespmem:$0x90];
	_ =	sdelay $0x4  }
0x453: {  	v3 =	vshll.u32 v1, $0x3  }
0x454: {  	v1 =	vand.u32 $0x7, v1;
	v3 =	vand.u32 $0xFFFFFFC0, v3  }
0x455: {  	v1 =	vor.u32 v1, v3  }
0x456: {  	v3 =	vperm.xlane v1, v2;
	_ =	sdelay $0x1  }
0x457: {  	v3 =	vadd.s32 v63, v3;
	_ =	sdelay $0x3  }
0x458: {  	s28 =	simm.s32 $0xC100  }
0x459: {  	[tilespmem:s28], [sflag:$0x2] =	stream.indirect_vreg.gather [hbm4b:s1+s3], $0x80, v3, vm0, $0xb8;
	[tilespmem:$0x10100] =	vst v63  }
0x45a: {  	s22 =	simm.s32 $0xC900;
	v1 =	vperm.xlane v1, v4  }
0x45b: {  	[tilespmem:s22], [sflag:$0x2] =	stream.indirect_vreg.gather [hbm4b:s5+s3], $0x80, v3, vm0, $0xb8;
	[tilespmem:$0x10100] =	vst v63  }
0x45c: {  	s31 =	simm.s32 $0xD100;
	v1 =	vadd.s32 v63, v1  }
0x45d: {  	[tilespmem:s31], [sflag:$0x2] =	stream.indirect_vreg.gather [hbm4b:s7+s3], $0x80, v3, vm0, $0xb8;
	[tilespmem:$0x10100] =	vst v63  }
0x45e: {  	s29 =	simm.s32 $0xD900  }
0x45f: {  	[tilespmem:s29], [sflag:$0x2] =	stream.indirect_vreg.gather [hbm4b:s8+s3], $0x80, v3, vm0, $0xb8;
	[tilespmem:$0x10100] =	vst v63  }
0x460: {  	s24 =	simm.s32 $0xE100  }
0x461: {  	[tilespmem:s24], [sflag:$0x2] =	stream.indirect_vreg.gather [hbm4b:s1+s3], $0x80, v1, vm0, $0xb8;
	[tilespmem:$0x10100] =	vst v63  }
0x462: {  	s12 =	simm.s32 $0xE900  }
0x463: {  	[tilespmem:s12], [sflag:$0x2] =	stream.indirect_vreg.gather [hbm4b:s5+s3], $0x80, v1, vm0, $0xb8;
	[tilespmem:$0x10100] =	vst v63  }
0x464: {  	s13 =	simm.s32 $0xF100  }
0x465: {  	[tilespmem:s13], [sflag:$0x2] =	stream.indirect_vreg.gather [hbm4b:s7+s3], $0x80, v1, vm0, $0xb8;
	[tilespmem:$0x10100] =	vst v63  }
0x466: {  	s14 =	simm.s32 $0xF900  }
0x467: {  	[tilespmem:s14], [sflag:$0x2] =	stream.indirect_vreg.gather [hbm4b:s8+s3], $0x80, v1, vm0, $0xb8;
	[tilespmem:$0x10100] =	vst v63  }
0x468: {  	_ =	swait.ge [sflag:s4], $0x8000  }
0x469: {  	[sflag:s4] =	ssyncset.done $0x0  }
0x46a: {  	s29 =	rddreg [dreg:$0x16];
	[sflag:s4] =	ssyncadd.s32 $0xFFFF8000  }
0x46b: {  	[hbm4b:s29+s3] =	stream.linear.scatter [tilespmem:s23], [sflag:$0x3], $0x8000, $0x38;
	[tilespmem:$0x10100] =	vst v63  }
0x46c: {  	v1 =	vperm.xlane v50, v2;
	_ =	swait.ge [sflag:s18], $0x8000  }
0x46d: {  	v3 =	vld [tilespmem:$0x1FF50]  }
0x46e: {  	v1 =	vadd.s32 v63, v1  }
0x46f: {  	[sflag:s18] =	ssyncset.done $0x0  }
0x470: {  	[sflag:s18] =	ssyncadd.s32 $0xFFFF8000  }
0x471: {  	[tilespmem:$0x10] =	vst v23  }
0x472: {  	[tilespmem:$0x0] =	vst v3  }
0x473: {  	[tilespmem:s23], [sflag:$0x1] =	stream.indirect_vreg.gather [hbm4b:s1+s3], $0x80, v1, vm0, $0xb8;
	[tilespmem:$0x10100] =	vst v63  }
0x474: {  	s29 =	simm.s32 $0x900;
	v3 =	vperm.xlane v50, v4  }
0x475: {  	[tilespmem:s29], [sflag:$0x1] =	stream.indirect_vreg.gather [hbm4b:s5+s3], $0x80, v1, vm0, $0xb8;
	[tilespmem:$0x10100] =	vst v63  }
0x476: {  	v3 =	vadd.s32 v63, v3;
	s29 =	simm.s32 $0x1100  }
0x477: {  	[tilespmem:s29], [sflag:$0x1] =	stream.indirect_vreg.gather [hbm4b:s7+s3], $0x80, v1, vm0, $0xb8;
	[tilespmem:$0x10100] =	vst v63  }
0x478: {  	s29 =	simm.s32 $0x1900  }
0x479: {  	[tilespmem:s29], [sflag:$0x1] =	stream.indirect_vreg.gather [hbm4b:s8+s3], $0x80, v1, vm0, $0xb8;
	[tilespmem:$0x10100] =	vst v63  }
0x47a: {  	s29 =	simm.s32 $0x2100  }
0x47b: {  	[tilespmem:s29], [sflag:$0x1] =	stream.indirect_vreg.gather [hbm4b:s1+s3], $0x80, v3, vm0, $0xb8;
	[tilespmem:$0x10100] =	vst v63  }
0x47c: {  	s29 =	simm.s32 $0x2900  }
0x47d: {  	[tilespmem:s29], [sflag:$0x1] =	stream.indirect_vreg.gather [hbm4b:s5+s3], $0x80, v3, vm0, $0xb8;
	[tilespmem:$0x10100] =	vst v63  }
0x47e: {  	s29 =	simm.s32 $0x3100  }
0x47f: {  	[tilespmem:s29], [sflag:$0x1] =	stream.indirect_vreg.gather [hbm4b:s7+s3], $0x80, v3, vm0, $0xb8;
	[tilespmem:$0x10100] =	vst v63  }
0x480: {  	s15 =	simm.s32 $0x3900  }
0x481: {  	[tilespmem:s15], [sflag:$0x1] =	stream.indirect_vreg.gather [hbm4b:s8+s3], $0x80, v3, vm0, $0xb8;
	[tilespmem:$0x10100] =	vst v63  }
0x482: {  	v1 =	vld [tilespmem:$0x10];
	_ =	sdelay $0x4  }
0x483: {  	v3 =	vshll.u32 v1, $0x3  }
0x484: {  	v1 =	vand.u32 $0x7, v1;
	v3 =	vand.u32 $0xFFFFFFC0, v3  }
0x485: {  	v1 =	vor.u32 v1, v3  }
0x486: {  	v3 =	vperm.xlane v1, v2;
	_ =	sdelay $0x1  }
0x487: {  	v3 =	vadd.s32 v63, v3;
	_ =	sdelay $0x3  }
0x488: {  	s16 =	simm.s32 $0x4100  }
0x489: {  	[tilespmem:s16], [sflag:$0x1] =	stream.indirect_vreg.gather [hbm4b:s1+s3], $0x80, v3, vm0, $0xb8;
	[tilespmem:$0x10100] =	vst v63  }
0x48a: {  	s25 =	simm.s32 $0x4900;
	v1 =	vperm.xlane v1, v4  }
0x48b: {  	[tilespmem:s25], [sflag:$0x1] =	stream.indirect_vreg.gather [hbm4b:s5+s3], $0x80, v3, vm0, $0xb8;
	[tilespmem:$0x10100] =	vst v63  }
0x48c: {  	v1 =	vadd.s32 v63, v1;
	s25 =	simm.s32 $0x5100  }
0x48d: {  	[tilespmem:s25], [sflag:$0x1] =	stream.indirect_vreg.gather [hbm4b:s7+s3], $0x80, v3, vm0, $0xb8;
	[tilespmem:$0x10100] =	vst v63  }
0x48e: {  	s29 =	simm.s32 $0x5900  }
0x48f: {  	[tilespmem:s29], [sflag:$0x1] =	stream.indirect_vreg.gather [hbm4b:s8+s3], $0x80, v3, vm0, $0xb8;
	[tilespmem:$0x10100] =	vst v63  }
0x490: {  	s10 =	simm.s32 $0x6100  }
0x491: {  	[tilespmem:s10], [sflag:$0x1] =	stream.indirect_vreg.gather [hbm4b:s1+s3], $0x80, v1, vm0, $0xb8;
	[tilespmem:$0x10100] =	vst v63  }
0x492: {  	s17 =	simm.s32 $0x6900  }
0x493: {  	[tilespmem:s17], [sflag:$0x1] =	stream.indirect_vreg.gather [hbm4b:s5+s3], $0x80, v1, vm0, $0xb8;
	[tilespmem:$0x10100] =	vst v63  }
0x494: {  	s30 =	simm.s32 $0x7100  }
0x495: {  	[tilespmem:s30], [sflag:$0x1] =	stream.indirect_vreg.gather [hbm4b:s7+s3], $0x80, v1, vm0, $0xb8;
	[tilespmem:$0x10100] =	vst v63  }
0x496: {  	s11 =	simm.s32 $0x7900  }
0x497: {  	[tilespmem:s11], [sflag:$0x1] =	stream.indirect_vreg.gather [hbm4b:s8+s3], $0x80, v1, vm0, $0xb8;
	[tilespmem:$0x10100] =	vst v63  }
0x498: {  	_ =	swait.ge [sflag:s19], $0x8000  }
0x499: {  	[sflag:s19] =	ssyncset.done $0x0  }
0x49a: {  	v1 =	vperm.xlane v52, v2;
	s25 =	rddreg [dreg:$0x17];
	[sflag:s19] =	ssyncadd.s32 $0xFFFF8000  }
0x49b: {  	[hbm4b:s25+s3] =	stream.linear.scatter [tilespmem:s26], [sflag:$0x3], $0x8000, $0x38;
	[tilespmem:$0x10100] =	vst v63  }
0x49c: {  	v1 =	vadd.s32 v63, v1;
	_ =	swait.ge [sflag:s18], $0x8000  }
0x49d: {  	[sflag:s18] =	ssyncset.done $0x0  }
0x49e: {  	[sflag:s18] =	ssyncadd.s32 $0xFFFF8000  }
0x49f: {  	[tilespmem:$0x80] =	vst v48  }
0x4a0: {  	[tilespmem:$0x90] =	vst v24  }
0x4a1: {  	[tilespmem:s26], [sflag:$0x2] =	stream.indirect_vreg.gather [hbm4b:s1+s3], $0x80, v1, vm0, $0xb8;
	[tilespmem:$0x10100] =	vst v63  }
0x4a2: {  	v3 =	vperm.xlane v52, v4;
	s30 =	simm.s32 $0x8900  }
0x4a3: {  	[tilespmem:s30], [sflag:$0x2] =	stream.indirect_vreg.gather [hbm4b:s5+s3], $0x80, v1, vm0, $0xb8;
	[tilespmem:$0x10100] =	vst v63  }
0x4a4: {  	s9 =	simm.s32 $0x9100;
	v3 =	vadd.s32 v63, v3  }
0x4a5: {  	[tilespmem:s9], [sflag:$0x2] =	stream.indirect_vreg.gather [hbm4b:s7+s3], $0x80, v1, vm0, $0xb8;
	[tilespmem:$0x10100] =	vst v63  }
0x4a6: {  	s0 =	simm.s32 $0x9900  }
0x4a7: {  	[tilespmem:s0], [sflag:$0x2] =	stream.indirect_vreg.gather [hbm4b:s8+s3], $0x80, v1, vm0, $0xb8;
	[tilespmem:$0x10100] =	vst v63  }
0x4a8: {  	s2 =	simm.s32 $0xA100  }
0x4a9: {  	[tilespmem:s2], [sflag:$0x2] =	stream.indirect_vreg.gather [hbm4b:s1+s3], $0x80, v3, vm0, $0xb8;
	[tilespmem:$0x10100] =	vst v63  }
0x4aa: {  	s25 =	simm.s32 $0xA900  }
0x4ab: {  	[tilespmem:s25], [sflag:$0x2] =	stream.indirect_vreg.gather [hbm4b:s5+s3], $0x80, v3, vm0, $0xb8;
	[tilespmem:$0x10100] =	vst v63  }
0x4ac: {  	s6 =	simm.s32 $0xB100  }
0x4ad: {  	[tilespmem:s6], [sflag:$0x2] =	stream.indirect_vreg.gather [hbm4b:s7+s3], $0x80, v3, vm0, $0xb8;
	[tilespmem:$0x10100] =	vst v63  }
0x4ae: {  	s21 =	simm.s32 $0xB900  }
0x4af: {  	[tilespmem:s21], [sflag:$0x2] =	stream.indirect_vreg.gather [hbm4b:s8+s3], $0x80, v3, vm0, $0xb8;
	[tilespmem:$0x10100] =	vst v63  }
0x4b0: {  	v1 =	vld [tilespmem:$0x90];
	_ =	sdelay $0x4  }
0x4b1: {  	v3 =	vshll.u32 v1, $0x3  }
0x4b2: {  	v1 =	vand.u32 $0x7, v1;
	v3 =	vand.u32 $0xFFFFFFC0, v3  }
0x4b3: {  	v1 =	vor.u32 v1, v3  }
0x4b4: {  	v3 =	vperm.xlane v1, v2;
	_ =	sdelay $0x1  }
0x4b5: {  	v3 =	vadd.s32 v63, v3;
	_ =	sdelay $0x3  }
0x4b6: {  	s30 =	simm.s32 $0xC100  }
0x4b7: {  	[tilespmem:s30], [sflag:$0x2] =	stream.indirect_vreg.gather [hbm4b:s1+s3], $0x80, v3, vm0, $0xb8;
	[tilespmem:$0x10100] =	vst v63  }
0x4b8: {  	s22 =	simm.s32 $0xC900;
	v1 =	vperm.xlane v1, v4  }
0x4b9: {  	[tilespmem:s22], [sflag:$0x2] =	stream.indirect_vreg.gather [hbm4b:s5+s3], $0x80, v3, vm0, $0xb8;
	[tilespmem:$0x10100] =	vst v63  }
0x4ba: {  	s31 =	simm.s32 $0xD100;
	v1 =	vadd.s32 v63, v1  }
0x4bb: {  	[tilespmem:s31], [sflag:$0x2] =	stream.indirect_vreg.gather [hbm4b:s7+s3], $0x80, v3, vm0, $0xb8;
	[tilespmem:$0x10100] =	vst v63  }
0x4bc: {  	s28 =	simm.s32 $0xD900  }
0x4bd: {  	[tilespmem:s28], [sflag:$0x2] =	stream.indirect_vreg.gather [hbm4b:s8+s3], $0x80, v3, vm0, $0xb8;
	[tilespmem:$0x10100] =	vst v63  }
0x4be: {  	s24 =	simm.s32 $0xE100  }
0x4bf: {  	[tilespmem:s24], [sflag:$0x2] =	stream.indirect_vreg.gather [hbm4b:s1+s3], $0x80, v1, vm0, $0xb8;
	[tilespmem:$0x10100] =	vst v63  }
0x4c0: {  	s12 =	simm.s32 $0xE900  }
0x4c1: {  	[tilespmem:s12], [sflag:$0x2] =	stream.indirect_vreg.gather [hbm4b:s5+s3], $0x80, v1, vm0, $0xb8;
	[tilespmem:$0x10100] =	vst v63  }
0x4c2: {  	s13 =	simm.s32 $0xF100  }
0x4c3: {  	[tilespmem:s13], [sflag:$0x2] =	stream.indirect_vreg.gather [hbm4b:s7+s3], $0x80, v1, vm0, $0xb8;
	[tilespmem:$0x10100] =	vst v63  }
0x4c4: {  	s14 =	simm.s32 $0xF900  }
0x4c5: {  	[tilespmem:s14], [sflag:$0x2] =	stream.indirect_vreg.gather [hbm4b:s8+s3], $0x80, v1, vm0, $0xb8;
	[tilespmem:$0x10100] =	vst v63  }
0x4c6: {  	_ =	swait.ge [sflag:s4], $0x8000  }
0x4c7: {  	[sflag:s4] =	ssyncset.done $0x0  }
0x4c8: {  	v1 =	vperm.xlane v54, v2;
	s14 =	rddreg [dreg:$0x18];
	[sflag:s4] =	ssyncadd.s32 $0xFFFF8000  }
0x4c9: {  	[hbm4b:s14+s3] =	stream.linear.scatter [tilespmem:s23], [sflag:$0x3], $0x8000, $0x38;
	[tilespmem:$0x10100] =	vst v63  }
0x4ca: {  	v1 =	vadd.s32 v63, v1;
	_ =	swait.ge [sflag:s18], $0x8000  }
0x4cb: {  	[sflag:s18] =	ssyncset.done $0x0  }
0x4cc: {  	[sflag:s18] =	ssyncadd.s32 $0xFFFF8000  }
0x4cd: {  	[tilespmem:$0x0] =	vst v51  }
0x4ce: {  	[tilespmem:$0x10] =	vst v27  }
0x4cf: {  	[tilespmem:s23], [sflag:$0x1] =	stream.indirect_vreg.gather [hbm4b:s1+s3], $0x80, v1, vm0, $0xb8;
	[tilespmem:$0x10100] =	vst v63  }
0x4d0: {  	s20 =	simm.s32 $0x900;
	v3 =	vperm.xlane v54, v4  }
0x4d1: {  	[tilespmem:s20], [sflag:$0x1] =	stream.indirect_vreg.gather [hbm4b:s5+s3], $0x80, v1, vm0, $0xb8;
	[tilespmem:$0x10100] =	vst v63  }
0x4d2: {  	v3 =	vadd.s32 v63, v3;
	s20 =	simm.s32 $0x1100  }
0x4d3: {  	[tilespmem:s20], [sflag:$0x1] =	stream.indirect_vreg.gather [hbm4b:s7+s3], $0x80, v1, vm0, $0xb8;
	[tilespmem:$0x10100] =	vst v63  }
0x4d4: {  	s20 =	simm.s32 $0x1900  }
0x4d5: {  	[tilespmem:s20], [sflag:$0x1] =	stream.indirect_vreg.gather [hbm4b:s8+s3], $0x80, v1, vm0, $0xb8;
	[tilespmem:$0x10100] =	vst v63  }
0x4d6: {  	s20 =	simm.s32 $0x2100  }
0x4d7: {  	[tilespmem:s20], [sflag:$0x1] =	stream.indirect_vreg.gather [hbm4b:s1+s3], $0x80, v3, vm0, $0xb8;
	[tilespmem:$0x10100] =	vst v63  }
0x4d8: {  	s20 =	simm.s32 $0x2900  }
0x4d9: {  	[tilespmem:s20], [sflag:$0x1] =	stream.indirect_vreg.gather [hbm4b:s5+s3], $0x80, v3, vm0, $0xb8;
	[tilespmem:$0x10100] =	vst v63  }
0x4da: {  	s20 =	simm.s32 $0x3100  }
0x4db: {  	[tilespmem:s20], [sflag:$0x1] =	stream.indirect_vreg.gather [hbm4b:s7+s3], $0x80, v3, vm0, $0xb8;
	[tilespmem:$0x10100] =	vst v63  }
0x4dc: {  	s15 =	simm.s32 $0x3900  }
0x4dd: {  	[tilespmem:s15], [sflag:$0x1] =	stream.indirect_vreg.gather [hbm4b:s8+s3], $0x80, v3, vm0, $0xb8;
	[tilespmem:$0x10100] =	vst v63  }
0x4de: {  	v1 =	vld [tilespmem:$0x10];
	_ =	sdelay $0x4  }
0x4df: {  	v3 =	vshll.u32 v1, $0x3  }
0x4e0: {  	v1 =	vand.u32 $0x7, v1;
	v3 =	vand.u32 $0xFFFFFFC0, v3  }
0x4e1: {  	v1 =	vor.u32 v1, v3  }
0x4e2: {  	v3 =	vperm.xlane v1, v2;
	_ =	sdelay $0x1  }
0x4e3: {  	v3 =	vadd.s32 v63, v3;
	_ =	sdelay $0x3  }
0x4e4: {  	s16 =	simm.s32 $0x4100  }
0x4e5: {  	[tilespmem:s16], [sflag:$0x1] =	stream.indirect_vreg.gather [hbm4b:s1+s3], $0x80, v3, vm0, $0xb8;
	[tilespmem:$0x10100] =	vst v63  }
0x4e6: {  	s20 =	simm.s32 $0x4900;
	v1 =	vperm.xlane v1, v4  }
0x4e7: {  	[tilespmem:s20], [sflag:$0x1] =	stream.indirect_vreg.gather [hbm4b:s5+s3], $0x80, v3, vm0, $0xb8;
	[tilespmem:$0x10100] =	vst v63  }
0x4e8: {  	v1 =	vadd.s32 v63, v1;
	s20 =	simm.s32 $0x5100  }
0x4e9: {  	[tilespmem:s20], [sflag:$0x1] =	stream.indirect_vreg.gather [hbm4b:s7+s3], $0x80, v3, vm0, $0xb8;
	[tilespmem:$0x10100] =	vst v63  }
0x4ea: {  	s20 =	simm.s32 $0x5900  }
0x4eb: {  	[tilespmem:s20], [sflag:$0x1] =	stream.indirect_vreg.gather [hbm4b:s8+s3], $0x80, v3, vm0, $0xb8;
	[tilespmem:$0x10100] =	vst v63  }
0x4ec: {  	s10 =	simm.s32 $0x6100  }
0x4ed: {  	[tilespmem:s10], [sflag:$0x1] =	stream.indirect_vreg.gather [hbm4b:s1+s3], $0x80, v1, vm0, $0xb8;
	[tilespmem:$0x10100] =	vst v63  }
0x4ee: {  	s17 =	simm.s32 $0x6900  }
0x4ef: {  	[tilespmem:s17], [sflag:$0x1] =	stream.indirect_vreg.gather [hbm4b:s5+s3], $0x80, v1, vm0, $0xb8;
	[tilespmem:$0x10100] =	vst v63  }
0x4f0: {  	s29 =	simm.s32 $0x7100  }
0x4f1: {  	[tilespmem:s29], [sflag:$0x1] =	stream.indirect_vreg.gather [hbm4b:s7+s3], $0x80, v1, vm0, $0xb8;
	[tilespmem:$0x10100] =	vst v63  }
0x4f2: {  	s11 =	simm.s32 $0x7900  }
0x4f3: {  	[tilespmem:s11], [sflag:$0x1] =	stream.indirect_vreg.gather [hbm4b:s8+s3], $0x80, v1, vm0, $0xb8;
	[tilespmem:$0x10100] =	vst v63  }
0x4f4: {  	_ =	swait.ge [sflag:s19], $0x8000  }
0x4f5: {  	[sflag:s19] =	ssyncset.done $0x0  }
0x4f6: {  	v1 =	vperm.xlane v55, v2;
	s14 =	rddreg [dreg:$0x19];
	[sflag:s19] =	ssyncadd.s32 $0xFFFF8000  }
0x4f7: {  	[hbm4b:s14+s3] =	stream.linear.scatter [tilespmem:s26], [sflag:$0x3], $0x8000, $0x38;
	[tilespmem:$0x10100] =	vst v63  }
0x4f8: {  	v1 =	vadd.s32 v63, v1;
	_ =	swait.ge [sflag:s18], $0x8000  }
0x4f9: {  	[sflag:s18] =	ssyncset.done $0x0  }
0x4fa: {  	[sflag:s18] =	ssyncadd.s32 $0xFFFF8000  }
0x4fb: {  	[tilespmem:$0x80] =	vst v53  }
0x4fc: {  	[tilespmem:$0x90] =	vst v29  }
0x4fd: {  	[tilespmem:s26], [sflag:$0x2] =	stream.indirect_vreg.gather [hbm4b:s1+s3], $0x80, v1, vm0, $0xb8;
	[tilespmem:$0x10100] =	vst v63  }
0x4fe: {  	v3 =	vperm.xlane v55, v4;
	s17 =	simm.s32 $0x8900  }
0x4ff: {  	[tilespmem:s17], [sflag:$0x2] =	stream.indirect_vreg.gather [hbm4b:s5+s3], $0x80, v1, vm0, $0xb8;
	[tilespmem:$0x10100] =	vst v63  }
0x500: {  	s9 =	simm.s32 $0x9100;
	v3 =	vadd.s32 v63, v3  }
0x501: {  	[tilespmem:s9], [sflag:$0x2] =	stream.indirect_vreg.gather [hbm4b:s7+s3], $0x80, v1, vm0, $0xb8;
	[tilespmem:$0x10100] =	vst v63  }
0x502: {  	s0 =	simm.s32 $0x9900  }
0x503: {  	[tilespmem:s0], [sflag:$0x2] =	stream.indirect_vreg.gather [hbm4b:s8+s3], $0x80, v1, vm0, $0xb8;
	[tilespmem:$0x10100] =	vst v63  }
0x504: {  	s2 =	simm.s32 $0xA100  }
0x505: {  	[tilespmem:s2], [sflag:$0x2] =	stream.indirect_vreg.gather [hbm4b:s1+s3], $0x80, v3, vm0, $0xb8;
	[tilespmem:$0x10100] =	vst v63  }
0x506: {  	s20 =	simm.s32 $0xA900  }
0x507: {  	[tilespmem:s20], [sflag:$0x2] =	stream.indirect_vreg.gather [hbm4b:s5+s3], $0x80, v3, vm0, $0xb8;
	[tilespmem:$0x10100] =	vst v63  }
0x508: {  	s6 =	simm.s32 $0xB100  }
0x509: {  	[tilespmem:s6], [sflag:$0x2] =	stream.indirect_vreg.gather [hbm4b:s7+s3], $0x80, v3, vm0, $0xb8;
	[tilespmem:$0x10100] =	vst v63  }
0x50a: {  	s21 =	simm.s32 $0xB900  }
0x50b: {  	[tilespmem:s21], [sflag:$0x2] =	stream.indirect_vreg.gather [hbm4b:s8+s3], $0x80, v3, vm0, $0xb8;
	[tilespmem:$0x10100] =	vst v63  }
0x50c: {  	v1 =	vld [tilespmem:$0x90];
	_ =	sdelay $0x4  }
0x50d: {  	v3 =	vshll.u32 v1, $0x3  }
0x50e: {  	v1 =	vand.u32 $0x7, v1;
	v3 =	vand.u32 $0xFFFFFFC0, v3  }
0x50f: {  	v1 =	vor.u32 v1, v3  }
0x510: {  	v3 =	vperm.xlane v1, v2;
	_ =	sdelay $0x1  }
0x511: {  	v3 =	vadd.s32 v63, v3;
	_ =	sdelay $0x3  }
0x512: {  	s30 =	simm.s32 $0xC100  }
0x513: {  	[tilespmem:s30], [sflag:$0x2] =	stream.indirect_vreg.gather [hbm4b:s1+s3], $0x80, v3, vm0, $0xb8;
	[tilespmem:$0x10100] =	vst v63  }
0x514: {  	s22 =	simm.s32 $0xC900;
	v1 =	vperm.xlane v1, v4  }
0x515: {  	[tilespmem:s22], [sflag:$0x2] =	stream.indirect_vreg.gather [hbm4b:s5+s3], $0x80, v3, vm0, $0xb8;
	[tilespmem:$0x10100] =	vst v63  }
0x516: {  	s31 =	simm.s32 $0xD100;
	v1 =	vadd.s32 v63, v1  }
0x517: {  	[tilespmem:s31], [sflag:$0x2] =	stream.indirect_vreg.gather [hbm4b:s7+s3], $0x80, v3, vm0, $0xb8;
	[tilespmem:$0x10100] =	vst v63  }
0x518: {  	s25 =	simm.s32 $0xD900  }
0x519: {  	[tilespmem:s25], [sflag:$0x2] =	stream.indirect_vreg.gather [hbm4b:s8+s3], $0x80, v3, vm0, $0xb8;
	[tilespmem:$0x10100] =	vst v63  }
0x51a: {  	s28 =	simm.s32 $0xE100  }
0x51b: {  	[tilespmem:s28], [sflag:$0x2] =	stream.indirect_vreg.gather [hbm4b:s1+s3], $0x80, v1, vm0, $0xb8;
	[tilespmem:$0x10100] =	vst v63  }
0x51c: {  	s24 =	simm.s32 $0xE900  }
0x51d: {  	[tilespmem:s24], [sflag:$0x2] =	stream.indirect_vreg.gather [hbm4b:s5+s3], $0x80, v1, vm0, $0xb8;
	[tilespmem:$0x10100] =	vst v63  }
0x51e: {  	s12 =	simm.s32 $0xF100  }
0x51f: {  	[tilespmem:s12], [sflag:$0x2] =	stream.indirect_vreg.gather [hbm4b:s7+s3], $0x80, v1, vm0, $0xb8;
	[tilespmem:$0x10100] =	vst v63  }
0x520: {  	s13 =	simm.s32 $0xF900  }
0x521: {  	[tilespmem:s13], [sflag:$0x2] =	stream.indirect_vreg.gather [hbm4b:s8+s3], $0x80, v1, vm0, $0xb8;
	[tilespmem:$0x10100] =	vst v63  }
0x522: {  	_ =	swait.ge [sflag:s4], $0x8000  }
0x523: {  	[sflag:s4] =	ssyncset.done $0x0  }
0x524: {  	v1 =	vperm.xlane v58, v2;
	s31 =	rddreg [dreg:$0x1a];
	[sflag:s4] =	ssyncadd.s32 $0xFFFF8000  }
0x525: {  	[hbm4b:s31+s3] =	stream.linear.scatter [tilespmem:s23], [sflag:$0x3], $0x8000, $0x38;
	[tilespmem:$0x10100] =	vst v63  }
0x526: {  	v1 =	vadd.s32 v63, v1;
	_ =	swait.ge [sflag:s18], $0x8000  }
0x527: {  	[sflag:s18] =	ssyncset.done $0x0  }
0x528: {  	[sflag:s18] =	ssyncadd.s32 $0xFFFF8000  }
0x529: {  	[tilespmem:$0x0] =	vst v56  }
0x52a: {  	[tilespmem:$0x10] =	vst v30  }
0x52b: {  	[tilespmem:s23], [sflag:$0x1] =	stream.indirect_vreg.gather [hbm4b:s1+s3], $0x80, v1, vm0, $0xb8;
	[tilespmem:$0x10100] =	vst v63  }
0x52c: {  	v3 =	vperm.xlane v58, v4;
	s24 =	simm.s32 $0x900  }
0x52d: {  	[tilespmem:s24], [sflag:$0x1] =	stream.indirect_vreg.gather [hbm4b:s5+s3], $0x80, v1, vm0, $0xb8;
	[tilespmem:$0x10100] =	vst v63  }
0x52e: {  	v3 =	vadd.s32 v63, v3;
	s28 =	simm.s32 $0x1100  }
0x52f: {  	[tilespmem:s28], [sflag:$0x1] =	stream.indirect_vreg.gather [hbm4b:s7+s3], $0x80, v1, vm0, $0xb8;
	[tilespmem:$0x10100] =	vst v63  }
0x530: {  	s31 =	simm.s32 $0x1900  }
0x531: {  	[tilespmem:s31], [sflag:$0x1] =	stream.indirect_vreg.gather [hbm4b:s8+s3], $0x80, v1, vm0, $0xb8;
	[tilespmem:$0x10100] =	vst v63  }
0x532: {  	s24 =	simm.s32 $0x2100  }
0x533: {  	[tilespmem:s24], [sflag:$0x1] =	stream.indirect_vreg.gather [hbm4b:s1+s3], $0x80, v3, vm0, $0xb8;
	[tilespmem:$0x10100] =	vst v63  }
0x534: {  	s28 =	simm.s32 $0x2900  }
0x535: {  	[tilespmem:s28], [sflag:$0x1] =	stream.indirect_vreg.gather [hbm4b:s5+s3], $0x80, v3, vm0, $0xb8;
	[tilespmem:$0x10100] =	vst v63  }
0x536: {  	s31 =	simm.s32 $0x3100  }
0x537: {  	[tilespmem:s31], [sflag:$0x1] =	stream.indirect_vreg.gather [hbm4b:s7+s3], $0x80, v3, vm0, $0xb8;
	[tilespmem:$0x10100] =	vst v63  }
0x538: {  	s15 =	simm.s32 $0x3900  }
0x539: {  	[tilespmem:s15], [sflag:$0x1] =	stream.indirect_vreg.gather [hbm4b:s8+s3], $0x80, v3, vm0, $0xb8;
	[tilespmem:$0x10100] =	vst v63  }
0x53a: {  	v1 =	vld [tilespmem:$0x10];
	_ =	sdelay $0x4  }
0x53b: {  	v3 =	vshll.u32 v1, $0x3  }
0x53c: {  	v1 =	vand.u32 $0x7, v1;
	v3 =	vand.u32 $0xFFFFFFC0, v3  }
0x53d: {  	v1 =	vor.u32 v1, v3  }
0x53e: {  	v3 =	vperm.xlane v1, v2;
	_ =	sdelay $0x1  }
0x53f: {  	v3 =	vadd.s32 v63, v3;
	_ =	sdelay $0x3  }
0x540: {  	s16 =	simm.s32 $0x4100  }
0x541: {  	[tilespmem:s16], [sflag:$0x1] =	stream.indirect_vreg.gather [hbm4b:s1+s3], $0x80, v3, vm0, $0xb8;
	[tilespmem:$0x10100] =	vst v63  }
0x542: {  	s24 =	simm.s32 $0x4900;
	v1 =	vperm.xlane v1, v4  }
0x543: {  	[tilespmem:s24], [sflag:$0x1] =	stream.indirect_vreg.gather [hbm4b:s5+s3], $0x80, v3, vm0, $0xb8;
	[tilespmem:$0x10100] =	vst v63  }
0x544: {  	s28 =	simm.s32 $0x5100;
	v1 =	vadd.s32 v63, v1  }
0x545: {  	[tilespmem:s28], [sflag:$0x1] =	stream.indirect_vreg.gather [hbm4b:s7+s3], $0x80, v3, vm0, $0xb8;
	[tilespmem:$0x10100] =	vst v63  }
0x546: {  	s20 =	simm.s32 $0x5900  }
0x547: {  	[tilespmem:s20], [sflag:$0x1] =	stream.indirect_vreg.gather [hbm4b:s8+s3], $0x80, v3, vm0, $0xb8;
	[tilespmem:$0x10100] =	vst v63  }
0x548: {  	s24 =	simm.s32 $0x6100  }
0x549: {  	[tilespmem:s24], [sflag:$0x1] =	stream.indirect_vreg.gather [hbm4b:s1+s3], $0x80, v1, vm0, $0xb8;
	[tilespmem:$0x10100] =	vst v63  }
0x54a: {  	s10 =	simm.s32 $0x6900  }
0x54b: {  	[tilespmem:s10], [sflag:$0x1] =	stream.indirect_vreg.gather [hbm4b:s5+s3], $0x80, v1, vm0, $0xb8;
	[tilespmem:$0x10100] =	vst v63  }
0x54c: {  	s28 =	simm.s32 $0x7100  }
0x54d: {  	[tilespmem:s28], [sflag:$0x1] =	stream.indirect_vreg.gather [hbm4b:s7+s3], $0x80, v1, vm0, $0xb8;
	[tilespmem:$0x10100] =	vst v63  }
0x54e: {  	s29 =	simm.s32 $0x7900  }
0x54f: {  	[tilespmem:s29], [sflag:$0x1] =	stream.indirect_vreg.gather [hbm4b:s8+s3], $0x80, v1, vm0, $0xb8;
	[tilespmem:$0x10100] =	vst v63  }
0x550: {  	_ =	swait.ge [sflag:s19], $0x8000  }
0x551: {  	[sflag:s19] =	ssyncset.done $0x0  }
0x552: {  	v1 =	vperm.xlane v59, v2;
	s29 =	rddreg [dreg:$0x1b];
	[sflag:s19] =	ssyncadd.s32 $0xFFFF8000  }
0x553: {  	[hbm4b:s29+s3] =	stream.linear.scatter [tilespmem:s26], [sflag:$0x3], $0x8000, $0x38;
	[tilespmem:$0x10100] =	vst v63  }
0x554: {  	v1 =	vadd.s32 v63, v1;
	_ =	swait.ge [sflag:s18], $0x8000  }
0x555: {  	[sflag:s18] =	ssyncset.done $0x0  }
0x556: {  	[sflag:s18] =	ssyncadd.s32 $0xFFFF8000  }
0x557: {  	[tilespmem:$0x80] =	vst v57  }
0x558: {  	[tilespmem:$0x90] =	vst v33  }
0x559: {  	[tilespmem:s26], [sflag:$0x2] =	stream.indirect_vreg.gather [hbm4b:s1+s3], $0x80, v1, vm0, $0xb8;
	[tilespmem:$0x10100] =	vst v63  }
0x55a: {  	v3 =	vperm.xlane v59, v4;
	s28 =	simm.s32 $0x8900  }
0x55b: {  	[tilespmem:s28], [sflag:$0x2] =	stream.indirect_vreg.gather [hbm4b:s5+s3], $0x80, v1, vm0, $0xb8;
	[tilespmem:$0x10100] =	vst v63  }
0x55c: {  	s14 =	simm.s32 $0x9100;
	v3 =	vadd.s32 v63, v3  }
0x55d: {  	[tilespmem:s14], [sflag:$0x2] =	stream.indirect_vreg.gather [hbm4b:s7+s3], $0x80, v1, vm0, $0xb8;
	[tilespmem:$0x10100] =	vst v63  }
0x55e: {  	s0 =	simm.s32 $0x9900  }
0x55f: {  	[tilespmem:s0], [sflag:$0x2] =	stream.indirect_vreg.gather [hbm4b:s8+s3], $0x80, v1, vm0, $0xb8;
	[tilespmem:$0x10100] =	vst v63  }
0x560: {  	s2 =	simm.s32 $0xA100  }
0x561: {  	[tilespmem:s2], [sflag:$0x2] =	stream.indirect_vreg.gather [hbm4b:s1+s3], $0x80, v3, vm0, $0xb8;
	[tilespmem:$0x10100] =	vst v63  }
0x562: {  	s29 =	simm.s32 $0xA900  }
0x563: {  	[tilespmem:s29], [sflag:$0x2] =	stream.indirect_vreg.gather [hbm4b:s5+s3], $0x80, v3, vm0, $0xb8;
	[tilespmem:$0x10100] =	vst v63  }
0x564: {  	s6 =	simm.s32 $0xB100  }
0x565: {  	[tilespmem:s6], [sflag:$0x2] =	stream.indirect_vreg.gather [hbm4b:s7+s3], $0x80, v3, vm0, $0xb8;
	[tilespmem:$0x10100] =	vst v63  }
0x566: {  	s9 =	simm.s32 $0xB900  }
0x567: {  	[tilespmem:s9], [sflag:$0x2] =	stream.indirect_vreg.gather [hbm4b:s8+s3], $0x80, v3, vm0, $0xb8;
	[tilespmem:$0x10100] =	vst v63  }
0x568: {  	v1 =	vld [tilespmem:$0x90];
	_ =	sdelay $0x4  }
0x569: {  	v3 =	vshll.u32 v1, $0x3  }
0x56a: {  	v1 =	vand.u32 $0x7, v1;
	v3 =	vand.u32 $0xFFFFFFC0, v3  }
0x56b: {  	v1 =	vor.u32 v1, v3  }
0x56c: {  	v3 =	vperm.xlane v1, v2;
	_ =	sdelay $0x1  }
0x56d: {  	v3 =	vadd.s32 v63, v3;
	_ =	sdelay $0x3  }
0x56e: {  	s17 =	simm.s32 $0xC100  }
0x56f: {  	[tilespmem:s17], [sflag:$0x2] =	stream.indirect_vreg.gather [hbm4b:s1+s3], $0x80, v3, vm0, $0xb8;
	[tilespmem:$0x10100] =	vst v63  }
0x570: {  	s11 =	simm.s32 $0xC900;
	v1 =	vperm.xlane v1, v4  }
0x571: {  	[tilespmem:s11], [sflag:$0x2] =	stream.indirect_vreg.gather [hbm4b:s5+s3], $0x80, v3, vm0, $0xb8;
	[tilespmem:$0x10100] =	vst v63  }
0x572: {  	s30 =	simm.s32 $0xD100;
	v1 =	vadd.s32 v63, v1  }
0x573: {  	[tilespmem:s30], [sflag:$0x2] =	stream.indirect_vreg.gather [hbm4b:s7+s3], $0x80, v3, vm0, $0xb8;
	[tilespmem:$0x10100] =	vst v63  }
0x574: {  	s21 =	simm.s32 $0xD900  }
0x575: {  	[tilespmem:s21], [sflag:$0x2] =	stream.indirect_vreg.gather [hbm4b:s8+s3], $0x80, v3, vm0, $0xb8;
	[tilespmem:$0x10100] =	vst v63  }
0x576: {  	s25 =	simm.s32 $0xE100  }
0x577: {  	[tilespmem:s25], [sflag:$0x2] =	stream.indirect_vreg.gather [hbm4b:s1+s3], $0x80, v1, vm0, $0xb8;
	[tilespmem:$0x10100] =	vst v63  }
0x578: {  	s22 =	simm.s32 $0xE900  }
0x579: {  	[tilespmem:s22], [sflag:$0x2] =	stream.indirect_vreg.gather [hbm4b:s5+s3], $0x80, v1, vm0, $0xb8;
	[tilespmem:$0x10100] =	vst v63  }
0x57a: {  	s12 =	simm.s32 $0xF100  }
0x57b: {  	[tilespmem:s12], [sflag:$0x2] =	stream.indirect_vreg.gather [hbm4b:s7+s3], $0x80, v1, vm0, $0xb8;
	[tilespmem:$0x10100] =	vst v63  }
0x57c: {  	s13 =	simm.s32 $0xF900  }
0x57d: {  	[tilespmem:s13], [sflag:$0x2] =	stream.indirect_vreg.gather [hbm4b:s8+s3], $0x80, v1, vm0, $0xb8;
	[tilespmem:$0x10100] =	vst v63  }
0x57e: {  	_ =	swait.ge [sflag:s4], $0x8000  }
0x57f: {  	[sflag:s4] =	ssyncset.done $0x0  }
0x580: {  	v1 =	vperm.xlane v61, v2;
	s25 =	rddreg [dreg:$0x1c];
	[sflag:s4] =	ssyncadd.s32 $0xFFFF8000  }
0x581: {  	[hbm4b:s25+s3] =	stream.linear.scatter [tilespmem:s23], [sflag:$0x3], $0x8000, $0x38;
	[tilespmem:$0x10100] =	vst v63  }
0x582: {  	v1 =	vadd.s32 v63, v1;
	_ =	swait.ge [sflag:s18], $0x8000  }
0x583: {  	[sflag:s18] =	ssyncset.done $0x0  }
0x584: {  	[sflag:s18] =	ssyncadd.s32 $0xFFFF8000  }
0x585: {  	[tilespmem:$0x0] =	vst v13  }
0x586: {  	[tilespmem:$0x10] =	vst v35  }
0x587: {  	[tilespmem:s23], [sflag:$0x1] =	stream.indirect_vreg.gather [hbm4b:s1+s3], $0x80, v1, vm0, $0xb8;
	[tilespmem:$0x10100] =	vst v63  }
0x588: {  	s30 =	simm.s32 $0x900;
	v3 =	vperm.xlane v61, v4  }
0x589: {  	[tilespmem:s30], [sflag:$0x1] =	stream.indirect_vreg.gather [hbm4b:s5+s3], $0x80, v1, vm0, $0xb8;
	[tilespmem:$0x10100] =	vst v63  }
0x58a: {  	s20 =	simm.s32 $0x1100;
	v3 =	vadd.s32 v63, v3  }
0x58b: {  	[tilespmem:s20], [sflag:$0x1] =	stream.indirect_vreg.gather [hbm4b:s7+s3], $0x80, v1, vm0, $0xb8;
	[tilespmem:$0x10100] =	vst v63  }
0x58c: {  	s21 =	simm.s32 $0x1900  }
0x58d: {  	[tilespmem:s21], [sflag:$0x1] =	stream.indirect_vreg.gather [hbm4b:s8+s3], $0x80, v1, vm0, $0xb8;
	[tilespmem:$0x10100] =	vst v63  }
0x58e: {  	s22 =	simm.s32 $0x2100  }
0x58f: {  	[tilespmem:s22], [sflag:$0x1] =	stream.indirect_vreg.gather [hbm4b:s1+s3], $0x80, v3, vm0, $0xb8;
	[tilespmem:$0x10100] =	vst v63  }
0x590: {  	s25 =	simm.s32 $0x2900  }
0x591: {  	[tilespmem:s25], [sflag:$0x1] =	stream.indirect_vreg.gather [hbm4b:s5+s3], $0x80, v3, vm0, $0xb8;
	[tilespmem:$0x10100] =	vst v63  }
0x592: {  	s30 =	simm.s32 $0x3100  }
0x593: {  	[tilespmem:s30], [sflag:$0x1] =	stream.indirect_vreg.gather [hbm4b:s7+s3], $0x80, v3, vm0, $0xb8;
	[tilespmem:$0x10100] =	vst v63  }
0x594: {  	s31 =	simm.s32 $0x3900  }
0x595: {  	[tilespmem:s31], [sflag:$0x1] =	stream.indirect_vreg.gather [hbm4b:s8+s3], $0x80, v3, vm0, $0xb8;
	[tilespmem:$0x10100] =	vst v63  }
0x596: {  	v1 =	vld [tilespmem:$0x10];
	_ =	sdelay $0x4  }
0x597: {  	v3 =	vshll.u32 v1, $0x3  }
0x598: {  	v1 =	vand.u32 $0x7, v1;
	v3 =	vand.u32 $0xFFFFFFC0, v3  }
0x599: {  	v1 =	vor.u32 v1, v3  }
0x59a: {  	v3 =	vperm.xlane v1, v2;
	_ =	sdelay $0x1  }
0x59b: {  	v3 =	vadd.s32 v63, v3;
	_ =	sdelay $0x3  }
0x59c: {  	s16 =	simm.s32 $0x4100  }
0x59d: {  	[tilespmem:s16], [sflag:$0x1] =	stream.indirect_vreg.gather [hbm4b:s1+s3], $0x80, v3, vm0, $0xb8;
	[tilespmem:$0x10100] =	vst v63  }
0x59e: {  	v1 =	vperm.xlane v1, v4;
	s16 =	simm.s32 $0x4900  }
0x59f: {  	[tilespmem:s16], [sflag:$0x1] =	stream.indirect_vreg.gather [hbm4b:s5+s3], $0x80, v3, vm0, $0xb8;
	[tilespmem:$0x10100] =	vst v63  }
0x5a0: {  	s20 =	simm.s32 $0x5100;
	v1 =	vadd.s32 v63, v1  }
0x5a1: {  	[tilespmem:s20], [sflag:$0x1] =	stream.indirect_vreg.gather [hbm4b:s7+s3], $0x80, v3, vm0, $0xb8;
	[tilespmem:$0x10100] =	vst v63  }
0x5a2: {  	s22 =	simm.s32 $0x5900  }
0x5a3: {  	[tilespmem:s22], [sflag:$0x1] =	stream.indirect_vreg.gather [hbm4b:s8+s3], $0x80, v3, vm0, $0xb8;
	[tilespmem:$0x10100] =	vst v63  }
0x5a4: {  	s24 =	simm.s32 $0x6100  }
0x5a5: {  	[tilespmem:s24], [sflag:$0x1] =	stream.indirect_vreg.gather [hbm4b:s1+s3], $0x80, v1, vm0, $0xb8;
	[tilespmem:$0x10100] =	vst v63  }
0x5a6: {  	s10 =	simm.s32 $0x6900  }
0x5a7: {  	[tilespmem:s10], [sflag:$0x1] =	stream.indirect_vreg.gather [hbm4b:s5+s3], $0x80, v1, vm0, $0xb8;
	[tilespmem:$0x10100] =	vst v63  }
0x5a8: {  	s15 =	simm.s32 $0x7100  }
0x5a9: {  	[tilespmem:s15], [sflag:$0x1] =	stream.indirect_vreg.gather [hbm4b:s7+s3], $0x80, v1, vm0, $0xb8;
	[tilespmem:$0x10100] =	vst v63  }
0x5aa: {  	s30 =	simm.s32 $0x7900  }
0x5ab: {  	[tilespmem:s30], [sflag:$0x1] =	stream.indirect_vreg.gather [hbm4b:s8+s3], $0x80, v1, vm0, $0xb8;
	[tilespmem:$0x10100] =	vst v63  }
0x5ac: {  	_ =	swait.ge [sflag:s19], $0x8000  }
0x5ad: {  	[sflag:s19] =	ssyncset.done $0x0  }
0x5ae: {  	v1 =	vperm.xlane v62, v2;
	s10 =	rddreg [dreg:$0x1d];
	[sflag:s19] =	ssyncadd.s32 $0xFFFF8000  }
0x5af: {  	[hbm4b:s10+s3] =	stream.linear.scatter [tilespmem:s26], [sflag:$0x3], $0x8000, $0x38;
	[tilespmem:$0x10100] =	vst v63  }
0x5b0: {  	v1 =	vadd.s32 v63, v1;
	_ =	swait.ge [sflag:s18], $0x8000  }
0x5b1: {  	[sflag:s18] =	ssyncset.done $0x0  }
0x5b2: {  	[sflag:s18] =	ssyncadd.s32 $0xFFFF8000  }
0x5b3: {  	[tilespmem:$0x80] =	vst v0  }
0x5b4: {  	[tilespmem:$0x90] =	vst v36  }
0x5b5: {  	[tilespmem:s26], [sflag:$0x2] =	stream.indirect_vreg.gather [hbm4b:s1+s3], $0x80, v1, vm0, $0xb8;
	[tilespmem:$0x10100] =	vst v63  }
0x5b6: {  	v3 =	vperm.xlane v62, v4;
	s15 =	simm.s32 $0x8900  }
0x5b7: {  	[tilespmem:s15], [sflag:$0x2] =	stream.indirect_vreg.gather [hbm4b:s5+s3], $0x80, v1, vm0, $0xb8;
	[tilespmem:$0x10100] =	vst v63  }
0x5b8: {  	s14 =	simm.s32 $0x9100;
	v3 =	vadd.s32 v63, v3  }
0x5b9: {  	[tilespmem:s14], [sflag:$0x2] =	stream.indirect_vreg.gather [hbm4b:s7+s3], $0x80, v1, vm0, $0xb8;
	[tilespmem:$0x10100] =	vst v63  }
0x5ba: {  	s0 =	simm.s32 $0x9900  }
0x5bb: {  	[tilespmem:s0], [sflag:$0x2] =	stream.indirect_vreg.gather [hbm4b:s8+s3], $0x80, v1, vm0, $0xb8;
	[tilespmem:$0x10100] =	vst v63  }
0x5bc: {  	s2 =	simm.s32 $0xA100  }
0x5bd: {  	[tilespmem:s2], [sflag:$0x2] =	stream.indirect_vreg.gather [hbm4b:s1+s3], $0x80, v3, vm0, $0xb8;
	[tilespmem:$0x10100] =	vst v63  }
0x5be: {  	s28 =	simm.s32 $0xA900  }
0x5bf: {  	[tilespmem:s28], [sflag:$0x2] =	stream.indirect_vreg.gather [hbm4b:s5+s3], $0x80, v3, vm0, $0xb8;
	[tilespmem:$0x10100] =	vst v63  }
0x5c0: {  	s6 =	simm.s32 $0xB100  }
0x5c1: {  	[tilespmem:s6], [sflag:$0x2] =	stream.indirect_vreg.gather [hbm4b:s7+s3], $0x80, v3, vm0, $0xb8;
	[tilespmem:$0x10100] =	vst v63  }
0x5c2: {  	s9 =	simm.s32 $0xB900  }
0x5c3: {  	[tilespmem:s9], [sflag:$0x2] =	stream.indirect_vreg.gather [hbm4b:s8+s3], $0x80, v3, vm0, $0xb8;
	[tilespmem:$0x10100] =	vst v63  }
0x5c4: {  	v1 =	vld [tilespmem:$0x90];
	_ =	sdelay $0x4  }
0x5c5: {  	v3 =	vshll.u32 v1, $0x3  }
0x5c6: {  	v1 =	vand.u32 $0x7, v1;
	v3 =	vand.u32 $0xFFFFFFC0, v3  }
0x5c7: {  	v1 =	vor.u32 v1, v3  }
0x5c8: {  	v3 =	vperm.xlane v1, v2;
	_ =	sdelay $0x1  }
0x5c9: {  	v3 =	vadd.s32 v63, v3;
	_ =	sdelay $0x3  }
0x5ca: {  	s17 =	simm.s32 $0xC100  }
0x5cb: {  	[tilespmem:s17], [sflag:$0x2] =	stream.indirect_vreg.gather [hbm4b:s1+s3], $0x80, v3, vm0, $0xb8;
	[tilespmem:$0x10100] =	vst v63  }
0x5cc: {  	s11 =	simm.s32 $0xC900;
	v1 =	vperm.xlane v1, v4  }
0x5cd: {  	[tilespmem:s11], [sflag:$0x2] =	stream.indirect_vreg.gather [hbm4b:s5+s3], $0x80, v3, vm0, $0xb8;
	[tilespmem:$0x10100] =	vst v63  }
0x5ce: {  	s20 =	simm.s32 $0xD100;
	v1 =	vadd.s32 v63, v1  }
0x5cf: {  	[tilespmem:s20], [sflag:$0x2] =	stream.indirect_vreg.gather [hbm4b:s7+s3], $0x80, v3, vm0, $0xb8;
	[tilespmem:$0x10100] =	vst v63  }
0x5d0: {  	s28 =	simm.s32 $0xD900  }
0x5d1: {  	[tilespmem:s28], [sflag:$0x2] =	stream.indirect_vreg.gather [hbm4b:s8+s3], $0x80, v3, vm0, $0xb8;
	[tilespmem:$0x10100] =	vst v63  }
0x5d2: {  	s17 =	simm.s32 $0xE100  }
0x5d3: {  	[tilespmem:s17], [sflag:$0x2] =	stream.indirect_vreg.gather [hbm4b:s1+s3], $0x80, v1, vm0, $0xb8;
	[tilespmem:$0x10100] =	vst v63  }
0x5d4: {  	s29 =	simm.s32 $0xE900  }
0x5d5: {  	[tilespmem:s29], [sflag:$0x2] =	stream.indirect_vreg.gather [hbm4b:s5+s3], $0x80, v1, vm0, $0xb8;
	[tilespmem:$0x10100] =	vst v63  }
0x5d6: {  	s12 =	simm.s32 $0xF100  }
0x5d7: {  	[tilespmem:s12], [sflag:$0x2] =	stream.indirect_vreg.gather [hbm4b:s7+s3], $0x80, v1, vm0, $0xb8;
	[tilespmem:$0x10100] =	vst v63  }
0x5d8: {  	s20 =	simm.s32 $0xF900  }
0x5d9: {  	[tilespmem:s20], [sflag:$0x2] =	stream.indirect_vreg.gather [hbm4b:s8+s3], $0x80, v1, vm0, $0xb8;
	[tilespmem:$0x10100] =	vst v63  }
0x5da: {  	_ =	swait.ge [sflag:s4], $0x8000  }
0x5db: {  	[sflag:s4] =	ssyncset.done $0x0  }
0x5dc: {  	v1 =	vperm.xlane v45, v2;
	s29 =	rddreg [dreg:$0x1e];
	[sflag:s4] =	ssyncadd.s32 $0xFFFF8000  }
0x5dd: {  	[hbm4b:s29+s3] =	stream.linear.scatter [tilespmem:s23], [sflag:$0x3], $0x8000, $0x38;
	[tilespmem:$0x10100] =	vst v63  }
0x5de: {  	v1 =	vadd.s32 v63, v1;
	_ =	swait.ge [sflag:s18], $0x8000  }
0x5df: {  	[sflag:s18] =	ssyncset.done $0x0  }
0x5e0: {  	[sflag:s18] =	ssyncadd.s32 $0xFFFF8000  }
0x5e1: {  	[tilespmem:$0x0] =	vst v39  }
0x5e2: {  	[tilespmem:$0x10] =	vst v41  }
0x5e3: {  	[tilespmem:s23], [sflag:$0x1] =	stream.indirect_vreg.gather [hbm4b:s1+s3], $0x80, v1, vm0, $0xb8;
	[tilespmem:$0x10100] =	vst v63  }
0x5e4: {  	v3 =	vperm.xlane v45, v4;
	s29 =	simm.s32 $0x900  }
0x5e5: {  	[tilespmem:s29], [sflag:$0x1] =	stream.indirect_vreg.gather [hbm4b:s5+s3], $0x80, v1, vm0, $0xb8;
	[tilespmem:$0x10100] =	vst v63  }
0x5e6: {  	v3 =	vadd.s32 v63, v3;
	s29 =	simm.s32 $0x1100  }
0x5e7: {  	[tilespmem:s29], [sflag:$0x1] =	stream.indirect_vreg.gather [hbm4b:s7+s3], $0x80, v1, vm0, $0xb8;
	[tilespmem:$0x10100] =	vst v63  }
0x5e8: {  	s29 =	simm.s32 $0x1900  }
0x5e9: {  	[tilespmem:s29], [sflag:$0x1] =	stream.indirect_vreg.gather [hbm4b:s8+s3], $0x80, v1, vm0, $0xb8;
	[tilespmem:$0x10100] =	vst v63  }
0x5ea: {  	s29 =	simm.s32 $0x2100  }
0x5eb: {  	[tilespmem:s29], [sflag:$0x1] =	stream.indirect_vreg.gather [hbm4b:s1+s3], $0x80, v3, vm0, $0xb8;
	[tilespmem:$0x10100] =	vst v63  }
0x5ec: {  	s29 =	simm.s32 $0x2900  }
0x5ed: {  	[tilespmem:s29], [sflag:$0x1] =	stream.indirect_vreg.gather [hbm4b:s5+s3], $0x80, v3, vm0, $0xb8;
	[tilespmem:$0x10100] =	vst v63  }
0x5ee: {  	s29 =	simm.s32 $0x3100  }
0x5ef: {  	[tilespmem:s29], [sflag:$0x1] =	stream.indirect_vreg.gather [hbm4b:s7+s3], $0x80, v3, vm0, $0xb8;
	[tilespmem:$0x10100] =	vst v63  }
0x5f0: {  	s21 =	simm.s32 $0x3900  }
0x5f1: {  	[tilespmem:s21], [sflag:$0x1] =	stream.indirect_vreg.gather [hbm4b:s8+s3], $0x80, v3, vm0, $0xb8;
	[tilespmem:$0x10100] =	vst v63  }
0x5f2: {  	v1 =	vld [tilespmem:$0x10];
	_ =	sdelay $0x4  }
0x5f3: {  	v3 =	vshll.u32 v1, $0x3  }
0x5f4: {  	v1 =	vand.u32 $0x7, v1;
	v3 =	vand.u32 $0xFFFFFFC0, v3  }
0x5f5: {  	v1 =	vor.u32 v1, v3  }
0x5f6: {  	v3 =	vperm.xlane v1, v2;
	_ =	sdelay $0x1  }
0x5f7: {  	v3 =	vadd.s32 v63, v3;
	_ =	sdelay $0x3  }
0x5f8: {  	s25 =	simm.s32 $0x4100  }
0x5f9: {  	[tilespmem:s25], [sflag:$0x1] =	stream.indirect_vreg.gather [hbm4b:s1+s3], $0x80, v3, vm0, $0xb8;
	[tilespmem:$0x10100] =	vst v63  }
0x5fa: {  	s31 =	simm.s32 $0x4900;
	v1 =	vperm.xlane v1, v4  }
0x5fb: {  	[tilespmem:s31], [sflag:$0x1] =	stream.indirect_vreg.gather [hbm4b:s5+s3], $0x80, v3, vm0, $0xb8;
	[tilespmem:$0x10100] =	vst v63  }
0x5fc: {  	s29 =	simm.s32 $0x5100;
	v1 =	vadd.s32 v63, v1  }
0x5fd: {  	[tilespmem:s29], [sflag:$0x1] =	stream.indirect_vreg.gather [hbm4b:s7+s3], $0x80, v3, vm0, $0xb8;
	[tilespmem:$0x10100] =	vst v63  }
0x5fe: {  	s31 =	simm.s32 $0x5900  }
0x5ff: {  	[tilespmem:s31], [sflag:$0x1] =	stream.indirect_vreg.gather [hbm4b:s8+s3], $0x80, v3, vm0, $0xb8;
	[tilespmem:$0x10100] =	vst v63  }
0x600: {  	s16 =	simm.s32 $0x6100  }
0x601: {  	[tilespmem:s16], [sflag:$0x1] =	stream.indirect_vreg.gather [hbm4b:s1+s3], $0x80, v1, vm0, $0xb8;
	[tilespmem:$0x10100] =	vst v63  }
0x602: {  	s13 =	simm.s32 $0x6900  }
0x603: {  	[tilespmem:s13], [sflag:$0x1] =	stream.indirect_vreg.gather [hbm4b:s5+s3], $0x80, v1, vm0, $0xb8;
	[tilespmem:$0x10100] =	vst v63  }
0x604: {  	s22 =	simm.s32 $0x7100  }
0x605: {  	[tilespmem:s22], [sflag:$0x1] =	stream.indirect_vreg.gather [hbm4b:s7+s3], $0x80, v1, vm0, $0xb8;
	[tilespmem:$0x10100] =	vst v63  }
0x606: {  	s30 =	simm.s32 $0x7900  }
0x607: {  	[tilespmem:s30], [sflag:$0x1] =	stream.indirect_vreg.gather [hbm4b:s8+s3], $0x80, v1, vm0, $0xb8;
	[tilespmem:$0x10100] =	vst v63  }
0x608: {  	_ =	swait.ge [sflag:s19], $0x8000  }
0x609: {  	[sflag:s19] =	ssyncset.done $0x0  }
0x60a: {  	v1 =	vperm.xlane v7, v2;
	s21 =	rddreg [dreg:$0x1f];
	[sflag:s19] =	ssyncadd.s32 $0xFFFF8000  }
0x60b: {  	[hbm4b:s21+s3] =	stream.linear.scatter [tilespmem:s26], [sflag:$0x3], $0x8000, $0x38;
	[tilespmem:$0x10100] =	vst v63  }
0x60c: {  	v1 =	vadd.s32 v63, v1;
	_ =	swait.ge [sflag:s18], $0x8000  }
0x60d: {  	[sflag:s18] =	ssyncset.done $0x0  }
0x60e: {  	[sflag:s18] =	ssyncadd.s32 $0xFFFF8000  }
0x60f: {  	[tilespmem:$0x80] =	vst v60  }
0x610: {  	[tilespmem:$0x90] =	vst v42  }
0x611: {  	[tilespmem:s26], [sflag:$0x2] =	stream.indirect_vreg.gather [hbm4b:s1+s3], $0x80, v1, vm0, $0xb8;
	[tilespmem:$0x10100] =	vst v63  }
0x612: {  	v3 =	vperm.xlane v7, v4;
	s22 =	simm.s32 $0x8900  }
0x613: {  	[tilespmem:s22], [sflag:$0x2] =	stream.indirect_vreg.gather [hbm4b:s5+s3], $0x80, v1, vm0, $0xb8;
	[tilespmem:$0x10100] =	vst v63  }
0x614: {  	s15 =	simm.s32 $0x9100;
	v3 =	vadd.s32 v63, v3  }
0x615: {  	[tilespmem:s15], [sflag:$0x2] =	stream.indirect_vreg.gather [hbm4b:s7+s3], $0x80, v1, vm0, $0xb8;
	[tilespmem:$0x10100] =	vst v63  }
0x616: {  	s10 =	simm.s32 $0x9900  }
0x617: {  	[tilespmem:s10], [sflag:$0x2] =	stream.indirect_vreg.gather [hbm4b:s8+s3], $0x80, v1, vm0, $0xb8;
	[tilespmem:$0x10100] =	vst v63  }
0x618: {  	s0 =	simm.s32 $0xA100  }
0x619: {  	[tilespmem:s0], [sflag:$0x2] =	stream.indirect_vreg.gather [hbm4b:s1+s3], $0x80, v3, vm0, $0xb8;
	[tilespmem:$0x10100] =	vst v63  }
0x61a: {  	s24 =	simm.s32 $0xA900  }
0x61b: {  	[tilespmem:s24], [sflag:$0x2] =	stream.indirect_vreg.gather [hbm4b:s5+s3], $0x80, v3, vm0, $0xb8;
	[tilespmem:$0x10100] =	vst v63  }
0x61c: {  	s2 =	simm.s32 $0xB100  }
0x61d: {  	[tilespmem:s2], [sflag:$0x2] =	stream.indirect_vreg.gather [hbm4b:s7+s3], $0x80, v3, vm0, $0xb8;
	[tilespmem:$0x10100] =	vst v63  }
0x61e: {  	s6 =	simm.s32 $0xB900  }
0x61f: {  	[tilespmem:s6], [sflag:$0x2] =	stream.indirect_vreg.gather [hbm4b:s8+s3], $0x80, v3, vm0, $0xb8;
	[tilespmem:$0x10100] =	vst v63  }
0x620: {  	v1 =	vld [tilespmem:$0x90];
	_ =	sdelay $0x4  }
0x621: {  	v3 =	vshll.u32 v1, $0x3  }
0x622: {  	v1 =	vand.u32 $0x7, v1;
	v3 =	vand.u32 $0xFFFFFFC0, v3  }
0x623: {  	v1 =	vor.u32 v1, v3  }
0x624: {  	v3 =	vperm.xlane v1, v2;
	_ =	sdelay $0x1  }
0x625: {  	v3 =	vadd.s32 v63, v3;
	_ =	sdelay $0x3  }
0x626: {  	s14 =	simm.s32 $0xC100  }
0x627: {  	[tilespmem:s14], [sflag:$0x2] =	stream.indirect_vreg.gather [hbm4b:s1+s3], $0x80, v3, vm0, $0xb8;
	[tilespmem:$0x10100] =	vst v63  }
0x628: {  	s9 =	simm.s32 $0xC900;
	v1 =	vperm.xlane v1, v4  }
0x629: {  	[tilespmem:s9], [sflag:$0x2] =	stream.indirect_vreg.gather [hbm4b:s5+s3], $0x80, v3, vm0, $0xb8;
	[tilespmem:$0x10100] =	vst v63  }
0x62a: {  	s25 =	simm.s32 $0xD100;
	v1 =	vadd.s32 v63, v1  }
0x62b: {  	[tilespmem:s25], [sflag:$0x2] =	stream.indirect_vreg.gather [hbm4b:s7+s3], $0x80, v3, vm0, $0xb8;
	[tilespmem:$0x10100] =	vst v63  }
0x62c: {  	s28 =	simm.s32 $0xD900  }
0x62d: {  	[tilespmem:s28], [sflag:$0x2] =	stream.indirect_vreg.gather [hbm4b:s8+s3], $0x80, v3, vm0, $0xb8;
	[tilespmem:$0x10100] =	vst v63  }
0x62e: {  	s28 =	simm.s32 $0xE100  }
0x62f: {  	[tilespmem:s28], [sflag:$0x2] =	stream.indirect_vreg.gather [hbm4b:s1+s3], $0x80, v1, vm0, $0xb8;
	[tilespmem:$0x10100] =	vst v63  }
0x630: {  	s17 =	simm.s32 $0xE900  }
0x631: {  	[tilespmem:s17], [sflag:$0x2] =	stream.indirect_vreg.gather [hbm4b:s5+s3], $0x80, v1, vm0, $0xb8;
	[tilespmem:$0x10100] =	vst v63  }
0x632: {  	s11 =	simm.s32 $0xF100  }
0x633: {  	[tilespmem:s11], [sflag:$0x2] =	stream.indirect_vreg.gather [hbm4b:s7+s3], $0x80, v1, vm0, $0xb8;
	[tilespmem:$0x10100] =	vst v63  }
0x634: {  	s12 =	simm.s32 $0xF900  }
0x635: {  	[tilespmem:s12], [sflag:$0x2] =	stream.indirect_vreg.gather [hbm4b:s8+s3], $0x80, v1, vm0, $0xb8;
	[tilespmem:$0x10100] =	vst v63  }
0x636: {  	_ =	swait.ge [sflag:s4], $0x8000  }
0x637: {  	s29 =	sld [smem:$0x7FB]  }
0x638: {  	[sflag:s4] =	ssyncset.done $0x0  }
0x639: {  	[sflag:s4] =	ssyncadd.s32 $0xFFFF8000  }
0x63a: {  	[hbm4b:s29+s3] =	stream.linear.scatter [tilespmem:s23], [sflag:$0x3], $0x8000, $0x38;
	[tilespmem:$0x10100] =	vst v63  }
0x63b: {  	_ =	swait.ge [sflag:s18], $0x8000  }
0x63c: {  	[sflag:s18] =	ssyncset.done $0x0  }
0x63d: {  	[sflag:s18] =	ssyncadd.s32 $0xFFFF8000  }
0x63e: {  	_ =	swait.ge [sflag:s19], $0x8000  }
0x63f: {  	s31 =	sld [smem:$0x7FA];
	_ =	sdelay $0x1  }
0x640: {  	s30 =	sld [smem:$0x7FD]  }
0x641: {  	[sflag:s19] =	ssyncset.done $0x0;
	p0 =	sne.s32 s31, $0x1  }
.Ltmp0:
0x642: {  	[sflag:s19] =	ssyncadd.s32 $0xFFFF8000;
	(pc) =	sbr.rel @p0 .LBB2_1-.Ltmp0, $4  }
0x643: {  	[hbm4b:s30+s3] =	stream.linear.scatter [tilespmem:s26], [sflag:$0x3], $0x8000, $0x38;
	[tilespmem:$0x10100] =	vst v63  }
0x644: {  	_ =	swait.ge [sflag:s18], $0x8000  }
0x645: {  	[sflag:s18] =	ssyncset.done $0x0  }
0x646: {  	s20 =	sadd.s32 $0xFFFFFFFF, s31;
	[sflag:s18] =	ssyncadd.s32 $0xFFFF8000  }
0x647: {  	_ =	sfence.sel $0x180000  }
0x648: {  	[bflag:$0x0] =	sbarrier.arrive $0xFFFF  }
0x649: {  	_ =	strace $0x90000047  }
0x64a: {  	s0 =	stileid.u32;
	[bflag:$0x2] =	sbarrier.arrive $0xFFFF  }
0x64b: {  	p0 =	sne.s32 s0, $0x0;
	s0 =	rddreg [dreg:$0x2]  }
0x64c: {  	s0 =	sadd.s32 @!p0 $0x100000, s0  }
0x64d: {  	[sflag:s0] =	ssyncadd.tile.s32 @!p0 $0x1;
	_ =	shalt  }
.Lfunc_end2:
_tile_overlayer_lowered:
.L_overlay_start_2:
0x64e: {  	(tag) =	ssettag $0x2  }
0x64f: {  	s0 =	rddreg [dreg:$0x0];
	s2 =	stileid.u32  }
0x650: {  	s1 =	rddreg [dreg:$0x1];
	p0 =	sne.s32 s2, $0x0  }
0x651: {  	s3 =	rddreg [dreg:$0x2];
	[bflag:$0x3] =	sbarrier.arrive $0xFFFF;
	s2 =	simm.s32 @!p0 $0x1C03  }
0x652: {  	[timem:s3], [sflag:s2] =	dma.local @!p0 [hbm:s0], s1  }
0x653: {  	s0 =	simm.s32 @!p0 $0x3  }
0x654: {  	_ =	swait.ge @!p0 [sflag:s0], s1  }
0x655: {  	s1 =	ssub.s32 @!p0 $0x0, s1;
	[sflag:s0] =	ssyncset.done @!p0 $0x0  }
0x656: {  	[sflag:s0] =	ssyncadd.s32 @!p0 s1  }
0x657: {  	[bflag:$0x3] =	sbarrier.arrive $0xFFFF  }
0x658: {  	_ =	shalt  }

</sc_bundles>
